<compile_context>
chip_gen: v7x
topology: tpu7x:2x2x1
jax: 0.10.2.dev20260603
libtpu: 0.0.44.dev20260713+nightly
codegen_flags: <defaults>
</compile_context>

<pallas_src>
import jax
import jax.numpy as jnp
from jax.experimental import pallas as pl
from jax.experimental.pallas import tpu as pltpu

NMS_THRESH = 0.3
N = 1000
NP = 1024
C = 151
CH = 32
NW = NP // CH
JT = 256
NJ = NP // JT


def _nms_kernel(p_ref, keep_ref, m_ref, pk_ref):
    c = pl.program_id(0)

    @pl.when(c == 0)
    def _init():
        for jt in range(NJ):
            g_hi = 8 * jt + 8
            if g_hi < NW:
                m_ref[g_hi:NW, jt * JT:(jt + 1) * JT] = jnp.zeros(
                    (NW - g_hi, JT), jnp.int32)
        ii = jax.lax.broadcasted_iota(jnp.int32, (NP, 2 * NW), 0)
        gg = jax.lax.broadcasted_iota(jnp.int32, (NP, 2 * NW), 1)
        word = jax.lax.shift_right_logical(ii, 5)
        sel = (word == (gg & (NW - 1))) & ((gg >= NW) == ((ii & 16) != 0))
        pw = jax.lax.shift_left(jnp.int32(1), ii & 15)
        pk_ref[...] = jnp.where(sel, pw, 0).astype(jnp.float32)

    p = p_ref[0]
    x1r = p[0:1, :]
    y1r = p[1:2, :]
    x2r = p[2:3, :]
    y2r = p[3:4, :]
    ar = (x2r - x1r + 1.0) * (y2r - y1r + 1.0)

    q = jnp.concatenate([p[0:4, :], ar, jnp.zeros((3, NP), jnp.float32)],
                        axis=0)
    qT = q.T

    rr = jax.lax.broadcasted_iota(jnp.int32, (2, CH), 1)
    hh = jax.lax.broadcasted_iota(jnp.int32, (2, CH), 0)
    p2 = jnp.where((rr >= 16) == (hh == 1),
                   jax.lax.shift_left(jnp.int32(1), rr & 15),
                   0).astype(jnp.float32)

    for jt in range(NJ):
        j0 = jt * JT
        sl = slice(j0, j0 + JT)
        x1rt = x1r[:, sl]
        y1rt = y1r[:, sl]
        x2rt = x2r[:, sl]
        y2rt = y2r[:, sl]
        art = ar[:, sl]
        for g in range(8 * jt + 8):
            r0 = g * CH
            qc = qT[r0:r0 + CH]
            xx1 = jnp.maximum(qc[:, 0:1], x1rt)
            yy1 = jnp.maximum(qc[:, 1:2], y1rt)
            xx2 = jnp.minimum(qc[:, 2:3], x2rt)
            yy2 = jnp.minimum(qc[:, 3:4], y2rt)
            w = jnp.maximum(0.0, xx2 - xx1 + 1.0)
            h = yy2 - yy1 + 1.0
            inter = w * h
            iou = inter / (qc[:, 4:5] + art - inter)
            iouf = iou > NMS_THRESH
            if r0 + CH - 1 < j0:
                mb = iouf.astype(jnp.float32)
            else:
                ri = jax.lax.broadcasted_iota(jnp.int32, (CH, JT), 0) + r0
                cj = jax.lax.broadcasted_iota(jnp.int32, (CH, JT), 1) + j0
                mb = (iouf & (ri < cj)).astype(jnp.float32)
            lohi = jnp.dot(p2, mb,
                           preferred_element_type=jnp.float32)
            word = (lohi[0:1].astype(jnp.int32)
                    | jax.lax.shift_left(lohi[1:2].astype(jnp.int32), 16))
            m_ref[g:g + 1, sl] = word

    def bstep(kb):
        anded = m_ref[...] & kb
        t = anded[0:16] | anded[16:32]
        t = t[0:8] | t[8:16]
        t = t[0:4] | t[4:8]
        t = t[0:2] | t[2:4]
        orr = t[0:1] | t[1:2]
        kf = (orr == 0).astype(jnp.float32)
        packed = jnp.dot(kf, pk_ref[...],
                         preferred_element_type=jnp.float32)
        lo = packed[:, 0:NW].astype(jnp.int32)
        hi = packed[:, NW:2 * NW].astype(jnp.int32)
        kb_new = (lo | jax.lax.shift_left(hi, 16)).T
        return kb_new, kf

    kb = jnp.full((NW, 1), -1, jnp.int32)
    kf = jnp.ones((1, NP), jnp.float32)
    for _ in range(5):
        kb, kf = bstep(kb)

    def wbody(carry):
        kb0, _, _ = carry
        kb1, _ = bstep(kb0)
        kb2, kf2 = bstep(kb1)
        return kb2, kf2, jnp.any(kb2 != kb0)

    kb, kf, _ = jax.lax.while_loop(lambda carry: carry[2], wbody,
                                   (kb, kf, jnp.bool_(True)))

    keep_ref[0] = kf


def _relhead_kernel(vr_ref, w_ref, b_ref, out_ref):
    acc = jax.lax.dot_general(
        vr_ref[...], w_ref[...],
        dimension_numbers=(((1,), (1,)), ((), ())),
        preferred_element_type=jnp.float32,
    )
    out_ref[...] = acc + b_ref[...]


@jax.jit
def kernel(obj_logits, vr, boxes_per_cls, W, b):
    probs = jax.nn.softmax(obj_logits, axis=1)
    pf = probs[:, 1:]
    order = jnp.argsort(-pf, axis=0)
    bs = jnp.take_along_axis(boxes_per_cls[:, 1:, :], order[:, :, None],
                             axis=0)

    bT = jnp.transpose(bs, (1, 2, 0))
    bT = jnp.pad(bT, ((0, 0), (0, 0), (0, NP - N)))
    pad = jnp.zeros((C - 1, 4, NP), jnp.float32)
    packed = jnp.concatenate([bT, pad], axis=1)

    keep = pl.pallas_call(
        _nms_kernel,
        grid=(C - 1,),
        in_specs=[pl.BlockSpec((1, 8, NP), lambda c: (c, 0, 0))],
        out_specs=pl.BlockSpec((1, 1, NP), lambda c: (c, 0, 0)),
        out_shape=jax.ShapeDtypeStruct((C - 1, 1, NP), jnp.float32),
        scratch_shapes=[pltpu.VMEM((NW, NP), jnp.int32),
                        pltpu.VMEM((NP, 2 * NW), jnp.float32)],
    )(packed)

    keep_s = keep[:, 0, :N]
    colidx = jnp.broadcast_to(jnp.arange(C - 1)[None, :], (N, C - 1))
    nms_f = jnp.zeros((N, C - 1), jnp.float32).at[order, colidx].set(keep_s.T)
    obj_preds = jnp.argmax(nms_f * pf, axis=1) + 1

    RB = 400
    rel_dists = pl.pallas_call(
        _relhead_kernel,
        grid=(vr.shape[0] // RB,),
        in_specs=[pl.BlockSpec((RB, vr.shape[1]), lambda i: (i, 0)),
                  pl.BlockSpec(W.shape, lambda i: (0, 0)),
                  pl.BlockSpec((1, W.shape[0]), lambda i: (0, 0))],
        out_specs=pl.BlockSpec((RB, W.shape[0]), lambda i: (i, 0)),
        out_shape=jax.ShapeDtypeStruct((vr.shape[0], W.shape[0]), jnp.float32),
    )(vr, W, b.reshape(1, -1))

    return (obj_logits, obj_preds, rel_dists)

# --- scband reference (transcript-rebuilt; emitter-appended) ---
"""Pipeline reference for scband-kern-21680994910746 (READ-ONLY COPY).

The authoritative reference and input builder live on the scoring server;
editing this copy changes nothing except your own understanding.
"""

import jax, jax.numpy as jnp
import numpy as np

NMS_THRESH = 0.3


def _nms_keep_mask(scores, boxes, thresh):
    """Greedy NMS over all boxes (pre_nms_topn == post_nms_topn == N).
    Returns a float mask in ORIGINAL index space: 1.0 where the box is kept."""
    order = jnp.argsort(-scores)
    b = boxes[order]
    x1, y1, x2, y2 = b[:, 0], b[:, 1], b[:, 2], b[:, 3]
    areas = (x2 - x1 + 1.0) * (y2 - y1 + 1.0)
    N = scores.shape[0]
    idx = jnp.arange(N)

    def body(i, keep):
        xx1 = jnp.maximum(x1[i], x1)
        yy1 = jnp.maximum(y1[i], y1)
        xx2 = jnp.minimum(x2[i], x2)
        yy2 = jnp.minimum(y2[i], y2)
        w = jnp.maximum(0.0, xx2 - xx1 + 1.0)
        h = jnp.maximum(0.0, yy2 - yy1 + 1.0)
        inter = w * h
        iou = inter / (areas[i] + areas - inter)
        suppress = (iou > thresh) & (idx > i) & keep[i]
        return keep & (~suppress)

    keep = jax.lax.fori_loop(0, N, body, jnp.ones((N,), dtype=bool))
    mask = jnp.zeros((N,), jnp.float32).at[order].set(keep.astype(jnp.float32))
    return mask


def setup_inputs(seed: int = 0) -> dict:
    key = jax.random.key(seed)
    k1, k2, k3, k4, k5, k6 = jax.random.split(key, 6)
    N, C, R, REL_DIM, NUM_REL = 1000, 151, 2000, 4096, 51
    obj_logits = jax.random.normal(k1, (N, C), dtype=jnp.float32)
    vr = jax.random.normal(k2, (R, REL_DIM), dtype=jnp.float32)
    # valid boxes: x1y1 in [0, 800), wh in [16, 128)
    xy = jax.random.uniform(k3, (N, C, 2), dtype=jnp.float32) * 800.0
    wh = 16.0 + jax.random.uniform(k4, (N, C, 2), dtype=jnp.float32) * 112.0
    boxes_per_cls = jnp.concatenate([xy, xy + wh], axis=-1)
    W = jax.random.normal(k5, (NUM_REL, REL_DIM), dtype=jnp.float32) * 0.01
    b = jax.random.normal(k6, (NUM_REL,), dtype=jnp.float32) * 0.01
    return {"obj_logits": obj_logits, "vr": vr, "boxes_per_cls": boxes_per_cls, "W": W, "b": b}


def reference(obj_logits, vr, boxes_per_cls, W, b):
    # VRFC.forward in mode='sgdet', eval: per-class NMS to build mask, then obj_preds + linear rel head
    obj_dists2 = obj_logits
    probs = jax.nn.softmax(obj_dists2, axis=1)
    # nms mask per class (class 0 is background; original code loops c_i in 1..C-1, leaving col 0 zero)
    masks = jax.vmap(lambda s, bx: _nms_keep_mask(s, bx, NMS_THRESH), in_axes=(1, 1), out_axes=1)(probs, boxes_per_cls)
    nms_mask = masks.at[:, 0].set(0.0)
    obj_preds = jnp.argmax((nms_mask * probs)[:, 1:], axis=1) + 1
    rel_dists = vr @ W.T + b
    return (obj_dists2, obj_preds, rel_dists)

if __name__ == "__main__":
    import jax
    _d = setup_inputs()
    print(jax.jit(kernel)(*tuple(_d.values())))

</pallas_src>

<mosaic_0001>
module attributes {stable_mosaic.version = 14 : i64} {
  func.func @_relhead_kernel(%arg0: i32, %arg1: memref<400x4096xf32, #tpu.memory_space<vmem>>, %arg2: memref<51x4096xf32, #tpu.memory_space<vmem>>, %arg3: memref<1x51xf32, #tpu.memory_space<vmem>>, %arg4: memref<400x51xf32, #tpu.memory_space<vmem>>) attributes {dimension_semantics = [#tpu.dimension_semantics<arbitrary>], iteration_bounds = array<i64: 5>, scalar_prefetch = 0 : i64, scratch_operands = 0 : i64, tpu.core_type = #tpu.core_type<tc>, window_params = [{transform_indices = @transform_0, window_bounds = array<i64: 400, 4096>}, {pipeline_mode = #tpu.pipeline_mode<synchronous>, transform_indices = @transform_1, window_bounds = array<i64: 51, 4096>}, {pipeline_mode = #tpu.pipeline_mode<synchronous>, transform_indices = @transform_2, window_bounds = array<i64: 1, 51>}, {transform_indices = @transform_3, window_bounds = array<i64: 400, 51>}]} {
    %get3A = arith.constant 0 : index
    %get3A_0 = arith.constant 0 : index
    %get3A_1 = vector.load %arg1[%get3A, %get3A_0] : memref<400x4096xf32, #tpu.memory_space<vmem>>, vector<400x4096xf32>
    %get3A_2 = arith.constant 0 : index
    %get3A_3 = arith.constant 0 : index
    %get3A_4 = vector.load %arg2[%get3A_2, %get3A_3] : memref<51x4096xf32, #tpu.memory_space<vmem>>, vector<51x4096xf32>
    %dot_general3A = arith.constant dense<0.000000e+00> : vector<400x51xf32>
    %dot_general3A_5 = tpu.matmul %get3A_1, %get3A_4, %dot_general3A {dimension_numbers = #tpu.dot_dimension_numbers<[1], [1], [0], [0], [0, 0, 1, 0], [], []>, transpose_lhs_hint = false} : vector<400x4096xf32>, vector<51x4096xf32>, vector<400x51xf32> -> vector<400x51xf32>
    %get3A_6 = arith.constant 0 : index
    %get3A_7 = arith.constant 0 : index
    %get3A_8 = vector.load %arg3[%get3A_6, %get3A_7] : memref<1x51xf32, #tpu.memory_space<vmem>>, vector<1x51xf32>
    %add3A = vector.broadcast %get3A_8 : vector<1x51xf32> to vector<400x51xf32>
    %add3A_9 = arith.addf %dot_general3A_5, %add3A : vector<400x51xf32>
    %swap3A = arith.constant 0 : index
    %swap3A_10 = arith.constant 0 : index
    %swap3A_11 = vector.load %arg4[%swap3A, %swap3A_10] : memref<400x51xf32, #tpu.memory_space<vmem>>, vector<400x51xf32>
    tpu.vector_store %arg4[%swap3A, %swap3A_10], %add3A_9 {strides = array<i32>} : memref<400x51xf32, #tpu.memory_space<vmem>>, vector<400x51xf32>,
    return
  }
  func.func @transform_0(%arg0: i32) -> (i32, i32) {
    %c0_i32 = arith.constant 0 : i32
    %c0_i32_0 = arith.constant 0 : i32
    return %arg0, %c0_i32 : i32, i32
  }
  func.func @transform_1(%arg0: i32) -> (i32, i32) {
    %c0_i32 = arith.constant 0 : i32
    %c0_i32_0 = arith.constant 0 : i32
    %c0_i32_1 = arith.constant 0 : i32
    return %c0_i32, %c0_i32_0 : i32, i32
  }
  func.func @transform_2(%arg0: i32) -> (i32, i32) {
    %c0_i32 = arith.constant 0 : i32
    %c0_i32_0 = arith.constant 0 : i32
    %c0_i32_1 = arith.constant 0 : i32
    return %c0_i32, %c0_i32_0 : i32, i32
  }
  func.func @transform_3(%arg0: i32) -> (i32, i32) {
    %c0_i32 = arith.constant 0 : i32
    %c0_i32_0 = arith.constant 0 : i32
    return %arg0, %c0_i32 : i32, i32
  }
}

module attributes {stable_mosaic.version = 14 : i64} {
  func.func @_nms_kernel(%arg0: i32, %arg1: memref<1x8x1024xf32, #tpu.memory_space<vmem>>, %arg2: memref<1x1x1024xf32, #tpu.memory_space<vmem>>, %arg3: memref<32x1024xi32, #tpu.memory_space<vmem>>, %arg4: memref<1024x64xf32, #tpu.memory_space<vmem>>) attributes {dimension_semantics = [#tpu.dimension_semantics<arbitrary>], iteration_bounds = array<i64: 150>, scalar_prefetch = 0 : i64, scratch_operands = 2 : i64, tpu.core_type = #tpu.core_type<tc>, window_params = [{transform_indices = @transform_0, window_bounds = array<i64: 1, 8, 1024>}, {transform_indices = @transform_1, window_bounds = array<i64: 1, 1, 1024>}]} {
    %eq3A = arith.constant 0 : i32
    %eq3A_0 = arith.cmpi eq, %arg0, %eq3A : i32
    %convert_element_type3A = arith.extui %eq3A_0 : i1 to i32
    %cond3A = arith.constant 0 : i32
    %cond3A_1 = arith.cmpi ne, %convert_element_type3A, %cond3A : i32
    scf.if %cond3A_1 {
      %broadcast_in_dim3A_4808 = arith.constant 0 : i32
      %broadcast_in_dim3A_4809 = vector.broadcast %broadcast_in_dim3A_4808 : i32 to vector<24x256xi32>
      %swap3A_4810 = arith.constant 8 : index
      %swap3A_4811 = arith.constant 0 : index
      %swap3A_4812 = vector.load %arg3[%swap3A_4810, %swap3A_4811] : memref<32x1024xi32, #tpu.memory_space<vmem>>, vector<24x256xi32>
      tpu.vector_store %arg3[%swap3A_4810, %swap3A_4811], %broadcast_in_dim3A_4809 {strides = array<i32>} : memref<32x1024xi32, #tpu.memory_space<vmem>>, vector<24x256xi32>,
      %broadcast_in_dim3A_4813 = arith.constant 0 : i32
      %broadcast_in_dim3A_4814 = vector.broadcast %broadcast_in_dim3A_4813 : i32 to vector<16x256xi32>
      %swap3A_4815 = arith.constant 16 : index
      %swap3A_4816 = arith.constant 256 : index
      %swap3A_4817 = vector.load %arg3[%swap3A_4815, %swap3A_4816] : memref<32x1024xi32, #tpu.memory_space<vmem>>, vector<16x256xi32>
      tpu.vector_store %arg3[%swap3A_4815, %swap3A_4816], %broadcast_in_dim3A_4814 {strides = array<i32>} : memref<32x1024xi32, #tpu.memory_space<vmem>>, vector<16x256xi32>,
      %broadcast_in_dim3A_4818 = arith.constant 0 : i32
      %broadcast_in_dim3A_4819 = vector.broadcast %broadcast_in_dim3A_4818 : i32 to vector<8x256xi32>
      %swap3A_4820 = arith.constant 24 : index
      %swap3A_4821 = arith.constant 512 : index
      %swap3A_4822 = vector.load %arg3[%swap3A_4820, %swap3A_4821] : memref<32x1024xi32, #tpu.memory_space<vmem>>, vector<8x256xi32>
      tpu.vector_store %arg3[%swap3A_4820, %swap3A_4821], %broadcast_in_dim3A_4819 {strides = array<i32>} : memref<32x1024xi32, #tpu.memory_space<vmem>>, vector<8x256xi32>,
      %iota3A_4823 = tpu.iota {dimensions = array<i32: 0>} : vector<1024x64xi32>
      %iota3A_4824 = tpu.iota {dimensions = array<i32: 1>} : vector<1024x64xi32>
      %shift_right_logical3A = arith.constant 5 : i32
      %shift_right_logical3A_4825 = vector.broadcast %shift_right_logical3A : i32 to vector<1024x64xi32>
      %shift_right_logical3A_4826 = arith.shrui %iota3A_4823, %shift_right_logical3A_4825 : vector<1024x64xi32>
      %and3A_4827 = arith.constant 31 : i32
      %and3A_4828 = vector.broadcast %and3A_4827 : i32 to vector<1024x64xi32>
      %and3A_4829 = arith.andi %iota3A_4824, %and3A_4828 : vector<1024x64xi32>
      %eq3A_4830 = arith.cmpi eq, %shift_right_logical3A_4826, %and3A_4829 : vector<1024x64xi32>
      %ge3A_4831 = arith.constant 32 : i32
      %ge3A_4832 = vector.broadcast %ge3A_4831 : i32 to vector<1024x64xi32>
      %ge3A_4833 = arith.cmpi sge, %iota3A_4824, %ge3A_4832 : vector<1024x64xi32>
      %and3A_4834 = arith.constant 16 : i32
      %and3A_4835 = vector.broadcast %and3A_4834 : i32 to vector<1024x64xi32>
      %and3A_4836 = arith.andi %iota3A_4823, %and3A_4835 : vector<1024x64xi32>
      %ne3A = arith.constant 0 : i32
      %ne3A_4837 = vector.broadcast %ne3A : i32 to vector<1024x64xi32>
      %ne3A_4838 = arith.cmpi ne, %and3A_4836, %ne3A_4837 : vector<1024x64xi32>
      %eq3A_4839 = arith.xori %ge3A_4833, %ne3A_4838 : vector<1024x64xi1>
      %eq3A_4840 = arith.constant dense<true> : vector<1024x64xi1>
      %eq3A_4841 = arith.xori %eq3A_4839, %eq3A_4840 : vector<1024x64xi1>
      %and3A_4842 = arith.andi %eq3A_4830, %eq3A_4841 : vector<1024x64xi1>
      %and3A_4843 = arith.constant 15 : i32
      %and3A_4844 = vector.broadcast %and3A_4843 : i32 to vector<1024x64xi32>
      %and3A_4845 = arith.andi %iota3A_4823, %and3A_4844 : vector<1024x64xi32>
      %shift_left3A_4846 = arith.constant 1 : i32
      %shift_left3A_4847 = vector.broadcast %shift_left3A_4846 : i32 to vector<1024x64xi32>
      %shift_left3A_4848 = arith.shli %shift_left3A_4847, %and3A_4845 : vector<1024x64xi32>
      %jit3A_4849 = arith.constant 0 : i32
      %broadcast_in_dim3A_4850 = vector.broadcast %jit3A_4849 : i32 to vector<1024x64xi32>
      %select_n3A_4851 = arith.select %and3A_4842, %shift_left3A_4848, %broadcast_in_dim3A_4850 : vector<1024x64xi1>, vector<1024x64xi32>
      %convert_element_type3A_4852 = arith.sitofp %select_n3A_4851 : vector<1024x64xi32> to vector<1024x64xf32>
      %swap3A_4853 = arith.constant 0 : index
      %swap3A_4854 = arith.constant 0 : index
      %swap3A_4855 = vector.load %arg4[%swap3A_4853, %swap3A_4854] : memref<1024x64xf32, #tpu.memory_space<vmem>>, vector<1024x64xf32>
      tpu.vector_store %arg4[%swap3A_4853, %swap3A_4854], %convert_element_type3A_4852 {strides = array<i32>} : memref<1024x64xf32, #tpu.memory_space<vmem>>, vector<1024x64xf32>,
    } else {
    }
    %get3A = arith.constant 0 : index
    %get3A_2 = arith.constant 0 : index
    %get3A_3 = arith.constant 0 : index
    %get3A_4 = vector.load %arg1[%get3A, %get3A_2, %get3A_3] : memref<1x8x1024xf32, #tpu.memory_space<vmem>>, vector<1x8x1024xf32>
    %get3A_5 = vector.shape_cast %get3A_4 : vector<1x8x1024xf32> to vector<8x1024xf32>
    %slice3A = vector.extract_strided_slice %get3A_5 {offsets = [0, 0], sizes = [1, 1024], strides = [1, 1]} : vector<8x1024xf32> to vector<1x1024xf32>
    %slice3A_6 = vector.extract_strided_slice %get3A_5 {offsets = [1, 0], sizes = [1, 1024], strides = [1, 1]} : vector<8x1024xf32> to vector<1x1024xf32>
    %slice3A_7 = vector.extract_strided_slice %get3A_5 {offsets = [2, 0], sizes = [1, 1024], strides = [1, 1]} : vector<8x1024xf32> to vector<1x1024xf32>
    %slice3A_8 = vector.extract_strided_slice %get3A_5 {offsets = [3, 0], sizes = [1, 1024], strides = [1, 1]} : vector<8x1024xf32> to vector<1x1024xf32>
    %sub3A = arith.subf %slice3A_7, %slice3A : vector<1x1024xf32>
    %add3A = arith.constant 1.000000e+00 : f32
    %add3A_9 = vector.broadcast %add3A : f32 to vector<1x1024xf32>
    %add3A_10 = arith.addf %sub3A, %add3A_9 : vector<1x1024xf32>
    %sub3A_11 = arith.subf %slice3A_8, %slice3A_6 : vector<1x1024xf32>
    %add3A_12 = arith.constant 1.000000e+00 : f32
    %add3A_13 = vector.broadcast %add3A_12 : f32 to vector<1x1024xf32>
    %add3A_14 = arith.addf %sub3A_11, %add3A_13 : vector<1x1024xf32>
    %mul3A = arith.mulf %add3A_10, %add3A_14 : vector<1x1024xf32>
    %slice3A_15 = vector.extract_strided_slice %get3A_5 {offsets = [0, 0], sizes = [4, 1024], strides = [1, 1]} : vector<8x1024xf32> to vector<4x1024xf32>
    %broadcast_in_dim3A = arith.constant 0.000000e+00 : f32
    %broadcast_in_dim3A_16 = vector.broadcast %broadcast_in_dim3A : f32 to vector<3x1024xf32>
    %concatenate3A = tpu.concatenate %slice3A_15, %mul3A, %broadcast_in_dim3A_16 in 0 : vector<4x1024xf32>, vector<1x1024xf32>, vector<3x1024xf32> -> vector<8x1024xf32>
    %transpose3A = tpu.transpose %concatenate3A, [1, 0] : vector<8x1024xf32> -> vector<1024x8xf32>
    %iota3A = tpu.iota {dimensions = array<i32: 1>} : vector<2x32xi32>
    %iota3A_17 = tpu.iota {dimensions = array<i32: 0>} : vector<2x32xi32>
    %ge3A = arith.constant 16 : i32
    %ge3A_18 = vector.broadcast %ge3A : i32 to vector<2x32xi32>
    %ge3A_19 = arith.cmpi sge, %iota3A, %ge3A_18 : vector<2x32xi32>
    %eq3A_20 = arith.constant 1 : i32
    %eq3A_21 = vector.broadcast %eq3A_20 : i32 to vector<2x32xi32>
    %eq3A_22 = arith.cmpi eq, %iota3A_17, %eq3A_21 : vector<2x32xi32>
    %eq3A_23 = arith.xori %ge3A_19, %eq3A_22 : vector<2x32xi1>
    %eq3A_24 = arith.constant dense<true> : vector<2x32xi1>
    %eq3A_25 = arith.xori %eq3A_23, %eq3A_24 : vector<2x32xi1>
    %and3A = arith.constant 15 : i32
    %and3A_26 = vector.broadcast %and3A : i32 to vector<2x32xi32>
    %and3A_27 = arith.andi %iota3A, %and3A_26 : vector<2x32xi32>
    %shift_left3A = arith.constant 1 : i32
    %shift_left3A_28 = vector.broadcast %shift_left3A : i32 to vector<2x32xi32>
    %shift_left3A_29 = arith.shli %shift_left3A_28, %and3A_27 : vector<2x32xi32>
    %jit3A = arith.constant 0 : i32
    %broadcast_in_dim3A_30 = vector.broadcast %jit3A : i32 to vector<2x32xi32>
    %select_n3A = arith.select %eq3A_25, %shift_left3A_29, %broadcast_in_dim3A_30 : vector<2x32xi1>, vector<2x32xi32>
    %convert_element_type3A_31 = arith.sitofp %select_n3A : vector<2x32xi32> to vector<2x32xf32>
    %slice3A_32 = vector.extract_strided_slice %slice3A {offsets = [0, 0], sizes = [1, 256], strides = [1, 1]} : vector<1x1024xf32> to vector<1x256xf32>
    %slice3A_33 = vector.extract_strided_slice %slice3A_6 {offsets = [0, 0], sizes = [1, 256], strides = [1, 1]} : vector<1x1024xf32> to vector<1x256xf32>
    %slice3A_34 = vector.extract_strided_slice %slice3A_7 {offsets = [0, 0], sizes = [1, 256], strides = [1, 1]} : vector<1x1024xf32> to vector<1x256xf32>
    %slice3A_35 = vector.extract_strided_slice %slice3A_8 {offsets = [0, 0], sizes = [1, 256], strides = [1, 1]} : vector<1x1024xf32> to vector<1x256xf32>
    %slice3A_36 = vector.extract_strided_slice %mul3A {offsets = [0, 0], sizes = [1, 256], strides = [1, 1]} : vector<1x1024xf32> to vector<1x256xf32>
    %slice3A_37 = vector.extract_strided_slice %transpose3A {offsets = [0, 0], sizes = [32, 8], strides = [1, 1]} : vector<1024x8xf32> to vector<32x8xf32>
    %slice3A_38 = vector.extract_strided_slice %slice3A_37 {offsets = [0, 0], sizes = [32, 1], strides = [1, 1]} : vector<32x8xf32> to vector<32x1xf32>
    %max3A = vector.broadcast %slice3A_38 : vector<32x1xf32> to vector<32x256xf32>
    %max3A_39 = vector.broadcast %slice3A_32 : vector<1x256xf32> to vector<32x256xf32>
    %max3A_40 = arith.maximumf %max3A, %max3A_39 : vector<32x256xf32>
    %slice3A_41 = vector.extract_strided_slice %slice3A_37 {offsets = [0, 1], sizes = [32, 1], strides = [1, 1]} : vector<32x8xf32> to vector<32x1xf32>
    %max3A_42 = vector.broadcast %slice3A_41 : vector<32x1xf32> to vector<32x256xf32>
    %max3A_43 = vector.broadcast %slice3A_33 : vector<1x256xf32> to vector<32x256xf32>
    %max3A_44 = arith.maximumf %max3A_42, %max3A_43 : vector<32x256xf32>
    %slice3A_45 = vector.extract_strided_slice %slice3A_37 {offsets = [0, 2], sizes = [32, 1], strides = [1, 1]} : vector<32x8xf32> to vector<32x1xf32>
    %min3A = vector.broadcast %slice3A_45 : vector<32x1xf32> to vector<32x256xf32>
    %min3A_46 = vector.broadcast %slice3A_34 : vector<1x256xf32> to vector<32x256xf32>
    %min3A_47 = arith.minimumf %min3A, %min3A_46 : vector<32x256xf32>
    %slice3A_48 = vector.extract_strided_slice %slice3A_37 {offsets = [0, 3], sizes = [32, 1], strides = [1, 1]} : vector<32x8xf32> to vector<32x1xf32>
    %min3A_49 = vector.broadcast %slice3A_48 : vector<32x1xf32> to vector<32x256xf32>
    %min3A_50 = vector.broadcast %slice3A_35 : vector<1x256xf32> to vector<32x256xf32>
    %min3A_51 = arith.minimumf %min3A_49, %min3A_50 : vector<32x256xf32>
    %sub3A_52 = arith.subf %min3A_47, %max3A_40 : vector<32x256xf32>
    %add3A_53 = arith.constant 1.000000e+00 : f32
    %add3A_54 = vector.broadcast %add3A_53 : f32 to vector<32x256xf32>
    %add3A_55 = arith.addf %sub3A_52, %add3A_54 : vector<32x256xf32>
    %max3A_56 = arith.constant 0.000000e+00 : f32
    %max3A_57 = vector.broadcast %max3A_56 : f32 to vector<32x256xf32>
    %max3A_58 = arith.maximumf %max3A_57, %add3A_55 : vector<32x256xf32>
    %sub3A_59 = arith.subf %min3A_51, %max3A_44 : vector<32x256xf32>
    %add3A_60 = arith.constant 1.000000e+00 : f32
    %add3A_61 = vector.broadcast %add3A_60 : f32 to vector<32x256xf32>
    %add3A_62 = arith.addf %sub3A_59, %add3A_61 : vector<32x256xf32>
    %mul3A_63 = arith.mulf %max3A_58, %add3A_62 : vector<32x256xf32>
    %slice3A_64 = vector.extract_strided_slice %slice3A_37 {offsets = [0, 4], sizes = [32, 1], strides = [1, 1]} : vector<32x8xf32> to vector<32x1xf32>
    %add3A_65 = vector.broadcast %slice3A_64 : vector<32x1xf32> to vector<32x256xf32>
    %add3A_66 = vector.broadcast %slice3A_36 : vector<1x256xf32> to vector<32x256xf32>
    %add3A_67 = arith.addf %add3A_65, %add3A_66 : vector<32x256xf32>
    %sub3A_68 = arith.subf %add3A_67, %mul3A_63 : vector<32x256xf32>
    %div3A = arith.divf %mul3A_63, %sub3A_68 : vector<32x256xf32>
    %gt3A = arith.constant 3.000000e-01 : f32
    %gt3A_69 = vector.broadcast %gt3A : f32 to vector<32x256xf32>
    %gt3A_70 = arith.cmpf ogt, %div3A, %gt3A_69 : vector<32x256xf32>
    %iota3A_71 = tpu.iota {dimensions = array<i32: 0>} : vector<32x256xi32>
    %add3A_72 = arith.constant 0 : i32
    %add3A_73 = vector.broadcast %add3A_72 : i32 to vector<32x256xi32>
    %add3A_74 = arith.addi %iota3A_71, %add3A_73 : vector<32x256xi32>
    %iota3A_75 = tpu.iota {dimensions = array<i32: 1>} : vector<32x256xi32>
    %add3A_76 = arith.constant 0 : i32
    %add3A_77 = vector.broadcast %add3A_76 : i32 to vector<32x256xi32>
    %add3A_78 = arith.addi %iota3A_75, %add3A_77 : vector<32x256xi32>
    %lt3A = arith.cmpi slt, %add3A_74, %add3A_78 : vector<32x256xi32>
    %and3A_79 = arith.andi %gt3A_70, %lt3A : vector<32x256xi1>
    %convert_element_type3A_80 = arith.extui %and3A_79 : vector<32x256xi1> to vector<32x256xi32>
    %convert_element_type3A_81 = arith.sitofp %convert_element_type3A_80 : vector<32x256xi32> to vector<32x256xf32>
    %dot_general3A = arith.constant dense<0.000000e+00> : vector<2x256xf32>
    %dot_general3A_82 = tpu.matmul %convert_element_type3A_31, %convert_element_type3A_81, %dot_general3A {dimension_numbers = #tpu.dot_dimension_numbers<[1], [0], [0], [1], [0, 0, 1, 1], [], []>, transpose_lhs_hint = false} : vector<2x32xf32>, vector<32x256xf32>, vector<2x256xf32> -> vector<2x256xf32>
    %slice3A_83 = vector.extract_strided_slice %dot_general3A_82 {offsets = [0, 0], sizes = [1, 256], strides = [1, 1]} : vector<2x256xf32> to vector<1x256xf32>
    %convert_element_type3A_84 = arith.fptosi %slice3A_83 : vector<1x256xf32> to vector<1x256xi32>
    %slice3A_85 = vector.extract_strided_slice %dot_general3A_82 {offsets = [1, 0], sizes = [1, 256], strides = [1, 1]} : vector<2x256xf32> to vector<1x256xf32>
    %convert_element_type3A_86 = arith.fptosi %slice3A_85 : vector<1x256xf32> to vector<1x256xi32>
    %shift_left3A_87 = arith.constant 16 : i32
    %shift_left3A_88 = vector.broadcast %shift_left3A_87 : i32 to vector<1x256xi32>
    %shift_left3A_89 = arith.shli %convert_element_type3A_86, %shift_left3A_88 : vector<1x256xi32>
    %or3A = arith.ori %convert_element_type3A_84, %shift_left3A_89 : vector<1x256xi32>
    %swap3A = arith.constant 0 : index
    %swap3A_90 = arith.constant 0 : index
    %swap3A_91 = vector.load %arg3[%swap3A, %swap3A_90] : memref<32x1024xi32, #tpu.memory_space<vmem>>, vector<1x256xi32>
    tpu.vector_store %arg3[%swap3A, %swap3A_90], %or3A {strides = array<i32>} : memref<32x1024xi32, #tpu.memory_space<vmem>>, vector<1x256xi32>,
    %slice3A_92 = vector.extract_strided_slice %transpose3A {offsets = [32, 0], sizes = [32, 8], strides = [1, 1]} : vector<1024x8xf32> to vector<32x8xf32>
    %slice3A_93 = vector.extract_strided_slice %slice3A_92 {offsets = [0, 0], sizes = [32, 1], strides = [1, 1]} : vector<32x8xf32> to vector<32x1xf32>
    %max3A_94 = vector.broadcast %slice3A_93 : vector<32x1xf32> to vector<32x256xf32>
    %max3A_95 = vector.broadcast %slice3A_32 : vector<1x256xf32> to vector<32x256xf32>
    %max3A_96 = arith.maximumf %max3A_94, %max3A_95 : vector<32x256xf32>
    %slice3A_97 = vector.extract_strided_slice %slice3A_92 {offsets = [0, 1], sizes = [32, 1], strides = [1, 1]} : vector<32x8xf32> to vector<32x1xf32>
    %max3A_98 = vector.broadcast %slice3A_97 : vector<32x1xf32> to vector<32x256xf32>
    %max3A_99 = vector.broadcast %slice3A_33 : vector<1x256xf32> to vector<32x256xf32>
    %max3A_100 = arith.maximumf %max3A_98, %max3A_99 : vector<32x256xf32>
    %slice3A_101 = vector.extract_strided_slice %slice3A_92 {offsets = [0, 2], sizes = [32, 1], strides = [1, 1]} : vector<32x8xf32> to vector<32x1xf32>
    %min3A_102 = vector.broadcast %slice3A_101 : vector<32x1xf32> to vector<32x256xf32>
    %min3A_103 = vector.broadcast %slice3A_34 : vector<1x256xf32> to vector<32x256xf32>
    %min3A_104 = arith.minimumf %min3A_102, %min3A_103 : vector<32x256xf32>
    %slice3A_105 = vector.extract_strided_slice %slice3A_92 {offsets = [0, 3], sizes = [32, 1], strides = [1, 1]} : vector<32x8xf32> to vector<32x1xf32>
    %min3A_106 = vector.broadcast %slice3A_105 : vector<32x1xf32> to vector<32x256xf32>
    %min3A_107 = vector.broadcast %slice3A_35 : vector<1x256xf32> to vector<32x256xf32>
    %min3A_108 = arith.minimumf %min3A_106, %min3A_107 : vector<32x256xf32>
    %sub3A_109 = arith.subf %min3A_104, %max3A_96 : vector<32x256xf32>
    %add3A_110 = arith.constant 1.000000e+00 : f32
    %add3A_111 = vector.broadcast %add3A_110 : f32 to vector<32x256xf32>
    %add3A_112 = arith.addf %sub3A_109, %add3A_111 : vector<32x256xf32>
    %max3A_113 = arith.constant 0.000000e+00 : f32
    %max3A_114 = vector.broadcast %max3A_113 : f32 to vector<32x256xf32>
    %max3A_115 = arith.maximumf %max3A_114, %add3A_112 : vector<32x256xf32>
    %sub3A_116 = arith.subf %min3A_108, %max3A_100 : vector<32x256xf32>
    %add3A_117 = arith.constant 1.000000e+00 : f32
    %add3A_118 = vector.broadcast %add3A_117 : f32 to vector<32x256xf32>
    %add3A_119 = arith.addf %sub3A_116, %add3A_118 : vector<32x256xf32>
    %mul3A_120 = arith.mulf %max3A_115, %add3A_119 : vector<32x256xf32>
    %slice3A_121 = vector.extract_strided_slice %slice3A_92 {offsets = [0, 4], sizes = [32, 1], strides = [1, 1]} : vector<32x8xf32> to vector<32x1xf32>
    %add3A_122 = vector.broadcast %slice3A_121 : vector<32x1xf32> to vector<32x256xf32>
    %add3A_123 = vector.broadcast %slice3A_36 : vector<1x256xf32> to vector<32x256xf32>
    %add3A_124 = arith.addf %add3A_122, %add3A_123 : vector<32x256xf32>
    %sub3A_125 = arith.subf %add3A_124, %mul3A_120 : vector<32x256xf32>
    %div3A_126 = arith.divf %mul3A_120, %sub3A_125 : vector<32x256xf32>
    %gt3A_127 = arith.constant 3.000000e-01 : f32
    %gt3A_128 = vector.broadcast %gt3A_127 : f32 to vector<32x256xf32>
    %gt3A_129 = arith.cmpf ogt, %div3A_126, %gt3A_128 : vector<32x256xf32>
    %iota3A_130 = tpu.iota {dimensions = array<i32: 0>} : vector<32x256xi32>
    %add3A_131 = arith.constant 32 : i32
    %add3A_132 = vector.broadcast %add3A_131 : i32 to vector<32x256xi32>
    %add3A_133 = arith.addi %iota3A_130, %add3A_132 : vector<32x256xi32>
    %iota3A_134 = tpu.iota {dimensions = array<i32: 1>} : vector<32x256xi32>
    %add3A_135 = arith.constant 0 : i32
    %add3A_136 = vector.broadcast %add3A_135 : i32 to vector<32x256xi32>
    %add3A_137 = arith.addi %iota3A_134, %add3A_136 : vector<32x256xi32>
    %lt3A_138 = arith.cmpi slt, %add3A_133, %add3A_137 : vector<32x256xi32>
    %and3A_139 = arith.andi %gt3A_129, %lt3A_138 : vector<32x256xi1>
    %convert_element_type3A_140 = arith.extui %and3A_139 : vector<32x256xi1> to vector<32x256xi32>
    %convert_element_type3A_141 = arith.sitofp %convert_element_type3A_140 : vector<32x256xi32> to vector<32x256xf32>
    %dot_general3A_142 = arith.constant dense<0.000000e+00> : vector<2x256xf32>
    %dot_general3A_143 = tpu.matmul %convert_element_type3A_31, %convert_element_type3A_141, %dot_general3A_142 {dimension_numbers = #tpu.dot_dimension_numbers<[1], [0], [0], [1], [0, 0, 1, 1], [], []>, transpose_lhs_hint = false} : vector<2x32xf32>, vector<32x256xf32>, vector<2x256xf32> -> vector<2x256xf32>
    %slice3A_144 = vector.extract_strided_slice %dot_general3A_143 {offsets = [0, 0], sizes = [1, 256], strides = [1, 1]} : vector<2x256xf32> to vector<1x256xf32>
    %convert_element_type3A_145 = arith.fptosi %slice3A_144 : vector<1x256xf32> to vector<1x256xi32>
    %slice3A_146 = vector.extract_strided_slice %dot_general3A_143 {offsets = [1, 0], sizes = [1, 256], strides = [1, 1]} : vector<2x256xf32> to vector<1x256xf32>
    %convert_element_type3A_147 = arith.fptosi %slice3A_146 : vector<1x256xf32> to vector<1x256xi32>
    %shift_left3A_148 = arith.constant 16 : i32
    %shift_left3A_149 = vector.broadcast %shift_left3A_148 : i32 to vector<1x256xi32>
    %shift_left3A_150 = arith.shli %convert_element_type3A_147, %shift_left3A_149 : vector<1x256xi32>
    %or3A_151 = arith.ori %convert_element_type3A_145, %shift_left3A_150 : vector<1x256xi32>
    %swap3A_152 = arith.constant 1 : index
    %swap3A_153 = arith.constant 0 : index
    %swap3A_154 = vector.load %arg3[%swap3A_152, %swap3A_153] : memref<32x1024xi32, #tpu.memory_space<vmem>>, vector<1x256xi32>
    tpu.vector_store %arg3[%swap3A_152, %swap3A_153], %or3A_151 {strides = array<i32>} : memref<32x1024xi32, #tpu.memory_space<vmem>>, vector<1x256xi32>,
    %slice3A_155 = vector.extract_strided_slice %transpose3A {offsets = [64, 0], sizes = [32, 8], strides = [1, 1]} : vector<1024x8xf32> to vector<32x8xf32>
    %slice3A_156 = vector.extract_strided_slice %slice3A_155 {offsets = [0, 0], sizes = [32, 1], strides = [1, 1]} : vector<32x8xf32> to vector<32x1xf32>
    %max3A_157 = vector.broadcast %slice3A_156 : vector<32x1xf32> to vector<32x256xf32>
    %max3A_158 = vector.broadcast %slice3A_32 : vector<1x256xf32> to vector<32x256xf32>
    %max3A_159 = arith.maximumf %max3A_157, %max3A_158 : vector<32x256xf32>
    %slice3A_160 = vector.extract_strided_slice %slice3A_155 {offsets = [0, 1], sizes = [32, 1], strides = [1, 1]} : vector<32x8xf32> to vector<32x1xf32>
    %max3A_161 = vector.broadcast %slice3A_160 : vector<32x1xf32> to vector<32x256xf32>
    %max3A_162 = vector.broadcast %slice3A_33 : vector<1x256xf32> to vector<32x256xf32>
    %max3A_163 = arith.maximumf %max3A_161, %max3A_162 : vector<32x256xf32>
    %slice3A_164 = vector.extract_strided_slice %slice3A_155 {offsets = [0, 2], sizes = [32, 1], strides = [1, 1]} : vector<32x8xf32> to vector<32x1xf32>
    %min3A_165 = vector.broadcast %slice3A_164 : vector<32x1xf32> to vector<32x256xf32>
    %min3A_166 = vector.broadcast %slice3A_34 : vector<1x256xf32> to vector<32x256xf32>
    %min3A_167 = arith.minimumf %min3A_165, %min3A_166 : vector<32x256xf32>
    %slice3A_168 = vector.extract_strided_slice %slice3A_155 {offsets = [0, 3], sizes = [32, 1], strides = [1, 1]} : vector<32x8xf32> to vector<32x1xf32>
    %min3A_169 = vector.broadcast %slice3A_168 : vector<32x1xf32> to vector<32x256xf32>
    %min3A_170 = vector.broadcast %slice3A_35 : vector<1x256xf32> to vector<32x256xf32>
    %min3A_171 = arith.minimumf %min3A_169, %min3A_170 : vector<32x256xf32>
    %sub3A_172 = arith.subf %min3A_167, %max3A_159 : vector<32x256xf32>
    %add3A_173 = arith.constant 1.000000e+00 : f32
    %add3A_174 = vector.broadcast %add3A_173 : f32 to vector<32x256xf32>
    %add3A_175 = arith.addf %sub3A_172, %add3A_174 : vector<32x256xf32>
    %max3A_176 = arith.constant 0.000000e+00 : f32
    %max3A_177 = vector.broadcast %max3A_176 : f32 to vector<32x256xf32>
    %max3A_178 = arith.maximumf %max3A_177, %add3A_175 : vector<32x256xf32>
    %sub3A_179 = arith.subf %min3A_171, %max3A_163 : vector<32x256xf32>
    %add3A_180 = arith.constant 1.000000e+00 : f32
    %add3A_181 = vector.broadcast %add3A_180 : f32 to vector<32x256xf32>
    %add3A_182 = arith.addf %sub3A_179, %add3A_181 : vector<32x256xf32>
    %mul3A_183 = arith.mulf %max3A_178, %add3A_182 : vector<32x256xf32>
    %slice3A_184 = vector.extract_strided_slice %slice3A_155 {offsets = [0, 4], sizes = [32, 1], strides = [1, 1]} : vector<32x8xf32> to vector<32x1xf32>
    %add3A_185 = vector.broadcast %slice3A_184 : vector<32x1xf32> to vector<32x256xf32>
    %add3A_186 = vector.broadcast %slice3A_36 : vector<1x256xf32> to vector<32x256xf32>
    %add3A_187 = arith.addf %add3A_185, %add3A_186 : vector<32x256xf32>
    %sub3A_188 = arith.subf %add3A_187, %mul3A_183 : vector<32x256xf32>
    %div3A_189 = arith.divf %mul3A_183, %sub3A_188 : vector<32x256xf32>
    %gt3A_190 = arith.constant 3.000000e-01 : f32
    %gt3A_191 = vector.broadcast %gt3A_190 : f32 to vector<32x256xf32>
    %gt3A_192 = arith.cmpf ogt, %div3A_189, %gt3A_191 : vector<32x256xf32>
    %iota3A_193 = tpu.iota {dimensions = array<i32: 0>} : vector<32x256xi32>
    %add3A_194 = arith.constant 64 : i32
    %add3A_195 = vector.broadcast %add3A_194 : i32 to vector<32x256xi32>
    %add3A_196 = arith.addi %iota3A_193, %add3A_195 : vector<32x256xi32>
    %iota3A_197 = tpu.iota {dimensions = array<i32: 1>} : vector<32x256xi32>
    %add3A_198 = arith.constant 0 : i32
    %add3A_199 = vector.broadcast %add3A_198 : i32 to vector<32x256xi32>
    %add3A_200 = arith.addi %iota3A_197, %add3A_199 : vector<32x256xi32>
    %lt3A_201 = arith.cmpi slt, %add3A_196, %add3A_200 : vector<32x256xi32>
    %and3A_202 = arith.andi %gt3A_192, %lt3A_201 : vector<32x256xi1>
    %convert_element_type3A_203 = arith.extui %and3A_202 : vector<32x256xi1> to vector<32x256xi32>
    %convert_element_type3A_204 = arith.sitofp %convert_element_type3A_203 : vector<32x256xi32> to vector<32x256xf32>
    %dot_general3A_205 = arith.constant dense<0.000000e+00> : vector<2x256xf32>
    %dot_general3A_206 = tpu.matmul %convert_element_type3A_31, %convert_element_type3A_204, %dot_general3A_205 {dimension_numbers = #tpu.dot_dimension_numbers<[1], [0], [0], [1], [0, 0, 1, 1], [], []>, transpose_lhs_hint = false} : vector<2x32xf32>, vector<32x256xf32>, vector<2x256xf32> -> vector<2x256xf32>
    %slice3A_207 = vector.extract_strided_slice %dot_general3A_206 {offsets = [0, 0], sizes = [1, 256], strides = [1, 1]} : vector<2x256xf32> to vector<1x256xf32>
    %convert_element_type3A_208 = arith.fptosi %slice3A_207 : vector<1x256xf32> to vector<1x256xi32>
    %slice3A_209 = vector.extract_strided_slice %dot_general3A_206 {offsets = [1, 0], sizes = [1, 256], strides = [1, 1]} : vector<2x256xf32> to vector<1x256xf32>
    %convert_element_type3A_210 = arith.fptosi %slice3A_209 : vector<1x256xf32> to vector<1x256xi32>
    %shift_left3A_211 = arith.constant 16 : i32
    %shift_left3A_212 = vector.broadcast %shift_left3A_211 : i32 to vector<1x256xi32>
    %shift_left3A_213 = arith.shli %convert_element_type3A_210, %shift_left3A_212 : vector<1x256xi32>
    %or3A_214 = arith.ori %convert_element_type3A_208, %shift_left3A_213 : vector<1x256xi32>
    %swap3A_215 = arith.constant 2 : index
    %swap3A_216 = arith.constant 0 : index
    %swap3A_217 = vector.load %arg3[%swap3A_215, %swap3A_216] : memref<32x1024xi32, #tpu.memory_space<vmem>>, vector<1x256xi32>
    tpu.vector_store %arg3[%swap3A_215, %swap3A_216], %or3A_214 {strides = array<i32>} : memref<32x1024xi32, #tpu.memory_space<vmem>>, vector<1x256xi32>,
    %slice3A_218 = vector.extract_strided_slice %transpose3A {offsets = [96, 0], sizes = [32, 8], strides = [1, 1]} : vector<1024x8xf32> to vector<32x8xf32>
    %slice3A_219 = vector.extract_strided_slice %slice3A_218 {offsets = [0, 0], sizes = [32, 1], strides = [1, 1]} : vector<32x8xf32> to vector<32x1xf32>
    %max3A_220 = vector.broadcast %slice3A_219 : vector<32x1xf32> to vector<32x256xf32>
    %max3A_221 = vector.broadcast %slice3A_32 : vector<1x256xf32> to vector<32x256xf32>
    %max3A_222 = arith.maximumf %max3A_220, %max3A_221 : vector<32x256xf32>
    %slice3A_223 = vector.extract_strided_slice %slice3A_218 {offsets = [0, 1], sizes = [32, 1], strides = [1, 1]} : vector<32x8xf32> to vector<32x1xf32>
    %max3A_224 = vector.broadcast %slice3A_223 : vector<32x1xf32> to vector<32x256xf32>
    %max3A_225 = vector.broadcast %slice3A_33 : vector<1x256xf32> to vector<32x256xf32>
    %max3A_226 = arith.maximumf %max3A_224, %max3A_225 : vector<32x256xf32>
    %slice3A_227 = vector.extract_strided_slice %slice3A_218 {offsets = [0, 2], sizes = [32, 1], strides = [1, 1]} : vector<32x8xf32> to vector<32x1xf32>
    %min3A_228 = vector.broadcast %slice3A_227 : vector<32x1xf32> to vector<32x256xf32>
    %min3A_229 = vector.broadcast %slice3A_34 : vector<1x256xf32> to vector<32x256xf32>
    %min3A_230 = arith.minimumf %min3A_228, %min3A_229 : vector<32x256xf32>
    %slice3A_231 = vector.extract_strided_slice %slice3A_218 {offsets = [0, 3], sizes = [32, 1], strides = [1, 1]} : vector<32x8xf32> to vector<32x1xf32>
    %min3A_232 = vector.broadcast %slice3A_231 : vector<32x1xf32> to vector<32x256xf32>
    %min3A_233 = vector.broadcast %slice3A_35 : vector<1x256xf32> to vector<32x256xf32>
    %min3A_234 = arith.minimumf %min3A_232, %min3A_233 : vector<32x256xf32>
    %sub3A_235 = arith.subf %min3A_230, %max3A_222 : vector<32x256xf32>
    %add3A_236 = arith.constant 1.000000e+00 : f32
    %add3A_237 = vector.broadcast %add3A_236 : f32 to vector<32x256xf32>
    %add3A_238 = arith.addf %sub3A_235, %add3A_237 : vector<32x256xf32>
    %max3A_239 = arith.constant 0.000000e+00 : f32
    %max3A_240 = vector.broadcast %max3A_239 : f32 to vector<32x256xf32>
    %max3A_241 = arith.maximumf %max3A_240, %add3A_238 : vector<32x256xf32>
    %sub3A_242 = arith.subf %min3A_234, %max3A_226 : vector<32x256xf32>
    %add3A_243 = arith.constant 1.000000e+00 : f32
    %add3A_244 = vector.broadcast %add3A_243 : f32 to vector<32x256xf32>
    %add3A_245 = arith.addf %sub3A_242, %add3A_244 : vector<32x256xf32>
    %mul3A_246 = arith.mulf %max3A_241, %add3A_245 : vector<32x256xf32>
    %slice3A_247 = vector.extract_strided_slice %slice3A_218 {offsets = [0, 4], sizes = [32, 1], strides = [1, 1]} : vector<32x8xf32> to vector<32x1xf32>
    %add3A_248 = vector.broadcast %slice3A_247 : vector<32x1xf32> to vector<32x256xf32>
    %add3A_249 = vector.broadcast %slice3A_36 : vector<1x256xf32> to vector<32x256xf32>
    %add3A_250 = arith.addf %add3A_248, %add3A_249 : vector<32x256xf32>
    %sub3A_251 = arith.subf %add3A_250, %mul3A_246 : vector<32x256xf32>
    %div3A_252 = arith.divf %mul3A_246, %sub3A_251 : vector<32x256xf32>
    %gt3A_253 = arith.constant 3.000000e-01 : f32
    %gt3A_254 = vector.broadcast %gt3A_253 : f32 to vector<32x256xf32>
    %gt3A_255 = arith.cmpf ogt, %div3A_252, %gt3A_254 : vector<32x256xf32>
    %iota3A_256 = tpu.iota {dimensions = array<i32: 0>} : vector<32x256xi32>
    %add3A_257 = arith.constant 96 : i32
    %add3A_258 = vector.broadcast %add3A_257 : i32 to vector<32x256xi32>
    %add3A_259 = arith.addi %iota3A_256, %add3A_258 : vector<32x256xi32>
    %iota3A_260 = tpu.iota {dimensions = array<i32: 1>} : vector<32x256xi32>
    %add3A_261 = arith.constant 0 : i32
    %add3A_262 = vector.broadcast %add3A_261 : i32 to vector<32x256xi32>
    %add3A_263 = arith.addi %iota3A_260, %add3A_262 : vector<32x256xi32>
    %lt3A_264 = arith.cmpi slt, %add3A_259, %add3A_263 : vector<32x256xi32>
    %and3A_265 = arith.andi %gt3A_255, %lt3A_264 : vector<32x256xi1>
    %convert_element_type3A_266 = arith.extui %and3A_265 : vector<32x256xi1> to vector<32x256xi32>
    %convert_element_type3A_267 = arith.sitofp %convert_element_type3A_266 : vector<32x256xi32> to vector<32x256xf32>
    %dot_general3A_268 = arith.constant dense<0.000000e+00> : vector<2x256xf32>
    %dot_general3A_269 = tpu.matmul %convert_element_type3A_31, %convert_element_type3A_267, %dot_general3A_268 {dimension_numbers = #tpu.dot_dimension_numbers<[1], [0], [0], [1], [0, 0, 1, 1], [], []>, transpose_lhs_hint = false} : vector<2x32xf32>, vector<32x256xf32>, vector<2x256xf32> -> vector<2x256xf32>
    %slice3A_270 = vector.extract_strided_slice %dot_general3A_269 {offsets = [0, 0], sizes = [1, 256], strides = [1, 1]} : vector<2x256xf32> to vector<1x256xf32>
    %convert_element_type3A_271 = arith.fptosi %slice3A_270 : vector<1x256xf32> to vector<1x256xi32>
    %slice3A_272 = vector.extract_strided_slice %dot_general3A_269 {offsets = [1, 0], sizes = [1, 256], strides = [1, 1]} : vector<2x256xf32> to vector<1x256xf32>
    %convert_element_type3A_273 = arith.fptosi %slice3A_272 : vector<1x256xf32> to vector<1x256xi32>
    %shift_left3A_274 = arith.constant 16 : i32
    %shift_left3A_275 = vector.broadcast %shift_left3A_274 : i32 to vector<1x256xi32>
    %shift_left3A_276 = arith.shli %convert_element_type3A_273, %shift_left3A_275 : vector<1x256xi32>
    %or3A_277 = arith.ori %convert_element_type3A_271, %shift_left3A_276 : vector<1x256xi32>
    %swap3A_278 = arith.constant 3 : index
    %swap3A_279 = arith.constant 0 : index
    %swap3A_280 = vector.load %arg3[%swap3A_278, %swap3A_279] : memref<32x1024xi32, #tpu.memory_space<vmem>>, vector<1x256xi32>
    tpu.vector_store %arg3[%swap3A_278, %swap3A_279], %or3A_277 {strides = array<i32>} : memref<32x1024xi32, #tpu.memory_space<vmem>>, vector<1x256xi32>,
    %slice3A_281 = vector.extract_strided_slice %transpose3A {offsets = [128, 0], sizes = [32, 8], strides = [1, 1]} : vector<1024x8xf32> to vector<32x8xf32>
    %slice3A_282 = vector.extract_strided_slice %slice3A_281 {offsets = [0, 0], sizes = [32, 1], strides = [1, 1]} : vector<32x8xf32> to vector<32x1xf32>
    %max3A_283 = vector.broadcast %slice3A_282 : vector<32x1xf32> to vector<32x256xf32>
    %max3A_284 = vector.broadcast %slice3A_32 : vector<1x256xf32> to vector<32x256xf32>
    %max3A_285 = arith.maximumf %max3A_283, %max3A_284 : vector<32x256xf32>
    %slice3A_286 = vector.extract_strided_slice %slice3A_281 {offsets = [0, 1], sizes = [32, 1], strides = [1, 1]} : vector<32x8xf32> to vector<32x1xf32>
    %max3A_287 = vector.broadcast %slice3A_286 : vector<32x1xf32> to vector<32x256xf32>
    %max3A_288 = vector.broadcast %slice3A_33 : vector<1x256xf32> to vector<32x256xf32>
    %max3A_289 = arith.maximumf %max3A_287, %max3A_288 : vector<32x256xf32>
    %slice3A_290 = vector.extract_strided_slice %slice3A_281 {offsets = [0, 2], sizes = [32, 1], strides = [1, 1]} : vector<32x8xf32> to vector<32x1xf32>
    %min3A_291 = vector.broadcast %slice3A_290 : vector<32x1xf32> to vector<32x256xf32>
    %min3A_292 = vector.broadcast %slice3A_34 : vector<1x256xf32> to vector<32x256xf32>
    %min3A_293 = arith.minimumf %min3A_291, %min3A_292 : vector<32x256xf32>
    %slice3A_294 = vector.extract_strided_slice %slice3A_281 {offsets = [0, 3], sizes = [32, 1], strides = [1, 1]} : vector<32x8xf32> to vector<32x1xf32>
    %min3A_295 = vector.broadcast %slice3A_294 : vector<32x1xf32> to vector<32x256xf32>
    %min3A_296 = vector.broadcast %slice3A_35 : vector<1x256xf32> to vector<32x256xf32>
    %min3A_297 = arith.minimumf %min3A_295, %min3A_296 : vector<32x256xf32>
    %sub3A_298 = arith.subf %min3A_293, %max3A_285 : vector<32x256xf32>
    %add3A_299 = arith.constant 1.000000e+00 : f32
    %add3A_300 = vector.broadcast %add3A_299 : f32 to vector<32x256xf32>
    %add3A_301 = arith.addf %sub3A_298, %add3A_300 : vector<32x256xf32>
    %max3A_302 = arith.constant 0.000000e+00 : f32
    %max3A_303 = vector.broadcast %max3A_302 : f32 to vector<32x256xf32>
    %max3A_304 = arith.maximumf %max3A_303, %add3A_301 : vector<32x256xf32>
    %sub3A_305 = arith.subf %min3A_297, %max3A_289 : vector<32x256xf32>
    %add3A_306 = arith.constant 1.000000e+00 : f32
    %add3A_307 = vector.broadcast %add3A_306 : f32 to vector<32x256xf32>
    %add3A_308 = arith.addf %sub3A_305, %add3A_307 : vector<32x256xf32>
    %mul3A_309 = arith.mulf %max3A_304, %add3A_308 : vector<32x256xf32>
    %slice3A_310 = vector.extract_strided_slice %slice3A_281 {offsets = [0, 4], sizes = [32, 1], strides = [1, 1]} : vector<32x8xf32> to vector<32x1xf32>
    %add3A_311 = vector.broadcast %slice3A_310 : vector<32x1xf32> to vector<32x256xf32>
    %add3A_312 = vector.broadcast %slice3A_36 : vector<1x256xf32> to vector<32x256xf32>
    %add3A_313 = arith.addf %add3A_311, %add3A_312 : vector<32x256xf32>
    %sub3A_314 = arith.subf %add3A_313, %mul3A_309 : vector<32x256xf32>
    %div3A_315 = arith.divf %mul3A_309, %sub3A_314 : vector<32x256xf32>
    %gt3A_316 = arith.constant 3.000000e-01 : f32
    %gt3A_317 = vector.broadcast %gt3A_316 : f32 to vector<32x256xf32>
    %gt3A_318 = arith.cmpf ogt, %div3A_315, %gt3A_317 : vector<32x256xf32>
    %iota3A_319 = tpu.iota {dimensions = array<i32: 0>} : vector<32x256xi32>
    %add3A_320 = arith.constant 128 : i32
    %add3A_321 = vector.broadcast %add3A_320 : i32 to vector<32x256xi32>
    %add3A_322 = arith.addi %iota3A_319, %add3A_321 : vector<32x256xi32>
    %iota3A_323 = tpu.iota {dimensions = array<i32: 1>} : vector<32x256xi32>
    %add3A_324 = arith.constant 0 : i32
    %add3A_325 = vector.broadcast %add3A_324 : i32 to vector<32x256xi32>
    %add3A_326 = arith.addi %iota3A_323, %add3A_325 : vector<32x256xi32>
    %lt3A_327 = arith.cmpi slt, %add3A_322, %add3A_326 : vector<32x256xi32>
    %and3A_328 = arith.andi %gt3A_318, %lt3A_327 : vector<32x256xi1>
    %convert_element_type3A_329 = arith.extui %and3A_328 : vector<32x256xi1> to vector<32x256xi32>
    %convert_element_type3A_330 = arith.sitofp %convert_element_type3A_329 : vector<32x256xi32> to vector<32x256xf32>
    %dot_general3A_331 = arith.constant dense<0.000000e+00> : vector<2x256xf32>
    %dot_general3A_332 = tpu.matmul %convert_element_type3A_31, %convert_element_type3A_330, %dot_general3A_331 {dimension_numbers = #tpu.dot_dimension_numbers<[1], [0], [0], [1], [0, 0, 1, 1], [], []>, transpose_lhs_hint = false} : vector<2x32xf32>, vector<32x256xf32>, vector<2x256xf32> -> vector<2x256xf32>
    %slice3A_333 = vector.extract_strided_slice %dot_general3A_332 {offsets = [0, 0], sizes = [1, 256], strides = [1, 1]} : vector<2x256xf32> to vector<1x256xf32>
    %convert_element_type3A_334 = arith.fptosi %slice3A_333 : vector<1x256xf32> to vector<1x256xi32>
    %slice3A_335 = vector.extract_strided_slice %dot_general3A_332 {offsets = [1, 0], sizes = [1, 256], strides = [1, 1]} : vector<2x256xf32> to vector<1x256xf32>
    %convert_element_type3A_336 = arith.fptosi %slice3A_335 : vector<1x256xf32> to vector<1x256xi32>
    %shift_left3A_337 = arith.constant 16 : i32
    %shift_left3A_338 = vector.broadcast %shift_left3A_337 : i32 to vector<1x256xi32>
    %shift_left3A_339 = arith.shli %convert_element_type3A_336, %shift_left3A_338 : vector<1x256xi32>
    %or3A_340 = arith.ori %convert_element_type3A_334, %shift_left3A_339 : vector<1x256xi32>
    %swap3A_341 = arith.constant 4 : index
    %swap3A_342 = arith.constant 0 : index
    %swap3A_343 = vector.load %arg3[%swap3A_341, %swap3A_342] : memref<32x1024xi32, #tpu.memory_space<vmem>>, vector<1x256xi32>
    tpu.vector_store %arg3[%swap3A_341, %swap3A_342], %or3A_340 {strides = array<i32>} : memref<32x1024xi32, #tpu.memory_space<vmem>>, vector<1x256xi32>,
    %slice3A_344 = vector.extract_strided_slice %transpose3A {offsets = [160, 0], sizes = [32, 8], strides = [1, 1]} : vector<1024x8xf32> to vector<32x8xf32>
    %slice3A_345 = vector.extract_strided_slice %slice3A_344 {offsets = [0, 0], sizes = [32, 1], strides = [1, 1]} : vector<32x8xf32> to vector<32x1xf32>
    %max3A_346 = vector.broadcast %slice3A_345 : vector<32x1xf32> to vector<32x256xf32>
    %max3A_347 = vector.broadcast %slice3A_32 : vector<1x256xf32> to vector<32x256xf32>
    %max3A_348 = arith.maximumf %max3A_346, %max3A_347 : vector<32x256xf32>
    %slice3A_349 = vector.extract_strided_slice %slice3A_344 {offsets = [0, 1], sizes = [32, 1], strides = [1, 1]} : vector<32x8xf32> to vector<32x1xf32>
    %max3A_350 = vector.broadcast %slice3A_349 : vector<32x1xf32> to vector<32x256xf32>
    %max3A_351 = vector.broadcast %slice3A_33 : vector<1x256xf32> to vector<32x256xf32>
    %max3A_352 = arith.maximumf %max3A_350, %max3A_351 : vector<32x256xf32>
    %slice3A_353 = vector.extract_strided_slice %slice3A_344 {offsets = [0, 2], sizes = [32, 1], strides = [1, 1]} : vector<32x8xf32> to vector<32x1xf32>
    %min3A_354 = vector.broadcast %slice3A_353 : vector<32x1xf32> to vector<32x256xf32>
    %min3A_355 = vector.broadcast %slice3A_34 : vector<1x256xf32> to vector<32x256xf32>
    %min3A_356 = arith.minimumf %min3A_354, %min3A_355 : vector<32x256xf32>
    %slice3A_357 = vector.extract_strided_slice %slice3A_344 {offsets = [0, 3], sizes = [32, 1], strides = [1, 1]} : vector<32x8xf32> to vector<32x1xf32>
    %min3A_358 = vector.broadcast %slice3A_357 : vector<32x1xf32> to vector<32x256xf32>
    %min3A_359 = vector.broadcast %slice3A_35 : vector<1x256xf32> to vector<32x256xf32>
    %min3A_360 = arith.minimumf %min3A_358, %min3A_359 : vector<32x256xf32>
    %sub3A_361 = arith.subf %min3A_356, %max3A_348 : vector<32x256xf32>
    %add3A_362 = arith.constant 1.000000e+00 : f32
    %add3A_363 = vector.broadcast %add3A_362 : f32 to vector<32x256xf32>
    %add3A_364 = arith.addf %sub3A_361, %add3A_363 : vector<32x256xf32>
    %max3A_365 = arith.constant 0.000000e+00 : f32
    %max3A_366 = vector.broadcast %max3A_365 : f32 to vector<32x256xf32>
    %max3A_367 = arith.maximumf %max3A_366, %add3A_364 : vector<32x256xf32>
    %sub3A_368 = arith.subf %min3A_360, %max3A_352 : vector<32x256xf32>
    %add3A_369 = arith.constant 1.000000e+00 : f32
    %add3A_370 = vector.broadcast %add3A_369 : f32 to vector<32x256xf32>
    %add3A_371 = arith.addf %sub3A_368, %add3A_370 : vector<32x256xf32>
    %mul3A_372 = arith.mulf %max3A_367, %add3A_371 : vector<32x256xf32>
    %slice3A_373 = vector.extract_strided_slice %slice3A_344 {offsets = [0, 4], sizes = [32, 1], strides = [1, 1]} : vector<32x8xf32> to vector<32x1xf32>
    %add3A_374 = vector.broadcast %slice3A_373 : vector<32x1xf32> to vector<32x256xf32>
    %add3A_375 = vector.broadcast %slice3A_36 : vector<1x256xf32> to vector<32x256xf32>
    %add3A_376 = arith.addf %add3A_374, %add3A_375 : vector<32x256xf32>
    %sub3A_377 = arith.subf %add3A_376, %mul3A_372 : vector<32x256xf32>
    %div3A_378 = arith.divf %mul3A_372, %sub3A_377 : vector<32x256xf32>
    %gt3A_379 = arith.constant 3.000000e-01 : f32
    %gt3A_380 = vector.broadcast %gt3A_379 : f32 to vector<32x256xf32>
    %gt3A_381 = arith.cmpf ogt, %div3A_378, %gt3A_380 : vector<32x256xf32>
    %iota3A_382 = tpu.iota {dimensions = array<i32: 0>} : vector<32x256xi32>
    %add3A_383 = arith.constant 160 : i32
    %add3A_384 = vector.broadcast %add3A_383 : i32 to vector<32x256xi32>
    %add3A_385 = arith.addi %iota3A_382, %add3A_384 : vector<32x256xi32>
    %iota3A_386 = tpu.iota {dimensions = array<i32: 1>} : vector<32x256xi32>
    %add3A_387 = arith.constant 0 : i32
    %add3A_388 = vector.broadcast %add3A_387 : i32 to vector<32x256xi32>
    %add3A_389 = arith.addi %iota3A_386, %add3A_388 : vector<32x256xi32>
    %lt3A_390 = arith.cmpi slt, %add3A_385, %add3A_389 : vector<32x256xi32>
    %and3A_391 = arith.andi %gt3A_381, %lt3A_390 : vector<32x256xi1>
    %convert_element_type3A_392 = arith.extui %and3A_391 : vector<32x256xi1> to vector<32x256xi32>
    %convert_element_type3A_393 = arith.sitofp %convert_element_type3A_392 : vector<32x256xi32> to vector<32x256xf32>
    %dot_general3A_394 = arith.constant dense<0.000000e+00> : vector<2x256xf32>
    %dot_general3A_395 = tpu.matmul %convert_element_type3A_31, %convert_element_type3A_393, %dot_general3A_394 {dimension_numbers = #tpu.dot_dimension_numbers<[1], [0], [0], [1], [0, 0, 1, 1], [], []>, transpose_lhs_hint = false} : vector<2x32xf32>, vector<32x256xf32>, vector<2x256xf32> -> vector<2x256xf32>
    %slice3A_396 = vector.extract_strided_slice %dot_general3A_395 {offsets = [0, 0], sizes = [1, 256], strides = [1, 1]} : vector<2x256xf32> to vector<1x256xf32>
    %convert_element_type3A_397 = arith.fptosi %slice3A_396 : vector<1x256xf32> to vector<1x256xi32>
    %slice3A_398 = vector.extract_strided_slice %dot_general3A_395 {offsets = [1, 0], sizes = [1, 256], strides = [1, 1]} : vector<2x256xf32> to vector<1x256xf32>
    %convert_element_type3A_399 = arith.fptosi %slice3A_398 : vector<1x256xf32> to vector<1x256xi32>
    %shift_left3A_400 = arith.constant 16 : i32
    %shift_left3A_401 = vector.broadcast %shift_left3A_400 : i32 to vector<1x256xi32>
    %shift_left3A_402 = arith.shli %convert_element_type3A_399, %shift_left3A_401 : vector<1x256xi32>
    %or3A_403 = arith.ori %convert_element_type3A_397, %shift_left3A_402 : vector<1x256xi32>
    %swap3A_404 = arith.constant 5 : index
    %swap3A_405 = arith.constant 0 : index
    %swap3A_406 = vector.load %arg3[%swap3A_404, %swap3A_405] : memref<32x1024xi32, #tpu.memory_space<vmem>>, vector<1x256xi32>
    tpu.vector_store %arg3[%swap3A_404, %swap3A_405], %or3A_403 {strides = array<i32>} : memref<32x1024xi32, #tpu.memory_space<vmem>>, vector<1x256xi32>,
    %slice3A_407 = vector.extract_strided_slice %transpose3A {offsets = [192, 0], sizes = [32, 8], strides = [1, 1]} : vector<1024x8xf32> to vector<32x8xf32>
    %slice3A_408 = vector.extract_strided_slice %slice3A_407 {offsets = [0, 0], sizes = [32, 1], strides = [1, 1]} : vector<32x8xf32> to vector<32x1xf32>
    %max3A_409 = vector.broadcast %slice3A_408 : vector<32x1xf32> to vector<32x256xf32>
    %max3A_410 = vector.broadcast %slice3A_32 : vector<1x256xf32> to vector<32x256xf32>
    %max3A_411 = arith.maximumf %max3A_409, %max3A_410 : vector<32x256xf32>
    %slice3A_412 = vector.extract_strided_slice %slice3A_407 {offsets = [0, 1], sizes = [32, 1], strides = [1, 1]} : vector<32x8xf32> to vector<32x1xf32>
    %max3A_413 = vector.broadcast %slice3A_412 : vector<32x1xf32> to vector<32x256xf32>
    %max3A_414 = vector.broadcast %slice3A_33 : vector<1x256xf32> to vector<32x256xf32>
    %max3A_415 = arith.maximumf %max3A_413, %max3A_414 : vector<32x256xf32>
    %slice3A_416 = vector.extract_strided_slice %slice3A_407 {offsets = [0, 2], sizes = [32, 1], strides = [1, 1]} : vector<32x8xf32> to vector<32x1xf32>
    %min3A_417 = vector.broadcast %slice3A_416 : vector<32x1xf32> to vector<32x256xf32>
    %min3A_418 = vector.broadcast %slice3A_34 : vector<1x256xf32> to vector<32x256xf32>
    %min3A_419 = arith.minimumf %min3A_417, %min3A_418 : vector<32x256xf32>
    %slice3A_420 = vector.extract_strided_slice %slice3A_407 {offsets = [0, 3], sizes = [32, 1], strides = [1, 1]} : vector<32x8xf32> to vector<32x1xf32>
    %min3A_421 = vector.broadcast %slice3A_420 : vector<32x1xf32> to vector<32x256xf32>
    %min3A_422 = vector.broadcast %slice3A_35 : vector<1x256xf32> to vector<32x256xf32>
    %min3A_423 = arith.minimumf %min3A_421, %min3A_422 : vector<32x256xf32>
    %sub3A_424 = arith.subf %min3A_419, %max3A_411 : vector<32x256xf32>
    %add3A_425 = arith.constant 1.000000e+00 : f32
    %add3A_426 = vector.broadcast %add3A_425 : f32 to vector<32x256xf32>
    %add3A_427 = arith.addf %sub3A_424, %add3A_426 : vector<32x256xf32>
    %max3A_428 = arith.constant 0.000000e+00 : f32
    %max3A_429 = vector.broadcast %max3A_428 : f32 to vector<32x256xf32>
    %max3A_430 = arith.maximumf %max3A_429, %add3A_427 : vector<32x256xf32>
    %sub3A_431 = arith.subf %min3A_423, %max3A_415 : vector<32x256xf32>
    %add3A_432 = arith.constant 1.000000e+00 : f32
    %add3A_433 = vector.broadcast %add3A_432 : f32 to vector<32x256xf32>
    %add3A_434 = arith.addf %sub3A_431, %add3A_433 : vector<32x256xf32>
    %mul3A_435 = arith.mulf %max3A_430, %add3A_434 : vector<32x256xf32>
    %slice3A_436 = vector.extract_strided_slice %slice3A_407 {offsets = [0, 4], sizes = [32, 1], strides = [1, 1]} : vector<32x8xf32> to vector<32x1xf32>
    %add3A_437 = vector.broadcast %slice3A_436 : vector<32x1xf32> to vector<32x256xf32>
    %add3A_438 = vector.broadcast %slice3A_36 : vector<1x256xf32> to vector<32x256xf32>
    %add3A_439 = arith.addf %add3A_437, %add3A_438 : vector<32x256xf32>
    %sub3A_440 = arith.subf %add3A_439, %mul3A_435 : vector<32x256xf32>
    %div3A_441 = arith.divf %mul3A_435, %sub3A_440 : vector<32x256xf32>
    %gt3A_442 = arith.constant 3.000000e-01 : f32
    %gt3A_443 = vector.broadcast %gt3A_442 : f32 to vector<32x256xf32>
    %gt3A_444 = arith.cmpf ogt, %div3A_441, %gt3A_443 : vector<32x256xf32>
    %iota3A_445 = tpu.iota {dimensions = array<i32: 0>} : vector<32x256xi32>
    %add3A_446 = arith.constant 192 : i32
    %add3A_447 = vector.broadcast %add3A_446 : i32 to vector<32x256xi32>
    %add3A_448 = arith.addi %iota3A_445, %add3A_447 : vector<32x256xi32>
    %iota3A_449 = tpu.iota {dimensions = array<i32: 1>} : vector<32x256xi32>
    %add3A_450 = arith.constant 0 : i32
    %add3A_451 = vector.broadcast %add3A_450 : i32 to vector<32x256xi32>
    %add3A_452 = arith.addi %iota3A_449, %add3A_451 : vector<32x256xi32>
    %lt3A_453 = arith.cmpi slt, %add3A_448, %add3A_452 : vector<32x256xi32>
    %and3A_454 = arith.andi %gt3A_444, %lt3A_453 : vector<32x256xi1>
    %convert_element_type3A_455 = arith.extui %and3A_454 : vector<32x256xi1> to vector<32x256xi32>
    %convert_element_type3A_456 = arith.sitofp %convert_element_type3A_455 : vector<32x256xi32> to vector<32x256xf32>
    %dot_general3A_457 = arith.constant dense<0.000000e+00> : vector<2x256xf32>
    %dot_general3A_458 = tpu.matmul %convert_element_type3A_31, %convert_element_type3A_456, %dot_general3A_457 {dimension_numbers = #tpu.dot_dimension_numbers<[1], [0], [0], [1], [0, 0, 1, 1], [], []>, transpose_lhs_hint = false} : vector<2x32xf32>, vector<32x256xf32>, vector<2x256xf32> -> vector<2x256xf32>
    %slice3A_459 = vector.extract_strided_slice %dot_general3A_458 {offsets = [0, 0], sizes = [1, 256], strides = [1, 1]} : vector<2x256xf32> to vector<1x256xf32>
    %convert_element_type3A_460 = arith.fptosi %slice3A_459 : vector<1x256xf32> to vector<1x256xi32>
    %slice3A_461 = vector.extract_strided_slice %dot_general3A_458 {offsets = [1, 0], sizes = [1, 256], strides = [1, 1]} : vector<2x256xf32> to vector<1x256xf32>
    %convert_element_type3A_462 = arith.fptosi %slice3A_461 : vector<1x256xf32> to vector<1x256xi32>
    %shift_left3A_463 = arith.constant 16 : i32
    %shift_left3A_464 = vector.broadcast %shift_left3A_463 : i32 to vector<1x256xi32>
    %shift_left3A_465 = arith.shli %convert_element_type3A_462, %shift_left3A_464 : vector<1x256xi32>
    %or3A_466 = arith.ori %convert_element_type3A_460, %shift_left3A_465 : vector<1x256xi32>
    %swap3A_467 = arith.constant 6 : index
    %swap3A_468 = arith.constant 0 : index
    %swap3A_469 = vector.load %arg3[%swap3A_467, %swap3A_468] : memref<32x1024xi32, #tpu.memory_space<vmem>>, vector<1x256xi32>
    tpu.vector_store %arg3[%swap3A_467, %swap3A_468], %or3A_466 {strides = array<i32>} : memref<32x1024xi32, #tpu.memory_space<vmem>>, vector<1x256xi32>,
    %slice3A_470 = vector.extract_strided_slice %transpose3A {offsets = [224, 0], sizes = [32, 8], strides = [1, 1]} : vector<1024x8xf32> to vector<32x8xf32>
    %slice3A_471 = vector.extract_strided_slice %slice3A_470 {offsets = [0, 0], sizes = [32, 1], strides = [1, 1]} : vector<32x8xf32> to vector<32x1xf32>
    %max3A_472 = vector.broadcast %slice3A_471 : vector<32x1xf32> to vector<32x256xf32>
    %max3A_473 = vector.broadcast %slice3A_32 : vector<1x256xf32> to vector<32x256xf32>
    %max3A_474 = arith.maximumf %max3A_472, %max3A_473 : vector<32x256xf32>
    %slice3A_475 = vector.extract_strided_slice %slice3A_470 {offsets = [0, 1], sizes = [32, 1], strides = [1, 1]} : vector<32x8xf32> to vector<32x1xf32>
    %max3A_476 = vector.broadcast %slice3A_475 : vector<32x1xf32> to vector<32x256xf32>
    %max3A_477 = vector.broadcast %slice3A_33 : vector<1x256xf32> to vector<32x256xf32>
    %max3A_478 = arith.maximumf %max3A_476, %max3A_477 : vector<32x256xf32>
    %slice3A_479 = vector.extract_strided_slice %slice3A_470 {offsets = [0, 2], sizes = [32, 1], strides = [1, 1]} : vector<32x8xf32> to vector<32x1xf32>
    %min3A_480 = vector.broadcast %slice3A_479 : vector<32x1xf32> to vector<32x256xf32>
    %min3A_481 = vector.broadcast %slice3A_34 : vector<1x256xf32> to vector<32x256xf32>
    %min3A_482 = arith.minimumf %min3A_480, %min3A_481 : vector<32x256xf32>
    %slice3A_483 = vector.extract_strided_slice %slice3A_470 {offsets = [0, 3], sizes = [32, 1], strides = [1, 1]} : vector<32x8xf32> to vector<32x1xf32>
    %min3A_484 = vector.broadcast %slice3A_483 : vector<32x1xf32> to vector<32x256xf32>
    %min3A_485 = vector.broadcast %slice3A_35 : vector<1x256xf32> to vector<32x256xf32>
    %min3A_486 = arith.minimumf %min3A_484, %min3A_485 : vector<32x256xf32>
    %sub3A_487 = arith.subf %min3A_482, %max3A_474 : vector<32x256xf32>
    %add3A_488 = arith.constant 1.000000e+00 : f32
    %add3A_489 = vector.broadcast %add3A_488 : f32 to vector<32x256xf32>
    %add3A_490 = arith.addf %sub3A_487, %add3A_489 : vector<32x256xf32>
    %max3A_491 = arith.constant 0.000000e+00 : f32
    %max3A_492 = vector.broadcast %max3A_491 : f32 to vector<32x256xf32>
    %max3A_493 = arith.maximumf %max3A_492, %add3A_490 : vector<32x256xf32>
    %sub3A_494 = arith.subf %min3A_486, %max3A_478 : vector<32x256xf32>
    %add3A_495 = arith.constant 1.000000e+00 : f32
    %add3A_496 = vector.broadcast %add3A_495 : f32 to vector<32x256xf32>
    %add3A_497 = arith.addf %sub3A_494, %add3A_496 : vector<32x256xf32>
    %mul3A_498 = arith.mulf %max3A_493, %add3A_497 : vector<32x256xf32>
    %slice3A_499 = vector.extract_strided_slice %slice3A_470 {offsets = [0, 4], sizes = [32, 1], strides = [1, 1]} : vector<32x8xf32> to vector<32x1xf32>
    %add3A_500 = vector.broadcast %slice3A_499 : vector<32x1xf32> to vector<32x256xf32>
    %add3A_501 = vector.broadcast %slice3A_36 : vector<1x256xf32> to vector<32x256xf32>
    %add3A_502 = arith.addf %add3A_500, %add3A_501 : vector<32x256xf32>
    %sub3A_503 = arith.subf %add3A_502, %mul3A_498 : vector<32x256xf32>
    %div3A_504 = arith.divf %mul3A_498, %sub3A_503 : vector<32x256xf32>
    %gt3A_505 = arith.constant 3.000000e-01 : f32
    %gt3A_506 = vector.broadcast %gt3A_505 : f32 to vector<32x256xf32>
    %gt3A_507 = arith.cmpf ogt, %div3A_504, %gt3A_506 : vector<32x256xf32>
    %iota3A_508 = tpu.iota {dimensions = array<i32: 0>} : vector<32x256xi32>
    %add3A_509 = arith.constant 224 : i32
    %add3A_510 = vector.broadcast %add3A_509 : i32 to vector<32x256xi32>
    %add3A_511 = arith.addi %iota3A_508, %add3A_510 : vector<32x256xi32>
    %iota3A_512 = tpu.iota {dimensions = array<i32: 1>} : vector<32x256xi32>
    %add3A_513 = arith.constant 0 : i32
    %add3A_514 = vector.broadcast %add3A_513 : i32 to vector<32x256xi32>
    %add3A_515 = arith.addi %iota3A_512, %add3A_514 : vector<32x256xi32>
    %lt3A_516 = arith.cmpi slt, %add3A_511, %add3A_515 : vector<32x256xi32>
    %and3A_517 = arith.andi %gt3A_507, %lt3A_516 : vector<32x256xi1>
    %convert_element_type3A_518 = arith.extui %and3A_517 : vector<32x256xi1> to vector<32x256xi32>
    %convert_element_type3A_519 = arith.sitofp %convert_element_type3A_518 : vector<32x256xi32> to vector<32x256xf32>
    %dot_general3A_520 = arith.constant dense<0.000000e+00> : vector<2x256xf32>
    %dot_general3A_521 = tpu.matmul %convert_element_type3A_31, %convert_element_type3A_519, %dot_general3A_520 {dimension_numbers = #tpu.dot_dimension_numbers<[1], [0], [0], [1], [0, 0, 1, 1], [], []>, transpose_lhs_hint = false} : vector<2x32xf32>, vector<32x256xf32>, vector<2x256xf32> -> vector<2x256xf32>
    %slice3A_522 = vector.extract_strided_slice %dot_general3A_521 {offsets = [0, 0], sizes = [1, 256], strides = [1, 1]} : vector<2x256xf32> to vector<1x256xf32>
    %convert_element_type3A_523 = arith.fptosi %slice3A_522 : vector<1x256xf32> to vector<1x256xi32>
    %slice3A_524 = vector.extract_strided_slice %dot_general3A_521 {offsets = [1, 0], sizes = [1, 256], strides = [1, 1]} : vector<2x256xf32> to vector<1x256xf32>
    %convert_element_type3A_525 = arith.fptosi %slice3A_524 : vector<1x256xf32> to vector<1x256xi32>
    %shift_left3A_526 = arith.constant 16 : i32
    %shift_left3A_527 = vector.broadcast %shift_left3A_526 : i32 to vector<1x256xi32>
    %shift_left3A_528 = arith.shli %convert_element_type3A_525, %shift_left3A_527 : vector<1x256xi32>
    %or3A_529 = arith.ori %convert_element_type3A_523, %shift_left3A_528 : vector<1x256xi32>
    %swap3A_530 = arith.constant 7 : index
    %swap3A_531 = arith.constant 0 : index
    %swap3A_532 = vector.load %arg3[%swap3A_530, %swap3A_531] : memref<32x1024xi32, #tpu.memory_space<vmem>>, vector<1x256xi32>
    tpu.vector_store %arg3[%swap3A_530, %swap3A_531], %or3A_529 {strides = array<i32>} : memref<32x1024xi32, #tpu.memory_space<vmem>>, vector<1x256xi32>,
    %slice3A_533 = vector.extract_strided_slice %slice3A {offsets = [0, 256], sizes = [1, 256], strides = [1, 1]} : vector<1x1024xf32> to vector<1x256xf32>
    %slice3A_534 = vector.extract_strided_slice %slice3A_6 {offsets = [0, 256], sizes = [1, 256], strides = [1, 1]} : vector<1x1024xf32> to vector<1x256xf32>
    %slice3A_535 = vector.extract_strided_slice %slice3A_7 {offsets = [0, 256], sizes = [1, 256], strides = [1, 1]} : vector<1x1024xf32> to vector<1x256xf32>
    %slice3A_536 = vector.extract_strided_slice %slice3A_8 {offsets = [0, 256], sizes = [1, 256], strides = [1, 1]} : vector<1x1024xf32> to vector<1x256xf32>
    %slice3A_537 = vector.extract_strided_slice %mul3A {offsets = [0, 256], sizes = [1, 256], strides = [1, 1]} : vector<1x1024xf32> to vector<1x256xf32>
    %slice3A_538 = vector.extract_strided_slice %transpose3A {offsets = [0, 0], sizes = [32, 8], strides = [1, 1]} : vector<1024x8xf32> to vector<32x8xf32>
    %slice3A_539 = vector.extract_strided_slice %slice3A_538 {offsets = [0, 0], sizes = [32, 1], strides = [1, 1]} : vector<32x8xf32> to vector<32x1xf32>
    %max3A_540 = vector.broadcast %slice3A_539 : vector<32x1xf32> to vector<32x256xf32>
    %max3A_541 = vector.broadcast %slice3A_533 : vector<1x256xf32> to vector<32x256xf32>
    %max3A_542 = arith.maximumf %max3A_540, %max3A_541 : vector<32x256xf32>
    %slice3A_543 = vector.extract_strided_slice %slice3A_538 {offsets = [0, 1], sizes = [32, 1], strides = [1, 1]} : vector<32x8xf32> to vector<32x1xf32>
    %max3A_544 = vector.broadcast %slice3A_543 : vector<32x1xf32> to vector<32x256xf32>
    %max3A_545 = vector.broadcast %slice3A_534 : vector<1x256xf32> to vector<32x256xf32>
    %max3A_546 = arith.maximumf %max3A_544, %max3A_545 : vector<32x256xf32>
    %slice3A_547 = vector.extract_strided_slice %slice3A_538 {offsets = [0, 2], sizes = [32, 1], strides = [1, 1]} : vector<32x8xf32> to vector<32x1xf32>
    %min3A_548 = vector.broadcast %slice3A_547 : vector<32x1xf32> to vector<32x256xf32>
    %min3A_549 = vector.broadcast %slice3A_535 : vector<1x256xf32> to vector<32x256xf32>
    %min3A_550 = arith.minimumf %min3A_548, %min3A_549 : vector<32x256xf32>
    %slice3A_551 = vector.extract_strided_slice %slice3A_538 {offsets = [0, 3], sizes = [32, 1], strides = [1, 1]} : vector<32x8xf32> to vector<32x1xf32>
    %min3A_552 = vector.broadcast %slice3A_551 : vector<32x1xf32> to vector<32x256xf32>
    %min3A_553 = vector.broadcast %slice3A_536 : vector<1x256xf32> to vector<32x256xf32>
    %min3A_554 = arith.minimumf %min3A_552, %min3A_553 : vector<32x256xf32>
    %sub3A_555 = arith.subf %min3A_550, %max3A_542 : vector<32x256xf32>
    %add3A_556 = arith.constant 1.000000e+00 : f32
    %add3A_557 = vector.broadcast %add3A_556 : f32 to vector<32x256xf32>
    %add3A_558 = arith.addf %sub3A_555, %add3A_557 : vector<32x256xf32>
    %max3A_559 = arith.constant 0.000000e+00 : f32
    %max3A_560 = vector.broadcast %max3A_559 : f32 to vector<32x256xf32>
    %max3A_561 = arith.maximumf %max3A_560, %add3A_558 : vector<32x256xf32>
    %sub3A_562 = arith.subf %min3A_554, %max3A_546 : vector<32x256xf32>
    %add3A_563 = arith.constant 1.000000e+00 : f32
    %add3A_564 = vector.broadcast %add3A_563 : f32 to vector<32x256xf32>
    %add3A_565 = arith.addf %sub3A_562, %add3A_564 : vector<32x256xf32>
    %mul3A_566 = arith.mulf %max3A_561, %add3A_565 : vector<32x256xf32>
    %slice3A_567 = vector.extract_strided_slice %slice3A_538 {offsets = [0, 4], sizes = [32, 1], strides = [1, 1]} : vector<32x8xf32> to vector<32x1xf32>
    %add3A_568 = vector.broadcast %slice3A_567 : vector<32x1xf32> to vector<32x256xf32>
    %add3A_569 = vector.broadcast %slice3A_537 : vector<1x256xf32> to vector<32x256xf32>
    %add3A_570 = arith.addf %add3A_568, %add3A_569 : vector<32x256xf32>
    %sub3A_571 = arith.subf %add3A_570, %mul3A_566 : vector<32x256xf32>
    %div3A_572 = arith.divf %mul3A_566, %sub3A_571 : vector<32x256xf32>
    %gt3A_573 = arith.constant 3.000000e-01 : f32
    %gt3A_574 = vector.broadcast %gt3A_573 : f32 to vector<32x256xf32>
    %gt3A_575 = arith.cmpf ogt, %div3A_572, %gt3A_574 : vector<32x256xf32>
    %convert_element_type3A_576 = arith.extui %gt3A_575 : vector<32x256xi1> to vector<32x256xi32>
    %convert_element_type3A_577 = arith.sitofp %convert_element_type3A_576 : vector<32x256xi32> to vector<32x256xf32>
    %dot_general3A_578 = arith.constant dense<0.000000e+00> : vector<2x256xf32>
    %dot_general3A_579 = tpu.matmul %convert_element_type3A_31, %convert_element_type3A_577, %dot_general3A_578 {dimension_numbers = #tpu.dot_dimension_numbers<[1], [0], [0], [1], [0, 0, 1, 1], [], []>, transpose_lhs_hint = false} : vector<2x32xf32>, vector<32x256xf32>, vector<2x256xf32> -> vector<2x256xf32>
    %slice3A_580 = vector.extract_strided_slice %dot_general3A_579 {offsets = [0, 0], sizes = [1, 256], strides = [1, 1]} : vector<2x256xf32> to vector<1x256xf32>
    %convert_element_type3A_581 = arith.fptosi %slice3A_580 : vector<1x256xf32> to vector<1x256xi32>
    %slice3A_582 = vector.extract_strided_slice %dot_general3A_579 {offsets = [1, 0], sizes = [1, 256], strides = [1, 1]} : vector<2x256xf32> to vector<1x256xf32>
    %convert_element_type3A_583 = arith.fptosi %slice3A_582 : vector<1x256xf32> to vector<1x256xi32>
    %shift_left3A_584 = arith.constant 16 : i32
    %shift_left3A_585 = vector.broadcast %shift_left3A_584 : i32 to vector<1x256xi32>
    %shift_left3A_586 = arith.shli %convert_element_type3A_583, %shift_left3A_585 : vector<1x256xi32>
    %or3A_587 = arith.ori %convert_element_type3A_581, %shift_left3A_586 : vector<1x256xi32>
    %swap3A_588 = arith.constant 0 : index
    %swap3A_589 = arith.constant 256 : index
    %swap3A_590 = vector.load %arg3[%swap3A_588, %swap3A_589] : memref<32x1024xi32, #tpu.memory_space<vmem>>, vector<1x256xi32>
    tpu.vector_store %arg3[%swap3A_588, %swap3A_589], %or3A_587 {strides = array<i32>} : memref<32x1024xi32, #tpu.memory_space<vmem>>, vector<1x256xi32>,
    %slice3A_591 = vector.extract_strided_slice %transpose3A {offsets = [32, 0], sizes = [32, 8], strides = [1, 1]} : vector<1024x8xf32> to vector<32x8xf32>
    %slice3A_592 = vector.extract_strided_slice %slice3A_591 {offsets = [0, 0], sizes = [32, 1], strides = [1, 1]} : vector<32x8xf32> to vector<32x1xf32>
    %max3A_593 = vector.broadcast %slice3A_592 : vector<32x1xf32> to vector<32x256xf32>
    %max3A_594 = vector.broadcast %slice3A_533 : vector<1x256xf32> to vector<32x256xf32>
    %max3A_595 = arith.maximumf %max3A_593, %max3A_594 : vector<32x256xf32>
    %slice3A_596 = vector.extract_strided_slice %slice3A_591 {offsets = [0, 1], sizes = [32, 1], strides = [1, 1]} : vector<32x8xf32> to vector<32x1xf32>
    %max3A_597 = vector.broadcast %slice3A_596 : vector<32x1xf32> to vector<32x256xf32>
    %max3A_598 = vector.broadcast %slice3A_534 : vector<1x256xf32> to vector<32x256xf32>
    %max3A_599 = arith.maximumf %max3A_597, %max3A_598 : vector<32x256xf32>
    %slice3A_600 = vector.extract_strided_slice %slice3A_591 {offsets = [0, 2], sizes = [32, 1], strides = [1, 1]} : vector<32x8xf32> to vector<32x1xf32>
    %min3A_601 = vector.broadcast %slice3A_600 : vector<32x1xf32> to vector<32x256xf32>
    %min3A_602 = vector.broadcast %slice3A_535 : vector<1x256xf32> to vector<32x256xf32>
    %min3A_603 = arith.minimumf %min3A_601, %min3A_602 : vector<32x256xf32>
    %slice3A_604 = vector.extract_strided_slice %slice3A_591 {offsets = [0, 3], sizes = [32, 1], strides = [1, 1]} : vector<32x8xf32> to vector<32x1xf32>
    %min3A_605 = vector.broadcast %slice3A_604 : vector<32x1xf32> to vector<32x256xf32>
    %min3A_606 = vector.broadcast %slice3A_536 : vector<1x256xf32> to vector<32x256xf32>
    %min3A_607 = arith.minimumf %min3A_605, %min3A_606 : vector<32x256xf32>
    %sub3A_608 = arith.subf %min3A_603, %max3A_595 : vector<32x256xf32>
    %add3A_609 = arith.constant 1.000000e+00 : f32
    %add3A_610 = vector.broadcast %add3A_609 : f32 to vector<32x256xf32>
    %add3A_611 = arith.addf %sub3A_608, %add3A_610 : vector<32x256xf32>
    %max3A_612 = arith.constant 0.000000e+00 : f32
    %max3A_613 = vector.broadcast %max3A_612 : f32 to vector<32x256xf32>
    %max3A_614 = arith.maximumf %max3A_613, %add3A_611 : vector<32x256xf32>
    %sub3A_615 = arith.subf %min3A_607, %max3A_599 : vector<32x256xf32>
    %add3A_616 = arith.constant 1.000000e+00 : f32
    %add3A_617 = vector.broadcast %add3A_616 : f32 to vector<32x256xf32>
    %add3A_618 = arith.addf %sub3A_615, %add3A_617 : vector<32x256xf32>
    %mul3A_619 = arith.mulf %max3A_614, %add3A_618 : vector<32x256xf32>
    %slice3A_620 = vector.extract_strided_slice %slice3A_591 {offsets = [0, 4], sizes = [32, 1], strides = [1, 1]} : vector<32x8xf32> to vector<32x1xf32>
    %add3A_621 = vector.broadcast %slice3A_620 : vector<32x1xf32> to vector<32x256xf32>
    %add3A_622 = vector.broadcast %slice3A_537 : vector<1x256xf32> to vector<32x256xf32>
    %add3A_623 = arith.addf %add3A_621, %add3A_622 : vector<32x256xf32>
    %sub3A_624 = arith.subf %add3A_623, %mul3A_619 : vector<32x256xf32>
    %div3A_625 = arith.divf %mul3A_619, %sub3A_624 : vector<32x256xf32>
    %gt3A_626 = arith.constant 3.000000e-01 : f32
    %gt3A_627 = vector.broadcast %gt3A_626 : f32 to vector<32x256xf32>
    %gt3A_628 = arith.cmpf ogt, %div3A_625, %gt3A_627 : vector<32x256xf32>
    %convert_element_type3A_629 = arith.extui %gt3A_628 : vector<32x256xi1> to vector<32x256xi32>
    %convert_element_type3A_630 = arith.sitofp %convert_element_type3A_629 : vector<32x256xi32> to vector<32x256xf32>
    %dot_general3A_631 = arith.constant dense<0.000000e+00> : vector<2x256xf32>
    %dot_general3A_632 = tpu.matmul %convert_element_type3A_31, %convert_element_type3A_630, %dot_general3A_631 {dimension_numbers = #tpu.dot_dimension_numbers<[1], [0], [0], [1], [0, 0, 1, 1], [], []>, transpose_lhs_hint = false} : vector<2x32xf32>, vector<32x256xf32>, vector<2x256xf32> -> vector<2x256xf32>
    %slice3A_633 = vector.extract_strided_slice %dot_general3A_632 {offsets = [0, 0], sizes = [1, 256], strides = [1, 1]} : vector<2x256xf32> to vector<1x256xf32>
    %convert_element_type3A_634 = arith.fptosi %slice3A_633 : vector<1x256xf32> to vector<1x256xi32>
    %slice3A_635 = vector.extract_strided_slice %dot_general3A_632 {offsets = [1, 0], sizes = [1, 256], strides = [1, 1]} : vector<2x256xf32> to vector<1x256xf32>
    %convert_element_type3A_636 = arith.fptosi %slice3A_635 : vector<1x256xf32> to vector<1x256xi32>
    %shift_left3A_637 = arith.constant 16 : i32
    %shift_left3A_638 = vector.broadcast %shift_left3A_637 : i32 to vector<1x256xi32>
    %shift_left3A_639 = arith.shli %convert_element_type3A_636, %shift_left3A_638 : vector<1x256xi32>
    %or3A_640 = arith.ori %convert_element_type3A_634, %shift_left3A_639 : vector<1x256xi32>
    %swap3A_641 = arith.constant 1 : index
    %swap3A_642 = arith.constant 256 : index
    %swap3A_643 = vector.load %arg3[%swap3A_641, %swap3A_642] : memref<32x1024xi32, #tpu.memory_space<vmem>>, vector<1x256xi32>
    tpu.vector_store %arg3[%swap3A_641, %swap3A_642], %or3A_640 {strides = array<i32>} : memref<32x1024xi32, #tpu.memory_space<vmem>>, vector<1x256xi32>,
    %slice3A_644 = vector.extract_strided_slice %transpose3A {offsets = [64, 0], sizes = [32, 8], strides = [1, 1]} : vector<1024x8xf32> to vector<32x8xf32>
    %slice3A_645 = vector.extract_strided_slice %slice3A_644 {offsets = [0, 0], sizes = [32, 1], strides = [1, 1]} : vector<32x8xf32> to vector<32x1xf32>
    %max3A_646 = vector.broadcast %slice3A_645 : vector<32x1xf32> to vector<32x256xf32>
    %max3A_647 = vector.broadcast %slice3A_533 : vector<1x256xf32> to vector<32x256xf32>
    %max3A_648 = arith.maximumf %max3A_646, %max3A_647 : vector<32x256xf32>
    %slice3A_649 = vector.extract_strided_slice %slice3A_644 {offsets = [0, 1], sizes = [32, 1], strides = [1, 1]} : vector<32x8xf32> to vector<32x1xf32>
    %max3A_650 = vector.broadcast %slice3A_649 : vector<32x1xf32> to vector<32x256xf32>
    %max3A_651 = vector.broadcast %slice3A_534 : vector<1x256xf32> to vector<32x256xf32>
    %max3A_652 = arith.maximumf %max3A_650, %max3A_651 : vector<32x256xf32>
    %slice3A_653 = vector.extract_strided_slice %slice3A_644 {offsets = [0, 2], sizes = [32, 1], strides = [1, 1]} : vector<32x8xf32> to vector<32x1xf32>
    %min3A_654 = vector.broadcast %slice3A_653 : vector<32x1xf32> to vector<32x256xf32>
    %min3A_655 = vector.broadcast %slice3A_535 : vector<1x256xf32> to vector<32x256xf32>
    %min3A_656 = arith.minimumf %min3A_654, %min3A_655 : vector<32x256xf32>
    %slice3A_657 = vector.extract_strided_slice %slice3A_644 {offsets = [0, 3], sizes = [32, 1], strides = [1, 1]} : vector<32x8xf32> to vector<32x1xf32>
    %min3A_658 = vector.broadcast %slice3A_657 : vector<32x1xf32> to vector<32x256xf32>
    %min3A_659 = vector.broadcast %slice3A_536 : vector<1x256xf32> to vector<32x256xf32>
    %min3A_660 = arith.minimumf %min3A_658, %min3A_659 : vector<32x256xf32>
    %sub3A_661 = arith.subf %min3A_656, %max3A_648 : vector<32x256xf32>
    %add3A_662 = arith.constant 1.000000e+00 : f32
    %add3A_663 = vector.broadcast %add3A_662 : f32 to vector<32x256xf32>
    %add3A_664 = arith.addf %sub3A_661, %add3A_663 : vector<32x256xf32>
    %max3A_665 = arith.constant 0.000000e+00 : f32
    %max3A_666 = vector.broadcast %max3A_665 : f32 to vector<32x256xf32>
    %max3A_667 = arith.maximumf %max3A_666, %add3A_664 : vector<32x256xf32>
    %sub3A_668 = arith.subf %min3A_660, %max3A_652 : vector<32x256xf32>
    %add3A_669 = arith.constant 1.000000e+00 : f32
    %add3A_670 = vector.broadcast %add3A_669 : f32 to vector<32x256xf32>
    %add3A_671 = arith.addf %sub3A_668, %add3A_670 : vector<32x256xf32>
    %mul3A_672 = arith.mulf %max3A_667, %add3A_671 : vector<32x256xf32>
    %slice3A_673 = vector.extract_strided_slice %slice3A_644 {offsets = [0, 4], sizes = [32, 1], strides = [1, 1]} : vector<32x8xf32> to vector<32x1xf32>
    %add3A_674 = vector.broadcast %slice3A_673 : vector<32x1xf32> to vector<32x256xf32>
    %add3A_675 = vector.broadcast %slice3A_537 : vector<1x256xf32> to vector<32x256xf32>
    %add3A_676 = arith.addf %add3A_674, %add3A_675 : vector<32x256xf32>
    %sub3A_677 = arith.subf %add3A_676, %mul3A_672 : vector<32x256xf32>
    %div3A_678 = arith.divf %mul3A_672, %sub3A_677 : vector<32x256xf32>
    %gt3A_679 = arith.constant 3.000000e-01 : f32
    %gt3A_680 = vector.broadcast %gt3A_679 : f32 to vector<32x256xf32>
    %gt3A_681 = arith.cmpf ogt, %div3A_678, %gt3A_680 : vector<32x256xf32>
    %convert_element_type3A_682 = arith.extui %gt3A_681 : vector<32x256xi1> to vector<32x256xi32>
    %convert_element_type3A_683 = arith.sitofp %convert_element_type3A_682 : vector<32x256xi32> to vector<32x256xf32>
    %dot_general3A_684 = arith.constant dense<0.000000e+00> : vector<2x256xf32>
    %dot_general3A_685 = tpu.matmul %convert_element_type3A_31, %convert_element_type3A_683, %dot_general3A_684 {dimension_numbers = #tpu.dot_dimension_numbers<[1], [0], [0], [1], [0, 0, 1, 1], [], []>, transpose_lhs_hint = false} : vector<2x32xf32>, vector<32x256xf32>, vector<2x256xf32> -> vector<2x256xf32>
    %slice3A_686 = vector.extract_strided_slice %dot_general3A_685 {offsets = [0, 0], sizes = [1, 256], strides = [1, 1]} : vector<2x256xf32> to vector<1x256xf32>
    %convert_element_type3A_687 = arith.fptosi %slice3A_686 : vector<1x256xf32> to vector<1x256xi32>
    %slice3A_688 = vector.extract_strided_slice %dot_general3A_685 {offsets = [1, 0], sizes = [1, 256], strides = [1, 1]} : vector<2x256xf32> to vector<1x256xf32>
    %convert_element_type3A_689 = arith.fptosi %slice3A_688 : vector<1x256xf32> to vector<1x256xi32>
    %shift_left3A_690 = arith.constant 16 : i32
    %shift_left3A_691 = vector.broadcast %shift_left3A_690 : i32 to vector<1x256xi32>
    %shift_left3A_692 = arith.shli %convert_element_type3A_689, %shift_left3A_691 : vector<1x256xi32>
    %or3A_693 = arith.ori %convert_element_type3A_687, %shift_left3A_692 : vector<1x256xi32>
    %swap3A_694 = arith.constant 2 : index
    %swap3A_695 = arith.constant 256 : index
    %swap3A_696 = vector.load %arg3[%swap3A_694, %swap3A_695] : memref<32x1024xi32, #tpu.memory_space<vmem>>, vector<1x256xi32>
    tpu.vector_store %arg3[%swap3A_694, %swap3A_695], %or3A_693 {strides = array<i32>} : memref<32x1024xi32, #tpu.memory_space<vmem>>, vector<1x256xi32>,
    %slice3A_697 = vector.extract_strided_slice %transpose3A {offsets = [96, 0], sizes = [32, 8], strides = [1, 1]} : vector<1024x8xf32> to vector<32x8xf32>
    %slice3A_698 = vector.extract_strided_slice %slice3A_697 {offsets = [0, 0], sizes = [32, 1], strides = [1, 1]} : vector<32x8xf32> to vector<32x1xf32>
    %max3A_699 = vector.broadcast %slice3A_698 : vector<32x1xf32> to vector<32x256xf32>
    %max3A_700 = vector.broadcast %slice3A_533 : vector<1x256xf32> to vector<32x256xf32>
    %max3A_701 = arith.maximumf %max3A_699, %max3A_700 : vector<32x256xf32>
    %slice3A_702 = vector.extract_strided_slice %slice3A_697 {offsets = [0, 1], sizes = [32, 1], strides = [1, 1]} : vector<32x8xf32> to vector<32x1xf32>
    %max3A_703 = vector.broadcast %slice3A_702 : vector<32x1xf32> to vector<32x256xf32>
    %max3A_704 = vector.broadcast %slice3A_534 : vector<1x256xf32> to vector<32x256xf32>
    %max3A_705 = arith.maximumf %max3A_703, %max3A_704 : vector<32x256xf32>
    %slice3A_706 = vector.extract_strided_slice %slice3A_697 {offsets = [0, 2], sizes = [32, 1], strides = [1, 1]} : vector<32x8xf32> to vector<32x1xf32>
    %min3A_707 = vector.broadcast %slice3A_706 : vector<32x1xf32> to vector<32x256xf32>
    %min3A_708 = vector.broadcast %slice3A_535 : vector<1x256xf32> to vector<32x256xf32>
    %min3A_709 = arith.minimumf %min3A_707, %min3A_708 : vector<32x256xf32>
    %slice3A_710 = vector.extract_strided_slice %slice3A_697 {offsets = [0, 3], sizes = [32, 1], strides = [1, 1]} : vector<32x8xf32> to vector<32x1xf32>
    %min3A_711 = vector.broadcast %slice3A_710 : vector<32x1xf32> to vector<32x256xf32>
    %min3A_712 = vector.broadcast %slice3A_536 : vector<1x256xf32> to vector<32x256xf32>
    %min3A_713 = arith.minimumf %min3A_711, %min3A_712 : vector<32x256xf32>
    %sub3A_714 = arith.subf %min3A_709, %max3A_701 : vector<32x256xf32>
    %add3A_715 = arith.constant 1.000000e+00 : f32
    %add3A_716 = vector.broadcast %add3A_715 : f32 to vector<32x256xf32>
    %add3A_717 = arith.addf %sub3A_714, %add3A_716 : vector<32x256xf32>
    %max3A_718 = arith.constant 0.000000e+00 : f32
    %max3A_719 = vector.broadcast %max3A_718 : f32 to vector<32x256xf32>
    %max3A_720 = arith.maximumf %max3A_719, %add3A_717 : vector<32x256xf32>
    %sub3A_721 = arith.subf %min3A_713, %max3A_705 : vector<32x256xf32>
    %add3A_722 = arith.constant 1.000000e+00 : f32
    %add3A_723 = vector.broadcast %add3A_722 : f32 to vector<32x256xf32>
    %add3A_724 = arith.addf %sub3A_721, %add3A_723 : vector<32x256xf32>
    %mul3A_725 = arith.mulf %max3A_720, %add3A_724 : vector<32x256xf32>
    %slice3A_726 = vector.extract_strided_slice %slice3A_697 {offsets = [0, 4], sizes = [32, 1], strides = [1, 1]} : vector<32x8xf32> to vector<32x1xf32>
    %add3A_727 = vector.broadcast %slice3A_726 : vector<32x1xf32> to vector<32x256xf32>
    %add3A_728 = vector.broadcast %slice3A_537 : vector<1x256xf32> to vector<32x256xf32>
    %add3A_729 = arith.addf %add3A_727, %add3A_728 : vector<32x256xf32>
    %sub3A_730 = arith.subf %add3A_729, %mul3A_725 : vector<32x256xf32>
    %div3A_731 = arith.divf %mul3A_725, %sub3A_730 : vector<32x256xf32>
    %gt3A_732 = arith.constant 3.000000e-01 : f32
    %gt3A_733 = vector.broadcast %gt3A_732 : f32 to vector<32x256xf32>
    %gt3A_734 = arith.cmpf ogt, %div3A_731, %gt3A_733 : vector<32x256xf32>
    %convert_element_type3A_735 = arith.extui %gt3A_734 : vector<32x256xi1> to vector<32x256xi32>
    %convert_element_type3A_736 = arith.sitofp %convert_element_type3A_735 : vector<32x256xi32> to vector<32x256xf32>
    %dot_general3A_737 = arith.constant dense<0.000000e+00> : vector<2x256xf32>
    %dot_general3A_738 = tpu.matmul %convert_element_type3A_31, %convert_element_type3A_736, %dot_general3A_737 {dimension_numbers = #tpu.dot_dimension_numbers<[1], [0], [0], [1], [0, 0, 1, 1], [], []>, transpose_lhs_hint = false} : vector<2x32xf32>, vector<32x256xf32>, vector<2x256xf32> -> vector<2x256xf32>
    %slice3A_739 = vector.extract_strided_slice %dot_general3A_738 {offsets = [0, 0], sizes = [1, 256], strides = [1, 1]} : vector<2x256xf32> to vector<1x256xf32>
    %convert_element_type3A_740 = arith.fptosi %slice3A_739 : vector<1x256xf32> to vector<1x256xi32>
    %slice3A_741 = vector.extract_strided_slice %dot_general3A_738 {offsets = [1, 0], sizes = [1, 256], strides = [1, 1]} : vector<2x256xf32> to vector<1x256xf32>
    %convert_element_type3A_742 = arith.fptosi %slice3A_741 : vector<1x256xf32> to vector<1x256xi32>
    %shift_left3A_743 = arith.constant 16 : i32
    %shift_left3A_744 = vector.broadcast %shift_left3A_743 : i32 to vector<1x256xi32>
    %shift_left3A_745 = arith.shli %convert_element_type3A_742, %shift_left3A_744 : vector<1x256xi32>
    %or3A_746 = arith.ori %convert_element_type3A_740, %shift_left3A_745 : vector<1x256xi32>
    %swap3A_747 = arith.constant 3 : index
    %swap3A_748 = arith.constant 256 : index
    %swap3A_749 = vector.load %arg3[%swap3A_747, %swap3A_748] : memref<32x1024xi32, #tpu.memory_space<vmem>>, vector<1x256xi32>
    tpu.vector_store %arg3[%swap3A_747, %swap3A_748], %or3A_746 {strides = array<i32>} : memref<32x1024xi32, #tpu.memory_space<vmem>>, vector<1x256xi32>,
    %slice3A_750 = vector.extract_strided_slice %transpose3A {offsets = [128, 0], sizes = [32, 8], strides = [1, 1]} : vector<1024x8xf32> to vector<32x8xf32>
    %slice3A_751 = vector.extract_strided_slice %slice3A_750 {offsets = [0, 0], sizes = [32, 1], strides = [1, 1]} : vector<32x8xf32> to vector<32x1xf32>
    %max3A_752 = vector.broadcast %slice3A_751 : vector<32x1xf32> to vector<32x256xf32>
    %max3A_753 = vector.broadcast %slice3A_533 : vector<1x256xf32> to vector<32x256xf32>
    %max3A_754 = arith.maximumf %max3A_752, %max3A_753 : vector<32x256xf32>
    %slice3A_755 = vector.extract_strided_slice %slice3A_750 {offsets = [0, 1], sizes = [32, 1], strides = [1, 1]} : vector<32x8xf32> to vector<32x1xf32>
    %max3A_756 = vector.broadcast %slice3A_755 : vector<32x1xf32> to vector<32x256xf32>
    %max3A_757 = vector.broadcast %slice3A_534 : vector<1x256xf32> to vector<32x256xf32>
    %max3A_758 = arith.maximumf %max3A_756, %max3A_757 : vector<32x256xf32>
    %slice3A_759 = vector.extract_strided_slice %slice3A_750 {offsets = [0, 2], sizes = [32, 1], strides = [1, 1]} : vector<32x8xf32> to vector<32x1xf32>
    %min3A_760 = vector.broadcast %slice3A_759 : vector<32x1xf32> to vector<32x256xf32>
    %min3A_761 = vector.broadcast %slice3A_535 : vector<1x256xf32> to vector<32x256xf32>
    %min3A_762 = arith.minimumf %min3A_760, %min3A_761 : vector<32x256xf32>
    %slice3A_763 = vector.extract_strided_slice %slice3A_750 {offsets = [0, 3], sizes = [32, 1], strides = [1, 1]} : vector<32x8xf32> to vector<32x1xf32>
    %min3A_764 = vector.broadcast %slice3A_763 : vector<32x1xf32> to vector<32x256xf32>
    %min3A_765 = vector.broadcast %slice3A_536 : vector<1x256xf32> to vector<32x256xf32>
    %min3A_766 = arith.minimumf %min3A_764, %min3A_765 : vector<32x256xf32>
    %sub3A_767 = arith.subf %min3A_762, %max3A_754 : vector<32x256xf32>
    %add3A_768 = arith.constant 1.000000e+00 : f32
    %add3A_769 = vector.broadcast %add3A_768 : f32 to vector<32x256xf32>
    %add3A_770 = arith.addf %sub3A_767, %add3A_769 : vector<32x256xf32>
    %max3A_771 = arith.constant 0.000000e+00 : f32
    %max3A_772 = vector.broadcast %max3A_771 : f32 to vector<32x256xf32>
    %max3A_773 = arith.maximumf %max3A_772, %add3A_770 : vector<32x256xf32>
    %sub3A_774 = arith.subf %min3A_766, %max3A_758 : vector<32x256xf32>
    %add3A_775 = arith.constant 1.000000e+00 : f32
    %add3A_776 = vector.broadcast %add3A_775 : f32 to vector<32x256xf32>
    %add3A_777 = arith.addf %sub3A_774, %add3A_776 : vector<32x256xf32>
    %mul3A_778 = arith.mulf %max3A_773, %add3A_777 : vector<32x256xf32>
    %slice3A_779 = vector.extract_strided_slice %slice3A_750 {offsets = [0, 4], sizes = [32, 1], strides = [1, 1]} : vector<32x8xf32> to vector<32x1xf32>
    %add3A_780 = vector.broadcast %slice3A_779 : vector<32x1xf32> to vector<32x256xf32>
    %add3A_781 = vector.broadcast %slice3A_537 : vector<1x256xf32> to vector<32x256xf32>
    %add3A_782 = arith.addf %add3A_780, %add3A_781 : vector<32x256xf32>
    %sub3A_783 = arith.subf %add3A_782, %mul3A_778 : vector<32x256xf32>
    %div3A_784 = arith.divf %mul3A_778, %sub3A_783 : vector<32x256xf32>
    %gt3A_785 = arith.constant 3.000000e-01 : f32
    %gt3A_786 = vector.broadcast %gt3A_785 : f32 to vector<32x256xf32>
    %gt3A_787 = arith.cmpf ogt, %div3A_784, %gt3A_786 : vector<32x256xf32>
    %convert_element_type3A_788 = arith.extui %gt3A_787 : vector<32x256xi1> to vector<32x256xi32>
    %convert_element_type3A_789 = arith.sitofp %convert_element_type3A_788 : vector<32x256xi32> to vector<32x256xf32>
    %dot_general3A_790 = arith.constant dense<0.000000e+00> : vector<2x256xf32>
    %dot_general3A_791 = tpu.matmul %convert_element_type3A_31, %convert_element_type3A_789, %dot_general3A_790 {dimension_numbers = #tpu.dot_dimension_numbers<[1], [0], [0], [1], [0, 0, 1, 1], [], []>, transpose_lhs_hint = false} : vector<2x32xf32>, vector<32x256xf32>, vector<2x256xf32> -> vector<2x256xf32>
    %slice3A_792 = vector.extract_strided_slice %dot_general3A_791 {offsets = [0, 0], sizes = [1, 256], strides = [1, 1]} : vector<2x256xf32> to vector<1x256xf32>
    %convert_element_type3A_793 = arith.fptosi %slice3A_792 : vector<1x256xf32> to vector<1x256xi32>
    %slice3A_794 = vector.extract_strided_slice %dot_general3A_791 {offsets = [1, 0], sizes = [1, 256], strides = [1, 1]} : vector<2x256xf32> to vector<1x256xf32>
    %convert_element_type3A_795 = arith.fptosi %slice3A_794 : vector<1x256xf32> to vector<1x256xi32>
    %shift_left3A_796 = arith.constant 16 : i32
    %shift_left3A_797 = vector.broadcast %shift_left3A_796 : i32 to vector<1x256xi32>
    %shift_left3A_798 = arith.shli %convert_element_type3A_795, %shift_left3A_797 : vector<1x256xi32>
    %or3A_799 = arith.ori %convert_element_type3A_793, %shift_left3A_798 : vector<1x256xi32>
    %swap3A_800 = arith.constant 4 : index
    %swap3A_801 = arith.constant 256 : index
    %swap3A_802 = vector.load %arg3[%swap3A_800, %swap3A_801] : memref<32x1024xi32, #tpu.memory_space<vmem>>, vector<1x256xi32>
    tpu.vector_store %arg3[%swap3A_800, %swap3A_801], %or3A_799 {strides = array<i32>} : memref<32x1024xi32, #tpu.memory_space<vmem>>, vector<1x256xi32>,
    %slice3A_803 = vector.extract_strided_slice %transpose3A {offsets = [160, 0], sizes = [32, 8], strides = [1, 1]} : vector<1024x8xf32> to vector<32x8xf32>
    %slice3A_804 = vector.extract_strided_slice %slice3A_803 {offsets = [0, 0], sizes = [32, 1], strides = [1, 1]} : vector<32x8xf32> to vector<32x1xf32>
    %max3A_805 = vector.broadcast %slice3A_804 : vector<32x1xf32> to vector<32x256xf32>
    %max3A_806 = vector.broadcast %slice3A_533 : vector<1x256xf32> to vector<32x256xf32>
    %max3A_807 = arith.maximumf %max3A_805, %max3A_806 : vector<32x256xf32>
    %slice3A_808 = vector.extract_strided_slice %slice3A_803 {offsets = [0, 1], sizes = [32, 1], strides = [1, 1]} : vector<32x8xf32> to vector<32x1xf32>
    %max3A_809 = vector.broadcast %slice3A_808 : vector<32x1xf32> to vector<32x256xf32>
    %max3A_810 = vector.broadcast %slice3A_534 : vector<1x256xf32> to vector<32x256xf32>
    %max3A_811 = arith.maximumf %max3A_809, %max3A_810 : vector<32x256xf32>
    %slice3A_812 = vector.extract_strided_slice %slice3A_803 {offsets = [0, 2], sizes = [32, 1], strides = [1, 1]} : vector<32x8xf32> to vector<32x1xf32>
    %min3A_813 = vector.broadcast %slice3A_812 : vector<32x1xf32> to vector<32x256xf32>
    %min3A_814 = vector.broadcast %slice3A_535 : vector<1x256xf32> to vector<32x256xf32>
    %min3A_815 = arith.minimumf %min3A_813, %min3A_814 : vector<32x256xf32>
    %slice3A_816 = vector.extract_strided_slice %slice3A_803 {offsets = [0, 3], sizes = [32, 1], strides = [1, 1]} : vector<32x8xf32> to vector<32x1xf32>
    %min3A_817 = vector.broadcast %slice3A_816 : vector<32x1xf32> to vector<32x256xf32>
    %min3A_818 = vector.broadcast %slice3A_536 : vector<1x256xf32> to vector<32x256xf32>
    %min3A_819 = arith.minimumf %min3A_817, %min3A_818 : vector<32x256xf32>
    %sub3A_820 = arith.subf %min3A_815, %max3A_807 : vector<32x256xf32>
    %add3A_821 = arith.constant 1.000000e+00 : f32
    %add3A_822 = vector.broadcast %add3A_821 : f32 to vector<32x256xf32>
    %add3A_823 = arith.addf %sub3A_820, %add3A_822 : vector<32x256xf32>
    %max3A_824 = arith.constant 0.000000e+00 : f32
    %max3A_825 = vector.broadcast %max3A_824 : f32 to vector<32x256xf32>
    %max3A_826 = arith.maximumf %max3A_825, %add3A_823 : vector<32x256xf32>
    %sub3A_827 = arith.subf %min3A_819, %max3A_811 : vector<32x256xf32>
    %add3A_828 = arith.constant 1.000000e+00 : f32
    %add3A_829 = vector.broadcast %add3A_828 : f32 to vector<32x256xf32>
    %add3A_830 = arith.addf %sub3A_827, %add3A_829 : vector<32x256xf32>
    %mul3A_831 = arith.mulf %max3A_826, %add3A_830 : vector<32x256xf32>
    %slice3A_832 = vector.extract_strided_slice %slice3A_803 {offsets = [0, 4], sizes = [32, 1], strides = [1, 1]} : vector<32x8xf32> to vector<32x1xf32>
    %add3A_833 = vector.broadcast %slice3A_832 : vector<32x1xf32> to vector<32x256xf32>
    %add3A_834 = vector.broadcast %slice3A_537 : vector<1x256xf32> to vector<32x256xf32>
    %add3A_835 = arith.addf %add3A_833, %add3A_834 : vector<32x256xf32>
    %sub3A_836 = arith.subf %add3A_835, %mul3A_831 : vector<32x256xf32>
    %div3A_837 = arith.divf %mul3A_831, %sub3A_836 : vector<32x256xf32>
    %gt3A_838 = arith.constant 3.000000e-01 : f32
    %gt3A_839 = vector.broadcast %gt3A_838 : f32 to vector<32x256xf32>
    %gt3A_840 = arith.cmpf ogt, %div3A_837, %gt3A_839 : vector<32x256xf32>
    %convert_element_type3A_841 = arith.extui %gt3A_840 : vector<32x256xi1> to vector<32x256xi32>
    %convert_element_type3A_842 = arith.sitofp %convert_element_type3A_841 : vector<32x256xi32> to vector<32x256xf32>
    %dot_general3A_843 = arith.constant dense<0.000000e+00> : vector<2x256xf32>
    %dot_general3A_844 = tpu.matmul %convert_element_type3A_31, %convert_element_type3A_842, %dot_general3A_843 {dimension_numbers = #tpu.dot_dimension_numbers<[1], [0], [0], [1], [0, 0, 1, 1], [], []>, transpose_lhs_hint = false} : vector<2x32xf32>, vector<32x256xf32>, vector<2x256xf32> -> vector<2x256xf32>
    %slice3A_845 = vector.extract_strided_slice %dot_general3A_844 {offsets = [0, 0], sizes = [1, 256], strides = [1, 1]} : vector<2x256xf32> to vector<1x256xf32>
    %convert_element_type3A_846 = arith.fptosi %slice3A_845 : vector<1x256xf32> to vector<1x256xi32>
    %slice3A_847 = vector.extract_strided_slice %dot_general3A_844 {offsets = [1, 0], sizes = [1, 256], strides = [1, 1]} : vector<2x256xf32> to vector<1x256xf32>
    %convert_element_type3A_848 = arith.fptosi %slice3A_847 : vector<1x256xf32> to vector<1x256xi32>
    %shift_left3A_849 = arith.constant 16 : i32
    %shift_left3A_850 = vector.broadcast %shift_left3A_849 : i32 to vector<1x256xi32>
    %shift_left3A_851 = arith.shli %convert_element_type3A_848, %shift_left3A_850 : vector<1x256xi32>
    %or3A_852 = arith.ori %convert_element_type3A_846, %shift_left3A_851 : vector<1x256xi32>
    %swap3A_853 = arith.constant 5 : index
    %swap3A_854 = arith.constant 256 : index
    %swap3A_855 = vector.load %arg3[%swap3A_853, %swap3A_854] : memref<32x1024xi32, #tpu.memory_space<vmem>>, vector<1x256xi32>
    tpu.vector_store %arg3[%swap3A_853, %swap3A_854], %or3A_852 {strides = array<i32>} : memref<32x1024xi32, #tpu.memory_space<vmem>>, vector<1x256xi32>,
    %slice3A_856 = vector.extract_strided_slice %transpose3A {offsets = [192, 0], sizes = [32, 8], strides = [1, 1]} : vector<1024x8xf32> to vector<32x8xf32>
    %slice3A_857 = vector.extract_strided_slice %slice3A_856 {offsets = [0, 0], sizes = [32, 1], strides = [1, 1]} : vector<32x8xf32> to vector<32x1xf32>
    %max3A_858 = vector.broadcast %slice3A_857 : vector<32x1xf32> to vector<32x256xf32>
    %max3A_859 = vector.broadcast %slice3A_533 : vector<1x256xf32> to vector<32x256xf32>
    %max3A_860 = arith.maximumf %max3A_858, %max3A_859 : vector<32x256xf32>
    %slice3A_861 = vector.extract_strided_slice %slice3A_856 {offsets = [0, 1], sizes = [32, 1], strides = [1, 1]} : vector<32x8xf32> to vector<32x1xf32>
    %max3A_862 = vector.broadcast %slice3A_861 : vector<32x1xf32> to vector<32x256xf32>
    %max3A_863 = vector.broadcast %slice3A_534 : vector<1x256xf32> to vector<32x256xf32>
    %max3A_864 = arith.maximumf %max3A_862, %max3A_863 : vector<32x256xf32>
    %slice3A_865 = vector.extract_strided_slice %slice3A_856 {offsets = [0, 2], sizes = [32, 1], strides = [1, 1]} : vector<32x8xf32> to vector<32x1xf32>
    %min3A_866 = vector.broadcast %slice3A_865 : vector<32x1xf32> to vector<32x256xf32>
    %min3A_867 = vector.broadcast %slice3A_535 : vector<1x256xf32> to vector<32x256xf32>
    %min3A_868 = arith.minimumf %min3A_866, %min3A_867 : vector<32x256xf32>
    %slice3A_869 = vector.extract_strided_slice %slice3A_856 {offsets = [0, 3], sizes = [32, 1], strides = [1, 1]} : vector<32x8xf32> to vector<32x1xf32>
    %min3A_870 = vector.broadcast %slice3A_869 : vector<32x1xf32> to vector<32x256xf32>
    %min3A_871 = vector.broadcast %slice3A_536 : vector<1x256xf32> to vector<32x256xf32>
    %min3A_872 = arith.minimumf %min3A_870, %min3A_871 : vector<32x256xf32>
    %sub3A_873 = arith.subf %min3A_868, %max3A_860 : vector<32x256xf32>
    %add3A_874 = arith.constant 1.000000e+00 : f32
    %add3A_875 = vector.broadcast %add3A_874 : f32 to vector<32x256xf32>
    %add3A_876 = arith.addf %sub3A_873, %add3A_875 : vector<32x256xf32>
    %max3A_877 = arith.constant 0.000000e+00 : f32
    %max3A_878 = vector.broadcast %max3A_877 : f32 to vector<32x256xf32>
    %max3A_879 = arith.maximumf %max3A_878, %add3A_876 : vector<32x256xf32>
    %sub3A_880 = arith.subf %min3A_872, %max3A_864 : vector<32x256xf32>
    %add3A_881 = arith.constant 1.000000e+00 : f32
    %add3A_882 = vector.broadcast %add3A_881 : f32 to vector<32x256xf32>
    %add3A_883 = arith.addf %sub3A_880, %add3A_882 : vector<32x256xf32>
    %mul3A_884 = arith.mulf %max3A_879, %add3A_883 : vector<32x256xf32>
    %slice3A_885 = vector.extract_strided_slice %slice3A_856 {offsets = [0, 4], sizes = [32, 1], strides = [1, 1]} : vector<32x8xf32> to vector<32x1xf32>
    %add3A_886 = vector.broadcast %slice3A_885 : vector<32x1xf32> to vector<32x256xf32>
    %add3A_887 = vector.broadcast %slice3A_537 : vector<1x256xf32> to vector<32x256xf32>
    %add3A_888 = arith.addf %add3A_886, %add3A_887 : vector<32x256xf32>
    %sub3A_889 = arith.subf %add3A_888, %mul3A_884 : vector<32x256xf32>
    %div3A_890 = arith.divf %mul3A_884, %sub3A_889 : vector<32x256xf32>
    %gt3A_891 = arith.constant 3.000000e-01 : f32
    %gt3A_892 = vector.broadcast %gt3A_891 : f32 to vector<32x256xf32>
    %gt3A_893 = arith.cmpf ogt, %div3A_890, %gt3A_892 : vector<32x256xf32>
    %convert_element_type3A_894 = arith.extui %gt3A_893 : vector<32x256xi1> to vector<32x256xi32>
    %convert_element_type3A_895 = arith.sitofp %convert_element_type3A_894 : vector<32x256xi32> to vector<32x256xf32>
    %dot_general3A_896 = arith.constant dense<0.000000e+00> : vector<2x256xf32>
    %dot_general3A_897 = tpu.matmul %convert_element_type3A_31, %convert_element_type3A_895, %dot_general3A_896 {dimension_numbers = #tpu.dot_dimension_numbers<[1], [0], [0], [1], [0, 0, 1, 1], [], []>, transpose_lhs_hint = false} : vector<2x32xf32>, vector<32x256xf32>, vector<2x256xf32> -> vector<2x256xf32>
    %slice3A_898 = vector.extract_strided_slice %dot_general3A_897 {offsets = [0, 0], sizes = [1, 256], strides = [1, 1]} : vector<2x256xf32> to vector<1x256xf32>
    %convert_element_type3A_899 = arith.fptosi %slice3A_898 : vector<1x256xf32> to vector<1x256xi32>
    %slice3A_900 = vector.extract_strided_slice %dot_general3A_897 {offsets = [1, 0], sizes = [1, 256], strides = [1, 1]} : vector<2x256xf32> to vector<1x256xf32>
    %convert_element_type3A_901 = arith.fptosi %slice3A_900 : vector<1x256xf32> to vector<1x256xi32>
    %shift_left3A_902 = arith.constant 16 : i32
    %shift_left3A_903 = vector.broadcast %shift_left3A_902 : i32 to vector<1x256xi32>
    %shift_left3A_904 = arith.shli %convert_element_type3A_901, %shift_left3A_903 : vector<1x256xi32>
    %or3A_905 = arith.ori %convert_element_type3A_899, %shift_left3A_904 : vector<1x256xi32>
    %swap3A_906 = arith.constant 6 : index
    %swap3A_907 = arith.constant 256 : index
    %swap3A_908 = vector.load %arg3[%swap3A_906, %swap3A_907] : memref<32x1024xi32, #tpu.memory_space<vmem>>, vector<1x256xi32>
    tpu.vector_store %arg3[%swap3A_906, %swap3A_907], %or3A_905 {strides = array<i32>} : memref<32x1024xi32, #tpu.memory_space<vmem>>, vector<1x256xi32>,
    %slice3A_909 = vector.extract_strided_slice %transpose3A {offsets = [224, 0], sizes = [32, 8], strides = [1, 1]} : vector<1024x8xf32> to vector<32x8xf32>
    %slice3A_910 = vector.extract_strided_slice %slice3A_909 {offsets = [0, 0], sizes = [32, 1], strides = [1, 1]} : vector<32x8xf32> to vector<32x1xf32>
    %max3A_911 = vector.broadcast %slice3A_910 : vector<32x1xf32> to vector<32x256xf32>
    %max3A_912 = vector.broadcast %slice3A_533 : vector<1x256xf32> to vector<32x256xf32>
    %max3A_913 = arith.maximumf %max3A_911, %max3A_912 : vector<32x256xf32>
    %slice3A_914 = vector.extract_strided_slice %slice3A_909 {offsets = [0, 1], sizes = [32, 1], strides = [1, 1]} : vector<32x8xf32> to vector<32x1xf32>
    %max3A_915 = vector.broadcast %slice3A_914 : vector<32x1xf32> to vector<32x256xf32>
    %max3A_916 = vector.broadcast %slice3A_534 : vector<1x256xf32> to vector<32x256xf32>
    %max3A_917 = arith.maximumf %max3A_915, %max3A_916 : vector<32x256xf32>
    %slice3A_918 = vector.extract_strided_slice %slice3A_909 {offsets = [0, 2], sizes = [32, 1], strides = [1, 1]} : vector<32x8xf32> to vector<32x1xf32>
    %min3A_919 = vector.broadcast %slice3A_918 : vector<32x1xf32> to vector<32x256xf32>
    %min3A_920 = vector.broadcast %slice3A_535 : vector<1x256xf32> to vector<32x256xf32>
    %min3A_921 = arith.minimumf %min3A_919, %min3A_920 : vector<32x256xf32>
    %slice3A_922 = vector.extract_strided_slice %slice3A_909 {offsets = [0, 3], sizes = [32, 1], strides = [1, 1]} : vector<32x8xf32> to vector<32x1xf32>
    %min3A_923 = vector.broadcast %slice3A_922 : vector<32x1xf32> to vector<32x256xf32>
    %min3A_924 = vector.broadcast %slice3A_536 : vector<1x256xf32> to vector<32x256xf32>
    %min3A_925 = arith.minimumf %min3A_923, %min3A_924 : vector<32x256xf32>
    %sub3A_926 = arith.subf %min3A_921, %max3A_913 : vector<32x256xf32>
    %add3A_927 = arith.constant 1.000000e+00 : f32
    %add3A_928 = vector.broadcast %add3A_927 : f32 to vector<32x256xf32>
    %add3A_929 = arith.addf %sub3A_926, %add3A_928 : vector<32x256xf32>
    %max3A_930 = arith.constant 0.000000e+00 : f32
    %max3A_931 = vector.broadcast %max3A_930 : f32 to vector<32x256xf32>
    %max3A_932 = arith.maximumf %max3A_931, %add3A_929 : vector<32x256xf32>
    %sub3A_933 = arith.subf %min3A_925, %max3A_917 : vector<32x256xf32>
    %add3A_934 = arith.constant 1.000000e+00 : f32
    %add3A_935 = vector.broadcast %add3A_934 : f32 to vector<32x256xf32>
    %add3A_936 = arith.addf %sub3A_933, %add3A_935 : vector<32x256xf32>
    %mul3A_937 = arith.mulf %max3A_932, %add3A_936 : vector<32x256xf32>
    %slice3A_938 = vector.extract_strided_slice %slice3A_909 {offsets = [0, 4], sizes = [32, 1], strides = [1, 1]} : vector<32x8xf32> to vector<32x1xf32>
    %add3A_939 = vector.broadcast %slice3A_938 : vector<32x1xf32> to vector<32x256xf32>
    %add3A_940 = vector.broadcast %slice3A_537 : vector<1x256xf32> to vector<32x256xf32>
    %add3A_941 = arith.addf %add3A_939, %add3A_940 : vector<32x256xf32>
    %sub3A_942 = arith.subf %add3A_941, %mul3A_937 : vector<32x256xf32>
    %div3A_943 = arith.divf %mul3A_937, %sub3A_942 : vector<32x256xf32>
    %gt3A_944 = arith.constant 3.000000e-01 : f32
    %gt3A_945 = vector.broadcast %gt3A_944 : f32 to vector<32x256xf32>
    %gt3A_946 = arith.cmpf ogt, %div3A_943, %gt3A_945 : vector<32x256xf32>
    %convert_element_type3A_947 = arith.extui %gt3A_946 : vector<32x256xi1> to vector<32x256xi32>
    %convert_element_type3A_948 = arith.sitofp %convert_element_type3A_947 : vector<32x256xi32> to vector<32x256xf32>
    %dot_general3A_949 = arith.constant dense<0.000000e+00> : vector<2x256xf32>
    %dot_general3A_950 = tpu.matmul %convert_element_type3A_31, %convert_element_type3A_948, %dot_general3A_949 {dimension_numbers = #tpu.dot_dimension_numbers<[1], [0], [0], [1], [0, 0, 1, 1], [], []>, transpose_lhs_hint = false} : vector<2x32xf32>, vector<32x256xf32>, vector<2x256xf32> -> vector<2x256xf32>
    %slice3A_951 = vector.extract_strided_slice %dot_general3A_950 {offsets = [0, 0], sizes = [1, 256], strides = [1, 1]} : vector<2x256xf32> to vector<1x256xf32>
    %convert_element_type3A_952 = arith.fptosi %slice3A_951 : vector<1x256xf32> to vector<1x256xi32>
    %slice3A_953 = vector.extract_strided_slice %dot_general3A_950 {offsets = [1, 0], sizes = [1, 256], strides = [1, 1]} : vector<2x256xf32> to vector<1x256xf32>
    %convert_element_type3A_954 = arith.fptosi %slice3A_953 : vector<1x256xf32> to vector<1x256xi32>
    %shift_left3A_955 = arith.constant 16 : i32
    %shift_left3A_956 = vector.broadcast %shift_left3A_955 : i32 to vector<1x256xi32>
    %shift_left3A_957 = arith.shli %convert_element_type3A_954, %shift_left3A_956 : vector<1x256xi32>
    %or3A_958 = arith.ori %convert_element_type3A_952, %shift_left3A_957 : vector<1x256xi32>
    %swap3A_959 = arith.constant 7 : index
    %swap3A_960 = arith.constant 256 : index
    %swap3A_961 = vector.load %arg3[%swap3A_959, %swap3A_960] : memref<32x1024xi32, #tpu.memory_space<vmem>>, vector<1x256xi32>
    tpu.vector_store %arg3[%swap3A_959, %swap3A_960], %or3A_958 {strides = array<i32>} : memref<32x1024xi32, #tpu.memory_space<vmem>>, vector<1x256xi32>,
    %slice3A_962 = vector.extract_strided_slice %transpose3A {offsets = [256, 0], sizes = [32, 8], strides = [1, 1]} : vector<1024x8xf32> to vector<32x8xf32>
    %slice3A_963 = vector.extract_strided_slice %slice3A_962 {offsets = [0, 0], sizes = [32, 1], strides = [1, 1]} : vector<32x8xf32> to vector<32x1xf32>
    %max3A_964 = vector.broadcast %slice3A_963 : vector<32x1xf32> to vector<32x256xf32>
    %max3A_965 = vector.broadcast %slice3A_533 : vector<1x256xf32> to vector<32x256xf32>
    %max3A_966 = arith.maximumf %max3A_964, %max3A_965 : vector<32x256xf32>
    %slice3A_967 = vector.extract_strided_slice %slice3A_962 {offsets = [0, 1], sizes = [32, 1], strides = [1, 1]} : vector<32x8xf32> to vector<32x1xf32>
    %max3A_968 = vector.broadcast %slice3A_967 : vector<32x1xf32> to vector<32x256xf32>
    %max3A_969 = vector.broadcast %slice3A_534 : vector<1x256xf32> to vector<32x256xf32>
    %max3A_970 = arith.maximumf %max3A_968, %max3A_969 : vector<32x256xf32>
    %slice3A_971 = vector.extract_strided_slice %slice3A_962 {offsets = [0, 2], sizes = [32, 1], strides = [1, 1]} : vector<32x8xf32> to vector<32x1xf32>
    %min3A_972 = vector.broadcast %slice3A_971 : vector<32x1xf32> to vector<32x256xf32>
    %min3A_973 = vector.broadcast %slice3A_535 : vector<1x256xf32> to vector<32x256xf32>
    %min3A_974 = arith.minimumf %min3A_972, %min3A_973 : vector<32x256xf32>
    %slice3A_975 = vector.extract_strided_slice %slice3A_962 {offsets = [0, 3], sizes = [32, 1], strides = [1, 1]} : vector<32x8xf32> to vector<32x1xf32>
    %min3A_976 = vector.broadcast %slice3A_975 : vector<32x1xf32> to vector<32x256xf32>
    %min3A_977 = vector.broadcast %slice3A_536 : vector<1x256xf32> to vector<32x256xf32>
    %min3A_978 = arith.minimumf %min3A_976, %min3A_977 : vector<32x256xf32>
    %sub3A_979 = arith.subf %min3A_974, %max3A_966 : vector<32x256xf32>
    %add3A_980 = arith.constant 1.000000e+00 : f32
    %add3A_981 = vector.broadcast %add3A_980 : f32 to vector<32x256xf32>
    %add3A_982 = arith.addf %sub3A_979, %add3A_981 : vector<32x256xf32>
    %max3A_983 = arith.constant 0.000000e+00 : f32
    %max3A_984 = vector.broadcast %max3A_983 : f32 to vector<32x256xf32>
    %max3A_985 = arith.maximumf %max3A_984, %add3A_982 : vector<32x256xf32>
    %sub3A_986 = arith.subf %min3A_978, %max3A_970 : vector<32x256xf32>
    %add3A_987 = arith.constant 1.000000e+00 : f32
    %add3A_988 = vector.broadcast %add3A_987 : f32 to vector<32x256xf32>
    %add3A_989 = arith.addf %sub3A_986, %add3A_988 : vector<32x256xf32>
    %mul3A_990 = arith.mulf %max3A_985, %add3A_989 : vector<32x256xf32>
    %slice3A_991 = vector.extract_strided_slice %slice3A_962 {offsets = [0, 4], sizes = [32, 1], strides = [1, 1]} : vector<32x8xf32> to vector<32x1xf32>
    %add3A_992 = vector.broadcast %slice3A_991 : vector<32x1xf32> to vector<32x256xf32>
    %add3A_993 = vector.broadcast %slice3A_537 : vector<1x256xf32> to vector<32x256xf32>
    %add3A_994 = arith.addf %add3A_992, %add3A_993 : vector<32x256xf32>
    %sub3A_995 = arith.subf %add3A_994, %mul3A_990 : vector<32x256xf32>
    %div3A_996 = arith.divf %mul3A_990, %sub3A_995 : vector<32x256xf32>
    %gt3A_997 = arith.constant 3.000000e-01 : f32
    %gt3A_998 = vector.broadcast %gt3A_997 : f32 to vector<32x256xf32>
    %gt3A_999 = arith.cmpf ogt, %div3A_996, %gt3A_998 : vector<32x256xf32>
    %iota3A_1000 = tpu.iota {dimensions = array<i32: 0>} : vector<32x256xi32>
    %add3A_1001 = arith.constant 256 : i32
    %add3A_1002 = vector.broadcast %add3A_1001 : i32 to vector<32x256xi32>
    %add3A_1003 = arith.addi %iota3A_1000, %add3A_1002 : vector<32x256xi32>
    %iota3A_1004 = tpu.iota {dimensions = array<i32: 1>} : vector<32x256xi32>
    %add3A_1005 = arith.constant 256 : i32
    %add3A_1006 = vector.broadcast %add3A_1005 : i32 to vector<32x256xi32>
    %add3A_1007 = arith.addi %iota3A_1004, %add3A_1006 : vector<32x256xi32>
    %lt3A_1008 = arith.cmpi slt, %add3A_1003, %add3A_1007 : vector<32x256xi32>
    %and3A_1009 = arith.andi %gt3A_999, %lt3A_1008 : vector<32x256xi1>
    %convert_element_type3A_1010 = arith.extui %and3A_1009 : vector<32x256xi1> to vector<32x256xi32>
    %convert_element_type3A_1011 = arith.sitofp %convert_element_type3A_1010 : vector<32x256xi32> to vector<32x256xf32>
    %dot_general3A_1012 = arith.constant dense<0.000000e+00> : vector<2x256xf32>
    %dot_general3A_1013 = tpu.matmul %convert_element_type3A_31, %convert_element_type3A_1011, %dot_general3A_1012 {dimension_numbers = #tpu.dot_dimension_numbers<[1], [0], [0], [1], [0, 0, 1, 1], [], []>, transpose_lhs_hint = false} : vector<2x32xf32>, vector<32x256xf32>, vector<2x256xf32> -> vector<2x256xf32>
    %slice3A_1014 = vector.extract_strided_slice %dot_general3A_1013 {offsets = [0, 0], sizes = [1, 256], strides = [1, 1]} : vector<2x256xf32> to vector<1x256xf32>
    %convert_element_type3A_1015 = arith.fptosi %slice3A_1014 : vector<1x256xf32> to vector<1x256xi32>
    %slice3A_1016 = vector.extract_strided_slice %dot_general3A_1013 {offsets = [1, 0], sizes = [1, 256], strides = [1, 1]} : vector<2x256xf32> to vector<1x256xf32>
    %convert_element_type3A_1017 = arith.fptosi %slice3A_1016 : vector<1x256xf32> to vector<1x256xi32>
    %shift_left3A_1018 = arith.constant 16 : i32
    %shift_left3A_1019 = vector.broadcast %shift_left3A_1018 : i32 to vector<1x256xi32>
    %shift_left3A_1020 = arith.shli %convert_element_type3A_1017, %shift_left3A_1019 : vector<1x256xi32>
    %or3A_1021 = arith.ori %convert_element_type3A_1015, %shift_left3A_1020 : vector<1x256xi32>
    %swap3A_1022 = arith.constant 8 : index
    %swap3A_1023 = arith.constant 256 : index
    %swap3A_1024 = vector.load %arg3[%swap3A_1022, %swap3A_1023] : memref<32x1024xi32, #tpu.memory_space<vmem>>, vector<1x256xi32>
    tpu.vector_store %arg3[%swap3A_1022, %swap3A_1023], %or3A_1021 {strides = array<i32>} : memref<32x1024xi32, #tpu.memory_space<vmem>>, vector<1x256xi32>,
    %slice3A_1025 = vector.extract_strided_slice %transpose3A {offsets = [288, 0], sizes = [32, 8], strides = [1, 1]} : vector<1024x8xf32> to vector<32x8xf32>
    %slice3A_1026 = vector.extract_strided_slice %slice3A_1025 {offsets = [0, 0], sizes = [32, 1], strides = [1, 1]} : vector<32x8xf32> to vector<32x1xf32>
    %max3A_1027 = vector.broadcast %slice3A_1026 : vector<32x1xf32> to vector<32x256xf32>
    %max3A_1028 = vector.broadcast %slice3A_533 : vector<1x256xf32> to vector<32x256xf32>
    %max3A_1029 = arith.maximumf %max3A_1027, %max3A_1028 : vector<32x256xf32>
    %slice3A_1030 = vector.extract_strided_slice %slice3A_1025 {offsets = [0, 1], sizes = [32, 1], strides = [1, 1]} : vector<32x8xf32> to vector<32x1xf32>
    %max3A_1031 = vector.broadcast %slice3A_1030 : vector<32x1xf32> to vector<32x256xf32>
    %max3A_1032 = vector.broadcast %slice3A_534 : vector<1x256xf32> to vector<32x256xf32>
    %max3A_1033 = arith.maximumf %max3A_1031, %max3A_1032 : vector<32x256xf32>
    %slice3A_1034 = vector.extract_strided_slice %slice3A_1025 {offsets = [0, 2], sizes = [32, 1], strides = [1, 1]} : vector<32x8xf32> to vector<32x1xf32>
    %min3A_1035 = vector.broadcast %slice3A_1034 : vector<32x1xf32> to vector<32x256xf32>
    %min3A_1036 = vector.broadcast %slice3A_535 : vector<1x256xf32> to vector<32x256xf32>
    %min3A_1037 = arith.minimumf %min3A_1035, %min3A_1036 : vector<32x256xf32>
    %slice3A_1038 = vector.extract_strided_slice %slice3A_1025 {offsets = [0, 3], sizes = [32, 1], strides = [1, 1]} : vector<32x8xf32> to vector<32x1xf32>
    %min3A_1039 = vector.broadcast %slice3A_1038 : vector<32x1xf32> to vector<32x256xf32>
    %min3A_1040 = vector.broadcast %slice3A_536 : vector<1x256xf32> to vector<32x256xf32>
    %min3A_1041 = arith.minimumf %min3A_1039, %min3A_1040 : vector<32x256xf32>
    %sub3A_1042 = arith.subf %min3A_1037, %max3A_1029 : vector<32x256xf32>
    %add3A_1043 = arith.constant 1.000000e+00 : f32
    %add3A_1044 = vector.broadcast %add3A_1043 : f32 to vector<32x256xf32>
    %add3A_1045 = arith.addf %sub3A_1042, %add3A_1044 : vector<32x256xf32>
    %max3A_1046 = arith.constant 0.000000e+00 : f32
    %max3A_1047 = vector.broadcast %max3A_1046 : f32 to vector<32x256xf32>
    %max3A_1048 = arith.maximumf %max3A_1047, %add3A_1045 : vector<32x256xf32>
    %sub3A_1049 = arith.subf %min3A_1041, %max3A_1033 : vector<32x256xf32>
    %add3A_1050 = arith.constant 1.000000e+00 : f32
    %add3A_1051 = vector.broadcast %add3A_1050 : f32 to vector<32x256xf32>
    %add3A_1052 = arith.addf %sub3A_1049, %add3A_1051 : vector<32x256xf32>
    %mul3A_1053 = arith.mulf %max3A_1048, %add3A_1052 : vector<32x256xf32>
    %slice3A_1054 = vector.extract_strided_slice %slice3A_1025 {offsets = [0, 4], sizes = [32, 1], strides = [1, 1]} : vector<32x8xf32> to vector<32x1xf32>
    %add3A_1055 = vector.broadcast %slice3A_1054 : vector<32x1xf32> to vector<32x256xf32>
    %add3A_1056 = vector.broadcast %slice3A_537 : vector<1x256xf32> to vector<32x256xf32>
    %add3A_1057 = arith.addf %add3A_1055, %add3A_1056 : vector<32x256xf32>
    %sub3A_1058 = arith.subf %add3A_1057, %mul3A_1053 : vector<32x256xf32>
    %div3A_1059 = arith.divf %mul3A_1053, %sub3A_1058 : vector<32x256xf32>
    %gt3A_1060 = arith.constant 3.000000e-01 : f32
    %gt3A_1061 = vector.broadcast %gt3A_1060 : f32 to vector<32x256xf32>
    %gt3A_1062 = arith.cmpf ogt, %div3A_1059, %gt3A_1061 : vector<32x256xf32>
    %iota3A_1063 = tpu.iota {dimensions = array<i32: 0>} : vector<32x256xi32>
    %add3A_1064 = arith.constant 288 : i32
    %add3A_1065 = vector.broadcast %add3A_1064 : i32 to vector<32x256xi32>
    %add3A_1066 = arith.addi %iota3A_1063, %add3A_1065 : vector<32x256xi32>
    %iota3A_1067 = tpu.iota {dimensions = array<i32: 1>} : vector<32x256xi32>
    %add3A_1068 = arith.constant 256 : i32
    %add3A_1069 = vector.broadcast %add3A_1068 : i32 to vector<32x256xi32>
    %add3A_1070 = arith.addi %iota3A_1067, %add3A_1069 : vector<32x256xi32>
    %lt3A_1071 = arith.cmpi slt, %add3A_1066, %add3A_1070 : vector<32x256xi32>
    %and3A_1072 = arith.andi %gt3A_1062, %lt3A_1071 : vector<32x256xi1>
    %convert_element_type3A_1073 = arith.extui %and3A_1072 : vector<32x256xi1> to vector<32x256xi32>
    %convert_element_type3A_1074 = arith.sitofp %convert_element_type3A_1073 : vector<32x256xi32> to vector<32x256xf32>
    %dot_general3A_1075 = arith.constant dense<0.000000e+00> : vector<2x256xf32>
    %dot_general3A_1076 = tpu.matmul %convert_element_type3A_31, %convert_element_type3A_1074, %dot_general3A_1075 {dimension_numbers = #tpu.dot_dimension_numbers<[1], [0], [0], [1], [0, 0, 1, 1], [], []>, transpose_lhs_hint = false} : vector<2x32xf32>, vector<32x256xf32>, vector<2x256xf32> -> vector<2x256xf32>
    %slice3A_1077 = vector.extract_strided_slice %dot_general3A_1076 {offsets = [0, 0], sizes = [1, 256], strides = [1, 1]} : vector<2x256xf32> to vector<1x256xf32>
    %convert_element_type3A_1078 = arith.fptosi %slice3A_1077 : vector<1x256xf32> to vector<1x256xi32>
    %slice3A_1079 = vector.extract_strided_slice %dot_general3A_1076 {offsets = [1, 0], sizes = [1, 256], strides = [1, 1]} : vector<2x256xf32> to vector<1x256xf32>
    %convert_element_type3A_1080 = arith.fptosi %slice3A_1079 : vector<1x256xf32> to vector<1x256xi32>
    %shift_left3A_1081 = arith.constant 16 : i32
    %shift_left3A_1082 = vector.broadcast %shift_left3A_1081 : i32 to vector<1x256xi32>
    %shift_left3A_1083 = arith.shli %convert_element_type3A_1080, %shift_left3A_1082 : vector<1x256xi32>
    %or3A_1084 = arith.ori %convert_element_type3A_1078, %shift_left3A_1083 : vector<1x256xi32>
    %swap3A_1085 = arith.constant 9 : index
    %swap3A_1086 = arith.constant 256 : index
    %swap3A_1087 = vector.load %arg3[%swap3A_1085, %swap3A_1086] : memref<32x1024xi32, #tpu.memory_space<vmem>>, vector<1x256xi32>
    tpu.vector_store %arg3[%swap3A_1085, %swap3A_1086], %or3A_1084 {strides = array<i32>} : memref<32x1024xi32, #tpu.memory_space<vmem>>, vector<1x256xi32>,
    %slice3A_1088 = vector.extract_strided_slice %transpose3A {offsets = [320, 0], sizes = [32, 8], strides = [1, 1]} : vector<1024x8xf32> to vector<32x8xf32>
    %slice3A_1089 = vector.extract_strided_slice %slice3A_1088 {offsets = [0, 0], sizes = [32, 1], strides = [1, 1]} : vector<32x8xf32> to vector<32x1xf32>
    %max3A_1090 = vector.broadcast %slice3A_1089 : vector<32x1xf32> to vector<32x256xf32>
    %max3A_1091 = vector.broadcast %slice3A_533 : vector<1x256xf32> to vector<32x256xf32>
    %max3A_1092 = arith.maximumf %max3A_1090, %max3A_1091 : vector<32x256xf32>
    %slice3A_1093 = vector.extract_strided_slice %slice3A_1088 {offsets = [0, 1], sizes = [32, 1], strides = [1, 1]} : vector<32x8xf32> to vector<32x1xf32>
    %max3A_1094 = vector.broadcast %slice3A_1093 : vector<32x1xf32> to vector<32x256xf32>
    %max3A_1095 = vector.broadcast %slice3A_534 : vector<1x256xf32> to vector<32x256xf32>
    %max3A_1096 = arith.maximumf %max3A_1094, %max3A_1095 : vector<32x256xf32>
    %slice3A_1097 = vector.extract_strided_slice %slice3A_1088 {offsets = [0, 2], sizes = [32, 1], strides = [1, 1]} : vector<32x8xf32> to vector<32x1xf32>
    %min3A_1098 = vector.broadcast %slice3A_1097 : vector<32x1xf32> to vector<32x256xf32>
    %min3A_1099 = vector.broadcast %slice3A_535 : vector<1x256xf32> to vector<32x256xf32>
    %min3A_1100 = arith.minimumf %min3A_1098, %min3A_1099 : vector<32x256xf32>
    %slice3A_1101 = vector.extract_strided_slice %slice3A_1088 {offsets = [0, 3], sizes = [32, 1], strides = [1, 1]} : vector<32x8xf32> to vector<32x1xf32>
    %min3A_1102 = vector.broadcast %slice3A_1101 : vector<32x1xf32> to vector<32x256xf32>
    %min3A_1103 = vector.broadcast %slice3A_536 : vector<1x256xf32> to vector<32x256xf32>
    %min3A_1104 = arith.minimumf %min3A_1102, %min3A_1103 : vector<32x256xf32>
    %sub3A_1105 = arith.subf %min3A_1100, %max3A_1092 : vector<32x256xf32>
    %add3A_1106 = arith.constant 1.000000e+00 : f32
    %add3A_1107 = vector.broadcast %add3A_1106 : f32 to vector<32x256xf32>
    %add3A_1108 = arith.addf %sub3A_1105, %add3A_1107 : vector<32x256xf32>
    %max3A_1109 = arith.constant 0.000000e+00 : f32
    %max3A_1110 = vector.broadcast %max3A_1109 : f32 to vector<32x256xf32>
    %max3A_1111 = arith.maximumf %max3A_1110, %add3A_1108 : vector<32x256xf32>
    %sub3A_1112 = arith.subf %min3A_1104, %max3A_1096 : vector<32x256xf32>
    %add3A_1113 = arith.constant 1.000000e+00 : f32
    %add3A_1114 = vector.broadcast %add3A_1113 : f32 to vector<32x256xf32>
    %add3A_1115 = arith.addf %sub3A_1112, %add3A_1114 : vector<32x256xf32>
    %mul3A_1116 = arith.mulf %max3A_1111, %add3A_1115 : vector<32x256xf32>
    %slice3A_1117 = vector.extract_strided_slice %slice3A_1088 {offsets = [0, 4], sizes = [32, 1], strides = [1, 1]} : vector<32x8xf32> to vector<32x1xf32>
    %add3A_1118 = vector.broadcast %slice3A_1117 : vector<32x1xf32> to vector<32x256xf32>
    %add3A_1119 = vector.broadcast %slice3A_537 : vector<1x256xf32> to vector<32x256xf32>
    %add3A_1120 = arith.addf %add3A_1118, %add3A_1119 : vector<32x256xf32>
    %sub3A_1121 = arith.subf %add3A_1120, %mul3A_1116 : vector<32x256xf32>
    %div3A_1122 = arith.divf %mul3A_1116, %sub3A_1121 : vector<32x256xf32>
    %gt3A_1123 = arith.constant 3.000000e-01 : f32
    %gt3A_1124 = vector.broadcast %gt3A_1123 : f32 to vector<32x256xf32>
    %gt3A_1125 = arith.cmpf ogt, %div3A_1122, %gt3A_1124 : vector<32x256xf32>
    %iota3A_1126 = tpu.iota {dimensions = array<i32: 0>} : vector<32x256xi32>
    %add3A_1127 = arith.constant 320 : i32
    %add3A_1128 = vector.broadcast %add3A_1127 : i32 to vector<32x256xi32>
    %add3A_1129 = arith.addi %iota3A_1126, %add3A_1128 : vector<32x256xi32>
    %iota3A_1130 = tpu.iota {dimensions = array<i32: 1>} : vector<32x256xi32>
    %add3A_1131 = arith.constant 256 : i32
    %add3A_1132 = vector.broadcast %add3A_1131 : i32 to vector<32x256xi32>
    %add3A_1133 = arith.addi %iota3A_1130, %add3A_1132 : vector<32x256xi32>
    %lt3A_1134 = arith.cmpi slt, %add3A_1129, %add3A_1133 : vector<32x256xi32>
    %and3A_1135 = arith.andi %gt3A_1125, %lt3A_1134 : vector<32x256xi1>
    %convert_element_type3A_1136 = arith.extui %and3A_1135 : vector<32x256xi1> to vector<32x256xi32>
    %convert_element_type3A_1137 = arith.sitofp %convert_element_type3A_1136 : vector<32x256xi32> to vector<32x256xf32>
    %dot_general3A_1138 = arith.constant dense<0.000000e+00> : vector<2x256xf32>
    %dot_general3A_1139 = tpu.matmul %convert_element_type3A_31, %convert_element_type3A_1137, %dot_general3A_1138 {dimension_numbers = #tpu.dot_dimension_numbers<[1], [0], [0], [1], [0, 0, 1, 1], [], []>, transpose_lhs_hint = false} : vector<2x32xf32>, vector<32x256xf32>, vector<2x256xf32> -> vector<2x256xf32>
    %slice3A_1140 = vector.extract_strided_slice %dot_general3A_1139 {offsets = [0, 0], sizes = [1, 256], strides = [1, 1]} : vector<2x256xf32> to vector<1x256xf32>
    %convert_element_type3A_1141 = arith.fptosi %slice3A_1140 : vector<1x256xf32> to vector<1x256xi32>
    %slice3A_1142 = vector.extract_strided_slice %dot_general3A_1139 {offsets = [1, 0], sizes = [1, 256], strides = [1, 1]} : vector<2x256xf32> to vector<1x256xf32>
    %convert_element_type3A_1143 = arith.fptosi %slice3A_1142 : vector<1x256xf32> to vector<1x256xi32>
    %shift_left3A_1144 = arith.constant 16 : i32
    %shift_left3A_1145 = vector.broadcast %shift_left3A_1144 : i32 to vector<1x256xi32>
    %shift_left3A_1146 = arith.shli %convert_element_type3A_1143, %shift_left3A_1145 : vector<1x256xi32>
    %or3A_1147 = arith.ori %convert_element_type3A_1141, %shift_left3A_1146 : vector<1x256xi32>
    %swap3A_1148 = arith.constant 10 : index
    %swap3A_1149 = arith.constant 256 : index
    %swap3A_1150 = vector.load %arg3[%swap3A_1148, %swap3A_1149] : memref<32x1024xi32, #tpu.memory_space<vmem>>, vector<1x256xi32>
    tpu.vector_store %arg3[%swap3A_1148, %swap3A_1149], %or3A_1147 {strides = array<i32>} : memref<32x1024xi32, #tpu.memory_space<vmem>>, vector<1x256xi32>,
    %slice3A_1151 = vector.extract_strided_slice %transpose3A {offsets = [352, 0], sizes = [32, 8], strides = [1, 1]} : vector<1024x8xf32> to vector<32x8xf32>
    %slice3A_1152 = vector.extract_strided_slice %slice3A_1151 {offsets = [0, 0], sizes = [32, 1], strides = [1, 1]} : vector<32x8xf32> to vector<32x1xf32>
    %max3A_1153 = vector.broadcast %slice3A_1152 : vector<32x1xf32> to vector<32x256xf32>
    %max3A_1154 = vector.broadcast %slice3A_533 : vector<1x256xf32> to vector<32x256xf32>
    %max3A_1155 = arith.maximumf %max3A_1153, %max3A_1154 : vector<32x256xf32>
    %slice3A_1156 = vector.extract_strided_slice %slice3A_1151 {offsets = [0, 1], sizes = [32, 1], strides = [1, 1]} : vector<32x8xf32> to vector<32x1xf32>
    %max3A_1157 = vector.broadcast %slice3A_1156 : vector<32x1xf32> to vector<32x256xf32>
    %max3A_1158 = vector.broadcast %slice3A_534 : vector<1x256xf32> to vector<32x256xf32>
    %max3A_1159 = arith.maximumf %max3A_1157, %max3A_1158 : vector<32x256xf32>
    %slice3A_1160 = vector.extract_strided_slice %slice3A_1151 {offsets = [0, 2], sizes = [32, 1], strides = [1, 1]} : vector<32x8xf32> to vector<32x1xf32>
    %min3A_1161 = vector.broadcast %slice3A_1160 : vector<32x1xf32> to vector<32x256xf32>
    %min3A_1162 = vector.broadcast %slice3A_535 : vector<1x256xf32> to vector<32x256xf32>
    %min3A_1163 = arith.minimumf %min3A_1161, %min3A_1162 : vector<32x256xf32>
    %slice3A_1164 = vector.extract_strided_slice %slice3A_1151 {offsets = [0, 3], sizes = [32, 1], strides = [1, 1]} : vector<32x8xf32> to vector<32x1xf32>
    %min3A_1165 = vector.broadcast %slice3A_1164 : vector<32x1xf32> to vector<32x256xf32>
    %min3A_1166 = vector.broadcast %slice3A_536 : vector<1x256xf32> to vector<32x256xf32>
    %min3A_1167 = arith.minimumf %min3A_1165, %min3A_1166 : vector<32x256xf32>
    %sub3A_1168 = arith.subf %min3A_1163, %max3A_1155 : vector<32x256xf32>
    %add3A_1169 = arith.constant 1.000000e+00 : f32
    %add3A_1170 = vector.broadcast %add3A_1169 : f32 to vector<32x256xf32>
    %add3A_1171 = arith.addf %sub3A_1168, %add3A_1170 : vector<32x256xf32>
    %max3A_1172 = arith.constant 0.000000e+00 : f32
    %max3A_1173 = vector.broadcast %max3A_1172 : f32 to vector<32x256xf32>
    %max3A_1174 = arith.maximumf %max3A_1173, %add3A_1171 : vector<32x256xf32>
    %sub3A_1175 = arith.subf %min3A_1167, %max3A_1159 : vector<32x256xf32>
    %add3A_1176 = arith.constant 1.000000e+00 : f32
    %add3A_1177 = vector.broadcast %add3A_1176 : f32 to vector<32x256xf32>
    %add3A_1178 = arith.addf %sub3A_1175, %add3A_1177 : vector<32x256xf32>
    %mul3A_1179 = arith.mulf %max3A_1174, %add3A_1178 : vector<32x256xf32>
    %slice3A_1180 = vector.extract_strided_slice %slice3A_1151 {offsets = [0, 4], sizes = [32, 1], strides = [1, 1]} : vector<32x8xf32> to vector<32x1xf32>
    %add3A_1181 = vector.broadcast %slice3A_1180 : vector<32x1xf32> to vector<32x256xf32>
    %add3A_1182 = vector.broadcast %slice3A_537 : vector<1x256xf32> to vector<32x256xf32>
    %add3A_1183 = arith.addf %add3A_1181, %add3A_1182 : vector<32x256xf32>
    %sub3A_1184 = arith.subf %add3A_1183, %mul3A_1179 : vector<32x256xf32>
    %div3A_1185 = arith.divf %mul3A_1179, %sub3A_1184 : vector<32x256xf32>
    %gt3A_1186 = arith.constant 3.000000e-01 : f32
    %gt3A_1187 = vector.broadcast %gt3A_1186 : f32 to vector<32x256xf32>
    %gt3A_1188 = arith.cmpf ogt, %div3A_1185, %gt3A_1187 : vector<32x256xf32>
    %iota3A_1189 = tpu.iota {dimensions = array<i32: 0>} : vector<32x256xi32>
    %add3A_1190 = arith.constant 352 : i32
    %add3A_1191 = vector.broadcast %add3A_1190 : i32 to vector<32x256xi32>
    %add3A_1192 = arith.addi %iota3A_1189, %add3A_1191 : vector<32x256xi32>
    %iota3A_1193 = tpu.iota {dimensions = array<i32: 1>} : vector<32x256xi32>
    %add3A_1194 = arith.constant 256 : i32
    %add3A_1195 = vector.broadcast %add3A_1194 : i32 to vector<32x256xi32>
    %add3A_1196 = arith.addi %iota3A_1193, %add3A_1195 : vector<32x256xi32>
    %lt3A_1197 = arith.cmpi slt, %add3A_1192, %add3A_1196 : vector<32x256xi32>
    %and3A_1198 = arith.andi %gt3A_1188, %lt3A_1197 : vector<32x256xi1>
    %convert_element_type3A_1199 = arith.extui %and3A_1198 : vector<32x256xi1> to vector<32x256xi32>
    %convert_element_type3A_1200 = arith.sitofp %convert_element_type3A_1199 : vector<32x256xi32> to vector<32x256xf32>
    %dot_general3A_1201 = arith.constant dense<0.000000e+00> : vector<2x256xf32>
    %dot_general3A_1202 = tpu.matmul %convert_element_type3A_31, %convert_element_type3A_1200, %dot_general3A_1201 {dimension_numbers = #tpu.dot_dimension_numbers<[1], [0], [0], [1], [0, 0, 1, 1], [], []>, transpose_lhs_hint = false} : vector<2x32xf32>, vector<32x256xf32>, vector<2x256xf32> -> vector<2x256xf32>
    %slice3A_1203 = vector.extract_strided_slice %dot_general3A_1202 {offsets = [0, 0], sizes = [1, 256], strides = [1, 1]} : vector<2x256xf32> to vector<1x256xf32>
    %convert_element_type3A_1204 = arith.fptosi %slice3A_1203 : vector<1x256xf32> to vector<1x256xi32>
    %slice3A_1205 = vector.extract_strided_slice %dot_general3A_1202 {offsets = [1, 0], sizes = [1, 256], strides = [1, 1]} : vector<2x256xf32> to vector<1x256xf32>
    %convert_element_type3A_1206 = arith.fptosi %slice3A_1205 : vector<1x256xf32> to vector<1x256xi32>
    %shift_left3A_1207 = arith.constant 16 : i32
    %shift_left3A_1208 = vector.broadcast %shift_left3A_1207 : i32 to vector<1x256xi32>
    %shift_left3A_1209 = arith.shli %convert_element_type3A_1206, %shift_left3A_1208 : vector<1x256xi32>
    %or3A_1210 = arith.ori %convert_element_type3A_1204, %shift_left3A_1209 : vector<1x256xi32>
    %swap3A_1211 = arith.constant 11 : index
    %swap3A_1212 = arith.constant 256 : index
    %swap3A_1213 = vector.load %arg3[%swap3A_1211, %swap3A_1212] : memref<32x1024xi32, #tpu.memory_space<vmem>>, vector<1x256xi32>
    tpu.vector_store %arg3[%swap3A_1211, %swap3A_1212], %or3A_1210 {strides = array<i32>} : memref<32x1024xi32, #tpu.memory_space<vmem>>, vector<1x256xi32>,
    %slice3A_1214 = vector.extract_strided_slice %transpose3A {offsets = [384, 0], sizes = [32, 8], strides = [1, 1]} : vector<1024x8xf32> to vector<32x8xf32>
    %slice3A_1215 = vector.extract_strided_slice %slice3A_1214 {offsets = [0, 0], sizes = [32, 1], strides = [1, 1]} : vector<32x8xf32> to vector<32x1xf32>
    %max3A_1216 = vector.broadcast %slice3A_1215 : vector<32x1xf32> to vector<32x256xf32>
    %max3A_1217 = vector.broadcast %slice3A_533 : vector<1x256xf32> to vector<32x256xf32>
    %max3A_1218 = arith.maximumf %max3A_1216, %max3A_1217 : vector<32x256xf32>
    %slice3A_1219 = vector.extract_strided_slice %slice3A_1214 {offsets = [0, 1], sizes = [32, 1], strides = [1, 1]} : vector<32x8xf32> to vector<32x1xf32>
    %max3A_1220 = vector.broadcast %slice3A_1219 : vector<32x1xf32> to vector<32x256xf32>
    %max3A_1221 = vector.broadcast %slice3A_534 : vector<1x256xf32> to vector<32x256xf32>
    %max3A_1222 = arith.maximumf %max3A_1220, %max3A_1221 : vector<32x256xf32>
    %slice3A_1223 = vector.extract_strided_slice %slice3A_1214 {offsets = [0, 2], sizes = [32, 1], strides = [1, 1]} : vector<32x8xf32> to vector<32x1xf32>
    %min3A_1224 = vector.broadcast %slice3A_1223 : vector<32x1xf32> to vector<32x256xf32>
    %min3A_1225 = vector.broadcast %slice3A_535 : vector<1x256xf32> to vector<32x256xf32>
    %min3A_1226 = arith.minimumf %min3A_1224, %min3A_1225 : vector<32x256xf32>
    %slice3A_1227 = vector.extract_strided_slice %slice3A_1214 {offsets = [0, 3], sizes = [32, 1], strides = [1, 1]} : vector<32x8xf32> to vector<32x1xf32>
    %min3A_1228 = vector.broadcast %slice3A_1227 : vector<32x1xf32> to vector<32x256xf32>
    %min3A_1229 = vector.broadcast %slice3A_536 : vector<1x256xf32> to vector<32x256xf32>
    %min3A_1230 = arith.minimumf %min3A_1228, %min3A_1229 : vector<32x256xf32>
    %sub3A_1231 = arith.subf %min3A_1226, %max3A_1218 : vector<32x256xf32>
    %add3A_1232 = arith.constant 1.000000e+00 : f32
    %add3A_1233 = vector.broadcast %add3A_1232 : f32 to vector<32x256xf32>
    %add3A_1234 = arith.addf %sub3A_1231, %add3A_1233 : vector<32x256xf32>
    %max3A_1235 = arith.constant 0.000000e+00 : f32
    %max3A_1236 = vector.broadcast %max3A_1235 : f32 to vector<32x256xf32>
    %max3A_1237 = arith.maximumf %max3A_1236, %add3A_1234 : vector<32x256xf32>
    %sub3A_1238 = arith.subf %min3A_1230, %max3A_1222 : vector<32x256xf32>
    %add3A_1239 = arith.constant 1.000000e+00 : f32
    %add3A_1240 = vector.broadcast %add3A_1239 : f32 to vector<32x256xf32>
    %add3A_1241 = arith.addf %sub3A_1238, %add3A_1240 : vector<32x256xf32>
    %mul3A_1242 = arith.mulf %max3A_1237, %add3A_1241 : vector<32x256xf32>
    %slice3A_1243 = vector.extract_strided_slice %slice3A_1214 {offsets = [0, 4], sizes = [32, 1], strides = [1, 1]} : vector<32x8xf32> to vector<32x1xf32>
    %add3A_1244 = vector.broadcast %slice3A_1243 : vector<32x1xf32> to vector<32x256xf32>
    %add3A_1245 = vector.broadcast %slice3A_537 : vector<1x256xf32> to vector<32x256xf32>
    %add3A_1246 = arith.addf %add3A_1244, %add3A_1245 : vector<32x256xf32>
    %sub3A_1247 = arith.subf %add3A_1246, %mul3A_1242 : vector<32x256xf32>
    %div3A_1248 = arith.divf %mul3A_1242, %sub3A_1247 : vector<32x256xf32>
    %gt3A_1249 = arith.constant 3.000000e-01 : f32
    %gt3A_1250 = vector.broadcast %gt3A_1249 : f32 to vector<32x256xf32>
    %gt3A_1251 = arith.cmpf ogt, %div3A_1248, %gt3A_1250 : vector<32x256xf32>
    %iota3A_1252 = tpu.iota {dimensions = array<i32: 0>} : vector<32x256xi32>
    %add3A_1253 = arith.constant 384 : i32
    %add3A_1254 = vector.broadcast %add3A_1253 : i32 to vector<32x256xi32>
    %add3A_1255 = arith.addi %iota3A_1252, %add3A_1254 : vector<32x256xi32>
    %iota3A_1256 = tpu.iota {dimensions = array<i32: 1>} : vector<32x256xi32>
    %add3A_1257 = arith.constant 256 : i32
    %add3A_1258 = vector.broadcast %add3A_1257 : i32 to vector<32x256xi32>
    %add3A_1259 = arith.addi %iota3A_1256, %add3A_1258 : vector<32x256xi32>
    %lt3A_1260 = arith.cmpi slt, %add3A_1255, %add3A_1259 : vector<32x256xi32>
    %and3A_1261 = arith.andi %gt3A_1251, %lt3A_1260 : vector<32x256xi1>
    %convert_element_type3A_1262 = arith.extui %and3A_1261 : vector<32x256xi1> to vector<32x256xi32>
    %convert_element_type3A_1263 = arith.sitofp %convert_element_type3A_1262 : vector<32x256xi32> to vector<32x256xf32>
    %dot_general3A_1264 = arith.constant dense<0.000000e+00> : vector<2x256xf32>
    %dot_general3A_1265 = tpu.matmul %convert_element_type3A_31, %convert_element_type3A_1263, %dot_general3A_1264 {dimension_numbers = #tpu.dot_dimension_numbers<[1], [0], [0], [1], [0, 0, 1, 1], [], []>, transpose_lhs_hint = false} : vector<2x32xf32>, vector<32x256xf32>, vector<2x256xf32> -> vector<2x256xf32>
    %slice3A_1266 = vector.extract_strided_slice %dot_general3A_1265 {offsets = [0, 0], sizes = [1, 256], strides = [1, 1]} : vector<2x256xf32> to vector<1x256xf32>
    %convert_element_type3A_1267 = arith.fptosi %slice3A_1266 : vector<1x256xf32> to vector<1x256xi32>
    %slice3A_1268 = vector.extract_strided_slice %dot_general3A_1265 {offsets = [1, 0], sizes = [1, 256], strides = [1, 1]} : vector<2x256xf32> to vector<1x256xf32>
    %convert_element_type3A_1269 = arith.fptosi %slice3A_1268 : vector<1x256xf32> to vector<1x256xi32>
    %shift_left3A_1270 = arith.constant 16 : i32
    %shift_left3A_1271 = vector.broadcast %shift_left3A_1270 : i32 to vector<1x256xi32>
    %shift_left3A_1272 = arith.shli %convert_element_type3A_1269, %shift_left3A_1271 : vector<1x256xi32>
    %or3A_1273 = arith.ori %convert_element_type3A_1267, %shift_left3A_1272 : vector<1x256xi32>
    %swap3A_1274 = arith.constant 12 : index
    %swap3A_1275 = arith.constant 256 : index
    %swap3A_1276 = vector.load %arg3[%swap3A_1274, %swap3A_1275] : memref<32x1024xi32, #tpu.memory_space<vmem>>, vector<1x256xi32>
    tpu.vector_store %arg3[%swap3A_1274, %swap3A_1275], %or3A_1273 {strides = array<i32>} : memref<32x1024xi32, #tpu.memory_space<vmem>>, vector<1x256xi32>,
    %slice3A_1277 = vector.extract_strided_slice %transpose3A {offsets = [416, 0], sizes = [32, 8], strides = [1, 1]} : vector<1024x8xf32> to vector<32x8xf32>
    %slice3A_1278 = vector.extract_strided_slice %slice3A_1277 {offsets = [0, 0], sizes = [32, 1], strides = [1, 1]} : vector<32x8xf32> to vector<32x1xf32>
    %max3A_1279 = vector.broadcast %slice3A_1278 : vector<32x1xf32> to vector<32x256xf32>
    %max3A_1280 = vector.broadcast %slice3A_533 : vector<1x256xf32> to vector<32x256xf32>
    %max3A_1281 = arith.maximumf %max3A_1279, %max3A_1280 : vector<32x256xf32>
    %slice3A_1282 = vector.extract_strided_slice %slice3A_1277 {offsets = [0, 1], sizes = [32, 1], strides = [1, 1]} : vector<32x8xf32> to vector<32x1xf32>
    %max3A_1283 = vector.broadcast %slice3A_1282 : vector<32x1xf32> to vector<32x256xf32>
    %max3A_1284 = vector.broadcast %slice3A_534 : vector<1x256xf32> to vector<32x256xf32>
    %max3A_1285 = arith.maximumf %max3A_1283, %max3A_1284 : vector<32x256xf32>
    %slice3A_1286 = vector.extract_strided_slice %slice3A_1277 {offsets = [0, 2], sizes = [32, 1], strides = [1, 1]} : vector<32x8xf32> to vector<32x1xf32>
    %min3A_1287 = vector.broadcast %slice3A_1286 : vector<32x1xf32> to vector<32x256xf32>
    %min3A_1288 = vector.broadcast %slice3A_535 : vector<1x256xf32> to vector<32x256xf32>
    %min3A_1289 = arith.minimumf %min3A_1287, %min3A_1288 : vector<32x256xf32>
    %slice3A_1290 = vector.extract_strided_slice %slice3A_1277 {offsets = [0, 3], sizes = [32, 1], strides = [1, 1]} : vector<32x8xf32> to vector<32x1xf32>
    %min3A_1291 = vector.broadcast %slice3A_1290 : vector<32x1xf32> to vector<32x256xf32>
    %min3A_1292 = vector.broadcast %slice3A_536 : vector<1x256xf32> to vector<32x256xf32>
    %min3A_1293 = arith.minimumf %min3A_1291, %min3A_1292 : vector<32x256xf32>
    %sub3A_1294 = arith.subf %min3A_1289, %max3A_1281 : vector<32x256xf32>
    %add3A_1295 = arith.constant 1.000000e+00 : f32
    %add3A_1296 = vector.broadcast %add3A_1295 : f32 to vector<32x256xf32>
    %add3A_1297 = arith.addf %sub3A_1294, %add3A_1296 : vector<32x256xf32>
    %max3A_1298 = arith.constant 0.000000e+00 : f32
    %max3A_1299 = vector.broadcast %max3A_1298 : f32 to vector<32x256xf32>
    %max3A_1300 = arith.maximumf %max3A_1299, %add3A_1297 : vector<32x256xf32>
    %sub3A_1301 = arith.subf %min3A_1293, %max3A_1285 : vector<32x256xf32>
    %add3A_1302 = arith.constant 1.000000e+00 : f32
    %add3A_1303 = vector.broadcast %add3A_1302 : f32 to vector<32x256xf32>
    %add3A_1304 = arith.addf %sub3A_1301, %add3A_1303 : vector<32x256xf32>
    %mul3A_1305 = arith.mulf %max3A_1300, %add3A_1304 : vector<32x256xf32>
    %slice3A_1306 = vector.extract_strided_slice %slice3A_1277 {offsets = [0, 4], sizes = [32, 1], strides = [1, 1]} : vector<32x8xf32> to vector<32x1xf32>
    %add3A_1307 = vector.broadcast %slice3A_1306 : vector<32x1xf32> to vector<32x256xf32>
    %add3A_1308 = vector.broadcast %slice3A_537 : vector<1x256xf32> to vector<32x256xf32>
    %add3A_1309 = arith.addf %add3A_1307, %add3A_1308 : vector<32x256xf32>
    %sub3A_1310 = arith.subf %add3A_1309, %mul3A_1305 : vector<32x256xf32>
    %div3A_1311 = arith.divf %mul3A_1305, %sub3A_1310 : vector<32x256xf32>
    %gt3A_1312 = arith.constant 3.000000e-01 : f32
    %gt3A_1313 = vector.broadcast %gt3A_1312 : f32 to vector<32x256xf32>
    %gt3A_1314 = arith.cmpf ogt, %div3A_1311, %gt3A_1313 : vector<32x256xf32>
    %iota3A_1315 = tpu.iota {dimensions = array<i32: 0>} : vector<32x256xi32>
    %add3A_1316 = arith.constant 416 : i32
    %add3A_1317 = vector.broadcast %add3A_1316 : i32 to vector<32x256xi32>
    %add3A_1318 = arith.addi %iota3A_1315, %add3A_1317 : vector<32x256xi32>
    %iota3A_1319 = tpu.iota {dimensions = array<i32: 1>} : vector<32x256xi32>
    %add3A_1320 = arith.constant 256 : i32
    %add3A_1321 = vector.broadcast %add3A_1320 : i32 to vector<32x256xi32>
    %add3A_1322 = arith.addi %iota3A_1319, %add3A_1321 : vector<32x256xi32>
    %lt3A_1323 = arith.cmpi slt, %add3A_1318, %add3A_1322 : vector<32x256xi32>
    %and3A_1324 = arith.andi %gt3A_1314, %lt3A_1323 : vector<32x256xi1>
    %convert_element_type3A_1325 = arith.extui %and3A_1324 : vector<32x256xi1> to vector<32x256xi32>
    %convert_element_type3A_1326 = arith.sitofp %convert_element_type3A_1325 : vector<32x256xi32> to vector<32x256xf32>
    %dot_general3A_1327 = arith.constant dense<0.000000e+00> : vector<2x256xf32>
    %dot_general3A_1328 = tpu.matmul %convert_element_type3A_31, %convert_element_type3A_1326, %dot_general3A_1327 {dimension_numbers = #tpu.dot_dimension_numbers<[1], [0], [0], [1], [0, 0, 1, 1], [], []>, transpose_lhs_hint = false} : vector<2x32xf32>, vector<32x256xf32>, vector<2x256xf32> -> vector<2x256xf32>
    %slice3A_1329 = vector.extract_strided_slice %dot_general3A_1328 {offsets = [0, 0], sizes = [1, 256], strides = [1, 1]} : vector<2x256xf32> to vector<1x256xf32>
    %convert_element_type3A_1330 = arith.fptosi %slice3A_1329 : vector<1x256xf32> to vector<1x256xi32>
    %slice3A_1331 = vector.extract_strided_slice %dot_general3A_1328 {offsets = [1, 0], sizes = [1, 256], strides = [1, 1]} : vector<2x256xf32> to vector<1x256xf32>
    %convert_element_type3A_1332 = arith.fptosi %slice3A_1331 : vector<1x256xf32> to vector<1x256xi32>
    %shift_left3A_1333 = arith.constant 16 : i32
    %shift_left3A_1334 = vector.broadcast %shift_left3A_1333 : i32 to vector<1x256xi32>
    %shift_left3A_1335 = arith.shli %convert_element_type3A_1332, %shift_left3A_1334 : vector<1x256xi32>
    %or3A_1336 = arith.ori %convert_element_type3A_1330, %shift_left3A_1335 : vector<1x256xi32>
    %swap3A_1337 = arith.constant 13 : index
    %swap3A_1338 = arith.constant 256 : index
    %swap3A_1339 = vector.load %arg3[%swap3A_1337, %swap3A_1338] : memref<32x1024xi32, #tpu.memory_space<vmem>>, vector<1x256xi32>
    tpu.vector_store %arg3[%swap3A_1337, %swap3A_1338], %or3A_1336 {strides = array<i32>} : memref<32x1024xi32, #tpu.memory_space<vmem>>, vector<1x256xi32>,
    %slice3A_1340 = vector.extract_strided_slice %transpose3A {offsets = [448, 0], sizes = [32, 8], strides = [1, 1]} : vector<1024x8xf32> to vector<32x8xf32>
    %slice3A_1341 = vector.extract_strided_slice %slice3A_1340 {offsets = [0, 0], sizes = [32, 1], strides = [1, 1]} : vector<32x8xf32> to vector<32x1xf32>
    %max3A_1342 = vector.broadcast %slice3A_1341 : vector<32x1xf32> to vector<32x256xf32>
    %max3A_1343 = vector.broadcast %slice3A_533 : vector<1x256xf32> to vector<32x256xf32>
    %max3A_1344 = arith.maximumf %max3A_1342, %max3A_1343 : vector<32x256xf32>
    %slice3A_1345 = vector.extract_strided_slice %slice3A_1340 {offsets = [0, 1], sizes = [32, 1], strides = [1, 1]} : vector<32x8xf32> to vector<32x1xf32>
    %max3A_1346 = vector.broadcast %slice3A_1345 : vector<32x1xf32> to vector<32x256xf32>
    %max3A_1347 = vector.broadcast %slice3A_534 : vector<1x256xf32> to vector<32x256xf32>
    %max3A_1348 = arith.maximumf %max3A_1346, %max3A_1347 : vector<32x256xf32>
    %slice3A_1349 = vector.extract_strided_slice %slice3A_1340 {offsets = [0, 2], sizes = [32, 1], strides = [1, 1]} : vector<32x8xf32> to vector<32x1xf32>
    %min3A_1350 = vector.broadcast %slice3A_1349 : vector<32x1xf32> to vector<32x256xf32>
    %min3A_1351 = vector.broadcast %slice3A_535 : vector<1x256xf32> to vector<32x256xf32>
    %min3A_1352 = arith.minimumf %min3A_1350, %min3A_1351 : vector<32x256xf32>
    %slice3A_1353 = vector.extract_strided_slice %slice3A_1340 {offsets = [0, 3], sizes = [32, 1], strides = [1, 1]} : vector<32x8xf32> to vector<32x1xf32>
    %min3A_1354 = vector.broadcast %slice3A_1353 : vector<32x1xf32> to vector<32x256xf32>
    %min3A_1355 = vector.broadcast %slice3A_536 : vector<1x256xf32> to vector<32x256xf32>
    %min3A_1356 = arith.minimumf %min3A_1354, %min3A_1355 : vector<32x256xf32>
    %sub3A_1357 = arith.subf %min3A_1352, %max3A_1344 : vector<32x256xf32>
    %add3A_1358 = arith.constant 1.000000e+00 : f32
    %add3A_1359 = vector.broadcast %add3A_1358 : f32 to vector<32x256xf32>
    %add3A_1360 = arith.addf %sub3A_1357, %add3A_1359 : vector<32x256xf32>
    %max3A_1361 = arith.constant 0.000000e+00 : f32
    %max3A_1362 = vector.broadcast %max3A_1361 : f32 to vector<32x256xf32>
    %max3A_1363 = arith.maximumf %max3A_1362, %add3A_1360 : vector<32x256xf32>
    %sub3A_1364 = arith.subf %min3A_1356, %max3A_1348 : vector<32x256xf32>
    %add3A_1365 = arith.constant 1.000000e+00 : f32
    %add3A_1366 = vector.broadcast %add3A_1365 : f32 to vector<32x256xf32>
    %add3A_1367 = arith.addf %sub3A_1364, %add3A_1366 : vector<32x256xf32>
    %mul3A_1368 = arith.mulf %max3A_1363, %add3A_1367 : vector<32x256xf32>
    %slice3A_1369 = vector.extract_strided_slice %slice3A_1340 {offsets = [0, 4], sizes = [32, 1], strides = [1, 1]} : vector<32x8xf32> to vector<32x1xf32>
    %add3A_1370 = vector.broadcast %slice3A_1369 : vector<32x1xf32> to vector<32x256xf32>
    %add3A_1371 = vector.broadcast %slice3A_537 : vector<1x256xf32> to vector<32x256xf32>
    %add3A_1372 = arith.addf %add3A_1370, %add3A_1371 : vector<32x256xf32>
    %sub3A_1373 = arith.subf %add3A_1372, %mul3A_1368 : vector<32x256xf32>
    %div3A_1374 = arith.divf %mul3A_1368, %sub3A_1373 : vector<32x256xf32>
    %gt3A_1375 = arith.constant 3.000000e-01 : f32
    %gt3A_1376 = vector.broadcast %gt3A_1375 : f32 to vector<32x256xf32>
    %gt3A_1377 = arith.cmpf ogt, %div3A_1374, %gt3A_1376 : vector<32x256xf32>
    %iota3A_1378 = tpu.iota {dimensions = array<i32: 0>} : vector<32x256xi32>
    %add3A_1379 = arith.constant 448 : i32
    %add3A_1380 = vector.broadcast %add3A_1379 : i32 to vector<32x256xi32>
    %add3A_1381 = arith.addi %iota3A_1378, %add3A_1380 : vector<32x256xi32>
    %iota3A_1382 = tpu.iota {dimensions = array<i32: 1>} : vector<32x256xi32>
    %add3A_1383 = arith.constant 256 : i32
    %add3A_1384 = vector.broadcast %add3A_1383 : i32 to vector<32x256xi32>
    %add3A_1385 = arith.addi %iota3A_1382, %add3A_1384 : vector<32x256xi32>
    %lt3A_1386 = arith.cmpi slt, %add3A_1381, %add3A_1385 : vector<32x256xi32>
    %and3A_1387 = arith.andi %gt3A_1377, %lt3A_1386 : vector<32x256xi1>
    %convert_element_type3A_1388 = arith.extui %and3A_1387 : vector<32x256xi1> to vector<32x256xi32>
    %convert_element_type3A_1389 = arith.sitofp %convert_element_type3A_1388 : vector<32x256xi32> to vector<32x256xf32>
    %dot_general3A_1390 = arith.constant dense<0.000000e+00> : vector<2x256xf32>
    %dot_general3A_1391 = tpu.matmul %convert_element_type3A_31, %convert_element_type3A_1389, %dot_general3A_1390 {dimension_numbers = #tpu.dot_dimension_numbers<[1], [0], [0], [1], [0, 0, 1, 1], [], []>, transpose_lhs_hint = false} : vector<2x32xf32>, vector<32x256xf32>, vector<2x256xf32> -> vector<2x256xf32>
    %slice3A_1392 = vector.extract_strided_slice %dot_general3A_1391 {offsets = [0, 0], sizes = [1, 256], strides = [1, 1]} : vector<2x256xf32> to vector<1x256xf32>
    %convert_element_type3A_1393 = arith.fptosi %slice3A_1392 : vector<1x256xf32> to vector<1x256xi32>
    %slice3A_1394 = vector.extract_strided_slice %dot_general3A_1391 {offsets = [1, 0], sizes = [1, 256], strides = [1, 1]} : vector<2x256xf32> to vector<1x256xf32>
    %convert_element_type3A_1395 = arith.fptosi %slice3A_1394 : vector<1x256xf32> to vector<1x256xi32>
    %shift_left3A_1396 = arith.constant 16 : i32
    %shift_left3A_1397 = vector.broadcast %shift_left3A_1396 : i32 to vector<1x256xi32>
    %shift_left3A_1398 = arith.shli %convert_element_type3A_1395, %shift_left3A_1397 : vector<1x256xi32>
    %or3A_1399 = arith.ori %convert_element_type3A_1393, %shift_left3A_1398 : vector<1x256xi32>
    %swap3A_1400 = arith.constant 14 : index
    %swap3A_1401 = arith.constant 256 : index
    %swap3A_1402 = vector.load %arg3[%swap3A_1400, %swap3A_1401] : memref<32x1024xi32, #tpu.memory_space<vmem>>, vector<1x256xi32>
    tpu.vector_store %arg3[%swap3A_1400, %swap3A_1401], %or3A_1399 {strides = array<i32>} : memref<32x1024xi32, #tpu.memory_space<vmem>>, vector<1x256xi32>,
    %slice3A_1403 = vector.extract_strided_slice %transpose3A {offsets = [480, 0], sizes = [32, 8], strides = [1, 1]} : vector<1024x8xf32> to vector<32x8xf32>
    %slice3A_1404 = vector.extract_strided_slice %slice3A_1403 {offsets = [0, 0], sizes = [32, 1], strides = [1, 1]} : vector<32x8xf32> to vector<32x1xf32>
    %max3A_1405 = vector.broadcast %slice3A_1404 : vector<32x1xf32> to vector<32x256xf32>
    %max3A_1406 = vector.broadcast %slice3A_533 : vector<1x256xf32> to vector<32x256xf32>
    %max3A_1407 = arith.maximumf %max3A_1405, %max3A_1406 : vector<32x256xf32>
    %slice3A_1408 = vector.extract_strided_slice %slice3A_1403 {offsets = [0, 1], sizes = [32, 1], strides = [1, 1]} : vector<32x8xf32> to vector<32x1xf32>
    %max3A_1409 = vector.broadcast %slice3A_1408 : vector<32x1xf32> to vector<32x256xf32>
    %max3A_1410 = vector.broadcast %slice3A_534 : vector<1x256xf32> to vector<32x256xf32>
    %max3A_1411 = arith.maximumf %max3A_1409, %max3A_1410 : vector<32x256xf32>
    %slice3A_1412 = vector.extract_strided_slice %slice3A_1403 {offsets = [0, 2], sizes = [32, 1], strides = [1, 1]} : vector<32x8xf32> to vector<32x1xf32>
    %min3A_1413 = vector.broadcast %slice3A_1412 : vector<32x1xf32> to vector<32x256xf32>
    %min3A_1414 = vector.broadcast %slice3A_535 : vector<1x256xf32> to vector<32x256xf32>
    %min3A_1415 = arith.minimumf %min3A_1413, %min3A_1414 : vector<32x256xf32>
    %slice3A_1416 = vector.extract_strided_slice %slice3A_1403 {offsets = [0, 3], sizes = [32, 1], strides = [1, 1]} : vector<32x8xf32> to vector<32x1xf32>
    %min3A_1417 = vector.broadcast %slice3A_1416 : vector<32x1xf32> to vector<32x256xf32>
    %min3A_1418 = vector.broadcast %slice3A_536 : vector<1x256xf32> to vector<32x256xf32>
    %min3A_1419 = arith.minimumf %min3A_1417, %min3A_1418 : vector<32x256xf32>
    %sub3A_1420 = arith.subf %min3A_1415, %max3A_1407 : vector<32x256xf32>
    %add3A_1421 = arith.constant 1.000000e+00 : f32
    %add3A_1422 = vector.broadcast %add3A_1421 : f32 to vector<32x256xf32>
    %add3A_1423 = arith.addf %sub3A_1420, %add3A_1422 : vector<32x256xf32>
    %max3A_1424 = arith.constant 0.000000e+00 : f32
    %max3A_1425 = vector.broadcast %max3A_1424 : f32 to vector<32x256xf32>
    %max3A_1426 = arith.maximumf %max3A_1425, %add3A_1423 : vector<32x256xf32>
    %sub3A_1427 = arith.subf %min3A_1419, %max3A_1411 : vector<32x256xf32>
    %add3A_1428 = arith.constant 1.000000e+00 : f32
    %add3A_1429 = vector.broadcast %add3A_1428 : f32 to vector<32x256xf32>
    %add3A_1430 = arith.addf %sub3A_1427, %add3A_1429 : vector<32x256xf32>
    %mul3A_1431 = arith.mulf %max3A_1426, %add3A_1430 : vector<32x256xf32>
    %slice3A_1432 = vector.extract_strided_slice %slice3A_1403 {offsets = [0, 4], sizes = [32, 1], strides = [1, 1]} : vector<32x8xf32> to vector<32x1xf32>
    %add3A_1433 = vector.broadcast %slice3A_1432 : vector<32x1xf32> to vector<32x256xf32>
    %add3A_1434 = vector.broadcast %slice3A_537 : vector<1x256xf32> to vector<32x256xf32>
    %add3A_1435 = arith.addf %add3A_1433, %add3A_1434 : vector<32x256xf32>
    %sub3A_1436 = arith.subf %add3A_1435, %mul3A_1431 : vector<32x256xf32>
    %div3A_1437 = arith.divf %mul3A_1431, %sub3A_1436 : vector<32x256xf32>
    %gt3A_1438 = arith.constant 3.000000e-01 : f32
    %gt3A_1439 = vector.broadcast %gt3A_1438 : f32 to vector<32x256xf32>
    %gt3A_1440 = arith.cmpf ogt, %div3A_1437, %gt3A_1439 : vector<32x256xf32>
    %iota3A_1441 = tpu.iota {dimensions = array<i32: 0>} : vector<32x256xi32>
    %add3A_1442 = arith.constant 480 : i32
    %add3A_1443 = vector.broadcast %add3A_1442 : i32 to vector<32x256xi32>
    %add3A_1444 = arith.addi %iota3A_1441, %add3A_1443 : vector<32x256xi32>
    %iota3A_1445 = tpu.iota {dimensions = array<i32: 1>} : vector<32x256xi32>
    %add3A_1446 = arith.constant 256 : i32
    %add3A_1447 = vector.broadcast %add3A_1446 : i32 to vector<32x256xi32>
    %add3A_1448 = arith.addi %iota3A_1445, %add3A_1447 : vector<32x256xi32>
    %lt3A_1449 = arith.cmpi slt, %add3A_1444, %add3A_1448 : vector<32x256xi32>
    %and3A_1450 = arith.andi %gt3A_1440, %lt3A_1449 : vector<32x256xi1>
    %convert_element_type3A_1451 = arith.extui %and3A_1450 : vector<32x256xi1> to vector<32x256xi32>
    %convert_element_type3A_1452 = arith.sitofp %convert_element_type3A_1451 : vector<32x256xi32> to vector<32x256xf32>
    %dot_general3A_1453 = arith.constant dense<0.000000e+00> : vector<2x256xf32>
    %dot_general3A_1454 = tpu.matmul %convert_element_type3A_31, %convert_element_type3A_1452, %dot_general3A_1453 {dimension_numbers = #tpu.dot_dimension_numbers<[1], [0], [0], [1], [0, 0, 1, 1], [], []>, transpose_lhs_hint = false} : vector<2x32xf32>, vector<32x256xf32>, vector<2x256xf32> -> vector<2x256xf32>
    %slice3A_1455 = vector.extract_strided_slice %dot_general3A_1454 {offsets = [0, 0], sizes = [1, 256], strides = [1, 1]} : vector<2x256xf32> to vector<1x256xf32>
    %convert_element_type3A_1456 = arith.fptosi %slice3A_1455 : vector<1x256xf32> to vector<1x256xi32>
    %slice3A_1457 = vector.extract_strided_slice %dot_general3A_1454 {offsets = [1, 0], sizes = [1, 256], strides = [1, 1]} : vector<2x256xf32> to vector<1x256xf32>
    %convert_element_type3A_1458 = arith.fptosi %slice3A_1457 : vector<1x256xf32> to vector<1x256xi32>
    %shift_left3A_1459 = arith.constant 16 : i32
    %shift_left3A_1460 = vector.broadcast %shift_left3A_1459 : i32 to vector<1x256xi32>
    %shift_left3A_1461 = arith.shli %convert_element_type3A_1458, %shift_left3A_1460 : vector<1x256xi32>
    %or3A_1462 = arith.ori %convert_element_type3A_1456, %shift_left3A_1461 : vector<1x256xi32>
    %swap3A_1463 = arith.constant 15 : index
    %swap3A_1464 = arith.constant 256 : index
    %swap3A_1465 = vector.load %arg3[%swap3A_1463, %swap3A_1464] : memref<32x1024xi32, #tpu.memory_space<vmem>>, vector<1x256xi32>
    tpu.vector_store %arg3[%swap3A_1463, %swap3A_1464], %or3A_1462 {strides = array<i32>} : memref<32x1024xi32, #tpu.memory_space<vmem>>, vector<1x256xi32>,
    %slice3A_1466 = vector.extract_strided_slice %slice3A {offsets = [0, 512], sizes = [1, 256], strides = [1, 1]} : vector<1x1024xf32> to vector<1x256xf32>
    %slice3A_1467 = vector.extract_strided_slice %slice3A_6 {offsets = [0, 512], sizes = [1, 256], strides = [1, 1]} : vector<1x1024xf32> to vector<1x256xf32>
    %slice3A_1468 = vector.extract_strided_slice %slice3A_7 {offsets = [0, 512], sizes = [1, 256], strides = [1, 1]} : vector<1x1024xf32> to vector<1x256xf32>
    %slice3A_1469 = vector.extract_strided_slice %slice3A_8 {offsets = [0, 512], sizes = [1, 256], strides = [1, 1]} : vector<1x1024xf32> to vector<1x256xf32>
    %slice3A_1470 = vector.extract_strided_slice %mul3A {offsets = [0, 512], sizes = [1, 256], strides = [1, 1]} : vector<1x1024xf32> to vector<1x256xf32>
    %slice3A_1471 = vector.extract_strided_slice %transpose3A {offsets = [0, 0], sizes = [32, 8], strides = [1, 1]} : vector<1024x8xf32> to vector<32x8xf32>
    %slice3A_1472 = vector.extract_strided_slice %slice3A_1471 {offsets = [0, 0], sizes = [32, 1], strides = [1, 1]} : vector<32x8xf32> to vector<32x1xf32>
    %max3A_1473 = vector.broadcast %slice3A_1472 : vector<32x1xf32> to vector<32x256xf32>
    %max3A_1474 = vector.broadcast %slice3A_1466 : vector<1x256xf32> to vector<32x256xf32>
    %max3A_1475 = arith.maximumf %max3A_1473, %max3A_1474 : vector<32x256xf32>
    %slice3A_1476 = vector.extract_strided_slice %slice3A_1471 {offsets = [0, 1], sizes = [32, 1], strides = [1, 1]} : vector<32x8xf32> to vector<32x1xf32>
    %max3A_1477 = vector.broadcast %slice3A_1476 : vector<32x1xf32> to vector<32x256xf32>
    %max3A_1478 = vector.broadcast %slice3A_1467 : vector<1x256xf32> to vector<32x256xf32>
    %max3A_1479 = arith.maximumf %max3A_1477, %max3A_1478 : vector<32x256xf32>
    %slice3A_1480 = vector.extract_strided_slice %slice3A_1471 {offsets = [0, 2], sizes = [32, 1], strides = [1, 1]} : vector<32x8xf32> to vector<32x1xf32>
    %min3A_1481 = vector.broadcast %slice3A_1480 : vector<32x1xf32> to vector<32x256xf32>
    %min3A_1482 = vector.broadcast %slice3A_1468 : vector<1x256xf32> to vector<32x256xf32>
    %min3A_1483 = arith.minimumf %min3A_1481, %min3A_1482 : vector<32x256xf32>
    %slice3A_1484 = vector.extract_strided_slice %slice3A_1471 {offsets = [0, 3], sizes = [32, 1], strides = [1, 1]} : vector<32x8xf32> to vector<32x1xf32>
    %min3A_1485 = vector.broadcast %slice3A_1484 : vector<32x1xf32> to vector<32x256xf32>
    %min3A_1486 = vector.broadcast %slice3A_1469 : vector<1x256xf32> to vector<32x256xf32>
    %min3A_1487 = arith.minimumf %min3A_1485, %min3A_1486 : vector<32x256xf32>
    %sub3A_1488 = arith.subf %min3A_1483, %max3A_1475 : vector<32x256xf32>
    %add3A_1489 = arith.constant 1.000000e+00 : f32
    %add3A_1490 = vector.broadcast %add3A_1489 : f32 to vector<32x256xf32>
    %add3A_1491 = arith.addf %sub3A_1488, %add3A_1490 : vector<32x256xf32>
    %max3A_1492 = arith.constant 0.000000e+00 : f32
    %max3A_1493 = vector.broadcast %max3A_1492 : f32 to vector<32x256xf32>
    %max3A_1494 = arith.maximumf %max3A_1493, %add3A_1491 : vector<32x256xf32>
    %sub3A_1495 = arith.subf %min3A_1487, %max3A_1479 : vector<32x256xf32>
    %add3A_1496 = arith.constant 1.000000e+00 : f32
    %add3A_1497 = vector.broadcast %add3A_1496 : f32 to vector<32x256xf32>
    %add3A_1498 = arith.addf %sub3A_1495, %add3A_1497 : vector<32x256xf32>
    %mul3A_1499 = arith.mulf %max3A_1494, %add3A_1498 : vector<32x256xf32>
    %slice3A_1500 = vector.extract_strided_slice %slice3A_1471 {offsets = [0, 4], sizes = [32, 1], strides = [1, 1]} : vector<32x8xf32> to vector<32x1xf32>
    %add3A_1501 = vector.broadcast %slice3A_1500 : vector<32x1xf32> to vector<32x256xf32>
    %add3A_1502 = vector.broadcast %slice3A_1470 : vector<1x256xf32> to vector<32x256xf32>
    %add3A_1503 = arith.addf %add3A_1501, %add3A_1502 : vector<32x256xf32>
    %sub3A_1504 = arith.subf %add3A_1503, %mul3A_1499 : vector<32x256xf32>
    %div3A_1505 = arith.divf %mul3A_1499, %sub3A_1504 : vector<32x256xf32>
    %gt3A_1506 = arith.constant 3.000000e-01 : f32
    %gt3A_1507 = vector.broadcast %gt3A_1506 : f32 to vector<32x256xf32>
    %gt3A_1508 = arith.cmpf ogt, %div3A_1505, %gt3A_1507 : vector<32x256xf32>
    %convert_element_type3A_1509 = arith.extui %gt3A_1508 : vector<32x256xi1> to vector<32x256xi32>
    %convert_element_type3A_1510 = arith.sitofp %convert_element_type3A_1509 : vector<32x256xi32> to vector<32x256xf32>
    %dot_general3A_1511 = arith.constant dense<0.000000e+00> : vector<2x256xf32>
    %dot_general3A_1512 = tpu.matmul %convert_element_type3A_31, %convert_element_type3A_1510, %dot_general3A_1511 {dimension_numbers = #tpu.dot_dimension_numbers<[1], [0], [0], [1], [0, 0, 1, 1], [], []>, transpose_lhs_hint = false} : vector<2x32xf32>, vector<32x256xf32>, vector<2x256xf32> -> vector<2x256xf32>
    %slice3A_1513 = vector.extract_strided_slice %dot_general3A_1512 {offsets = [0, 0], sizes = [1, 256], strides = [1, 1]} : vector<2x256xf32> to vector<1x256xf32>
    %convert_element_type3A_1514 = arith.fptosi %slice3A_1513 : vector<1x256xf32> to vector<1x256xi32>
    %slice3A_1515 = vector.extract_strided_slice %dot_general3A_1512 {offsets = [1, 0], sizes = [1, 256], strides = [1, 1]} : vector<2x256xf32> to vector<1x256xf32>
    %convert_element_type3A_1516 = arith.fptosi %slice3A_1515 : vector<1x256xf32> to vector<1x256xi32>
    %shift_left3A_1517 = arith.constant 16 : i32
    %shift_left3A_1518 = vector.broadcast %shift_left3A_1517 : i32 to vector<1x256xi32>
    %shift_left3A_1519 = arith.shli %convert_element_type3A_1516, %shift_left3A_1518 : vector<1x256xi32>
    %or3A_1520 = arith.ori %convert_element_type3A_1514, %shift_left3A_1519 : vector<1x256xi32>
    %swap3A_1521 = arith.constant 0 : index
    %swap3A_1522 = arith.constant 512 : index
    %swap3A_1523 = vector.load %arg3[%swap3A_1521, %swap3A_1522] : memref<32x1024xi32, #tpu.memory_space<vmem>>, vector<1x256xi32>
    tpu.vector_store %arg3[%swap3A_1521, %swap3A_1522], %or3A_1520 {strides = array<i32>} : memref<32x1024xi32, #tpu.memory_space<vmem>>, vector<1x256xi32>,
    %slice3A_1524 = vector.extract_strided_slice %transpose3A {offsets = [32, 0], sizes = [32, 8], strides = [1, 1]} : vector<1024x8xf32> to vector<32x8xf32>
    %slice3A_1525 = vector.extract_strided_slice %slice3A_1524 {offsets = [0, 0], sizes = [32, 1], strides = [1, 1]} : vector<32x8xf32> to vector<32x1xf32>
    %max3A_1526 = vector.broadcast %slice3A_1525 : vector<32x1xf32> to vector<32x256xf32>
    %max3A_1527 = vector.broadcast %slice3A_1466 : vector<1x256xf32> to vector<32x256xf32>
    %max3A_1528 = arith.maximumf %max3A_1526, %max3A_1527 : vector<32x256xf32>
    %slice3A_1529 = vector.extract_strided_slice %slice3A_1524 {offsets = [0, 1], sizes = [32, 1], strides = [1, 1]} : vector<32x8xf32> to vector<32x1xf32>
    %max3A_1530 = vector.broadcast %slice3A_1529 : vector<32x1xf32> to vector<32x256xf32>
    %max3A_1531 = vector.broadcast %slice3A_1467 : vector<1x256xf32> to vector<32x256xf32>
    %max3A_1532 = arith.maximumf %max3A_1530, %max3A_1531 : vector<32x256xf32>
    %slice3A_1533 = vector.extract_strided_slice %slice3A_1524 {offsets = [0, 2], sizes = [32, 1], strides = [1, 1]} : vector<32x8xf32> to vector<32x1xf32>
    %min3A_1534 = vector.broadcast %slice3A_1533 : vector<32x1xf32> to vector<32x256xf32>
    %min3A_1535 = vector.broadcast %slice3A_1468 : vector<1x256xf32> to vector<32x256xf32>
    %min3A_1536 = arith.minimumf %min3A_1534, %min3A_1535 : vector<32x256xf32>
    %slice3A_1537 = vector.extract_strided_slice %slice3A_1524 {offsets = [0, 3], sizes = [32, 1], strides = [1, 1]} : vector<32x8xf32> to vector<32x1xf32>
    %min3A_1538 = vector.broadcast %slice3A_1537 : vector<32x1xf32> to vector<32x256xf32>
    %min3A_1539 = vector.broadcast %slice3A_1469 : vector<1x256xf32> to vector<32x256xf32>
    %min3A_1540 = arith.minimumf %min3A_1538, %min3A_1539 : vector<32x256xf32>
    %sub3A_1541 = arith.subf %min3A_1536, %max3A_1528 : vector<32x256xf32>
    %add3A_1542 = arith.constant 1.000000e+00 : f32
    %add3A_1543 = vector.broadcast %add3A_1542 : f32 to vector<32x256xf32>
    %add3A_1544 = arith.addf %sub3A_1541, %add3A_1543 : vector<32x256xf32>
    %max3A_1545 = arith.constant 0.000000e+00 : f32
    %max3A_1546 = vector.broadcast %max3A_1545 : f32 to vector<32x256xf32>
    %max3A_1547 = arith.maximumf %max3A_1546, %add3A_1544 : vector<32x256xf32>
    %sub3A_1548 = arith.subf %min3A_1540, %max3A_1532 : vector<32x256xf32>
    %add3A_1549 = arith.constant 1.000000e+00 : f32
    %add3A_1550 = vector.broadcast %add3A_1549 : f32 to vector<32x256xf32>
    %add3A_1551 = arith.addf %sub3A_1548, %add3A_1550 : vector<32x256xf32>
    %mul3A_1552 = arith.mulf %max3A_1547, %add3A_1551 : vector<32x256xf32>
    %slice3A_1553 = vector.extract_strided_slice %slice3A_1524 {offsets = [0, 4], sizes = [32, 1], strides = [1, 1]} : vector<32x8xf32> to vector<32x1xf32>
    %add3A_1554 = vector.broadcast %slice3A_1553 : vector<32x1xf32> to vector<32x256xf32>
    %add3A_1555 = vector.broadcast %slice3A_1470 : vector<1x256xf32> to vector<32x256xf32>
    %add3A_1556 = arith.addf %add3A_1554, %add3A_1555 : vector<32x256xf32>
    %sub3A_1557 = arith.subf %add3A_1556, %mul3A_1552 : vector<32x256xf32>
    %div3A_1558 = arith.divf %mul3A_1552, %sub3A_1557 : vector<32x256xf32>
    %gt3A_1559 = arith.constant 3.000000e-01 : f32
    %gt3A_1560 = vector.broadcast %gt3A_1559 : f32 to vector<32x256xf32>
    %gt3A_1561 = arith.cmpf ogt, %div3A_1558, %gt3A_1560 : vector<32x256xf32>
    %convert_element_type3A_1562 = arith.extui %gt3A_1561 : vector<32x256xi1> to vector<32x256xi32>
    %convert_element_type3A_1563 = arith.sitofp %convert_element_type3A_1562 : vector<32x256xi32> to vector<32x256xf32>
    %dot_general3A_1564 = arith.constant dense<0.000000e+00> : vector<2x256xf32>
    %dot_general3A_1565 = tpu.matmul %convert_element_type3A_31, %convert_element_type3A_1563, %dot_general3A_1564 {dimension_numbers = #tpu.dot_dimension_numbers<[1], [0], [0], [1], [0, 0, 1, 1], [], []>, transpose_lhs_hint = false} : vector<2x32xf32>, vector<32x256xf32>, vector<2x256xf32> -> vector<2x256xf32>
    %slice3A_1566 = vector.extract_strided_slice %dot_general3A_1565 {offsets = [0, 0], sizes = [1, 256], strides = [1, 1]} : vector<2x256xf32> to vector<1x256xf32>
    %convert_element_type3A_1567 = arith.fptosi %slice3A_1566 : vector<1x256xf32> to vector<1x256xi32>
    %slice3A_1568 = vector.extract_strided_slice %dot_general3A_1565 {offsets = [1, 0], sizes = [1, 256], strides = [1, 1]} : vector<2x256xf32> to vector<1x256xf32>
    %convert_element_type3A_1569 = arith.fptosi %slice3A_1568 : vector<1x256xf32> to vector<1x256xi32>
    %shift_left3A_1570 = arith.constant 16 : i32
    %shift_left3A_1571 = vector.broadcast %shift_left3A_1570 : i32 to vector<1x256xi32>
    %shift_left3A_1572 = arith.shli %convert_element_type3A_1569, %shift_left3A_1571 : vector<1x256xi32>
    %or3A_1573 = arith.ori %convert_element_type3A_1567, %shift_left3A_1572 : vector<1x256xi32>
    %swap3A_1574 = arith.constant 1 : index
    %swap3A_1575 = arith.constant 512 : index
    %swap3A_1576 = vector.load %arg3[%swap3A_1574, %swap3A_1575] : memref<32x1024xi32, #tpu.memory_space<vmem>>, vector<1x256xi32>
    tpu.vector_store %arg3[%swap3A_1574, %swap3A_1575], %or3A_1573 {strides = array<i32>} : memref<32x1024xi32, #tpu.memory_space<vmem>>, vector<1x256xi32>,
    %slice3A_1577 = vector.extract_strided_slice %transpose3A {offsets = [64, 0], sizes = [32, 8], strides = [1, 1]} : vector<1024x8xf32> to vector<32x8xf32>
    %slice3A_1578 = vector.extract_strided_slice %slice3A_1577 {offsets = [0, 0], sizes = [32, 1], strides = [1, 1]} : vector<32x8xf32> to vector<32x1xf32>
    %max3A_1579 = vector.broadcast %slice3A_1578 : vector<32x1xf32> to vector<32x256xf32>
    %max3A_1580 = vector.broadcast %slice3A_1466 : vector<1x256xf32> to vector<32x256xf32>
    %max3A_1581 = arith.maximumf %max3A_1579, %max3A_1580 : vector<32x256xf32>
    %slice3A_1582 = vector.extract_strided_slice %slice3A_1577 {offsets = [0, 1], sizes = [32, 1], strides = [1, 1]} : vector<32x8xf32> to vector<32x1xf32>
    %max3A_1583 = vector.broadcast %slice3A_1582 : vector<32x1xf32> to vector<32x256xf32>
    %max3A_1584 = vector.broadcast %slice3A_1467 : vector<1x256xf32> to vector<32x256xf32>
    %max3A_1585 = arith.maximumf %max3A_1583, %max3A_1584 : vector<32x256xf32>
    %slice3A_1586 = vector.extract_strided_slice %slice3A_1577 {offsets = [0, 2], sizes = [32, 1], strides = [1, 1]} : vector<32x8xf32> to vector<32x1xf32>
    %min3A_1587 = vector.broadcast %slice3A_1586 : vector<32x1xf32> to vector<32x256xf32>
    %min3A_1588 = vector.broadcast %slice3A_1468 : vector<1x256xf32> to vector<32x256xf32>
    %min3A_1589 = arith.minimumf %min3A_1587, %min3A_1588 : vector<32x256xf32>
    %slice3A_1590 = vector.extract_strided_slice %slice3A_1577 {offsets = [0, 3], sizes = [32, 1], strides = [1, 1]} : vector<32x8xf32> to vector<32x1xf32>
    %min3A_1591 = vector.broadcast %slice3A_1590 : vector<32x1xf32> to vector<32x256xf32>
    %min3A_1592 = vector.broadcast %slice3A_1469 : vector<1x256xf32> to vector<32x256xf32>
    %min3A_1593 = arith.minimumf %min3A_1591, %min3A_1592 : vector<32x256xf32>
    %sub3A_1594 = arith.subf %min3A_1589, %max3A_1581 : vector<32x256xf32>
    %add3A_1595 = arith.constant 1.000000e+00 : f32
    %add3A_1596 = vector.broadcast %add3A_1595 : f32 to vector<32x256xf32>
    %add3A_1597 = arith.addf %sub3A_1594, %add3A_1596 : vector<32x256xf32>
    %max3A_1598 = arith.constant 0.000000e+00 : f32
    %max3A_1599 = vector.broadcast %max3A_1598 : f32 to vector<32x256xf32>
    %max3A_1600 = arith.maximumf %max3A_1599, %add3A_1597 : vector<32x256xf32>
    %sub3A_1601 = arith.subf %min3A_1593, %max3A_1585 : vector<32x256xf32>
    %add3A_1602 = arith.constant 1.000000e+00 : f32
    %add3A_1603 = vector.broadcast %add3A_1602 : f32 to vector<32x256xf32>
    %add3A_1604 = arith.addf %sub3A_1601, %add3A_1603 : vector<32x256xf32>
    %mul3A_1605 = arith.mulf %max3A_1600, %add3A_1604 : vector<32x256xf32>
    %slice3A_1606 = vector.extract_strided_slice %slice3A_1577 {offsets = [0, 4], sizes = [32, 1], strides = [1, 1]} : vector<32x8xf32> to vector<32x1xf32>
    %add3A_1607 = vector.broadcast %slice3A_1606 : vector<32x1xf32> to vector<32x256xf32>
    %add3A_1608 = vector.broadcast %slice3A_1470 : vector<1x256xf32> to vector<32x256xf32>
    %add3A_1609 = arith.addf %add3A_1607, %add3A_1608 : vector<32x256xf32>
    %sub3A_1610 = arith.subf %add3A_1609, %mul3A_1605 : vector<32x256xf32>
    %div3A_1611 = arith.divf %mul3A_1605, %sub3A_1610 : vector<32x256xf32>
    %gt3A_1612 = arith.constant 3.000000e-01 : f32
    %gt3A_1613 = vector.broadcast %gt3A_1612 : f32 to vector<32x256xf32>
    %gt3A_1614 = arith.cmpf ogt, %div3A_1611, %gt3A_1613 : vector<32x256xf32>
    %convert_element_type3A_1615 = arith.extui %gt3A_1614 : vector<32x256xi1> to vector<32x256xi32>
    %convert_element_type3A_1616 = arith.sitofp %convert_element_type3A_1615 : vector<32x256xi32> to vector<32x256xf32>
    %dot_general3A_1617 = arith.constant dense<0.000000e+00> : vector<2x256xf32>
    %dot_general3A_1618 = tpu.matmul %convert_element_type3A_31, %convert_element_type3A_1616, %dot_general3A_1617 {dimension_numbers = #tpu.dot_dimension_numbers<[1], [0], [0], [1], [0, 0, 1, 1], [], []>, transpose_lhs_hint = false} : vector<2x32xf32>, vector<32x256xf32>, vector<2x256xf32> -> vector<2x256xf32>
    %slice3A_1619 = vector.extract_strided_slice %dot_general3A_1618 {offsets = [0, 0], sizes = [1, 256], strides = [1, 1]} : vector<2x256xf32> to vector<1x256xf32>
    %convert_element_type3A_1620 = arith.fptosi %slice3A_1619 : vector<1x256xf32> to vector<1x256xi32>
    %slice3A_1621 = vector.extract_strided_slice %dot_general3A_1618 {offsets = [1, 0], sizes = [1, 256], strides = [1, 1]} : vector<2x256xf32> to vector<1x256xf32>
    %convert_element_type3A_1622 = arith.fptosi %slice3A_1621 : vector<1x256xf32> to vector<1x256xi32>
    %shift_left3A_1623 = arith.constant 16 : i32
    %shift_left3A_1624 = vector.broadcast %shift_left3A_1623 : i32 to vector<1x256xi32>
    %shift_left3A_1625 = arith.shli %convert_element_type3A_1622, %shift_left3A_1624 : vector<1x256xi32>
    %or3A_1626 = arith.ori %convert_element_type3A_1620, %shift_left3A_1625 : vector<1x256xi32>
    %swap3A_1627 = arith.constant 2 : index
    %swap3A_1628 = arith.constant 512 : index
    %swap3A_1629 = vector.load %arg3[%swap3A_1627, %swap3A_1628] : memref<32x1024xi32, #tpu.memory_space<vmem>>, vector<1x256xi32>
    tpu.vector_store %arg3[%swap3A_1627, %swap3A_1628], %or3A_1626 {strides = array<i32>} : memref<32x1024xi32, #tpu.memory_space<vmem>>, vector<1x256xi32>,
    %slice3A_1630 = vector.extract_strided_slice %transpose3A {offsets = [96, 0], sizes = [32, 8], strides = [1, 1]} : vector<1024x8xf32> to vector<32x8xf32>
    %slice3A_1631 = vector.extract_strided_slice %slice3A_1630 {offsets = [0, 0], sizes = [32, 1], strides = [1, 1]} : vector<32x8xf32> to vector<32x1xf32>
    %max3A_1632 = vector.broadcast %slice3A_1631 : vector<32x1xf32> to vector<32x256xf32>
    %max3A_1633 = vector.broadcast %slice3A_1466 : vector<1x256xf32> to vector<32x256xf32>
    %max3A_1634 = arith.maximumf %max3A_1632, %max3A_1633 : vector<32x256xf32>
    %slice3A_1635 = vector.extract_strided_slice %slice3A_1630 {offsets = [0, 1], sizes = [32, 1], strides = [1, 1]} : vector<32x8xf32> to vector<32x1xf32>
    %max3A_1636 = vector.broadcast %slice3A_1635 : vector<32x1xf32> to vector<32x256xf32>
    %max3A_1637 = vector.broadcast %slice3A_1467 : vector<1x256xf32> to vector<32x256xf32>
    %max3A_1638 = arith.maximumf %max3A_1636, %max3A_1637 : vector<32x256xf32>
    %slice3A_1639 = vector.extract_strided_slice %slice3A_1630 {offsets = [0, 2], sizes = [32, 1], strides = [1, 1]} : vector<32x8xf32> to vector<32x1xf32>
    %min3A_1640 = vector.broadcast %slice3A_1639 : vector<32x1xf32> to vector<32x256xf32>
    %min3A_1641 = vector.broadcast %slice3A_1468 : vector<1x256xf32> to vector<32x256xf32>
    %min3A_1642 = arith.minimumf %min3A_1640, %min3A_1641 : vector<32x256xf32>
    %slice3A_1643 = vector.extract_strided_slice %slice3A_1630 {offsets = [0, 3], sizes = [32, 1], strides = [1, 1]} : vector<32x8xf32> to vector<32x1xf32>
    %min3A_1644 = vector.broadcast %slice3A_1643 : vector<32x1xf32> to vector<32x256xf32>
    %min3A_1645 = vector.broadcast %slice3A_1469 : vector<1x256xf32> to vector<32x256xf32>
    %min3A_1646 = arith.minimumf %min3A_1644, %min3A_1645 : vector<32x256xf32>
    %sub3A_1647 = arith.subf %min3A_1642, %max3A_1634 : vector<32x256xf32>
    %add3A_1648 = arith.constant 1.000000e+00 : f32
    %add3A_1649 = vector.broadcast %add3A_1648 : f32 to vector<32x256xf32>
    %add3A_1650 = arith.addf %sub3A_1647, %add3A_1649 : vector<32x256xf32>
    %max3A_1651 = arith.constant 0.000000e+00 : f32
    %max3A_1652 = vector.broadcast %max3A_1651 : f32 to vector<32x256xf32>
    %max3A_1653 = arith.maximumf %max3A_1652, %add3A_1650 : vector<32x256xf32>
    %sub3A_1654 = arith.subf %min3A_1646, %max3A_1638 : vector<32x256xf32>
    %add3A_1655 = arith.constant 1.000000e+00 : f32
    %add3A_1656 = vector.broadcast %add3A_1655 : f32 to vector<32x256xf32>
    %add3A_1657 = arith.addf %sub3A_1654, %add3A_1656 : vector<32x256xf32>
    %mul3A_1658 = arith.mulf %max3A_1653, %add3A_1657 : vector<32x256xf32>
    %slice3A_1659 = vector.extract_strided_slice %slice3A_1630 {offsets = [0, 4], sizes = [32, 1], strides = [1, 1]} : vector<32x8xf32> to vector<32x1xf32>
    %add3A_1660 = vector.broadcast %slice3A_1659 : vector<32x1xf32> to vector<32x256xf32>
    %add3A_1661 = vector.broadcast %slice3A_1470 : vector<1x256xf32> to vector<32x256xf32>
    %add3A_1662 = arith.addf %add3A_1660, %add3A_1661 : vector<32x256xf32>
    %sub3A_1663 = arith.subf %add3A_1662, %mul3A_1658 : vector<32x256xf32>
    %div3A_1664 = arith.divf %mul3A_1658, %sub3A_1663 : vector<32x256xf32>
    %gt3A_1665 = arith.constant 3.000000e-01 : f32
    %gt3A_1666 = vector.broadcast %gt3A_1665 : f32 to vector<32x256xf32>
    %gt3A_1667 = arith.cmpf ogt, %div3A_1664, %gt3A_1666 : vector<32x256xf32>
    %convert_element_type3A_1668 = arith.extui %gt3A_1667 : vector<32x256xi1> to vector<32x256xi32>
    %convert_element_type3A_1669 = arith.sitofp %convert_element_type3A_1668 : vector<32x256xi32> to vector<32x256xf32>
    %dot_general3A_1670 = arith.constant dense<0.000000e+00> : vector<2x256xf32>
    %dot_general3A_1671 = tpu.matmul %convert_element_type3A_31, %convert_element_type3A_1669, %dot_general3A_1670 {dimension_numbers = #tpu.dot_dimension_numbers<[1], [0], [0], [1], [0, 0, 1, 1], [], []>, transpose_lhs_hint = false} : vector<2x32xf32>, vector<32x256xf32>, vector<2x256xf32> -> vector<2x256xf32>
    %slice3A_1672 = vector.extract_strided_slice %dot_general3A_1671 {offsets = [0, 0], sizes = [1, 256], strides = [1, 1]} : vector<2x256xf32> to vector<1x256xf32>
    %convert_element_type3A_1673 = arith.fptosi %slice3A_1672 : vector<1x256xf32> to vector<1x256xi32>
    %slice3A_1674 = vector.extract_strided_slice %dot_general3A_1671 {offsets = [1, 0], sizes = [1, 256], strides = [1, 1]} : vector<2x256xf32> to vector<1x256xf32>
    %convert_element_type3A_1675 = arith.fptosi %slice3A_1674 : vector<1x256xf32> to vector<1x256xi32>
    %shift_left3A_1676 = arith.constant 16 : i32
    %shift_left3A_1677 = vector.broadcast %shift_left3A_1676 : i32 to vector<1x256xi32>
    %shift_left3A_1678 = arith.shli %convert_element_type3A_1675, %shift_left3A_1677 : vector<1x256xi32>
    %or3A_1679 = arith.ori %convert_element_type3A_1673, %shift_left3A_1678 : vector<1x256xi32>
    %swap3A_1680 = arith.constant 3 : index
    %swap3A_1681 = arith.constant 512 : index
    %swap3A_1682 = vector.load %arg3[%swap3A_1680, %swap3A_1681] : memref<32x1024xi32, #tpu.memory_space<vmem>>, vector<1x256xi32>
    tpu.vector_store %arg3[%swap3A_1680, %swap3A_1681], %or3A_1679 {strides = array<i32>} : memref<32x1024xi32, #tpu.memory_space<vmem>>, vector<1x256xi32>,
    %slice3A_1683 = vector.extract_strided_slice %transpose3A {offsets = [128, 0], sizes = [32, 8], strides = [1, 1]} : vector<1024x8xf32> to vector<32x8xf32>
    %slice3A_1684 = vector.extract_strided_slice %slice3A_1683 {offsets = [0, 0], sizes = [32, 1], strides = [1, 1]} : vector<32x8xf32> to vector<32x1xf32>
    %max3A_1685 = vector.broadcast %slice3A_1684 : vector<32x1xf32> to vector<32x256xf32>
    %max3A_1686 = vector.broadcast %slice3A_1466 : vector<1x256xf32> to vector<32x256xf32>
    %max3A_1687 = arith.maximumf %max3A_1685, %max3A_1686 : vector<32x256xf32>
    %slice3A_1688 = vector.extract_strided_slice %slice3A_1683 {offsets = [0, 1], sizes = [32, 1], strides = [1, 1]} : vector<32x8xf32> to vector<32x1xf32>
    %max3A_1689 = vector.broadcast %slice3A_1688 : vector<32x1xf32> to vector<32x256xf32>
    %max3A_1690 = vector.broadcast %slice3A_1467 : vector<1x256xf32> to vector<32x256xf32>
    %max3A_1691 = arith.maximumf %max3A_1689, %max3A_1690 : vector<32x256xf32>
    %slice3A_1692 = vector.extract_strided_slice %slice3A_1683 {offsets = [0, 2], sizes = [32, 1], strides = [1, 1]} : vector<32x8xf32> to vector<32x1xf32>
    %min3A_1693 = vector.broadcast %slice3A_1692 : vector<32x1xf32> to vector<32x256xf32>
    %min3A_1694 = vector.broadcast %slice3A_1468 : vector<1x256xf32> to vector<32x256xf32>
    %min3A_1695 = arith.minimumf %min3A_1693, %min3A_1694 : vector<32x256xf32>
    %slice3A_1696 = vector.extract_strided_slice %slice3A_1683 {offsets = [0, 3], sizes = [32, 1], strides = [1, 1]} : vector<32x8xf32> to vector<32x1xf32>
    %min3A_1697 = vector.broadcast %slice3A_1696 : vector<32x1xf32> to vector<32x256xf32>
    %min3A_1698 = vector.broadcast %slice3A_1469 : vector<1x256xf32> to vector<32x256xf32>
    %min3A_1699 = arith.minimumf %min3A_1697, %min3A_1698 : vector<32x256xf32>
    %sub3A_1700 = arith.subf %min3A_1695, %max3A_1687 : vector<32x256xf32>
    %add3A_1701 = arith.constant 1.000000e+00 : f32
    %add3A_1702 = vector.broadcast %add3A_1701 : f32 to vector<32x256xf32>
    %add3A_1703 = arith.addf %sub3A_1700, %add3A_1702 : vector<32x256xf32>
    %max3A_1704 = arith.constant 0.000000e+00 : f32
    %max3A_1705 = vector.broadcast %max3A_1704 : f32 to vector<32x256xf32>
    %max3A_1706 = arith.maximumf %max3A_1705, %add3A_1703 : vector<32x256xf32>
    %sub3A_1707 = arith.subf %min3A_1699, %max3A_1691 : vector<32x256xf32>
    %add3A_1708 = arith.constant 1.000000e+00 : f32
    %add3A_1709 = vector.broadcast %add3A_1708 : f32 to vector<32x256xf32>
    %add3A_1710 = arith.addf %sub3A_1707, %add3A_1709 : vector<32x256xf32>
    %mul3A_1711 = arith.mulf %max3A_1706, %add3A_1710 : vector<32x256xf32>
    %slice3A_1712 = vector.extract_strided_slice %slice3A_1683 {offsets = [0, 4], sizes = [32, 1], strides = [1, 1]} : vector<32x8xf32> to vector<32x1xf32>
    %add3A_1713 = vector.broadcast %slice3A_1712 : vector<32x1xf32> to vector<32x256xf32>
    %add3A_1714 = vector.broadcast %slice3A_1470 : vector<1x256xf32> to vector<32x256xf32>
    %add3A_1715 = arith.addf %add3A_1713, %add3A_1714 : vector<32x256xf32>
    %sub3A_1716 = arith.subf %add3A_1715, %mul3A_1711 : vector<32x256xf32>
    %div3A_1717 = arith.divf %mul3A_1711, %sub3A_1716 : vector<32x256xf32>
    %gt3A_1718 = arith.constant 3.000000e-01 : f32
    %gt3A_1719 = vector.broadcast %gt3A_1718 : f32 to vector<32x256xf32>
    %gt3A_1720 = arith.cmpf ogt, %div3A_1717, %gt3A_1719 : vector<32x256xf32>
    %convert_element_type3A_1721 = arith.extui %gt3A_1720 : vector<32x256xi1> to vector<32x256xi32>
    %convert_element_type3A_1722 = arith.sitofp %convert_element_type3A_1721 : vector<32x256xi32> to vector<32x256xf32>
    %dot_general3A_1723 = arith.constant dense<0.000000e+00> : vector<2x256xf32>
    %dot_general3A_1724 = tpu.matmul %convert_element_type3A_31, %convert_element_type3A_1722, %dot_general3A_1723 {dimension_numbers = #tpu.dot_dimension_numbers<[1], [0], [0], [1], [0, 0, 1, 1], [], []>, transpose_lhs_hint = false} : vector<2x32xf32>, vector<32x256xf32>, vector<2x256xf32> -> vector<2x256xf32>
    %slice3A_1725 = vector.extract_strided_slice %dot_general3A_1724 {offsets = [0, 0], sizes = [1, 256], strides = [1, 1]} : vector<2x256xf32> to vector<1x256xf32>
    %convert_element_type3A_1726 = arith.fptosi %slice3A_1725 : vector<1x256xf32> to vector<1x256xi32>
    %slice3A_1727 = vector.extract_strided_slice %dot_general3A_1724 {offsets = [1, 0], sizes = [1, 256], strides = [1, 1]} : vector<2x256xf32> to vector<1x256xf32>
    %convert_element_type3A_1728 = arith.fptosi %slice3A_1727 : vector<1x256xf32> to vector<1x256xi32>
    %shift_left3A_1729 = arith.constant 16 : i32
    %shift_left3A_1730 = vector.broadcast %shift_left3A_1729 : i32 to vector<1x256xi32>
    %shift_left3A_1731 = arith.shli %convert_element_type3A_1728, %shift_left3A_1730 : vector<1x256xi32>
    %or3A_1732 = arith.ori %convert_element_type3A_1726, %shift_left3A_1731 : vector<1x256xi32>
    %swap3A_1733 = arith.constant 4 : index
    %swap3A_1734 = arith.constant 512 : index
    %swap3A_1735 = vector.load %arg3[%swap3A_1733, %swap3A_1734] : memref<32x1024xi32, #tpu.memory_space<vmem>>, vector<1x256xi32>
    tpu.vector_store %arg3[%swap3A_1733, %swap3A_1734], %or3A_1732 {strides = array<i32>} : memref<32x1024xi32, #tpu.memory_space<vmem>>, vector<1x256xi32>,
    %slice3A_1736 = vector.extract_strided_slice %transpose3A {offsets = [160, 0], sizes = [32, 8], strides = [1, 1]} : vector<1024x8xf32> to vector<32x8xf32>
    %slice3A_1737 = vector.extract_strided_slice %slice3A_1736 {offsets = [0, 0], sizes = [32, 1], strides = [1, 1]} : vector<32x8xf32> to vector<32x1xf32>
    %max3A_1738 = vector.broadcast %slice3A_1737 : vector<32x1xf32> to vector<32x256xf32>
    %max3A_1739 = vector.broadcast %slice3A_1466 : vector<1x256xf32> to vector<32x256xf32>
    %max3A_1740 = arith.maximumf %max3A_1738, %max3A_1739 : vector<32x256xf32>
    %slice3A_1741 = vector.extract_strided_slice %slice3A_1736 {offsets = [0, 1], sizes = [32, 1], strides = [1, 1]} : vector<32x8xf32> to vector<32x1xf32>
    %max3A_1742 = vector.broadcast %slice3A_1741 : vector<32x1xf32> to vector<32x256xf32>
    %max3A_1743 = vector.broadcast %slice3A_1467 : vector<1x256xf32> to vector<32x256xf32>
    %max3A_1744 = arith.maximumf %max3A_1742, %max3A_1743 : vector<32x256xf32>
    %slice3A_1745 = vector.extract_strided_slice %slice3A_1736 {offsets = [0, 2], sizes = [32, 1], strides = [1, 1]} : vector<32x8xf32> to vector<32x1xf32>
    %min3A_1746 = vector.broadcast %slice3A_1745 : vector<32x1xf32> to vector<32x256xf32>
    %min3A_1747 = vector.broadcast %slice3A_1468 : vector<1x256xf32> to vector<32x256xf32>
    %min3A_1748 = arith.minimumf %min3A_1746, %min3A_1747 : vector<32x256xf32>
    %slice3A_1749 = vector.extract_strided_slice %slice3A_1736 {offsets = [0, 3], sizes = [32, 1], strides = [1, 1]} : vector<32x8xf32> to vector<32x1xf32>
    %min3A_1750 = vector.broadcast %slice3A_1749 : vector<32x1xf32> to vector<32x256xf32>
    %min3A_1751 = vector.broadcast %slice3A_1469 : vector<1x256xf32> to vector<32x256xf32>
    %min3A_1752 = arith.minimumf %min3A_1750, %min3A_1751 : vector<32x256xf32>
    %sub3A_1753 = arith.subf %min3A_1748, %max3A_1740 : vector<32x256xf32>
    %add3A_1754 = arith.constant 1.000000e+00 : f32
    %add3A_1755 = vector.broadcast %add3A_1754 : f32 to vector<32x256xf32>
    %add3A_1756 = arith.addf %sub3A_1753, %add3A_1755 : vector<32x256xf32>
    %max3A_1757 = arith.constant 0.000000e+00 : f32
    %max3A_1758 = vector.broadcast %max3A_1757 : f32 to vector<32x256xf32>
    %max3A_1759 = arith.maximumf %max3A_1758, %add3A_1756 : vector<32x256xf32>
    %sub3A_1760 = arith.subf %min3A_1752, %max3A_1744 : vector<32x256xf32>
    %add3A_1761 = arith.constant 1.000000e+00 : f32
    %add3A_1762 = vector.broadcast %add3A_1761 : f32 to vector<32x256xf32>
    %add3A_1763 = arith.addf %sub3A_1760, %add3A_1762 : vector<32x256xf32>
    %mul3A_1764 = arith.mulf %max3A_1759, %add3A_1763 : vector<32x256xf32>
    %slice3A_1765 = vector.extract_strided_slice %slice3A_1736 {offsets = [0, 4], sizes = [32, 1], strides = [1, 1]} : vector<32x8xf32> to vector<32x1xf32>
    %add3A_1766 = vector.broadcast %slice3A_1765 : vector<32x1xf32> to vector<32x256xf32>
    %add3A_1767 = vector.broadcast %slice3A_1470 : vector<1x256xf32> to vector<32x256xf32>
    %add3A_1768 = arith.addf %add3A_1766, %add3A_1767 : vector<32x256xf32>
    %sub3A_1769 = arith.subf %add3A_1768, %mul3A_1764 : vector<32x256xf32>
    %div3A_1770 = arith.divf %mul3A_1764, %sub3A_1769 : vector<32x256xf32>
    %gt3A_1771 = arith.constant 3.000000e-01 : f32
    %gt3A_1772 = vector.broadcast %gt3A_1771 : f32 to vector<32x256xf32>
    %gt3A_1773 = arith.cmpf ogt, %div3A_1770, %gt3A_1772 : vector<32x256xf32>
    %convert_element_type3A_1774 = arith.extui %gt3A_1773 : vector<32x256xi1> to vector<32x256xi32>
    %convert_element_type3A_1775 = arith.sitofp %convert_element_type3A_1774 : vector<32x256xi32> to vector<32x256xf32>
    %dot_general3A_1776 = arith.constant dense<0.000000e+00> : vector<2x256xf32>
    %dot_general3A_1777 = tpu.matmul %convert_element_type3A_31, %convert_element_type3A_1775, %dot_general3A_1776 {dimension_numbers = #tpu.dot_dimension_numbers<[1], [0], [0], [1], [0, 0, 1, 1], [], []>, transpose_lhs_hint = false} : vector<2x32xf32>, vector<32x256xf32>, vector<2x256xf32> -> vector<2x256xf32>
    %slice3A_1778 = vector.extract_strided_slice %dot_general3A_1777 {offsets = [0, 0], sizes = [1, 256], strides = [1, 1]} : vector<2x256xf32> to vector<1x256xf32>
    %convert_element_type3A_1779 = arith.fptosi %slice3A_1778 : vector<1x256xf32> to vector<1x256xi32>
    %slice3A_1780 = vector.extract_strided_slice %dot_general3A_1777 {offsets = [1, 0], sizes = [1, 256], strides = [1, 1]} : vector<2x256xf32> to vector<1x256xf32>
    %convert_element_type3A_1781 = arith.fptosi %slice3A_1780 : vector<1x256xf32> to vector<1x256xi32>
    %shift_left3A_1782 = arith.constant 16 : i32
    %shift_left3A_1783 = vector.broadcast %shift_left3A_1782 : i32 to vector<1x256xi32>
    %shift_left3A_1784 = arith.shli %convert_element_type3A_1781, %shift_left3A_1783 : vector<1x256xi32>
    %or3A_1785 = arith.ori %convert_element_type3A_1779, %shift_left3A_1784 : vector<1x256xi32>
    %swap3A_1786 = arith.constant 5 : index
    %swap3A_1787 = arith.constant 512 : index
    %swap3A_1788 = vector.load %arg3[%swap3A_1786, %swap3A_1787] : memref<32x1024xi32, #tpu.memory_space<vmem>>, vector<1x256xi32>
    tpu.vector_store %arg3[%swap3A_1786, %swap3A_1787], %or3A_1785 {strides = array<i32>} : memref<32x1024xi32, #tpu.memory_space<vmem>>, vector<1x256xi32>,
    %slice3A_1789 = vector.extract_strided_slice %transpose3A {offsets = [192, 0], sizes = [32, 8], strides = [1, 1]} : vector<1024x8xf32> to vector<32x8xf32>
    %slice3A_1790 = vector.extract_strided_slice %slice3A_1789 {offsets = [0, 0], sizes = [32, 1], strides = [1, 1]} : vector<32x8xf32> to vector<32x1xf32>
    %max3A_1791 = vector.broadcast %slice3A_1790 : vector<32x1xf32> to vector<32x256xf32>
    %max3A_1792 = vector.broadcast %slice3A_1466 : vector<1x256xf32> to vector<32x256xf32>
    %max3A_1793 = arith.maximumf %max3A_1791, %max3A_1792 : vector<32x256xf32>
    %slice3A_1794 = vector.extract_strided_slice %slice3A_1789 {offsets = [0, 1], sizes = [32, 1], strides = [1, 1]} : vector<32x8xf32> to vector<32x1xf32>
    %max3A_1795 = vector.broadcast %slice3A_1794 : vector<32x1xf32> to vector<32x256xf32>
    %max3A_1796 = vector.broadcast %slice3A_1467 : vector<1x256xf32> to vector<32x256xf32>
    %max3A_1797 = arith.maximumf %max3A_1795, %max3A_1796 : vector<32x256xf32>
    %slice3A_1798 = vector.extract_strided_slice %slice3A_1789 {offsets = [0, 2], sizes = [32, 1], strides = [1, 1]} : vector<32x8xf32> to vector<32x1xf32>
    %min3A_1799 = vector.broadcast %slice3A_1798 : vector<32x1xf32> to vector<32x256xf32>
    %min3A_1800 = vector.broadcast %slice3A_1468 : vector<1x256xf32> to vector<32x256xf32>
    %min3A_1801 = arith.minimumf %min3A_1799, %min3A_1800 : vector<32x256xf32>
    %slice3A_1802 = vector.extract_strided_slice %slice3A_1789 {offsets = [0, 3], sizes = [32, 1], strides = [1, 1]} : vector<32x8xf32> to vector<32x1xf32>
    %min3A_1803 = vector.broadcast %slice3A_1802 : vector<32x1xf32> to vector<32x256xf32>
    %min3A_1804 = vector.broadcast %slice3A_1469 : vector<1x256xf32> to vector<32x256xf32>
    %min3A_1805 = arith.minimumf %min3A_1803, %min3A_1804 : vector<32x256xf32>
    %sub3A_1806 = arith.subf %min3A_1801, %max3A_1793 : vector<32x256xf32>
    %add3A_1807 = arith.constant 1.000000e+00 : f32
    %add3A_1808 = vector.broadcast %add3A_1807 : f32 to vector<32x256xf32>
    %add3A_1809 = arith.addf %sub3A_1806, %add3A_1808 : vector<32x256xf32>
    %max3A_1810 = arith.constant 0.000000e+00 : f32
    %max3A_1811 = vector.broadcast %max3A_1810 : f32 to vector<32x256xf32>
    %max3A_1812 = arith.maximumf %max3A_1811, %add3A_1809 : vector<32x256xf32>
    %sub3A_1813 = arith.subf %min3A_1805, %max3A_1797 : vector<32x256xf32>
    %add3A_1814 = arith.constant 1.000000e+00 : f32
    %add3A_1815 = vector.broadcast %add3A_1814 : f32 to vector<32x256xf32>
    %add3A_1816 = arith.addf %sub3A_1813, %add3A_1815 : vector<32x256xf32>
    %mul3A_1817 = arith.mulf %max3A_1812, %add3A_1816 : vector<32x256xf32>
    %slice3A_1818 = vector.extract_strided_slice %slice3A_1789 {offsets = [0, 4], sizes = [32, 1], strides = [1, 1]} : vector<32x8xf32> to vector<32x1xf32>
    %add3A_1819 = vector.broadcast %slice3A_1818 : vector<32x1xf32> to vector<32x256xf32>
    %add3A_1820 = vector.broadcast %slice3A_1470 : vector<1x256xf32> to vector<32x256xf32>
    %add3A_1821 = arith.addf %add3A_1819, %add3A_1820 : vector<32x256xf32>
    %sub3A_1822 = arith.subf %add3A_1821, %mul3A_1817 : vector<32x256xf32>
    %div3A_1823 = arith.divf %mul3A_1817, %sub3A_1822 : vector<32x256xf32>
    %gt3A_1824 = arith.constant 3.000000e-01 : f32
    %gt3A_1825 = vector.broadcast %gt3A_1824 : f32 to vector<32x256xf32>
    %gt3A_1826 = arith.cmpf ogt, %div3A_1823, %gt3A_1825 : vector<32x256xf32>
    %convert_element_type3A_1827 = arith.extui %gt3A_1826 : vector<32x256xi1> to vector<32x256xi32>
    %convert_element_type3A_1828 = arith.sitofp %convert_element_type3A_1827 : vector<32x256xi32> to vector<32x256xf32>
    %dot_general3A_1829 = arith.constant dense<0.000000e+00> : vector<2x256xf32>
    %dot_general3A_1830 = tpu.matmul %convert_element_type3A_31, %convert_element_type3A_1828, %dot_general3A_1829 {dimension_numbers = #tpu.dot_dimension_numbers<[1], [0], [0], [1], [0, 0, 1, 1], [], []>, transpose_lhs_hint = false} : vector<2x32xf32>, vector<32x256xf32>, vector<2x256xf32> -> vector<2x256xf32>
    %slice3A_1831 = vector.extract_strided_slice %dot_general3A_1830 {offsets = [0, 0], sizes = [1, 256], strides = [1, 1]} : vector<2x256xf32> to vector<1x256xf32>
    %convert_element_type3A_1832 = arith.fptosi %slice3A_1831 : vector<1x256xf32> to vector<1x256xi32>
    %slice3A_1833 = vector.extract_strided_slice %dot_general3A_1830 {offsets = [1, 0], sizes = [1, 256], strides = [1, 1]} : vector<2x256xf32> to vector<1x256xf32>
    %convert_element_type3A_1834 = arith.fptosi %slice3A_1833 : vector<1x256xf32> to vector<1x256xi32>
    %shift_left3A_1835 = arith.constant 16 : i32
    %shift_left3A_1836 = vector.broadcast %shift_left3A_1835 : i32 to vector<1x256xi32>
    %shift_left3A_1837 = arith.shli %convert_element_type3A_1834, %shift_left3A_1836 : vector<1x256xi32>
    %or3A_1838 = arith.ori %convert_element_type3A_1832, %shift_left3A_1837 : vector<1x256xi32>
    %swap3A_1839 = arith.constant 6 : index
    %swap3A_1840 = arith.constant 512 : index
    %swap3A_1841 = vector.load %arg3[%swap3A_1839, %swap3A_1840] : memref<32x1024xi32, #tpu.memory_space<vmem>>, vector<1x256xi32>
    tpu.vector_store %arg3[%swap3A_1839, %swap3A_1840], %or3A_1838 {strides = array<i32>} : memref<32x1024xi32, #tpu.memory_space<vmem>>, vector<1x256xi32>,
    %slice3A_1842 = vector.extract_strided_slice %transpose3A {offsets = [224, 0], sizes = [32, 8], strides = [1, 1]} : vector<1024x8xf32> to vector<32x8xf32>
    %slice3A_1843 = vector.extract_strided_slice %slice3A_1842 {offsets = [0, 0], sizes = [32, 1], strides = [1, 1]} : vector<32x8xf32> to vector<32x1xf32>
    %max3A_1844 = vector.broadcast %slice3A_1843 : vector<32x1xf32> to vector<32x256xf32>
    %max3A_1845 = vector.broadcast %slice3A_1466 : vector<1x256xf32> to vector<32x256xf32>
    %max3A_1846 = arith.maximumf %max3A_1844, %max3A_1845 : vector<32x256xf32>
    %slice3A_1847 = vector.extract_strided_slice %slice3A_1842 {offsets = [0, 1], sizes = [32, 1], strides = [1, 1]} : vector<32x8xf32> to vector<32x1xf32>
    %max3A_1848 = vector.broadcast %slice3A_1847 : vector<32x1xf32> to vector<32x256xf32>
    %max3A_1849 = vector.broadcast %slice3A_1467 : vector<1x256xf32> to vector<32x256xf32>
    %max3A_1850 = arith.maximumf %max3A_1848, %max3A_1849 : vector<32x256xf32>
    %slice3A_1851 = vector.extract_strided_slice %slice3A_1842 {offsets = [0, 2], sizes = [32, 1], strides = [1, 1]} : vector<32x8xf32> to vector<32x1xf32>
    %min3A_1852 = vector.broadcast %slice3A_1851 : vector<32x1xf32> to vector<32x256xf32>
    %min3A_1853 = vector.broadcast %slice3A_1468 : vector<1x256xf32> to vector<32x256xf32>
    %min3A_1854 = arith.minimumf %min3A_1852, %min3A_1853 : vector<32x256xf32>
    %slice3A_1855 = vector.extract_strided_slice %slice3A_1842 {offsets = [0, 3], sizes = [32, 1], strides = [1, 1]} : vector<32x8xf32> to vector<32x1xf32>
    %min3A_1856 = vector.broadcast %slice3A_1855 : vector<32x1xf32> to vector<32x256xf32>
    %min3A_1857 = vector.broadcast %slice3A_1469 : vector<1x256xf32> to vector<32x256xf32>
    %min3A_1858 = arith.minimumf %min3A_1856, %min3A_1857 : vector<32x256xf32>
    %sub3A_1859 = arith.subf %min3A_1854, %max3A_1846 : vector<32x256xf32>
    %add3A_1860 = arith.constant 1.000000e+00 : f32
    %add3A_1861 = vector.broadcast %add3A_1860 : f32 to vector<32x256xf32>
    %add3A_1862 = arith.addf %sub3A_1859, %add3A_1861 : vector<32x256xf32>
    %max3A_1863 = arith.constant 0.000000e+00 : f32
    %max3A_1864 = vector.broadcast %max3A_1863 : f32 to vector<32x256xf32>
    %max3A_1865 = arith.maximumf %max3A_1864, %add3A_1862 : vector<32x256xf32>
    %sub3A_1866 = arith.subf %min3A_1858, %max3A_1850 : vector<32x256xf32>
    %add3A_1867 = arith.constant 1.000000e+00 : f32
    %add3A_1868 = vector.broadcast %add3A_1867 : f32 to vector<32x256xf32>
    %add3A_1869 = arith.addf %sub3A_1866, %add3A_1868 : vector<32x256xf32>
    %mul3A_1870 = arith.mulf %max3A_1865, %add3A_1869 : vector<32x256xf32>
    %slice3A_1871 = vector.extract_strided_slice %slice3A_1842 {offsets = [0, 4], sizes = [32, 1], strides = [1, 1]} : vector<32x8xf32> to vector<32x1xf32>
    %add3A_1872 = vector.broadcast %slice3A_1871 : vector<32x1xf32> to vector<32x256xf32>
    %add3A_1873 = vector.broadcast %slice3A_1470 : vector<1x256xf32> to vector<32x256xf32>
    %add3A_1874 = arith.addf %add3A_1872, %add3A_1873 : vector<32x256xf32>
    %sub3A_1875 = arith.subf %add3A_1874, %mul3A_1870 : vector<32x256xf32>
    %div3A_1876 = arith.divf %mul3A_1870, %sub3A_1875 : vector<32x256xf32>
    %gt3A_1877 = arith.constant 3.000000e-01 : f32
    %gt3A_1878 = vector.broadcast %gt3A_1877 : f32 to vector<32x256xf32>
    %gt3A_1879 = arith.cmpf ogt, %div3A_1876, %gt3A_1878 : vector<32x256xf32>
    %convert_element_type3A_1880 = arith.extui %gt3A_1879 : vector<32x256xi1> to vector<32x256xi32>
    %convert_element_type3A_1881 = arith.sitofp %convert_element_type3A_1880 : vector<32x256xi32> to vector<32x256xf32>
    %dot_general3A_1882 = arith.constant dense<0.000000e+00> : vector<2x256xf32>
    %dot_general3A_1883 = tpu.matmul %convert_element_type3A_31, %convert_element_type3A_1881, %dot_general3A_1882 {dimension_numbers = #tpu.dot_dimension_numbers<[1], [0], [0], [1], [0, 0, 1, 1], [], []>, transpose_lhs_hint = false} : vector<2x32xf32>, vector<32x256xf32>, vector<2x256xf32> -> vector<2x256xf32>
    %slice3A_1884 = vector.extract_strided_slice %dot_general3A_1883 {offsets = [0, 0], sizes = [1, 256], strides = [1, 1]} : vector<2x256xf32> to vector<1x256xf32>
    %convert_element_type3A_1885 = arith.fptosi %slice3A_1884 : vector<1x256xf32> to vector<1x256xi32>
    %slice3A_1886 = vector.extract_strided_slice %dot_general3A_1883 {offsets = [1, 0], sizes = [1, 256], strides = [1, 1]} : vector<2x256xf32> to vector<1x256xf32>
    %convert_element_type3A_1887 = arith.fptosi %slice3A_1886 : vector<1x256xf32> to vector<1x256xi32>
    %shift_left3A_1888 = arith.constant 16 : i32
    %shift_left3A_1889 = vector.broadcast %shift_left3A_1888 : i32 to vector<1x256xi32>
    %shift_left3A_1890 = arith.shli %convert_element_type3A_1887, %shift_left3A_1889 : vector<1x256xi32>
    %or3A_1891 = arith.ori %convert_element_type3A_1885, %shift_left3A_1890 : vector<1x256xi32>
    %swap3A_1892 = arith.constant 7 : index
    %swap3A_1893 = arith.constant 512 : index
    %swap3A_1894 = vector.load %arg3[%swap3A_1892, %swap3A_1893] : memref<32x1024xi32, #tpu.memory_space<vmem>>, vector<1x256xi32>
    tpu.vector_store %arg3[%swap3A_1892, %swap3A_1893], %or3A_1891 {strides = array<i32>} : memref<32x1024xi32, #tpu.memory_space<vmem>>, vector<1x256xi32>,
    %slice3A_1895 = vector.extract_strided_slice %transpose3A {offsets = [256, 0], sizes = [32, 8], strides = [1, 1]} : vector<1024x8xf32> to vector<32x8xf32>
    %slice3A_1896 = vector.extract_strided_slice %slice3A_1895 {offsets = [0, 0], sizes = [32, 1], strides = [1, 1]} : vector<32x8xf32> to vector<32x1xf32>
    %max3A_1897 = vector.broadcast %slice3A_1896 : vector<32x1xf32> to vector<32x256xf32>
    %max3A_1898 = vector.broadcast %slice3A_1466 : vector<1x256xf32> to vector<32x256xf32>
    %max3A_1899 = arith.maximumf %max3A_1897, %max3A_1898 : vector<32x256xf32>
    %slice3A_1900 = vector.extract_strided_slice %slice3A_1895 {offsets = [0, 1], sizes = [32, 1], strides = [1, 1]} : vector<32x8xf32> to vector<32x1xf32>
    %max3A_1901 = vector.broadcast %slice3A_1900 : vector<32x1xf32> to vector<32x256xf32>
    %max3A_1902 = vector.broadcast %slice3A_1467 : vector<1x256xf32> to vector<32x256xf32>
    %max3A_1903 = arith.maximumf %max3A_1901, %max3A_1902 : vector<32x256xf32>
    %slice3A_1904 = vector.extract_strided_slice %slice3A_1895 {offsets = [0, 2], sizes = [32, 1], strides = [1, 1]} : vector<32x8xf32> to vector<32x1xf32>
    %min3A_1905 = vector.broadcast %slice3A_1904 : vector<32x1xf32> to vector<32x256xf32>
    %min3A_1906 = vector.broadcast %slice3A_1468 : vector<1x256xf32> to vector<32x256xf32>
    %min3A_1907 = arith.minimumf %min3A_1905, %min3A_1906 : vector<32x256xf32>
    %slice3A_1908 = vector.extract_strided_slice %slice3A_1895 {offsets = [0, 3], sizes = [32, 1], strides = [1, 1]} : vector<32x8xf32> to vector<32x1xf32>
    %min3A_1909 = vector.broadcast %slice3A_1908 : vector<32x1xf32> to vector<32x256xf32>
    %min3A_1910 = vector.broadcast %slice3A_1469 : vector<1x256xf32> to vector<32x256xf32>
    %min3A_1911 = arith.minimumf %min3A_1909, %min3A_1910 : vector<32x256xf32>
    %sub3A_1912 = arith.subf %min3A_1907, %max3A_1899 : vector<32x256xf32>
    %add3A_1913 = arith.constant 1.000000e+00 : f32
    %add3A_1914 = vector.broadcast %add3A_1913 : f32 to vector<32x256xf32>
    %add3A_1915 = arith.addf %sub3A_1912, %add3A_1914 : vector<32x256xf32>
    %max3A_1916 = arith.constant 0.000000e+00 : f32
    %max3A_1917 = vector.broadcast %max3A_1916 : f32 to vector<32x256xf32>
    %max3A_1918 = arith.maximumf %max3A_1917, %add3A_1915 : vector<32x256xf32>
    %sub3A_1919 = arith.subf %min3A_1911, %max3A_1903 : vector<32x256xf32>
    %add3A_1920 = arith.constant 1.000000e+00 : f32
    %add3A_1921 = vector.broadcast %add3A_1920 : f32 to vector<32x256xf32>
    %add3A_1922 = arith.addf %sub3A_1919, %add3A_1921 : vector<32x256xf32>
    %mul3A_1923 = arith.mulf %max3A_1918, %add3A_1922 : vector<32x256xf32>
    %slice3A_1924 = vector.extract_strided_slice %slice3A_1895 {offsets = [0, 4], sizes = [32, 1], strides = [1, 1]} : vector<32x8xf32> to vector<32x1xf32>
    %add3A_1925 = vector.broadcast %slice3A_1924 : vector<32x1xf32> to vector<32x256xf32>
    %add3A_1926 = vector.broadcast %slice3A_1470 : vector<1x256xf32> to vector<32x256xf32>
    %add3A_1927 = arith.addf %add3A_1925, %add3A_1926 : vector<32x256xf32>
    %sub3A_1928 = arith.subf %add3A_1927, %mul3A_1923 : vector<32x256xf32>
    %div3A_1929 = arith.divf %mul3A_1923, %sub3A_1928 : vector<32x256xf32>
    %gt3A_1930 = arith.constant 3.000000e-01 : f32
    %gt3A_1931 = vector.broadcast %gt3A_1930 : f32 to vector<32x256xf32>
    %gt3A_1932 = arith.cmpf ogt, %div3A_1929, %gt3A_1931 : vector<32x256xf32>
    %convert_element_type3A_1933 = arith.extui %gt3A_1932 : vector<32x256xi1> to vector<32x256xi32>
    %convert_element_type3A_1934 = arith.sitofp %convert_element_type3A_1933 : vector<32x256xi32> to vector<32x256xf32>
    %dot_general3A_1935 = arith.constant dense<0.000000e+00> : vector<2x256xf32>
    %dot_general3A_1936 = tpu.matmul %convert_element_type3A_31, %convert_element_type3A_1934, %dot_general3A_1935 {dimension_numbers = #tpu.dot_dimension_numbers<[1], [0], [0], [1], [0, 0, 1, 1], [], []>, transpose_lhs_hint = false} : vector<2x32xf32>, vector<32x256xf32>, vector<2x256xf32> -> vector<2x256xf32>
    %slice3A_1937 = vector.extract_strided_slice %dot_general3A_1936 {offsets = [0, 0], sizes = [1, 256], strides = [1, 1]} : vector<2x256xf32> to vector<1x256xf32>
    %convert_element_type3A_1938 = arith.fptosi %slice3A_1937 : vector<1x256xf32> to vector<1x256xi32>
    %slice3A_1939 = vector.extract_strided_slice %dot_general3A_1936 {offsets = [1, 0], sizes = [1, 256], strides = [1, 1]} : vector<2x256xf32> to vector<1x256xf32>
    %convert_element_type3A_1940 = arith.fptosi %slice3A_1939 : vector<1x256xf32> to vector<1x256xi32>
    %shift_left3A_1941 = arith.constant 16 : i32
    %shift_left3A_1942 = vector.broadcast %shift_left3A_1941 : i32 to vector<1x256xi32>
    %shift_left3A_1943 = arith.shli %convert_element_type3A_1940, %shift_left3A_1942 : vector<1x256xi32>
    %or3A_1944 = arith.ori %convert_element_type3A_1938, %shift_left3A_1943 : vector<1x256xi32>
    %swap3A_1945 = arith.constant 8 : index
    %swap3A_1946 = arith.constant 512 : index
    %swap3A_1947 = vector.load %arg3[%swap3A_1945, %swap3A_1946] : memref<32x1024xi32, #tpu.memory_space<vmem>>, vector<1x256xi32>
    tpu.vector_store %arg3[%swap3A_1945, %swap3A_1946], %or3A_1944 {strides = array<i32>} : memref<32x1024xi32, #tpu.memory_space<vmem>>, vector<1x256xi32>,
    %slice3A_1948 = vector.extract_strided_slice %transpose3A {offsets = [288, 0], sizes = [32, 8], strides = [1, 1]} : vector<1024x8xf32> to vector<32x8xf32>
    %slice3A_1949 = vector.extract_strided_slice %slice3A_1948 {offsets = [0, 0], sizes = [32, 1], strides = [1, 1]} : vector<32x8xf32> to vector<32x1xf32>
    %max3A_1950 = vector.broadcast %slice3A_1949 : vector<32x1xf32> to vector<32x256xf32>
    %max3A_1951 = vector.broadcast %slice3A_1466 : vector<1x256xf32> to vector<32x256xf32>
    %max3A_1952 = arith.maximumf %max3A_1950, %max3A_1951 : vector<32x256xf32>
    %slice3A_1953 = vector.extract_strided_slice %slice3A_1948 {offsets = [0, 1], sizes = [32, 1], strides = [1, 1]} : vector<32x8xf32> to vector<32x1xf32>
    %max3A_1954 = vector.broadcast %slice3A_1953 : vector<32x1xf32> to vector<32x256xf32>
    %max3A_1955 = vector.broadcast %slice3A_1467 : vector<1x256xf32> to vector<32x256xf32>
    %max3A_1956 = arith.maximumf %max3A_1954, %max3A_1955 : vector<32x256xf32>
    %slice3A_1957 = vector.extract_strided_slice %slice3A_1948 {offsets = [0, 2], sizes = [32, 1], strides = [1, 1]} : vector<32x8xf32> to vector<32x1xf32>
    %min3A_1958 = vector.broadcast %slice3A_1957 : vector<32x1xf32> to vector<32x256xf32>
    %min3A_1959 = vector.broadcast %slice3A_1468 : vector<1x256xf32> to vector<32x256xf32>
    %min3A_1960 = arith.minimumf %min3A_1958, %min3A_1959 : vector<32x256xf32>
    %slice3A_1961 = vector.extract_strided_slice %slice3A_1948 {offsets = [0, 3], sizes = [32, 1], strides = [1, 1]} : vector<32x8xf32> to vector<32x1xf32>
    %min3A_1962 = vector.broadcast %slice3A_1961 : vector<32x1xf32> to vector<32x256xf32>
    %min3A_1963 = vector.broadcast %slice3A_1469 : vector<1x256xf32> to vector<32x256xf32>
    %min3A_1964 = arith.minimumf %min3A_1962, %min3A_1963 : vector<32x256xf32>
    %sub3A_1965 = arith.subf %min3A_1960, %max3A_1952 : vector<32x256xf32>
    %add3A_1966 = arith.constant 1.000000e+00 : f32
    %add3A_1967 = vector.broadcast %add3A_1966 : f32 to vector<32x256xf32>
    %add3A_1968 = arith.addf %sub3A_1965, %add3A_1967 : vector<32x256xf32>
    %max3A_1969 = arith.constant 0.000000e+00 : f32
    %max3A_1970 = vector.broadcast %max3A_1969 : f32 to vector<32x256xf32>
    %max3A_1971 = arith.maximumf %max3A_1970, %add3A_1968 : vector<32x256xf32>
    %sub3A_1972 = arith.subf %min3A_1964, %max3A_1956 : vector<32x256xf32>
    %add3A_1973 = arith.constant 1.000000e+00 : f32
    %add3A_1974 = vector.broadcast %add3A_1973 : f32 to vector<32x256xf32>
    %add3A_1975 = arith.addf %sub3A_1972, %add3A_1974 : vector<32x256xf32>
    %mul3A_1976 = arith.mulf %max3A_1971, %add3A_1975 : vector<32x256xf32>
    %slice3A_1977 = vector.extract_strided_slice %slice3A_1948 {offsets = [0, 4], sizes = [32, 1], strides = [1, 1]} : vector<32x8xf32> to vector<32x1xf32>
    %add3A_1978 = vector.broadcast %slice3A_1977 : vector<32x1xf32> to vector<32x256xf32>
    %add3A_1979 = vector.broadcast %slice3A_1470 : vector<1x256xf32> to vector<32x256xf32>
    %add3A_1980 = arith.addf %add3A_1978, %add3A_1979 : vector<32x256xf32>
    %sub3A_1981 = arith.subf %add3A_1980, %mul3A_1976 : vector<32x256xf32>
    %div3A_1982 = arith.divf %mul3A_1976, %sub3A_1981 : vector<32x256xf32>
    %gt3A_1983 = arith.constant 3.000000e-01 : f32
    %gt3A_1984 = vector.broadcast %gt3A_1983 : f32 to vector<32x256xf32>
    %gt3A_1985 = arith.cmpf ogt, %div3A_1982, %gt3A_1984 : vector<32x256xf32>
    %convert_element_type3A_1986 = arith.extui %gt3A_1985 : vector<32x256xi1> to vector<32x256xi32>
    %convert_element_type3A_1987 = arith.sitofp %convert_element_type3A_1986 : vector<32x256xi32> to vector<32x256xf32>
    %dot_general3A_1988 = arith.constant dense<0.000000e+00> : vector<2x256xf32>
    %dot_general3A_1989 = tpu.matmul %convert_element_type3A_31, %convert_element_type3A_1987, %dot_general3A_1988 {dimension_numbers = #tpu.dot_dimension_numbers<[1], [0], [0], [1], [0, 0, 1, 1], [], []>, transpose_lhs_hint = false} : vector<2x32xf32>, vector<32x256xf32>, vector<2x256xf32> -> vector<2x256xf32>
    %slice3A_1990 = vector.extract_strided_slice %dot_general3A_1989 {offsets = [0, 0], sizes = [1, 256], strides = [1, 1]} : vector<2x256xf32> to vector<1x256xf32>
    %convert_element_type3A_1991 = arith.fptosi %slice3A_1990 : vector<1x256xf32> to vector<1x256xi32>
    %slice3A_1992 = vector.extract_strided_slice %dot_general3A_1989 {offsets = [1, 0], sizes = [1, 256], strides = [1, 1]} : vector<2x256xf32> to vector<1x256xf32>
    %convert_element_type3A_1993 = arith.fptosi %slice3A_1992 : vector<1x256xf32> to vector<1x256xi32>
    %shift_left3A_1994 = arith.constant 16 : i32
    %shift_left3A_1995 = vector.broadcast %shift_left3A_1994 : i32 to vector<1x256xi32>
    %shift_left3A_1996 = arith.shli %convert_element_type3A_1993, %shift_left3A_1995 : vector<1x256xi32>
    %or3A_1997 = arith.ori %convert_element_type3A_1991, %shift_left3A_1996 : vector<1x256xi32>
    %swap3A_1998 = arith.constant 9 : index
    %swap3A_1999 = arith.constant 512 : index
    %swap3A_2000 = vector.load %arg3[%swap3A_1998, %swap3A_1999] : memref<32x1024xi32, #tpu.memory_space<vmem>>, vector<1x256xi32>
    tpu.vector_store %arg3[%swap3A_1998, %swap3A_1999], %or3A_1997 {strides = array<i32>} : memref<32x1024xi32, #tpu.memory_space<vmem>>, vector<1x256xi32>,
    %slice3A_2001 = vector.extract_strided_slice %transpose3A {offsets = [320, 0], sizes = [32, 8], strides = [1, 1]} : vector<1024x8xf32> to vector<32x8xf32>
    %slice3A_2002 = vector.extract_strided_slice %slice3A_2001 {offsets = [0, 0], sizes = [32, 1], strides = [1, 1]} : vector<32x8xf32> to vector<32x1xf32>
    %max3A_2003 = vector.broadcast %slice3A_2002 : vector<32x1xf32> to vector<32x256xf32>
    %max3A_2004 = vector.broadcast %slice3A_1466 : vector<1x256xf32> to vector<32x256xf32>
    %max3A_2005 = arith.maximumf %max3A_2003, %max3A_2004 : vector<32x256xf32>
    %slice3A_2006 = vector.extract_strided_slice %slice3A_2001 {offsets = [0, 1], sizes = [32, 1], strides = [1, 1]} : vector<32x8xf32> to vector<32x1xf32>
    %max3A_2007 = vector.broadcast %slice3A_2006 : vector<32x1xf32> to vector<32x256xf32>
    %max3A_2008 = vector.broadcast %slice3A_1467 : vector<1x256xf32> to vector<32x256xf32>
    %max3A_2009 = arith.maximumf %max3A_2007, %max3A_2008 : vector<32x256xf32>
    %slice3A_2010 = vector.extract_strided_slice %slice3A_2001 {offsets = [0, 2], sizes = [32, 1], strides = [1, 1]} : vector<32x8xf32> to vector<32x1xf32>
    %min3A_2011 = vector.broadcast %slice3A_2010 : vector<32x1xf32> to vector<32x256xf32>
    %min3A_2012 = vector.broadcast %slice3A_1468 : vector<1x256xf32> to vector<32x256xf32>
    %min3A_2013 = arith.minimumf %min3A_2011, %min3A_2012 : vector<32x256xf32>
    %slice3A_2014 = vector.extract_strided_slice %slice3A_2001 {offsets = [0, 3], sizes = [32, 1], strides = [1, 1]} : vector<32x8xf32> to vector<32x1xf32>
    %min3A_2015 = vector.broadcast %slice3A_2014 : vector<32x1xf32> to vector<32x256xf32>
    %min3A_2016 = vector.broadcast %slice3A_1469 : vector<1x256xf32> to vector<32x256xf32>
    %min3A_2017 = arith.minimumf %min3A_2015, %min3A_2016 : vector<32x256xf32>
    %sub3A_2018 = arith.subf %min3A_2013, %max3A_2005 : vector<32x256xf32>
    %add3A_2019 = arith.constant 1.000000e+00 : f32
    %add3A_2020 = vector.broadcast %add3A_2019 : f32 to vector<32x256xf32>
    %add3A_2021 = arith.addf %sub3A_2018, %add3A_2020 : vector<32x256xf32>
    %max3A_2022 = arith.constant 0.000000e+00 : f32
    %max3A_2023 = vector.broadcast %max3A_2022 : f32 to vector<32x256xf32>
    %max3A_2024 = arith.maximumf %max3A_2023, %add3A_2021 : vector<32x256xf32>
    %sub3A_2025 = arith.subf %min3A_2017, %max3A_2009 : vector<32x256xf32>
    %add3A_2026 = arith.constant 1.000000e+00 : f32
    %add3A_2027 = vector.broadcast %add3A_2026 : f32 to vector<32x256xf32>
    %add3A_2028 = arith.addf %sub3A_2025, %add3A_2027 : vector<32x256xf32>
    %mul3A_2029 = arith.mulf %max3A_2024, %add3A_2028 : vector<32x256xf32>
    %slice3A_2030 = vector.extract_strided_slice %slice3A_2001 {offsets = [0, 4], sizes = [32, 1], strides = [1, 1]} : vector<32x8xf32> to vector<32x1xf32>
    %add3A_2031 = vector.broadcast %slice3A_2030 : vector<32x1xf32> to vector<32x256xf32>
    %add3A_2032 = vector.broadcast %slice3A_1470 : vector<1x256xf32> to vector<32x256xf32>
    %add3A_2033 = arith.addf %add3A_2031, %add3A_2032 : vector<32x256xf32>
    %sub3A_2034 = arith.subf %add3A_2033, %mul3A_2029 : vector<32x256xf32>
    %div3A_2035 = arith.divf %mul3A_2029, %sub3A_2034 : vector<32x256xf32>
    %gt3A_2036 = arith.constant 3.000000e-01 : f32
    %gt3A_2037 = vector.broadcast %gt3A_2036 : f32 to vector<32x256xf32>
    %gt3A_2038 = arith.cmpf ogt, %div3A_2035, %gt3A_2037 : vector<32x256xf32>
    %convert_element_type3A_2039 = arith.extui %gt3A_2038 : vector<32x256xi1> to vector<32x256xi32>
    %convert_element_type3A_2040 = arith.sitofp %convert_element_type3A_2039 : vector<32x256xi32> to vector<32x256xf32>
    %dot_general3A_2041 = arith.constant dense<0.000000e+00> : vector<2x256xf32>
    %dot_general3A_2042 = tpu.matmul %convert_element_type3A_31, %convert_element_type3A_2040, %dot_general3A_2041 {dimension_numbers = #tpu.dot_dimension_numbers<[1], [0], [0], [1], [0, 0, 1, 1], [], []>, transpose_lhs_hint = false} : vector<2x32xf32>, vector<32x256xf32>, vector<2x256xf32> -> vector<2x256xf32>
    %slice3A_2043 = vector.extract_strided_slice %dot_general3A_2042 {offsets = [0, 0], sizes = [1, 256], strides = [1, 1]} : vector<2x256xf32> to vector<1x256xf32>
    %convert_element_type3A_2044 = arith.fptosi %slice3A_2043 : vector<1x256xf32> to vector<1x256xi32>
    %slice3A_2045 = vector.extract_strided_slice %dot_general3A_2042 {offsets = [1, 0], sizes = [1, 256], strides = [1, 1]} : vector<2x256xf32> to vector<1x256xf32>
    %convert_element_type3A_2046 = arith.fptosi %slice3A_2045 : vector<1x256xf32> to vector<1x256xi32>
    %shift_left3A_2047 = arith.constant 16 : i32
    %shift_left3A_2048 = vector.broadcast %shift_left3A_2047 : i32 to vector<1x256xi32>
    %shift_left3A_2049 = arith.shli %convert_element_type3A_2046, %shift_left3A_2048 : vector<1x256xi32>
    %or3A_2050 = arith.ori %convert_element_type3A_2044, %shift_left3A_2049 : vector<1x256xi32>
    %swap3A_2051 = arith.constant 10 : index
    %swap3A_2052 = arith.constant 512 : index
    %swap3A_2053 = vector.load %arg3[%swap3A_2051, %swap3A_2052] : memref<32x1024xi32, #tpu.memory_space<vmem>>, vector<1x256xi32>
    tpu.vector_store %arg3[%swap3A_2051, %swap3A_2052], %or3A_2050 {strides = array<i32>} : memref<32x1024xi32, #tpu.memory_space<vmem>>, vector<1x256xi32>,
    %slice3A_2054 = vector.extract_strided_slice %transpose3A {offsets = [352, 0], sizes = [32, 8], strides = [1, 1]} : vector<1024x8xf32> to vector<32x8xf32>
    %slice3A_2055 = vector.extract_strided_slice %slice3A_2054 {offsets = [0, 0], sizes = [32, 1], strides = [1, 1]} : vector<32x8xf32> to vector<32x1xf32>
    %max3A_2056 = vector.broadcast %slice3A_2055 : vector<32x1xf32> to vector<32x256xf32>
    %max3A_2057 = vector.broadcast %slice3A_1466 : vector<1x256xf32> to vector<32x256xf32>
    %max3A_2058 = arith.maximumf %max3A_2056, %max3A_2057 : vector<32x256xf32>
    %slice3A_2059 = vector.extract_strided_slice %slice3A_2054 {offsets = [0, 1], sizes = [32, 1], strides = [1, 1]} : vector<32x8xf32> to vector<32x1xf32>
    %max3A_2060 = vector.broadcast %slice3A_2059 : vector<32x1xf32> to vector<32x256xf32>
    %max3A_2061 = vector.broadcast %slice3A_1467 : vector<1x256xf32> to vector<32x256xf32>
    %max3A_2062 = arith.maximumf %max3A_2060, %max3A_2061 : vector<32x256xf32>
    %slice3A_2063 = vector.extract_strided_slice %slice3A_2054 {offsets = [0, 2], sizes = [32, 1], strides = [1, 1]} : vector<32x8xf32> to vector<32x1xf32>
    %min3A_2064 = vector.broadcast %slice3A_2063 : vector<32x1xf32> to vector<32x256xf32>
    %min3A_2065 = vector.broadcast %slice3A_1468 : vector<1x256xf32> to vector<32x256xf32>
    %min3A_2066 = arith.minimumf %min3A_2064, %min3A_2065 : vector<32x256xf32>
    %slice3A_2067 = vector.extract_strided_slice %slice3A_2054 {offsets = [0, 3], sizes = [32, 1], strides = [1, 1]} : vector<32x8xf32> to vector<32x1xf32>
    %min3A_2068 = vector.broadcast %slice3A_2067 : vector<32x1xf32> to vector<32x256xf32>
    %min3A_2069 = vector.broadcast %slice3A_1469 : vector<1x256xf32> to vector<32x256xf32>
    %min3A_2070 = arith.minimumf %min3A_2068, %min3A_2069 : vector<32x256xf32>
    %sub3A_2071 = arith.subf %min3A_2066, %max3A_2058 : vector<32x256xf32>
    %add3A_2072 = arith.constant 1.000000e+00 : f32
    %add3A_2073 = vector.broadcast %add3A_2072 : f32 to vector<32x256xf32>
    %add3A_2074 = arith.addf %sub3A_2071, %add3A_2073 : vector<32x256xf32>
    %max3A_2075 = arith.constant 0.000000e+00 : f32
    %max3A_2076 = vector.broadcast %max3A_2075 : f32 to vector<32x256xf32>
    %max3A_2077 = arith.maximumf %max3A_2076, %add3A_2074 : vector<32x256xf32>
    %sub3A_2078 = arith.subf %min3A_2070, %max3A_2062 : vector<32x256xf32>
    %add3A_2079 = arith.constant 1.000000e+00 : f32
    %add3A_2080 = vector.broadcast %add3A_2079 : f32 to vector<32x256xf32>
    %add3A_2081 = arith.addf %sub3A_2078, %add3A_2080 : vector<32x256xf32>
    %mul3A_2082 = arith.mulf %max3A_2077, %add3A_2081 : vector<32x256xf32>
    %slice3A_2083 = vector.extract_strided_slice %slice3A_2054 {offsets = [0, 4], sizes = [32, 1], strides = [1, 1]} : vector<32x8xf32> to vector<32x1xf32>
    %add3A_2084 = vector.broadcast %slice3A_2083 : vector<32x1xf32> to vector<32x256xf32>
    %add3A_2085 = vector.broadcast %slice3A_1470 : vector<1x256xf32> to vector<32x256xf32>
    %add3A_2086 = arith.addf %add3A_2084, %add3A_2085 : vector<32x256xf32>
    %sub3A_2087 = arith.subf %add3A_2086, %mul3A_2082 : vector<32x256xf32>
    %div3A_2088 = arith.divf %mul3A_2082, %sub3A_2087 : vector<32x256xf32>
    %gt3A_2089 = arith.constant 3.000000e-01 : f32
    %gt3A_2090 = vector.broadcast %gt3A_2089 : f32 to vector<32x256xf32>
    %gt3A_2091 = arith.cmpf ogt, %div3A_2088, %gt3A_2090 : vector<32x256xf32>
    %convert_element_type3A_2092 = arith.extui %gt3A_2091 : vector<32x256xi1> to vector<32x256xi32>
    %convert_element_type3A_2093 = arith.sitofp %convert_element_type3A_2092 : vector<32x256xi32> to vector<32x256xf32>
    %dot_general3A_2094 = arith.constant dense<0.000000e+00> : vector<2x256xf32>
    %dot_general3A_2095 = tpu.matmul %convert_element_type3A_31, %convert_element_type3A_2093, %dot_general3A_2094 {dimension_numbers = #tpu.dot_dimension_numbers<[1], [0], [0], [1], [0, 0, 1, 1], [], []>, transpose_lhs_hint = false} : vector<2x32xf32>, vector<32x256xf32>, vector<2x256xf32> -> vector<2x256xf32>
    %slice3A_2096 = vector.extract_strided_slice %dot_general3A_2095 {offsets = [0, 0], sizes = [1, 256], strides = [1, 1]} : vector<2x256xf32> to vector<1x256xf32>
    %convert_element_type3A_2097 = arith.fptosi %slice3A_2096 : vector<1x256xf32> to vector<1x256xi32>
    %slice3A_2098 = vector.extract_strided_slice %dot_general3A_2095 {offsets = [1, 0], sizes = [1, 256], strides = [1, 1]} : vector<2x256xf32> to vector<1x256xf32>
    %convert_element_type3A_2099 = arith.fptosi %slice3A_2098 : vector<1x256xf32> to vector<1x256xi32>
    %shift_left3A_2100 = arith.constant 16 : i32
    %shift_left3A_2101 = vector.broadcast %shift_left3A_2100 : i32 to vector<1x256xi32>
    %shift_left3A_2102 = arith.shli %convert_element_type3A_2099, %shift_left3A_2101 : vector<1x256xi32>
    %or3A_2103 = arith.ori %convert_element_type3A_2097, %shift_left3A_2102 : vector<1x256xi32>
    %swap3A_2104 = arith.constant 11 : index
    %swap3A_2105 = arith.constant 512 : index
    %swap3A_2106 = vector.load %arg3[%swap3A_2104, %swap3A_2105] : memref<32x1024xi32, #tpu.memory_space<vmem>>, vector<1x256xi32>
    tpu.vector_store %arg3[%swap3A_2104, %swap3A_2105], %or3A_2103 {strides = array<i32>} : memref<32x1024xi32, #tpu.memory_space<vmem>>, vector<1x256xi32>,
    %slice3A_2107 = vector.extract_strided_slice %transpose3A {offsets = [384, 0], sizes = [32, 8], strides = [1, 1]} : vector<1024x8xf32> to vector<32x8xf32>
    %slice3A_2108 = vector.extract_strided_slice %slice3A_2107 {offsets = [0, 0], sizes = [32, 1], strides = [1, 1]} : vector<32x8xf32> to vector<32x1xf32>
    %max3A_2109 = vector.broadcast %slice3A_2108 : vector<32x1xf32> to vector<32x256xf32>
    %max3A_2110 = vector.broadcast %slice3A_1466 : vector<1x256xf32> to vector<32x256xf32>
    %max3A_2111 = arith.maximumf %max3A_2109, %max3A_2110 : vector<32x256xf32>
    %slice3A_2112 = vector.extract_strided_slice %slice3A_2107 {offsets = [0, 1], sizes = [32, 1], strides = [1, 1]} : vector<32x8xf32> to vector<32x1xf32>
    %max3A_2113 = vector.broadcast %slice3A_2112 : vector<32x1xf32> to vector<32x256xf32>
    %max3A_2114 = vector.broadcast %slice3A_1467 : vector<1x256xf32> to vector<32x256xf32>
    %max3A_2115 = arith.maximumf %max3A_2113, %max3A_2114 : vector<32x256xf32>
    %slice3A_2116 = vector.extract_strided_slice %slice3A_2107 {offsets = [0, 2], sizes = [32, 1], strides = [1, 1]} : vector<32x8xf32> to vector<32x1xf32>
    %min3A_2117 = vector.broadcast %slice3A_2116 : vector<32x1xf32> to vector<32x256xf32>
    %min3A_2118 = vector.broadcast %slice3A_1468 : vector<1x256xf32> to vector<32x256xf32>
    %min3A_2119 = arith.minimumf %min3A_2117, %min3A_2118 : vector<32x256xf32>
    %slice3A_2120 = vector.extract_strided_slice %slice3A_2107 {offsets = [0, 3], sizes = [32, 1], strides = [1, 1]} : vector<32x8xf32> to vector<32x1xf32>
    %min3A_2121 = vector.broadcast %slice3A_2120 : vector<32x1xf32> to vector<32x256xf32>
    %min3A_2122 = vector.broadcast %slice3A_1469 : vector<1x256xf32> to vector<32x256xf32>
    %min3A_2123 = arith.minimumf %min3A_2121, %min3A_2122 : vector<32x256xf32>
    %sub3A_2124 = arith.subf %min3A_2119, %max3A_2111 : vector<32x256xf32>
    %add3A_2125 = arith.constant 1.000000e+00 : f32
    %add3A_2126 = vector.broadcast %add3A_2125 : f32 to vector<32x256xf32>
    %add3A_2127 = arith.addf %sub3A_2124, %add3A_2126 : vector<32x256xf32>
    %max3A_2128 = arith.constant 0.000000e+00 : f32
    %max3A_2129 = vector.broadcast %max3A_2128 : f32 to vector<32x256xf32>
    %max3A_2130 = arith.maximumf %max3A_2129, %add3A_2127 : vector<32x256xf32>
    %sub3A_2131 = arith.subf %min3A_2123, %max3A_2115 : vector<32x256xf32>
    %add3A_2132 = arith.constant 1.000000e+00 : f32
    %add3A_2133 = vector.broadcast %add3A_2132 : f32 to vector<32x256xf32>
    %add3A_2134 = arith.addf %sub3A_2131, %add3A_2133 : vector<32x256xf32>
    %mul3A_2135 = arith.mulf %max3A_2130, %add3A_2134 : vector<32x256xf32>
    %slice3A_2136 = vector.extract_strided_slice %slice3A_2107 {offsets = [0, 4], sizes = [32, 1], strides = [1, 1]} : vector<32x8xf32> to vector<32x1xf32>
    %add3A_2137 = vector.broadcast %slice3A_2136 : vector<32x1xf32> to vector<32x256xf32>
    %add3A_2138 = vector.broadcast %slice3A_1470 : vector<1x256xf32> to vector<32x256xf32>
    %add3A_2139 = arith.addf %add3A_2137, %add3A_2138 : vector<32x256xf32>
    %sub3A_2140 = arith.subf %add3A_2139, %mul3A_2135 : vector<32x256xf32>
    %div3A_2141 = arith.divf %mul3A_2135, %sub3A_2140 : vector<32x256xf32>
    %gt3A_2142 = arith.constant 3.000000e-01 : f32
    %gt3A_2143 = vector.broadcast %gt3A_2142 : f32 to vector<32x256xf32>
    %gt3A_2144 = arith.cmpf ogt, %div3A_2141, %gt3A_2143 : vector<32x256xf32>
    %convert_element_type3A_2145 = arith.extui %gt3A_2144 : vector<32x256xi1> to vector<32x256xi32>
    %convert_element_type3A_2146 = arith.sitofp %convert_element_type3A_2145 : vector<32x256xi32> to vector<32x256xf32>
    %dot_general3A_2147 = arith.constant dense<0.000000e+00> : vector<2x256xf32>
    %dot_general3A_2148 = tpu.matmul %convert_element_type3A_31, %convert_element_type3A_2146, %dot_general3A_2147 {dimension_numbers = #tpu.dot_dimension_numbers<[1], [0], [0], [1], [0, 0, 1, 1], [], []>, transpose_lhs_hint = false} : vector<2x32xf32>, vector<32x256xf32>, vector<2x256xf32> -> vector<2x256xf32>
    %slice3A_2149 = vector.extract_strided_slice %dot_general3A_2148 {offsets = [0, 0], sizes = [1, 256], strides = [1, 1]} : vector<2x256xf32> to vector<1x256xf32>
    %convert_element_type3A_2150 = arith.fptosi %slice3A_2149 : vector<1x256xf32> to vector<1x256xi32>
    %slice3A_2151 = vector.extract_strided_slice %dot_general3A_2148 {offsets = [1, 0], sizes = [1, 256], strides = [1, 1]} : vector<2x256xf32> to vector<1x256xf32>
    %convert_element_type3A_2152 = arith.fptosi %slice3A_2151 : vector<1x256xf32> to vector<1x256xi32>
    %shift_left3A_2153 = arith.constant 16 : i32
    %shift_left3A_2154 = vector.broadcast %shift_left3A_2153 : i32 to vector<1x256xi32>
    %shift_left3A_2155 = arith.shli %convert_element_type3A_2152, %shift_left3A_2154 : vector<1x256xi32>
    %or3A_2156 = arith.ori %convert_element_type3A_2150, %shift_left3A_2155 : vector<1x256xi32>
    %swap3A_2157 = arith.constant 12 : index
    %swap3A_2158 = arith.constant 512 : index
    %swap3A_2159 = vector.load %arg3[%swap3A_2157, %swap3A_2158] : memref<32x1024xi32, #tpu.memory_space<vmem>>, vector<1x256xi32>
    tpu.vector_store %arg3[%swap3A_2157, %swap3A_2158], %or3A_2156 {strides = array<i32>} : memref<32x1024xi32, #tpu.memory_space<vmem>>, vector<1x256xi32>,
    %slice3A_2160 = vector.extract_strided_slice %transpose3A {offsets = [416, 0], sizes = [32, 8], strides = [1, 1]} : vector<1024x8xf32> to vector<32x8xf32>
    %slice3A_2161 = vector.extract_strided_slice %slice3A_2160 {offsets = [0, 0], sizes = [32, 1], strides = [1, 1]} : vector<32x8xf32> to vector<32x1xf32>
    %max3A_2162 = vector.broadcast %slice3A_2161 : vector<32x1xf32> to vector<32x256xf32>
    %max3A_2163 = vector.broadcast %slice3A_1466 : vector<1x256xf32> to vector<32x256xf32>
    %max3A_2164 = arith.maximumf %max3A_2162, %max3A_2163 : vector<32x256xf32>
    %slice3A_2165 = vector.extract_strided_slice %slice3A_2160 {offsets = [0, 1], sizes = [32, 1], strides = [1, 1]} : vector<32x8xf32> to vector<32x1xf32>
    %max3A_2166 = vector.broadcast %slice3A_2165 : vector<32x1xf32> to vector<32x256xf32>
    %max3A_2167 = vector.broadcast %slice3A_1467 : vector<1x256xf32> to vector<32x256xf32>
    %max3A_2168 = arith.maximumf %max3A_2166, %max3A_2167 : vector<32x256xf32>
    %slice3A_2169 = vector.extract_strided_slice %slice3A_2160 {offsets = [0, 2], sizes = [32, 1], strides = [1, 1]} : vector<32x8xf32> to vector<32x1xf32>
    %min3A_2170 = vector.broadcast %slice3A_2169 : vector<32x1xf32> to vector<32x256xf32>
    %min3A_2171 = vector.broadcast %slice3A_1468 : vector<1x256xf32> to vector<32x256xf32>
    %min3A_2172 = arith.minimumf %min3A_2170, %min3A_2171 : vector<32x256xf32>
    %slice3A_2173 = vector.extract_strided_slice %slice3A_2160 {offsets = [0, 3], sizes = [32, 1], strides = [1, 1]} : vector<32x8xf32> to vector<32x1xf32>
    %min3A_2174 = vector.broadcast %slice3A_2173 : vector<32x1xf32> to vector<32x256xf32>
    %min3A_2175 = vector.broadcast %slice3A_1469 : vector<1x256xf32> to vector<32x256xf32>
    %min3A_2176 = arith.minimumf %min3A_2174, %min3A_2175 : vector<32x256xf32>
    %sub3A_2177 = arith.subf %min3A_2172, %max3A_2164 : vector<32x256xf32>
    %add3A_2178 = arith.constant 1.000000e+00 : f32
    %add3A_2179 = vector.broadcast %add3A_2178 : f32 to vector<32x256xf32>
    %add3A_2180 = arith.addf %sub3A_2177, %add3A_2179 : vector<32x256xf32>
    %max3A_2181 = arith.constant 0.000000e+00 : f32
    %max3A_2182 = vector.broadcast %max3A_2181 : f32 to vector<32x256xf32>
    %max3A_2183 = arith.maximumf %max3A_2182, %add3A_2180 : vector<32x256xf32>
    %sub3A_2184 = arith.subf %min3A_2176, %max3A_2168 : vector<32x256xf32>
    %add3A_2185 = arith.constant 1.000000e+00 : f32
    %add3A_2186 = vector.broadcast %add3A_2185 : f32 to vector<32x256xf32>
    %add3A_2187 = arith.addf %sub3A_2184, %add3A_2186 : vector<32x256xf32>
    %mul3A_2188 = arith.mulf %max3A_2183, %add3A_2187 : vector<32x256xf32>
    %slice3A_2189 = vector.extract_strided_slice %slice3A_2160 {offsets = [0, 4], sizes = [32, 1], strides = [1, 1]} : vector<32x8xf32> to vector<32x1xf32>
    %add3A_2190 = vector.broadcast %slice3A_2189 : vector<32x1xf32> to vector<32x256xf32>
    %add3A_2191 = vector.broadcast %slice3A_1470 : vector<1x256xf32> to vector<32x256xf32>
    %add3A_2192 = arith.addf %add3A_2190, %add3A_2191 : vector<32x256xf32>
    %sub3A_2193 = arith.subf %add3A_2192, %mul3A_2188 : vector<32x256xf32>
    %div3A_2194 = arith.divf %mul3A_2188, %sub3A_2193 : vector<32x256xf32>
    %gt3A_2195 = arith.constant 3.000000e-01 : f32
    %gt3A_2196 = vector.broadcast %gt3A_2195 : f32 to vector<32x256xf32>
    %gt3A_2197 = arith.cmpf ogt, %div3A_2194, %gt3A_2196 : vector<32x256xf32>
    %convert_element_type3A_2198 = arith.extui %gt3A_2197 : vector<32x256xi1> to vector<32x256xi32>
    %convert_element_type3A_2199 = arith.sitofp %convert_element_type3A_2198 : vector<32x256xi32> to vector<32x256xf32>
    %dot_general3A_2200 = arith.constant dense<0.000000e+00> : vector<2x256xf32>
    %dot_general3A_2201 = tpu.matmul %convert_element_type3A_31, %convert_element_type3A_2199, %dot_general3A_2200 {dimension_numbers = #tpu.dot_dimension_numbers<[1], [0], [0], [1], [0, 0, 1, 1], [], []>, transpose_lhs_hint = false} : vector<2x32xf32>, vector<32x256xf32>, vector<2x256xf32> -> vector<2x256xf32>
    %slice3A_2202 = vector.extract_strided_slice %dot_general3A_2201 {offsets = [0, 0], sizes = [1, 256], strides = [1, 1]} : vector<2x256xf32> to vector<1x256xf32>
    %convert_element_type3A_2203 = arith.fptosi %slice3A_2202 : vector<1x256xf32> to vector<1x256xi32>
    %slice3A_2204 = vector.extract_strided_slice %dot_general3A_2201 {offsets = [1, 0], sizes = [1, 256], strides = [1, 1]} : vector<2x256xf32> to vector<1x256xf32>
    %convert_element_type3A_2205 = arith.fptosi %slice3A_2204 : vector<1x256xf32> to vector<1x256xi32>
    %shift_left3A_2206 = arith.constant 16 : i32
    %shift_left3A_2207 = vector.broadcast %shift_left3A_2206 : i32 to vector<1x256xi32>
    %shift_left3A_2208 = arith.shli %convert_element_type3A_2205, %shift_left3A_2207 : vector<1x256xi32>
    %or3A_2209 = arith.ori %convert_element_type3A_2203, %shift_left3A_2208 : vector<1x256xi32>
    %swap3A_2210 = arith.constant 13 : index
    %swap3A_2211 = arith.constant 512 : index
    %swap3A_2212 = vector.load %arg3[%swap3A_2210, %swap3A_2211] : memref<32x1024xi32, #tpu.memory_space<vmem>>, vector<1x256xi32>
    tpu.vector_store %arg3[%swap3A_2210, %swap3A_2211], %or3A_2209 {strides = array<i32>} : memref<32x1024xi32, #tpu.memory_space<vmem>>, vector<1x256xi32>,
    %slice3A_2213 = vector.extract_strided_slice %transpose3A {offsets = [448, 0], sizes = [32, 8], strides = [1, 1]} : vector<1024x8xf32> to vector<32x8xf32>
    %slice3A_2214 = vector.extract_strided_slice %slice3A_2213 {offsets = [0, 0], sizes = [32, 1], strides = [1, 1]} : vector<32x8xf32> to vector<32x1xf32>
    %max3A_2215 = vector.broadcast %slice3A_2214 : vector<32x1xf32> to vector<32x256xf32>
    %max3A_2216 = vector.broadcast %slice3A_1466 : vector<1x256xf32> to vector<32x256xf32>
    %max3A_2217 = arith.maximumf %max3A_2215, %max3A_2216 : vector<32x256xf32>
    %slice3A_2218 = vector.extract_strided_slice %slice3A_2213 {offsets = [0, 1], sizes = [32, 1], strides = [1, 1]} : vector<32x8xf32> to vector<32x1xf32>
    %max3A_2219 = vector.broadcast %slice3A_2218 : vector<32x1xf32> to vector<32x256xf32>
    %max3A_2220 = vector.broadcast %slice3A_1467 : vector<1x256xf32> to vector<32x256xf32>
    %max3A_2221 = arith.maximumf %max3A_2219, %max3A_2220 : vector<32x256xf32>
    %slice3A_2222 = vector.extract_strided_slice %slice3A_2213 {offsets = [0, 2], sizes = [32, 1], strides = [1, 1]} : vector<32x8xf32> to vector<32x1xf32>
    %min3A_2223 = vector.broadcast %slice3A_2222 : vector<32x1xf32> to vector<32x256xf32>
    %min3A_2224 = vector.broadcast %slice3A_1468 : vector<1x256xf32> to vector<32x256xf32>
    %min3A_2225 = arith.minimumf %min3A_2223, %min3A_2224 : vector<32x256xf32>
    %slice3A_2226 = vector.extract_strided_slice %slice3A_2213 {offsets = [0, 3], sizes = [32, 1], strides = [1, 1]} : vector<32x8xf32> to vector<32x1xf32>
    %min3A_2227 = vector.broadcast %slice3A_2226 : vector<32x1xf32> to vector<32x256xf32>
    %min3A_2228 = vector.broadcast %slice3A_1469 : vector<1x256xf32> to vector<32x256xf32>
    %min3A_2229 = arith.minimumf %min3A_2227, %min3A_2228 : vector<32x256xf32>
    %sub3A_2230 = arith.subf %min3A_2225, %max3A_2217 : vector<32x256xf32>
    %add3A_2231 = arith.constant 1.000000e+00 : f32
    %add3A_2232 = vector.broadcast %add3A_2231 : f32 to vector<32x256xf32>
    %add3A_2233 = arith.addf %sub3A_2230, %add3A_2232 : vector<32x256xf32>
    %max3A_2234 = arith.constant 0.000000e+00 : f32
    %max3A_2235 = vector.broadcast %max3A_2234 : f32 to vector<32x256xf32>
    %max3A_2236 = arith.maximumf %max3A_2235, %add3A_2233 : vector<32x256xf32>
    %sub3A_2237 = arith.subf %min3A_2229, %max3A_2221 : vector<32x256xf32>
    %add3A_2238 = arith.constant 1.000000e+00 : f32
    %add3A_2239 = vector.broadcast %add3A_2238 : f32 to vector<32x256xf32>
    %add3A_2240 = arith.addf %sub3A_2237, %add3A_2239 : vector<32x256xf32>
    %mul3A_2241 = arith.mulf %max3A_2236, %add3A_2240 : vector<32x256xf32>
    %slice3A_2242 = vector.extract_strided_slice %slice3A_2213 {offsets = [0, 4], sizes = [32, 1], strides = [1, 1]} : vector<32x8xf32> to vector<32x1xf32>
    %add3A_2243 = vector.broadcast %slice3A_2242 : vector<32x1xf32> to vector<32x256xf32>
    %add3A_2244 = vector.broadcast %slice3A_1470 : vector<1x256xf32> to vector<32x256xf32>
    %add3A_2245 = arith.addf %add3A_2243, %add3A_2244 : vector<32x256xf32>
    %sub3A_2246 = arith.subf %add3A_2245, %mul3A_2241 : vector<32x256xf32>
    %div3A_2247 = arith.divf %mul3A_2241, %sub3A_2246 : vector<32x256xf32>
    %gt3A_2248 = arith.constant 3.000000e-01 : f32
    %gt3A_2249 = vector.broadcast %gt3A_2248 : f32 to vector<32x256xf32>
    %gt3A_2250 = arith.cmpf ogt, %div3A_2247, %gt3A_2249 : vector<32x256xf32>
    %convert_element_type3A_2251 = arith.extui %gt3A_2250 : vector<32x256xi1> to vector<32x256xi32>
    %convert_element_type3A_2252 = arith.sitofp %convert_element_type3A_2251 : vector<32x256xi32> to vector<32x256xf32>
    %dot_general3A_2253 = arith.constant dense<0.000000e+00> : vector<2x256xf32>
    %dot_general3A_2254 = tpu.matmul %convert_element_type3A_31, %convert_element_type3A_2252, %dot_general3A_2253 {dimension_numbers = #tpu.dot_dimension_numbers<[1], [0], [0], [1], [0, 0, 1, 1], [], []>, transpose_lhs_hint = false} : vector<2x32xf32>, vector<32x256xf32>, vector<2x256xf32> -> vector<2x256xf32>
    %slice3A_2255 = vector.extract_strided_slice %dot_general3A_2254 {offsets = [0, 0], sizes = [1, 256], strides = [1, 1]} : vector<2x256xf32> to vector<1x256xf32>
    %convert_element_type3A_2256 = arith.fptosi %slice3A_2255 : vector<1x256xf32> to vector<1x256xi32>
    %slice3A_2257 = vector.extract_strided_slice %dot_general3A_2254 {offsets = [1, 0], sizes = [1, 256], strides = [1, 1]} : vector<2x256xf32> to vector<1x256xf32>
    %convert_element_type3A_2258 = arith.fptosi %slice3A_2257 : vector<1x256xf32> to vector<1x256xi32>
    %shift_left3A_2259 = arith.constant 16 : i32
    %shift_left3A_2260 = vector.broadcast %shift_left3A_2259 : i32 to vector<1x256xi32>
    %shift_left3A_2261 = arith.shli %convert_element_type3A_2258, %shift_left3A_2260 : vector<1x256xi32>
    %or3A_2262 = arith.ori %convert_element_type3A_2256, %shift_left3A_2261 : vector<1x256xi32>
    %swap3A_2263 = arith.constant 14 : index
    %swap3A_2264 = arith.constant 512 : index
    %swap3A_2265 = vector.load %arg3[%swap3A_2263, %swap3A_2264] : memref<32x1024xi32, #tpu.memory_space<vmem>>, vector<1x256xi32>
    tpu.vector_store %arg3[%swap3A_2263, %swap3A_2264], %or3A_2262 {strides = array<i32>} : memref<32x1024xi32, #tpu.memory_space<vmem>>, vector<1x256xi32>,
    %slice3A_2266 = vector.extract_strided_slice %transpose3A {offsets = [480, 0], sizes = [32, 8], strides = [1, 1]} : vector<1024x8xf32> to vector<32x8xf32>
    %slice3A_2267 = vector.extract_strided_slice %slice3A_2266 {offsets = [0, 0], sizes = [32, 1], strides = [1, 1]} : vector<32x8xf32> to vector<32x1xf32>
    %max3A_2268 = vector.broadcast %slice3A_2267 : vector<32x1xf32> to vector<32x256xf32>
    %max3A_2269 = vector.broadcast %slice3A_1466 : vector<1x256xf32> to vector<32x256xf32>
    %max3A_2270 = arith.maximumf %max3A_2268, %max3A_2269 : vector<32x256xf32>
    %slice3A_2271 = vector.extract_strided_slice %slice3A_2266 {offsets = [0, 1], sizes = [32, 1], strides = [1, 1]} : vector<32x8xf32> to vector<32x1xf32>
    %max3A_2272 = vector.broadcast %slice3A_2271 : vector<32x1xf32> to vector<32x256xf32>
    %max3A_2273 = vector.broadcast %slice3A_1467 : vector<1x256xf32> to vector<32x256xf32>
    %max3A_2274 = arith.maximumf %max3A_2272, %max3A_2273 : vector<32x256xf32>
    %slice3A_2275 = vector.extract_strided_slice %slice3A_2266 {offsets = [0, 2], sizes = [32, 1], strides = [1, 1]} : vector<32x8xf32> to vector<32x1xf32>
    %min3A_2276 = vector.broadcast %slice3A_2275 : vector<32x1xf32> to vector<32x256xf32>
    %min3A_2277 = vector.broadcast %slice3A_1468 : vector<1x256xf32> to vector<32x256xf32>
    %min3A_2278 = arith.minimumf %min3A_2276, %min3A_2277 : vector<32x256xf32>
    %slice3A_2279 = vector.extract_strided_slice %slice3A_2266 {offsets = [0, 3], sizes = [32, 1], strides = [1, 1]} : vector<32x8xf32> to vector<32x1xf32>
    %min3A_2280 = vector.broadcast %slice3A_2279 : vector<32x1xf32> to vector<32x256xf32>
    %min3A_2281 = vector.broadcast %slice3A_1469 : vector<1x256xf32> to vector<32x256xf32>
    %min3A_2282 = arith.minimumf %min3A_2280, %min3A_2281 : vector<32x256xf32>
    %sub3A_2283 = arith.subf %min3A_2278, %max3A_2270 : vector<32x256xf32>
    %add3A_2284 = arith.constant 1.000000e+00 : f32
    %add3A_2285 = vector.broadcast %add3A_2284 : f32 to vector<32x256xf32>
    %add3A_2286 = arith.addf %sub3A_2283, %add3A_2285 : vector<32x256xf32>
    %max3A_2287 = arith.constant 0.000000e+00 : f32
    %max3A_2288 = vector.broadcast %max3A_2287 : f32 to vector<32x256xf32>
    %max3A_2289 = arith.maximumf %max3A_2288, %add3A_2286 : vector<32x256xf32>
    %sub3A_2290 = arith.subf %min3A_2282, %max3A_2274 : vector<32x256xf32>
    %add3A_2291 = arith.constant 1.000000e+00 : f32
    %add3A_2292 = vector.broadcast %add3A_2291 : f32 to vector<32x256xf32>
    %add3A_2293 = arith.addf %sub3A_2290, %add3A_2292 : vector<32x256xf32>
    %mul3A_2294 = arith.mulf %max3A_2289, %add3A_2293 : vector<32x256xf32>
    %slice3A_2295 = vector.extract_strided_slice %slice3A_2266 {offsets = [0, 4], sizes = [32, 1], strides = [1, 1]} : vector<32x8xf32> to vector<32x1xf32>
    %add3A_2296 = vector.broadcast %slice3A_2295 : vector<32x1xf32> to vector<32x256xf32>
    %add3A_2297 = vector.broadcast %slice3A_1470 : vector<1x256xf32> to vector<32x256xf32>
    %add3A_2298 = arith.addf %add3A_2296, %add3A_2297 : vector<32x256xf32>
    %sub3A_2299 = arith.subf %add3A_2298, %mul3A_2294 : vector<32x256xf32>
    %div3A_2300 = arith.divf %mul3A_2294, %sub3A_2299 : vector<32x256xf32>
    %gt3A_2301 = arith.constant 3.000000e-01 : f32
    %gt3A_2302 = vector.broadcast %gt3A_2301 : f32 to vector<32x256xf32>
    %gt3A_2303 = arith.cmpf ogt, %div3A_2300, %gt3A_2302 : vector<32x256xf32>
    %convert_element_type3A_2304 = arith.extui %gt3A_2303 : vector<32x256xi1> to vector<32x256xi32>
    %convert_element_type3A_2305 = arith.sitofp %convert_element_type3A_2304 : vector<32x256xi32> to vector<32x256xf32>
    %dot_general3A_2306 = arith.constant dense<0.000000e+00> : vector<2x256xf32>
    %dot_general3A_2307 = tpu.matmul %convert_element_type3A_31, %convert_element_type3A_2305, %dot_general3A_2306 {dimension_numbers = #tpu.dot_dimension_numbers<[1], [0], [0], [1], [0, 0, 1, 1], [], []>, transpose_lhs_hint = false} : vector<2x32xf32>, vector<32x256xf32>, vector<2x256xf32> -> vector<2x256xf32>
    %slice3A_2308 = vector.extract_strided_slice %dot_general3A_2307 {offsets = [0, 0], sizes = [1, 256], strides = [1, 1]} : vector<2x256xf32> to vector<1x256xf32>
    %convert_element_type3A_2309 = arith.fptosi %slice3A_2308 : vector<1x256xf32> to vector<1x256xi32>
    %slice3A_2310 = vector.extract_strided_slice %dot_general3A_2307 {offsets = [1, 0], sizes = [1, 256], strides = [1, 1]} : vector<2x256xf32> to vector<1x256xf32>
    %convert_element_type3A_2311 = arith.fptosi %slice3A_2310 : vector<1x256xf32> to vector<1x256xi32>
    %shift_left3A_2312 = arith.constant 16 : i32
    %shift_left3A_2313 = vector.broadcast %shift_left3A_2312 : i32 to vector<1x256xi32>
    %shift_left3A_2314 = arith.shli %convert_element_type3A_2311, %shift_left3A_2313 : vector<1x256xi32>
    %or3A_2315 = arith.ori %convert_element_type3A_2309, %shift_left3A_2314 : vector<1x256xi32>
    %swap3A_2316 = arith.constant 15 : index
    %swap3A_2317 = arith.constant 512 : index
    %swap3A_2318 = vector.load %arg3[%swap3A_2316, %swap3A_2317] : memref<32x1024xi32, #tpu.memory_space<vmem>>, vector<1x256xi32>
    tpu.vector_store %arg3[%swap3A_2316, %swap3A_2317], %or3A_2315 {strides = array<i32>} : memref<32x1024xi32, #tpu.memory_space<vmem>>, vector<1x256xi32>,
    %slice3A_2319 = vector.extract_strided_slice %transpose3A {offsets = [512, 0], sizes = [32, 8], strides = [1, 1]} : vector<1024x8xf32> to vector<32x8xf32>
    %slice3A_2320 = vector.extract_strided_slice %slice3A_2319 {offsets = [0, 0], sizes = [32, 1], strides = [1, 1]} : vector<32x8xf32> to vector<32x1xf32>
    %max3A_2321 = vector.broadcast %slice3A_2320 : vector<32x1xf32> to vector<32x256xf32>
    %max3A_2322 = vector.broadcast %slice3A_1466 : vector<1x256xf32> to vector<32x256xf32>
    %max3A_2323 = arith.maximumf %max3A_2321, %max3A_2322 : vector<32x256xf32>
    %slice3A_2324 = vector.extract_strided_slice %slice3A_2319 {offsets = [0, 1], sizes = [32, 1], strides = [1, 1]} : vector<32x8xf32> to vector<32x1xf32>
    %max3A_2325 = vector.broadcast %slice3A_2324 : vector<32x1xf32> to vector<32x256xf32>
    %max3A_2326 = vector.broadcast %slice3A_1467 : vector<1x256xf32> to vector<32x256xf32>
    %max3A_2327 = arith.maximumf %max3A_2325, %max3A_2326 : vector<32x256xf32>
    %slice3A_2328 = vector.extract_strided_slice %slice3A_2319 {offsets = [0, 2], sizes = [32, 1], strides = [1, 1]} : vector<32x8xf32> to vector<32x1xf32>
    %min3A_2329 = vector.broadcast %slice3A_2328 : vector<32x1xf32> to vector<32x256xf32>
    %min3A_2330 = vector.broadcast %slice3A_1468 : vector<1x256xf32> to vector<32x256xf32>
    %min3A_2331 = arith.minimumf %min3A_2329, %min3A_2330 : vector<32x256xf32>
    %slice3A_2332 = vector.extract_strided_slice %slice3A_2319 {offsets = [0, 3], sizes = [32, 1], strides = [1, 1]} : vector<32x8xf32> to vector<32x1xf32>
    %min3A_2333 = vector.broadcast %slice3A_2332 : vector<32x1xf32> to vector<32x256xf32>
    %min3A_2334 = vector.broadcast %slice3A_1469 : vector<1x256xf32> to vector<32x256xf32>
    %min3A_2335 = arith.minimumf %min3A_2333, %min3A_2334 : vector<32x256xf32>
    %sub3A_2336 = arith.subf %min3A_2331, %max3A_2323 : vector<32x256xf32>
    %add3A_2337 = arith.constant 1.000000e+00 : f32
    %add3A_2338 = vector.broadcast %add3A_2337 : f32 to vector<32x256xf32>
    %add3A_2339 = arith.addf %sub3A_2336, %add3A_2338 : vector<32x256xf32>
    %max3A_2340 = arith.constant 0.000000e+00 : f32
    %max3A_2341 = vector.broadcast %max3A_2340 : f32 to vector<32x256xf32>
    %max3A_2342 = arith.maximumf %max3A_2341, %add3A_2339 : vector<32x256xf32>
    %sub3A_2343 = arith.subf %min3A_2335, %max3A_2327 : vector<32x256xf32>
    %add3A_2344 = arith.constant 1.000000e+00 : f32
    %add3A_2345 = vector.broadcast %add3A_2344 : f32 to vector<32x256xf32>
    %add3A_2346 = arith.addf %sub3A_2343, %add3A_2345 : vector<32x256xf32>
    %mul3A_2347 = arith.mulf %max3A_2342, %add3A_2346 : vector<32x256xf32>
    %slice3A_2348 = vector.extract_strided_slice %slice3A_2319 {offsets = [0, 4], sizes = [32, 1], strides = [1, 1]} : vector<32x8xf32> to vector<32x1xf32>
    %add3A_2349 = vector.broadcast %slice3A_2348 : vector<32x1xf32> to vector<32x256xf32>
    %add3A_2350 = vector.broadcast %slice3A_1470 : vector<1x256xf32> to vector<32x256xf32>
    %add3A_2351 = arith.addf %add3A_2349, %add3A_2350 : vector<32x256xf32>
    %sub3A_2352 = arith.subf %add3A_2351, %mul3A_2347 : vector<32x256xf32>
    %div3A_2353 = arith.divf %mul3A_2347, %sub3A_2352 : vector<32x256xf32>
    %gt3A_2354 = arith.constant 3.000000e-01 : f32
    %gt3A_2355 = vector.broadcast %gt3A_2354 : f32 to vector<32x256xf32>
    %gt3A_2356 = arith.cmpf ogt, %div3A_2353, %gt3A_2355 : vector<32x256xf32>
    %iota3A_2357 = tpu.iota {dimensions = array<i32: 0>} : vector<32x256xi32>
    %add3A_2358 = arith.constant 512 : i32
    %add3A_2359 = vector.broadcast %add3A_2358 : i32 to vector<32x256xi32>
    %add3A_2360 = arith.addi %iota3A_2357, %add3A_2359 : vector<32x256xi32>
    %iota3A_2361 = tpu.iota {dimensions = array<i32: 1>} : vector<32x256xi32>
    %add3A_2362 = arith.constant 512 : i32
    %add3A_2363 = vector.broadcast %add3A_2362 : i32 to vector<32x256xi32>
    %add3A_2364 = arith.addi %iota3A_2361, %add3A_2363 : vector<32x256xi32>
    %lt3A_2365 = arith.cmpi slt, %add3A_2360, %add3A_2364 : vector<32x256xi32>
    %and3A_2366 = arith.andi %gt3A_2356, %lt3A_2365 : vector<32x256xi1>
    %convert_element_type3A_2367 = arith.extui %and3A_2366 : vector<32x256xi1> to vector<32x256xi32>
    %convert_element_type3A_2368 = arith.sitofp %convert_element_type3A_2367 : vector<32x256xi32> to vector<32x256xf32>
    %dot_general3A_2369 = arith.constant dense<0.000000e+00> : vector<2x256xf32>
    %dot_general3A_2370 = tpu.matmul %convert_element_type3A_31, %convert_element_type3A_2368, %dot_general3A_2369 {dimension_numbers = #tpu.dot_dimension_numbers<[1], [0], [0], [1], [0, 0, 1, 1], [], []>, transpose_lhs_hint = false} : vector<2x32xf32>, vector<32x256xf32>, vector<2x256xf32> -> vector<2x256xf32>
    %slice3A_2371 = vector.extract_strided_slice %dot_general3A_2370 {offsets = [0, 0], sizes = [1, 256], strides = [1, 1]} : vector<2x256xf32> to vector<1x256xf32>
    %convert_element_type3A_2372 = arith.fptosi %slice3A_2371 : vector<1x256xf32> to vector<1x256xi32>
    %slice3A_2373 = vector.extract_strided_slice %dot_general3A_2370 {offsets = [1, 0], sizes = [1, 256], strides = [1, 1]} : vector<2x256xf32> to vector<1x256xf32>
    %convert_element_type3A_2374 = arith.fptosi %slice3A_2373 : vector<1x256xf32> to vector<1x256xi32>
    %shift_left3A_2375 = arith.constant 16 : i32
    %shift_left3A_2376 = vector.broadcast %shift_left3A_2375 : i32 to vector<1x256xi32>
    %shift_left3A_2377 = arith.shli %convert_element_type3A_2374, %shift_left3A_2376 : vector<1x256xi32>
    %or3A_2378 = arith.ori %convert_element_type3A_2372, %shift_left3A_2377 : vector<1x256xi32>
    %swap3A_2379 = arith.constant 16 : index
    %swap3A_2380 = arith.constant 512 : index
    %swap3A_2381 = vector.load %arg3[%swap3A_2379, %swap3A_2380] : memref<32x1024xi32, #tpu.memory_space<vmem>>, vector<1x256xi32>
    tpu.vector_store %arg3[%swap3A_2379, %swap3A_2380], %or3A_2378 {strides = array<i32>} : memref<32x1024xi32, #tpu.memory_space<vmem>>, vector<1x256xi32>,
    %slice3A_2382 = vector.extract_strided_slice %transpose3A {offsets = [544, 0], sizes = [32, 8], strides = [1, 1]} : vector<1024x8xf32> to vector<32x8xf32>
    %slice3A_2383 = vector.extract_strided_slice %slice3A_2382 {offsets = [0, 0], sizes = [32, 1], strides = [1, 1]} : vector<32x8xf32> to vector<32x1xf32>
    %max3A_2384 = vector.broadcast %slice3A_2383 : vector<32x1xf32> to vector<32x256xf32>
    %max3A_2385 = vector.broadcast %slice3A_1466 : vector<1x256xf32> to vector<32x256xf32>
    %max3A_2386 = arith.maximumf %max3A_2384, %max3A_2385 : vector<32x256xf32>
    %slice3A_2387 = vector.extract_strided_slice %slice3A_2382 {offsets = [0, 1], sizes = [32, 1], strides = [1, 1]} : vector<32x8xf32> to vector<32x1xf32>
    %max3A_2388 = vector.broadcast %slice3A_2387 : vector<32x1xf32> to vector<32x256xf32>
    %max3A_2389 = vector.broadcast %slice3A_1467 : vector<1x256xf32> to vector<32x256xf32>
    %max3A_2390 = arith.maximumf %max3A_2388, %max3A_2389 : vector<32x256xf32>
    %slice3A_2391 = vector.extract_strided_slice %slice3A_2382 {offsets = [0, 2], sizes = [32, 1], strides = [1, 1]} : vector<32x8xf32> to vector<32x1xf32>
    %min3A_2392 = vector.broadcast %slice3A_2391 : vector<32x1xf32> to vector<32x256xf32>
    %min3A_2393 = vector.broadcast %slice3A_1468 : vector<1x256xf32> to vector<32x256xf32>
    %min3A_2394 = arith.minimumf %min3A_2392, %min3A_2393 : vector<32x256xf32>
    %slice3A_2395 = vector.extract_strided_slice %slice3A_2382 {offsets = [0, 3], sizes = [32, 1], strides = [1, 1]} : vector<32x8xf32> to vector<32x1xf32>
    %min3A_2396 = vector.broadcast %slice3A_2395 : vector<32x1xf32> to vector<32x256xf32>
    %min3A_2397 = vector.broadcast %slice3A_1469 : vector<1x256xf32> to vector<32x256xf32>
    %min3A_2398 = arith.minimumf %min3A_2396, %min3A_2397 : vector<32x256xf32>
    %sub3A_2399 = arith.subf %min3A_2394, %max3A_2386 : vector<32x256xf32>
    %add3A_2400 = arith.constant 1.000000e+00 : f32
    %add3A_2401 = vector.broadcast %add3A_2400 : f32 to vector<32x256xf32>
    %add3A_2402 = arith.addf %sub3A_2399, %add3A_2401 : vector<32x256xf32>
    %max3A_2403 = arith.constant 0.000000e+00 : f32
    %max3A_2404 = vector.broadcast %max3A_2403 : f32 to vector<32x256xf32>
    %max3A_2405 = arith.maximumf %max3A_2404, %add3A_2402 : vector<32x256xf32>
    %sub3A_2406 = arith.subf %min3A_2398, %max3A_2390 : vector<32x256xf32>
    %add3A_2407 = arith.constant 1.000000e+00 : f32
    %add3A_2408 = vector.broadcast %add3A_2407 : f32 to vector<32x256xf32>
    %add3A_2409 = arith.addf %sub3A_2406, %add3A_2408 : vector<32x256xf32>
    %mul3A_2410 = arith.mulf %max3A_2405, %add3A_2409 : vector<32x256xf32>
    %slice3A_2411 = vector.extract_strided_slice %slice3A_2382 {offsets = [0, 4], sizes = [32, 1], strides = [1, 1]} : vector<32x8xf32> to vector<32x1xf32>
    %add3A_2412 = vector.broadcast %slice3A_2411 : vector<32x1xf32> to vector<32x256xf32>
    %add3A_2413 = vector.broadcast %slice3A_1470 : vector<1x256xf32> to vector<32x256xf32>
    %add3A_2414 = arith.addf %add3A_2412, %add3A_2413 : vector<32x256xf32>
    %sub3A_2415 = arith.subf %add3A_2414, %mul3A_2410 : vector<32x256xf32>
    %div3A_2416 = arith.divf %mul3A_2410, %sub3A_2415 : vector<32x256xf32>
    %gt3A_2417 = arith.constant 3.000000e-01 : f32
    %gt3A_2418 = vector.broadcast %gt3A_2417 : f32 to vector<32x256xf32>
    %gt3A_2419 = arith.cmpf ogt, %div3A_2416, %gt3A_2418 : vector<32x256xf32>
    %iota3A_2420 = tpu.iota {dimensions = array<i32: 0>} : vector<32x256xi32>
    %add3A_2421 = arith.constant 544 : i32
    %add3A_2422 = vector.broadcast %add3A_2421 : i32 to vector<32x256xi32>
    %add3A_2423 = arith.addi %iota3A_2420, %add3A_2422 : vector<32x256xi32>
    %iota3A_2424 = tpu.iota {dimensions = array<i32: 1>} : vector<32x256xi32>
    %add3A_2425 = arith.constant 512 : i32
    %add3A_2426 = vector.broadcast %add3A_2425 : i32 to vector<32x256xi32>
    %add3A_2427 = arith.addi %iota3A_2424, %add3A_2426 : vector<32x256xi32>
    %lt3A_2428 = arith.cmpi slt, %add3A_2423, %add3A_2427 : vector<32x256xi32>
    %and3A_2429 = arith.andi %gt3A_2419, %lt3A_2428 : vector<32x256xi1>
    %convert_element_type3A_2430 = arith.extui %and3A_2429 : vector<32x256xi1> to vector<32x256xi32>
    %convert_element_type3A_2431 = arith.sitofp %convert_element_type3A_2430 : vector<32x256xi32> to vector<32x256xf32>
    %dot_general3A_2432 = arith.constant dense<0.000000e+00> : vector<2x256xf32>
    %dot_general3A_2433 = tpu.matmul %convert_element_type3A_31, %convert_element_type3A_2431, %dot_general3A_2432 {dimension_numbers = #tpu.dot_dimension_numbers<[1], [0], [0], [1], [0, 0, 1, 1], [], []>, transpose_lhs_hint = false} : vector<2x32xf32>, vector<32x256xf32>, vector<2x256xf32> -> vector<2x256xf32>
    %slice3A_2434 = vector.extract_strided_slice %dot_general3A_2433 {offsets = [0, 0], sizes = [1, 256], strides = [1, 1]} : vector<2x256xf32> to vector<1x256xf32>
    %convert_element_type3A_2435 = arith.fptosi %slice3A_2434 : vector<1x256xf32> to vector<1x256xi32>
    %slice3A_2436 = vector.extract_strided_slice %dot_general3A_2433 {offsets = [1, 0], sizes = [1, 256], strides = [1, 1]} : vector<2x256xf32> to vector<1x256xf32>
    %convert_element_type3A_2437 = arith.fptosi %slice3A_2436 : vector<1x256xf32> to vector<1x256xi32>
    %shift_left3A_2438 = arith.constant 16 : i32
    %shift_left3A_2439 = vector.broadcast %shift_left3A_2438 : i32 to vector<1x256xi32>
    %shift_left3A_2440 = arith.shli %convert_element_type3A_2437, %shift_left3A_2439 : vector<1x256xi32>
    %or3A_2441 = arith.ori %convert_element_type3A_2435, %shift_left3A_2440 : vector<1x256xi32>
    %swap3A_2442 = arith.constant 17 : index
    %swap3A_2443 = arith.constant 512 : index
    %swap3A_2444 = vector.load %arg3[%swap3A_2442, %swap3A_2443] : memref<32x1024xi32, #tpu.memory_space<vmem>>, vector<1x256xi32>
    tpu.vector_store %arg3[%swap3A_2442, %swap3A_2443], %or3A_2441 {strides = array<i32>} : memref<32x1024xi32, #tpu.memory_space<vmem>>, vector<1x256xi32>,
    %slice3A_2445 = vector.extract_strided_slice %transpose3A {offsets = [576, 0], sizes = [32, 8], strides = [1, 1]} : vector<1024x8xf32> to vector<32x8xf32>
    %slice3A_2446 = vector.extract_strided_slice %slice3A_2445 {offsets = [0, 0], sizes = [32, 1], strides = [1, 1]} : vector<32x8xf32> to vector<32x1xf32>
    %max3A_2447 = vector.broadcast %slice3A_2446 : vector<32x1xf32> to vector<32x256xf32>
    %max3A_2448 = vector.broadcast %slice3A_1466 : vector<1x256xf32> to vector<32x256xf32>
    %max3A_2449 = arith.maximumf %max3A_2447, %max3A_2448 : vector<32x256xf32>
    %slice3A_2450 = vector.extract_strided_slice %slice3A_2445 {offsets = [0, 1], sizes = [32, 1], strides = [1, 1]} : vector<32x8xf32> to vector<32x1xf32>
    %max3A_2451 = vector.broadcast %slice3A_2450 : vector<32x1xf32> to vector<32x256xf32>
    %max3A_2452 = vector.broadcast %slice3A_1467 : vector<1x256xf32> to vector<32x256xf32>
    %max3A_2453 = arith.maximumf %max3A_2451, %max3A_2452 : vector<32x256xf32>
    %slice3A_2454 = vector.extract_strided_slice %slice3A_2445 {offsets = [0, 2], sizes = [32, 1], strides = [1, 1]} : vector<32x8xf32> to vector<32x1xf32>
    %min3A_2455 = vector.broadcast %slice3A_2454 : vector<32x1xf32> to vector<32x256xf32>
    %min3A_2456 = vector.broadcast %slice3A_1468 : vector<1x256xf32> to vector<32x256xf32>
    %min3A_2457 = arith.minimumf %min3A_2455, %min3A_2456 : vector<32x256xf32>
    %slice3A_2458 = vector.extract_strided_slice %slice3A_2445 {offsets = [0, 3], sizes = [32, 1], strides = [1, 1]} : vector<32x8xf32> to vector<32x1xf32>
    %min3A_2459 = vector.broadcast %slice3A_2458 : vector<32x1xf32> to vector<32x256xf32>
    %min3A_2460 = vector.broadcast %slice3A_1469 : vector<1x256xf32> to vector<32x256xf32>
    %min3A_2461 = arith.minimumf %min3A_2459, %min3A_2460 : vector<32x256xf32>
    %sub3A_2462 = arith.subf %min3A_2457, %max3A_2449 : vector<32x256xf32>
    %add3A_2463 = arith.constant 1.000000e+00 : f32
    %add3A_2464 = vector.broadcast %add3A_2463 : f32 to vector<32x256xf32>
    %add3A_2465 = arith.addf %sub3A_2462, %add3A_2464 : vector<32x256xf32>
    %max3A_2466 = arith.constant 0.000000e+00 : f32
    %max3A_2467 = vector.broadcast %max3A_2466 : f32 to vector<32x256xf32>
    %max3A_2468 = arith.maximumf %max3A_2467, %add3A_2465 : vector<32x256xf32>
    %sub3A_2469 = arith.subf %min3A_2461, %max3A_2453 : vector<32x256xf32>
    %add3A_2470 = arith.constant 1.000000e+00 : f32
    %add3A_2471 = vector.broadcast %add3A_2470 : f32 to vector<32x256xf32>
    %add3A_2472 = arith.addf %sub3A_2469, %add3A_2471 : vector<32x256xf32>
    %mul3A_2473 = arith.mulf %max3A_2468, %add3A_2472 : vector<32x256xf32>
    %slice3A_2474 = vector.extract_strided_slice %slice3A_2445 {offsets = [0, 4], sizes = [32, 1], strides = [1, 1]} : vector<32x8xf32> to vector<32x1xf32>
    %add3A_2475 = vector.broadcast %slice3A_2474 : vector<32x1xf32> to vector<32x256xf32>
    %add3A_2476 = vector.broadcast %slice3A_1470 : vector<1x256xf32> to vector<32x256xf32>
    %add3A_2477 = arith.addf %add3A_2475, %add3A_2476 : vector<32x256xf32>
    %sub3A_2478 = arith.subf %add3A_2477, %mul3A_2473 : vector<32x256xf32>
    %div3A_2479 = arith.divf %mul3A_2473, %sub3A_2478 : vector<32x256xf32>
    %gt3A_2480 = arith.constant 3.000000e-01 : f32
    %gt3A_2481 = vector.broadcast %gt3A_2480 : f32 to vector<32x256xf32>
    %gt3A_2482 = arith.cmpf ogt, %div3A_2479, %gt3A_2481 : vector<32x256xf32>
    %iota3A_2483 = tpu.iota {dimensions = array<i32: 0>} : vector<32x256xi32>
    %add3A_2484 = arith.constant 576 : i32
    %add3A_2485 = vector.broadcast %add3A_2484 : i32 to vector<32x256xi32>
    %add3A_2486 = arith.addi %iota3A_2483, %add3A_2485 : vector<32x256xi32>
    %iota3A_2487 = tpu.iota {dimensions = array<i32: 1>} : vector<32x256xi32>
    %add3A_2488 = arith.constant 512 : i32
    %add3A_2489 = vector.broadcast %add3A_2488 : i32 to vector<32x256xi32>
    %add3A_2490 = arith.addi %iota3A_2487, %add3A_2489 : vector<32x256xi32>
    %lt3A_2491 = arith.cmpi slt, %add3A_2486, %add3A_2490 : vector<32x256xi32>
    %and3A_2492 = arith.andi %gt3A_2482, %lt3A_2491 : vector<32x256xi1>
    %convert_element_type3A_2493 = arith.extui %and3A_2492 : vector<32x256xi1> to vector<32x256xi32>
    %convert_element_type3A_2494 = arith.sitofp %convert_element_type3A_2493 : vector<32x256xi32> to vector<32x256xf32>
    %dot_general3A_2495 = arith.constant dense<0.000000e+00> : vector<2x256xf32>
    %dot_general3A_2496 = tpu.matmul %convert_element_type3A_31, %convert_element_type3A_2494, %dot_general3A_2495 {dimension_numbers = #tpu.dot_dimension_numbers<[1], [0], [0], [1], [0, 0, 1, 1], [], []>, transpose_lhs_hint = false} : vector<2x32xf32>, vector<32x256xf32>, vector<2x256xf32> -> vector<2x256xf32>
    %slice3A_2497 = vector.extract_strided_slice %dot_general3A_2496 {offsets = [0, 0], sizes = [1, 256], strides = [1, 1]} : vector<2x256xf32> to vector<1x256xf32>
    %convert_element_type3A_2498 = arith.fptosi %slice3A_2497 : vector<1x256xf32> to vector<1x256xi32>
    %slice3A_2499 = vector.extract_strided_slice %dot_general3A_2496 {offsets = [1, 0], sizes = [1, 256], strides = [1, 1]} : vector<2x256xf32> to vector<1x256xf32>
    %convert_element_type3A_2500 = arith.fptosi %slice3A_2499 : vector<1x256xf32> to vector<1x256xi32>
    %shift_left3A_2501 = arith.constant 16 : i32
    %shift_left3A_2502 = vector.broadcast %shift_left3A_2501 : i32 to vector<1x256xi32>
    %shift_left3A_2503 = arith.shli %convert_element_type3A_2500, %shift_left3A_2502 : vector<1x256xi32>
    %or3A_2504 = arith.ori %convert_element_type3A_2498, %shift_left3A_2503 : vector<1x256xi32>
    %swap3A_2505 = arith.constant 18 : index
    %swap3A_2506 = arith.constant 512 : index
    %swap3A_2507 = vector.load %arg3[%swap3A_2505, %swap3A_2506] : memref<32x1024xi32, #tpu.memory_space<vmem>>, vector<1x256xi32>
    tpu.vector_store %arg3[%swap3A_2505, %swap3A_2506], %or3A_2504 {strides = array<i32>} : memref<32x1024xi32, #tpu.memory_space<vmem>>, vector<1x256xi32>,
    %slice3A_2508 = vector.extract_strided_slice %transpose3A {offsets = [608, 0], sizes = [32, 8], strides = [1, 1]} : vector<1024x8xf32> to vector<32x8xf32>
    %slice3A_2509 = vector.extract_strided_slice %slice3A_2508 {offsets = [0, 0], sizes = [32, 1], strides = [1, 1]} : vector<32x8xf32> to vector<32x1xf32>
    %max3A_2510 = vector.broadcast %slice3A_2509 : vector<32x1xf32> to vector<32x256xf32>
    %max3A_2511 = vector.broadcast %slice3A_1466 : vector<1x256xf32> to vector<32x256xf32>
    %max3A_2512 = arith.maximumf %max3A_2510, %max3A_2511 : vector<32x256xf32>
    %slice3A_2513 = vector.extract_strided_slice %slice3A_2508 {offsets = [0, 1], sizes = [32, 1], strides = [1, 1]} : vector<32x8xf32> to vector<32x1xf32>
    %max3A_2514 = vector.broadcast %slice3A_2513 : vector<32x1xf32> to vector<32x256xf32>
    %max3A_2515 = vector.broadcast %slice3A_1467 : vector<1x256xf32> to vector<32x256xf32>
    %max3A_2516 = arith.maximumf %max3A_2514, %max3A_2515 : vector<32x256xf32>
    %slice3A_2517 = vector.extract_strided_slice %slice3A_2508 {offsets = [0, 2], sizes = [32, 1], strides = [1, 1]} : vector<32x8xf32> to vector<32x1xf32>
    %min3A_2518 = vector.broadcast %slice3A_2517 : vector<32x1xf32> to vector<32x256xf32>
    %min3A_2519 = vector.broadcast %slice3A_1468 : vector<1x256xf32> to vector<32x256xf32>
    %min3A_2520 = arith.minimumf %min3A_2518, %min3A_2519 : vector<32x256xf32>
    %slice3A_2521 = vector.extract_strided_slice %slice3A_2508 {offsets = [0, 3], sizes = [32, 1], strides = [1, 1]} : vector<32x8xf32> to vector<32x1xf32>
    %min3A_2522 = vector.broadcast %slice3A_2521 : vector<32x1xf32> to vector<32x256xf32>
    %min3A_2523 = vector.broadcast %slice3A_1469 : vector<1x256xf32> to vector<32x256xf32>
    %min3A_2524 = arith.minimumf %min3A_2522, %min3A_2523 : vector<32x256xf32>
    %sub3A_2525 = arith.subf %min3A_2520, %max3A_2512 : vector<32x256xf32>
    %add3A_2526 = arith.constant 1.000000e+00 : f32
    %add3A_2527 = vector.broadcast %add3A_2526 : f32 to vector<32x256xf32>
    %add3A_2528 = arith.addf %sub3A_2525, %add3A_2527 : vector<32x256xf32>
    %max3A_2529 = arith.constant 0.000000e+00 : f32
    %max3A_2530 = vector.broadcast %max3A_2529 : f32 to vector<32x256xf32>
    %max3A_2531 = arith.maximumf %max3A_2530, %add3A_2528 : vector<32x256xf32>
    %sub3A_2532 = arith.subf %min3A_2524, %max3A_2516 : vector<32x256xf32>
    %add3A_2533 = arith.constant 1.000000e+00 : f32
    %add3A_2534 = vector.broadcast %add3A_2533 : f32 to vector<32x256xf32>
    %add3A_2535 = arith.addf %sub3A_2532, %add3A_2534 : vector<32x256xf32>
    %mul3A_2536 = arith.mulf %max3A_2531, %add3A_2535 : vector<32x256xf32>
    %slice3A_2537 = vector.extract_strided_slice %slice3A_2508 {offsets = [0, 4], sizes = [32, 1], strides = [1, 1]} : vector<32x8xf32> to vector<32x1xf32>
    %add3A_2538 = vector.broadcast %slice3A_2537 : vector<32x1xf32> to vector<32x256xf32>
    %add3A_2539 = vector.broadcast %slice3A_1470 : vector<1x256xf32> to vector<32x256xf32>
    %add3A_2540 = arith.addf %add3A_2538, %add3A_2539 : vector<32x256xf32>
    %sub3A_2541 = arith.subf %add3A_2540, %mul3A_2536 : vector<32x256xf32>
    %div3A_2542 = arith.divf %mul3A_2536, %sub3A_2541 : vector<32x256xf32>
    %gt3A_2543 = arith.constant 3.000000e-01 : f32
    %gt3A_2544 = vector.broadcast %gt3A_2543 : f32 to vector<32x256xf32>
    %gt3A_2545 = arith.cmpf ogt, %div3A_2542, %gt3A_2544 : vector<32x256xf32>
    %iota3A_2546 = tpu.iota {dimensions = array<i32: 0>} : vector<32x256xi32>
    %add3A_2547 = arith.constant 608 : i32
    %add3A_2548 = vector.broadcast %add3A_2547 : i32 to vector<32x256xi32>
    %add3A_2549 = arith.addi %iota3A_2546, %add3A_2548 : vector<32x256xi32>
    %iota3A_2550 = tpu.iota {dimensions = array<i32: 1>} : vector<32x256xi32>
    %add3A_2551 = arith.constant 512 : i32
    %add3A_2552 = vector.broadcast %add3A_2551 : i32 to vector<32x256xi32>
    %add3A_2553 = arith.addi %iota3A_2550, %add3A_2552 : vector<32x256xi32>
    %lt3A_2554 = arith.cmpi slt, %add3A_2549, %add3A_2553 : vector<32x256xi32>
    %and3A_2555 = arith.andi %gt3A_2545, %lt3A_2554 : vector<32x256xi1>
    %convert_element_type3A_2556 = arith.extui %and3A_2555 : vector<32x256xi1> to vector<32x256xi32>
    %convert_element_type3A_2557 = arith.sitofp %convert_element_type3A_2556 : vector<32x256xi32> to vector<32x256xf32>
    %dot_general3A_2558 = arith.constant dense<0.000000e+00> : vector<2x256xf32>
    %dot_general3A_2559 = tpu.matmul %convert_element_type3A_31, %convert_element_type3A_2557, %dot_general3A_2558 {dimension_numbers = #tpu.dot_dimension_numbers<[1], [0], [0], [1], [0, 0, 1, 1], [], []>, transpose_lhs_hint = false} : vector<2x32xf32>, vector<32x256xf32>, vector<2x256xf32> -> vector<2x256xf32>
    %slice3A_2560 = vector.extract_strided_slice %dot_general3A_2559 {offsets = [0, 0], sizes = [1, 256], strides = [1, 1]} : vector<2x256xf32> to vector<1x256xf32>
    %convert_element_type3A_2561 = arith.fptosi %slice3A_2560 : vector<1x256xf32> to vector<1x256xi32>
    %slice3A_2562 = vector.extract_strided_slice %dot_general3A_2559 {offsets = [1, 0], sizes = [1, 256], strides = [1, 1]} : vector<2x256xf32> to vector<1x256xf32>
    %convert_element_type3A_2563 = arith.fptosi %slice3A_2562 : vector<1x256xf32> to vector<1x256xi32>
    %shift_left3A_2564 = arith.constant 16 : i32
    %shift_left3A_2565 = vector.broadcast %shift_left3A_2564 : i32 to vector<1x256xi32>
    %shift_left3A_2566 = arith.shli %convert_element_type3A_2563, %shift_left3A_2565 : vector<1x256xi32>
    %or3A_2567 = arith.ori %convert_element_type3A_2561, %shift_left3A_2566 : vector<1x256xi32>
    %swap3A_2568 = arith.constant 19 : index
    %swap3A_2569 = arith.constant 512 : index
    %swap3A_2570 = vector.load %arg3[%swap3A_2568, %swap3A_2569] : memref<32x1024xi32, #tpu.memory_space<vmem>>, vector<1x256xi32>
    tpu.vector_store %arg3[%swap3A_2568, %swap3A_2569], %or3A_2567 {strides = array<i32>} : memref<32x1024xi32, #tpu.memory_space<vmem>>, vector<1x256xi32>,
    %slice3A_2571 = vector.extract_strided_slice %transpose3A {offsets = [640, 0], sizes = [32, 8], strides = [1, 1]} : vector<1024x8xf32> to vector<32x8xf32>
    %slice3A_2572 = vector.extract_strided_slice %slice3A_2571 {offsets = [0, 0], sizes = [32, 1], strides = [1, 1]} : vector<32x8xf32> to vector<32x1xf32>
    %max3A_2573 = vector.broadcast %slice3A_2572 : vector<32x1xf32> to vector<32x256xf32>
    %max3A_2574 = vector.broadcast %slice3A_1466 : vector<1x256xf32> to vector<32x256xf32>
    %max3A_2575 = arith.maximumf %max3A_2573, %max3A_2574 : vector<32x256xf32>
    %slice3A_2576 = vector.extract_strided_slice %slice3A_2571 {offsets = [0, 1], sizes = [32, 1], strides = [1, 1]} : vector<32x8xf32> to vector<32x1xf32>
    %max3A_2577 = vector.broadcast %slice3A_2576 : vector<32x1xf32> to vector<32x256xf32>
    %max3A_2578 = vector.broadcast %slice3A_1467 : vector<1x256xf32> to vector<32x256xf32>
    %max3A_2579 = arith.maximumf %max3A_2577, %max3A_2578 : vector<32x256xf32>
    %slice3A_2580 = vector.extract_strided_slice %slice3A_2571 {offsets = [0, 2], sizes = [32, 1], strides = [1, 1]} : vector<32x8xf32> to vector<32x1xf32>
    %min3A_2581 = vector.broadcast %slice3A_2580 : vector<32x1xf32> to vector<32x256xf32>
    %min3A_2582 = vector.broadcast %slice3A_1468 : vector<1x256xf32> to vector<32x256xf32>
    %min3A_2583 = arith.minimumf %min3A_2581, %min3A_2582 : vector<32x256xf32>
    %slice3A_2584 = vector.extract_strided_slice %slice3A_2571 {offsets = [0, 3], sizes = [32, 1], strides = [1, 1]} : vector<32x8xf32> to vector<32x1xf32>
    %min3A_2585 = vector.broadcast %slice3A_2584 : vector<32x1xf32> to vector<32x256xf32>
    %min3A_2586 = vector.broadcast %slice3A_1469 : vector<1x256xf32> to vector<32x256xf32>
    %min3A_2587 = arith.minimumf %min3A_2585, %min3A_2586 : vector<32x256xf32>
    %sub3A_2588 = arith.subf %min3A_2583, %max3A_2575 : vector<32x256xf32>
    %add3A_2589 = arith.constant 1.000000e+00 : f32
    %add3A_2590 = vector.broadcast %add3A_2589 : f32 to vector<32x256xf32>
    %add3A_2591 = arith.addf %sub3A_2588, %add3A_2590 : vector<32x256xf32>
    %max3A_2592 = arith.constant 0.000000e+00 : f32
    %max3A_2593 = vector.broadcast %max3A_2592 : f32 to vector<32x256xf32>
    %max3A_2594 = arith.maximumf %max3A_2593, %add3A_2591 : vector<32x256xf32>
    %sub3A_2595 = arith.subf %min3A_2587, %max3A_2579 : vector<32x256xf32>
    %add3A_2596 = arith.constant 1.000000e+00 : f32
    %add3A_2597 = vector.broadcast %add3A_2596 : f32 to vector<32x256xf32>
    %add3A_2598 = arith.addf %sub3A_2595, %add3A_2597 : vector<32x256xf32>
    %mul3A_2599 = arith.mulf %max3A_2594, %add3A_2598 : vector<32x256xf32>
    %slice3A_2600 = vector.extract_strided_slice %slice3A_2571 {offsets = [0, 4], sizes = [32, 1], strides = [1, 1]} : vector<32x8xf32> to vector<32x1xf32>
    %add3A_2601 = vector.broadcast %slice3A_2600 : vector<32x1xf32> to vector<32x256xf32>
    %add3A_2602 = vector.broadcast %slice3A_1470 : vector<1x256xf32> to vector<32x256xf32>
    %add3A_2603 = arith.addf %add3A_2601, %add3A_2602 : vector<32x256xf32>
    %sub3A_2604 = arith.subf %add3A_2603, %mul3A_2599 : vector<32x256xf32>
    %div3A_2605 = arith.divf %mul3A_2599, %sub3A_2604 : vector<32x256xf32>
    %gt3A_2606 = arith.constant 3.000000e-01 : f32
    %gt3A_2607 = vector.broadcast %gt3A_2606 : f32 to vector<32x256xf32>
    %gt3A_2608 = arith.cmpf ogt, %div3A_2605, %gt3A_2607 : vector<32x256xf32>
    %iota3A_2609 = tpu.iota {dimensions = array<i32: 0>} : vector<32x256xi32>
    %add3A_2610 = arith.constant 640 : i32
    %add3A_2611 = vector.broadcast %add3A_2610 : i32 to vector<32x256xi32>
    %add3A_2612 = arith.addi %iota3A_2609, %add3A_2611 : vector<32x256xi32>
    %iota3A_2613 = tpu.iota {dimensions = array<i32: 1>} : vector<32x256xi32>
    %add3A_2614 = arith.constant 512 : i32
    %add3A_2615 = vector.broadcast %add3A_2614 : i32 to vector<32x256xi32>
    %add3A_2616 = arith.addi %iota3A_2613, %add3A_2615 : vector<32x256xi32>
    %lt3A_2617 = arith.cmpi slt, %add3A_2612, %add3A_2616 : vector<32x256xi32>
    %and3A_2618 = arith.andi %gt3A_2608, %lt3A_2617 : vector<32x256xi1>
    %convert_element_type3A_2619 = arith.extui %and3A_2618 : vector<32x256xi1> to vector<32x256xi32>
    %convert_element_type3A_2620 = arith.sitofp %convert_element_type3A_2619 : vector<32x256xi32> to vector<32x256xf32>
    %dot_general3A_2621 = arith.constant dense<0.000000e+00> : vector<2x256xf32>
    %dot_general3A_2622 = tpu.matmul %convert_element_type3A_31, %convert_element_type3A_2620, %dot_general3A_2621 {dimension_numbers = #tpu.dot_dimension_numbers<[1], [0], [0], [1], [0, 0, 1, 1], [], []>, transpose_lhs_hint = false} : vector<2x32xf32>, vector<32x256xf32>, vector<2x256xf32> -> vector<2x256xf32>
    %slice3A_2623 = vector.extract_strided_slice %dot_general3A_2622 {offsets = [0, 0], sizes = [1, 256], strides = [1, 1]} : vector<2x256xf32> to vector<1x256xf32>
    %convert_element_type3A_2624 = arith.fptosi %slice3A_2623 : vector<1x256xf32> to vector<1x256xi32>
    %slice3A_2625 = vector.extract_strided_slice %dot_general3A_2622 {offsets = [1, 0], sizes = [1, 256], strides = [1, 1]} : vector<2x256xf32> to vector<1x256xf32>
    %convert_element_type3A_2626 = arith.fptosi %slice3A_2625 : vector<1x256xf32> to vector<1x256xi32>
    %shift_left3A_2627 = arith.constant 16 : i32
    %shift_left3A_2628 = vector.broadcast %shift_left3A_2627 : i32 to vector<1x256xi32>
    %shift_left3A_2629 = arith.shli %convert_element_type3A_2626, %shift_left3A_2628 : vector<1x256xi32>
    %or3A_2630 = arith.ori %convert_element_type3A_2624, %shift_left3A_2629 : vector<1x256xi32>
    %swap3A_2631 = arith.constant 20 : index
    %swap3A_2632 = arith.constant 512 : index
    %swap3A_2633 = vector.load %arg3[%swap3A_2631, %swap3A_2632] : memref<32x1024xi32, #tpu.memory_space<vmem>>, vector<1x256xi32>
    tpu.vector_store %arg3[%swap3A_2631, %swap3A_2632], %or3A_2630 {strides = array<i32>} : memref<32x1024xi32, #tpu.memory_space<vmem>>, vector<1x256xi32>,
    %slice3A_2634 = vector.extract_strided_slice %transpose3A {offsets = [672, 0], sizes = [32, 8], strides = [1, 1]} : vector<1024x8xf32> to vector<32x8xf32>
    %slice3A_2635 = vector.extract_strided_slice %slice3A_2634 {offsets = [0, 0], sizes = [32, 1], strides = [1, 1]} : vector<32x8xf32> to vector<32x1xf32>
    %max3A_2636 = vector.broadcast %slice3A_2635 : vector<32x1xf32> to vector<32x256xf32>
    %max3A_2637 = vector.broadcast %slice3A_1466 : vector<1x256xf32> to vector<32x256xf32>
    %max3A_2638 = arith.maximumf %max3A_2636, %max3A_2637 : vector<32x256xf32>
    %slice3A_2639 = vector.extract_strided_slice %slice3A_2634 {offsets = [0, 1], sizes = [32, 1], strides = [1, 1]} : vector<32x8xf32> to vector<32x1xf32>
    %max3A_2640 = vector.broadcast %slice3A_2639 : vector<32x1xf32> to vector<32x256xf32>
    %max3A_2641 = vector.broadcast %slice3A_1467 : vector<1x256xf32> to vector<32x256xf32>
    %max3A_2642 = arith.maximumf %max3A_2640, %max3A_2641 : vector<32x256xf32>
    %slice3A_2643 = vector.extract_strided_slice %slice3A_2634 {offsets = [0, 2], sizes = [32, 1], strides = [1, 1]} : vector<32x8xf32> to vector<32x1xf32>
    %min3A_2644 = vector.broadcast %slice3A_2643 : vector<32x1xf32> to vector<32x256xf32>
    %min3A_2645 = vector.broadcast %slice3A_1468 : vector<1x256xf32> to vector<32x256xf32>
    %min3A_2646 = arith.minimumf %min3A_2644, %min3A_2645 : vector<32x256xf32>
    %slice3A_2647 = vector.extract_strided_slice %slice3A_2634 {offsets = [0, 3], sizes = [32, 1], strides = [1, 1]} : vector<32x8xf32> to vector<32x1xf32>
    %min3A_2648 = vector.broadcast %slice3A_2647 : vector<32x1xf32> to vector<32x256xf32>
    %min3A_2649 = vector.broadcast %slice3A_1469 : vector<1x256xf32> to vector<32x256xf32>
    %min3A_2650 = arith.minimumf %min3A_2648, %min3A_2649 : vector<32x256xf32>
    %sub3A_2651 = arith.subf %min3A_2646, %max3A_2638 : vector<32x256xf32>
    %add3A_2652 = arith.constant 1.000000e+00 : f32
    %add3A_2653 = vector.broadcast %add3A_2652 : f32 to vector<32x256xf32>
    %add3A_2654 = arith.addf %sub3A_2651, %add3A_2653 : vector<32x256xf32>
    %max3A_2655 = arith.constant 0.000000e+00 : f32
    %max3A_2656 = vector.broadcast %max3A_2655 : f32 to vector<32x256xf32>
    %max3A_2657 = arith.maximumf %max3A_2656, %add3A_2654 : vector<32x256xf32>
    %sub3A_2658 = arith.subf %min3A_2650, %max3A_2642 : vector<32x256xf32>
    %add3A_2659 = arith.constant 1.000000e+00 : f32
    %add3A_2660 = vector.broadcast %add3A_2659 : f32 to vector<32x256xf32>
    %add3A_2661 = arith.addf %sub3A_2658, %add3A_2660 : vector<32x256xf32>
    %mul3A_2662 = arith.mulf %max3A_2657, %add3A_2661 : vector<32x256xf32>
    %slice3A_2663 = vector.extract_strided_slice %slice3A_2634 {offsets = [0, 4], sizes = [32, 1], strides = [1, 1]} : vector<32x8xf32> to vector<32x1xf32>
    %add3A_2664 = vector.broadcast %slice3A_2663 : vector<32x1xf32> to vector<32x256xf32>
    %add3A_2665 = vector.broadcast %slice3A_1470 : vector<1x256xf32> to vector<32x256xf32>
    %add3A_2666 = arith.addf %add3A_2664, %add3A_2665 : vector<32x256xf32>
    %sub3A_2667 = arith.subf %add3A_2666, %mul3A_2662 : vector<32x256xf32>
    %div3A_2668 = arith.divf %mul3A_2662, %sub3A_2667 : vector<32x256xf32>
    %gt3A_2669 = arith.constant 3.000000e-01 : f32
    %gt3A_2670 = vector.broadcast %gt3A_2669 : f32 to vector<32x256xf32>
    %gt3A_2671 = arith.cmpf ogt, %div3A_2668, %gt3A_2670 : vector<32x256xf32>
    %iota3A_2672 = tpu.iota {dimensions = array<i32: 0>} : vector<32x256xi32>
    %add3A_2673 = arith.constant 672 : i32
    %add3A_2674 = vector.broadcast %add3A_2673 : i32 to vector<32x256xi32>
    %add3A_2675 = arith.addi %iota3A_2672, %add3A_2674 : vector<32x256xi32>
    %iota3A_2676 = tpu.iota {dimensions = array<i32: 1>} : vector<32x256xi32>
    %add3A_2677 = arith.constant 512 : i32
    %add3A_2678 = vector.broadcast %add3A_2677 : i32 to vector<32x256xi32>
    %add3A_2679 = arith.addi %iota3A_2676, %add3A_2678 : vector<32x256xi32>
    %lt3A_2680 = arith.cmpi slt, %add3A_2675, %add3A_2679 : vector<32x256xi32>
    %and3A_2681 = arith.andi %gt3A_2671, %lt3A_2680 : vector<32x256xi1>
    %convert_element_type3A_2682 = arith.extui %and3A_2681 : vector<32x256xi1> to vector<32x256xi32>
    %convert_element_type3A_2683 = arith.sitofp %convert_element_type3A_2682 : vector<32x256xi32> to vector<32x256xf32>
    %dot_general3A_2684 = arith.constant dense<0.000000e+00> : vector<2x256xf32>
    %dot_general3A_2685 = tpu.matmul %convert_element_type3A_31, %convert_element_type3A_2683, %dot_general3A_2684 {dimension_numbers = #tpu.dot_dimension_numbers<[1], [0], [0], [1], [0, 0, 1, 1], [], []>, transpose_lhs_hint = false} : vector<2x32xf32>, vector<32x256xf32>, vector<2x256xf32> -> vector<2x256xf32>
    %slice3A_2686 = vector.extract_strided_slice %dot_general3A_2685 {offsets = [0, 0], sizes = [1, 256], strides = [1, 1]} : vector<2x256xf32> to vector<1x256xf32>
    %convert_element_type3A_2687 = arith.fptosi %slice3A_2686 : vector<1x256xf32> to vector<1x256xi32>
    %slice3A_2688 = vector.extract_strided_slice %dot_general3A_2685 {offsets = [1, 0], sizes = [1, 256], strides = [1, 1]} : vector<2x256xf32> to vector<1x256xf32>
    %convert_element_type3A_2689 = arith.fptosi %slice3A_2688 : vector<1x256xf32> to vector<1x256xi32>
    %shift_left3A_2690 = arith.constant 16 : i32
    %shift_left3A_2691 = vector.broadcast %shift_left3A_2690 : i32 to vector<1x256xi32>
    %shift_left3A_2692 = arith.shli %convert_element_type3A_2689, %shift_left3A_2691 : vector<1x256xi32>
    %or3A_2693 = arith.ori %convert_element_type3A_2687, %shift_left3A_2692 : vector<1x256xi32>
    %swap3A_2694 = arith.constant 21 : index
    %swap3A_2695 = arith.constant 512 : index
    %swap3A_2696 = vector.load %arg3[%swap3A_2694, %swap3A_2695] : memref<32x1024xi32, #tpu.memory_space<vmem>>, vector<1x256xi32>
    tpu.vector_store %arg3[%swap3A_2694, %swap3A_2695], %or3A_2693 {strides = array<i32>} : memref<32x1024xi32, #tpu.memory_space<vmem>>, vector<1x256xi32>,
    %slice3A_2697 = vector.extract_strided_slice %transpose3A {offsets = [704, 0], sizes = [32, 8], strides = [1, 1]} : vector<1024x8xf32> to vector<32x8xf32>
    %slice3A_2698 = vector.extract_strided_slice %slice3A_2697 {offsets = [0, 0], sizes = [32, 1], strides = [1, 1]} : vector<32x8xf32> to vector<32x1xf32>
    %max3A_2699 = vector.broadcast %slice3A_2698 : vector<32x1xf32> to vector<32x256xf32>
    %max3A_2700 = vector.broadcast %slice3A_1466 : vector<1x256xf32> to vector<32x256xf32>
    %max3A_2701 = arith.maximumf %max3A_2699, %max3A_2700 : vector<32x256xf32>
    %slice3A_2702 = vector.extract_strided_slice %slice3A_2697 {offsets = [0, 1], sizes = [32, 1], strides = [1, 1]} : vector<32x8xf32> to vector<32x1xf32>
    %max3A_2703 = vector.broadcast %slice3A_2702 : vector<32x1xf32> to vector<32x256xf32>
    %max3A_2704 = vector.broadcast %slice3A_1467 : vector<1x256xf32> to vector<32x256xf32>
    %max3A_2705 = arith.maximumf %max3A_2703, %max3A_2704 : vector<32x256xf32>
    %slice3A_2706 = vector.extract_strided_slice %slice3A_2697 {offsets = [0, 2], sizes = [32, 1], strides = [1, 1]} : vector<32x8xf32> to vector<32x1xf32>
    %min3A_2707 = vector.broadcast %slice3A_2706 : vector<32x1xf32> to vector<32x256xf32>
    %min3A_2708 = vector.broadcast %slice3A_1468 : vector<1x256xf32> to vector<32x256xf32>
    %min3A_2709 = arith.minimumf %min3A_2707, %min3A_2708 : vector<32x256xf32>
    %slice3A_2710 = vector.extract_strided_slice %slice3A_2697 {offsets = [0, 3], sizes = [32, 1], strides = [1, 1]} : vector<32x8xf32> to vector<32x1xf32>
    %min3A_2711 = vector.broadcast %slice3A_2710 : vector<32x1xf32> to vector<32x256xf32>
    %min3A_2712 = vector.broadcast %slice3A_1469 : vector<1x256xf32> to vector<32x256xf32>
    %min3A_2713 = arith.minimumf %min3A_2711, %min3A_2712 : vector<32x256xf32>
    %sub3A_2714 = arith.subf %min3A_2709, %max3A_2701 : vector<32x256xf32>
    %add3A_2715 = arith.constant 1.000000e+00 : f32
    %add3A_2716 = vector.broadcast %add3A_2715 : f32 to vector<32x256xf32>
    %add3A_2717 = arith.addf %sub3A_2714, %add3A_2716 : vector<32x256xf32>
    %max3A_2718 = arith.constant 0.000000e+00 : f32
    %max3A_2719 = vector.broadcast %max3A_2718 : f32 to vector<32x256xf32>
    %max3A_2720 = arith.maximumf %max3A_2719, %add3A_2717 : vector<32x256xf32>
    %sub3A_2721 = arith.subf %min3A_2713, %max3A_2705 : vector<32x256xf32>
    %add3A_2722 = arith.constant 1.000000e+00 : f32
    %add3A_2723 = vector.broadcast %add3A_2722 : f32 to vector<32x256xf32>
    %add3A_2724 = arith.addf %sub3A_2721, %add3A_2723 : vector<32x256xf32>
    %mul3A_2725 = arith.mulf %max3A_2720, %add3A_2724 : vector<32x256xf32>
    %slice3A_2726 = vector.extract_strided_slice %slice3A_2697 {offsets = [0, 4], sizes = [32, 1], strides = [1, 1]} : vector<32x8xf32> to vector<32x1xf32>
    %add3A_2727 = vector.broadcast %slice3A_2726 : vector<32x1xf32> to vector<32x256xf32>
    %add3A_2728 = vector.broadcast %slice3A_1470 : vector<1x256xf32> to vector<32x256xf32>
    %add3A_2729 = arith.addf %add3A_2727, %add3A_2728 : vector<32x256xf32>
    %sub3A_2730 = arith.subf %add3A_2729, %mul3A_2725 : vector<32x256xf32>
    %div3A_2731 = arith.divf %mul3A_2725, %sub3A_2730 : vector<32x256xf32>
    %gt3A_2732 = arith.constant 3.000000e-01 : f32
    %gt3A_2733 = vector.broadcast %gt3A_2732 : f32 to vector<32x256xf32>
    %gt3A_2734 = arith.cmpf ogt, %div3A_2731, %gt3A_2733 : vector<32x256xf32>
    %iota3A_2735 = tpu.iota {dimensions = array<i32: 0>} : vector<32x256xi32>
    %add3A_2736 = arith.constant 704 : i32
    %add3A_2737 = vector.broadcast %add3A_2736 : i32 to vector<32x256xi32>
    %add3A_2738 = arith.addi %iota3A_2735, %add3A_2737 : vector<32x256xi32>
    %iota3A_2739 = tpu.iota {dimensions = array<i32: 1>} : vector<32x256xi32>
    %add3A_2740 = arith.constant 512 : i32
    %add3A_2741 = vector.broadcast %add3A_2740 : i32 to vector<32x256xi32>
    %add3A_2742 = arith.addi %iota3A_2739, %add3A_2741 : vector<32x256xi32>
    %lt3A_2743 = arith.cmpi slt, %add3A_2738, %add3A_2742 : vector<32x256xi32>
    %and3A_2744 = arith.andi %gt3A_2734, %lt3A_2743 : vector<32x256xi1>
    %convert_element_type3A_2745 = arith.extui %and3A_2744 : vector<32x256xi1> to vector<32x256xi32>
    %convert_element_type3A_2746 = arith.sitofp %convert_element_type3A_2745 : vector<32x256xi32> to vector<32x256xf32>
    %dot_general3A_2747 = arith.constant dense<0.000000e+00> : vector<2x256xf32>
    %dot_general3A_2748 = tpu.matmul %convert_element_type3A_31, %convert_element_type3A_2746, %dot_general3A_2747 {dimension_numbers = #tpu.dot_dimension_numbers<[1], [0], [0], [1], [0, 0, 1, 1], [], []>, transpose_lhs_hint = false} : vector<2x32xf32>, vector<32x256xf32>, vector<2x256xf32> -> vector<2x256xf32>
    %slice3A_2749 = vector.extract_strided_slice %dot_general3A_2748 {offsets = [0, 0], sizes = [1, 256], strides = [1, 1]} : vector<2x256xf32> to vector<1x256xf32>
    %convert_element_type3A_2750 = arith.fptosi %slice3A_2749 : vector<1x256xf32> to vector<1x256xi32>
    %slice3A_2751 = vector.extract_strided_slice %dot_general3A_2748 {offsets = [1, 0], sizes = [1, 256], strides = [1, 1]} : vector<2x256xf32> to vector<1x256xf32>
    %convert_element_type3A_2752 = arith.fptosi %slice3A_2751 : vector<1x256xf32> to vector<1x256xi32>
    %shift_left3A_2753 = arith.constant 16 : i32
    %shift_left3A_2754 = vector.broadcast %shift_left3A_2753 : i32 to vector<1x256xi32>
    %shift_left3A_2755 = arith.shli %convert_element_type3A_2752, %shift_left3A_2754 : vector<1x256xi32>
    %or3A_2756 = arith.ori %convert_element_type3A_2750, %shift_left3A_2755 : vector<1x256xi32>
    %swap3A_2757 = arith.constant 22 : index
    %swap3A_2758 = arith.constant 512 : index
    %swap3A_2759 = vector.load %arg3[%swap3A_2757, %swap3A_2758] : memref<32x1024xi32, #tpu.memory_space<vmem>>, vector<1x256xi32>
    tpu.vector_store %arg3[%swap3A_2757, %swap3A_2758], %or3A_2756 {strides = array<i32>} : memref<32x1024xi32, #tpu.memory_space<vmem>>, vector<1x256xi32>,
    %slice3A_2760 = vector.extract_strided_slice %transpose3A {offsets = [736, 0], sizes = [32, 8], strides = [1, 1]} : vector<1024x8xf32> to vector<32x8xf32>
    %slice3A_2761 = vector.extract_strided_slice %slice3A_2760 {offsets = [0, 0], sizes = [32, 1], strides = [1, 1]} : vector<32x8xf32> to vector<32x1xf32>
    %max3A_2762 = vector.broadcast %slice3A_2761 : vector<32x1xf32> to vector<32x256xf32>
    %max3A_2763 = vector.broadcast %slice3A_1466 : vector<1x256xf32> to vector<32x256xf32>
    %max3A_2764 = arith.maximumf %max3A_2762, %max3A_2763 : vector<32x256xf32>
    %slice3A_2765 = vector.extract_strided_slice %slice3A_2760 {offsets = [0, 1], sizes = [32, 1], strides = [1, 1]} : vector<32x8xf32> to vector<32x1xf32>
    %max3A_2766 = vector.broadcast %slice3A_2765 : vector<32x1xf32> to vector<32x256xf32>
    %max3A_2767 = vector.broadcast %slice3A_1467 : vector<1x256xf32> to vector<32x256xf32>
    %max3A_2768 = arith.maximumf %max3A_2766, %max3A_2767 : vector<32x256xf32>
    %slice3A_2769 = vector.extract_strided_slice %slice3A_2760 {offsets = [0, 2], sizes = [32, 1], strides = [1, 1]} : vector<32x8xf32> to vector<32x1xf32>
    %min3A_2770 = vector.broadcast %slice3A_2769 : vector<32x1xf32> to vector<32x256xf32>
    %min3A_2771 = vector.broadcast %slice3A_1468 : vector<1x256xf32> to vector<32x256xf32>
    %min3A_2772 = arith.minimumf %min3A_2770, %min3A_2771 : vector<32x256xf32>
    %slice3A_2773 = vector.extract_strided_slice %slice3A_2760 {offsets = [0, 3], sizes = [32, 1], strides = [1, 1]} : vector<32x8xf32> to vector<32x1xf32>
    %min3A_2774 = vector.broadcast %slice3A_2773 : vector<32x1xf32> to vector<32x256xf32>
    %min3A_2775 = vector.broadcast %slice3A_1469 : vector<1x256xf32> to vector<32x256xf32>
    %min3A_2776 = arith.minimumf %min3A_2774, %min3A_2775 : vector<32x256xf32>
    %sub3A_2777 = arith.subf %min3A_2772, %max3A_2764 : vector<32x256xf32>
    %add3A_2778 = arith.constant 1.000000e+00 : f32
    %add3A_2779 = vector.broadcast %add3A_2778 : f32 to vector<32x256xf32>
    %add3A_2780 = arith.addf %sub3A_2777, %add3A_2779 : vector<32x256xf32>
    %max3A_2781 = arith.constant 0.000000e+00 : f32
    %max3A_2782 = vector.broadcast %max3A_2781 : f32 to vector<32x256xf32>
    %max3A_2783 = arith.maximumf %max3A_2782, %add3A_2780 : vector<32x256xf32>
    %sub3A_2784 = arith.subf %min3A_2776, %max3A_2768 : vector<32x256xf32>
    %add3A_2785 = arith.constant 1.000000e+00 : f32
    %add3A_2786 = vector.broadcast %add3A_2785 : f32 to vector<32x256xf32>
    %add3A_2787 = arith.addf %sub3A_2784, %add3A_2786 : vector<32x256xf32>
    %mul3A_2788 = arith.mulf %max3A_2783, %add3A_2787 : vector<32x256xf32>
    %slice3A_2789 = vector.extract_strided_slice %slice3A_2760 {offsets = [0, 4], sizes = [32, 1], strides = [1, 1]} : vector<32x8xf32> to vector<32x1xf32>
    %add3A_2790 = vector.broadcast %slice3A_2789 : vector<32x1xf32> to vector<32x256xf32>
    %add3A_2791 = vector.broadcast %slice3A_1470 : vector<1x256xf32> to vector<32x256xf32>
    %add3A_2792 = arith.addf %add3A_2790, %add3A_2791 : vector<32x256xf32>
    %sub3A_2793 = arith.subf %add3A_2792, %mul3A_2788 : vector<32x256xf32>
    %div3A_2794 = arith.divf %mul3A_2788, %sub3A_2793 : vector<32x256xf32>
    %gt3A_2795 = arith.constant 3.000000e-01 : f32
    %gt3A_2796 = vector.broadcast %gt3A_2795 : f32 to vector<32x256xf32>
    %gt3A_2797 = arith.cmpf ogt, %div3A_2794, %gt3A_2796 : vector<32x256xf32>
    %iota3A_2798 = tpu.iota {dimensions = array<i32: 0>} : vector<32x256xi32>
    %add3A_2799 = arith.constant 736 : i32
    %add3A_2800 = vector.broadcast %add3A_2799 : i32 to vector<32x256xi32>
    %add3A_2801 = arith.addi %iota3A_2798, %add3A_2800 : vector<32x256xi32>
    %iota3A_2802 = tpu.iota {dimensions = array<i32: 1>} : vector<32x256xi32>
    %add3A_2803 = arith.constant 512 : i32
    %add3A_2804 = vector.broadcast %add3A_2803 : i32 to vector<32x256xi32>
    %add3A_2805 = arith.addi %iota3A_2802, %add3A_2804 : vector<32x256xi32>
    %lt3A_2806 = arith.cmpi slt, %add3A_2801, %add3A_2805 : vector<32x256xi32>
    %and3A_2807 = arith.andi %gt3A_2797, %lt3A_2806 : vector<32x256xi1>
    %convert_element_type3A_2808 = arith.extui %and3A_2807 : vector<32x256xi1> to vector<32x256xi32>
    %convert_element_type3A_2809 = arith.sitofp %convert_element_type3A_2808 : vector<32x256xi32> to vector<32x256xf32>
    %dot_general3A_2810 = arith.constant dense<0.000000e+00> : vector<2x256xf32>
    %dot_general3A_2811 = tpu.matmul %convert_element_type3A_31, %convert_element_type3A_2809, %dot_general3A_2810 {dimension_numbers = #tpu.dot_dimension_numbers<[1], [0], [0], [1], [0, 0, 1, 1], [], []>, transpose_lhs_hint = false} : vector<2x32xf32>, vector<32x256xf32>, vector<2x256xf32> -> vector<2x256xf32>
    %slice3A_2812 = vector.extract_strided_slice %dot_general3A_2811 {offsets = [0, 0], sizes = [1, 256], strides = [1, 1]} : vector<2x256xf32> to vector<1x256xf32>
    %convert_element_type3A_2813 = arith.fptosi %slice3A_2812 : vector<1x256xf32> to vector<1x256xi32>
    %slice3A_2814 = vector.extract_strided_slice %dot_general3A_2811 {offsets = [1, 0], sizes = [1, 256], strides = [1, 1]} : vector<2x256xf32> to vector<1x256xf32>
    %convert_element_type3A_2815 = arith.fptosi %slice3A_2814 : vector<1x256xf32> to vector<1x256xi32>
    %shift_left3A_2816 = arith.constant 16 : i32
    %shift_left3A_2817 = vector.broadcast %shift_left3A_2816 : i32 to vector<1x256xi32>
    %shift_left3A_2818 = arith.shli %convert_element_type3A_2815, %shift_left3A_2817 : vector<1x256xi32>
    %or3A_2819 = arith.ori %convert_element_type3A_2813, %shift_left3A_2818 : vector<1x256xi32>
    %swap3A_2820 = arith.constant 23 : index
    %swap3A_2821 = arith.constant 512 : index
    %swap3A_2822 = vector.load %arg3[%swap3A_2820, %swap3A_2821] : memref<32x1024xi32, #tpu.memory_space<vmem>>, vector<1x256xi32>
    tpu.vector_store %arg3[%swap3A_2820, %swap3A_2821], %or3A_2819 {strides = array<i32>} : memref<32x1024xi32, #tpu.memory_space<vmem>>, vector<1x256xi32>,
    %slice3A_2823 = vector.extract_strided_slice %slice3A {offsets = [0, 768], sizes = [1, 256], strides = [1, 1]} : vector<1x1024xf32> to vector<1x256xf32>
    %slice3A_2824 = vector.extract_strided_slice %slice3A_6 {offsets = [0, 768], sizes = [1, 256], strides = [1, 1]} : vector<1x1024xf32> to vector<1x256xf32>
    %slice3A_2825 = vector.extract_strided_slice %slice3A_7 {offsets = [0, 768], sizes = [1, 256], strides = [1, 1]} : vector<1x1024xf32> to vector<1x256xf32>
    %slice3A_2826 = vector.extract_strided_slice %slice3A_8 {offsets = [0, 768], sizes = [1, 256], strides = [1, 1]} : vector<1x1024xf32> to vector<1x256xf32>
    %slice3A_2827 = vector.extract_strided_slice %mul3A {offsets = [0, 768], sizes = [1, 256], strides = [1, 1]} : vector<1x1024xf32> to vector<1x256xf32>
    %slice3A_2828 = vector.extract_strided_slice %transpose3A {offsets = [0, 0], sizes = [32, 8], strides = [1, 1]} : vector<1024x8xf32> to vector<32x8xf32>
    %slice3A_2829 = vector.extract_strided_slice %slice3A_2828 {offsets = [0, 0], sizes = [32, 1], strides = [1, 1]} : vector<32x8xf32> to vector<32x1xf32>
    %max3A_2830 = vector.broadcast %slice3A_2829 : vector<32x1xf32> to vector<32x256xf32>
    %max3A_2831 = vector.broadcast %slice3A_2823 : vector<1x256xf32> to vector<32x256xf32>
    %max3A_2832 = arith.maximumf %max3A_2830, %max3A_2831 : vector<32x256xf32>
    %slice3A_2833 = vector.extract_strided_slice %slice3A_2828 {offsets = [0, 1], sizes = [32, 1], strides = [1, 1]} : vector<32x8xf32> to vector<32x1xf32>
    %max3A_2834 = vector.broadcast %slice3A_2833 : vector<32x1xf32> to vector<32x256xf32>
    %max3A_2835 = vector.broadcast %slice3A_2824 : vector<1x256xf32> to vector<32x256xf32>
    %max3A_2836 = arith.maximumf %max3A_2834, %max3A_2835 : vector<32x256xf32>
    %slice3A_2837 = vector.extract_strided_slice %slice3A_2828 {offsets = [0, 2], sizes = [32, 1], strides = [1, 1]} : vector<32x8xf32> to vector<32x1xf32>
    %min3A_2838 = vector.broadcast %slice3A_2837 : vector<32x1xf32> to vector<32x256xf32>
    %min3A_2839 = vector.broadcast %slice3A_2825 : vector<1x256xf32> to vector<32x256xf32>
    %min3A_2840 = arith.minimumf %min3A_2838, %min3A_2839 : vector<32x256xf32>
    %slice3A_2841 = vector.extract_strided_slice %slice3A_2828 {offsets = [0, 3], sizes = [32, 1], strides = [1, 1]} : vector<32x8xf32> to vector<32x1xf32>
    %min3A_2842 = vector.broadcast %slice3A_2841 : vector<32x1xf32> to vector<32x256xf32>
    %min3A_2843 = vector.broadcast %slice3A_2826 : vector<1x256xf32> to vector<32x256xf32>
    %min3A_2844 = arith.minimumf %min3A_2842, %min3A_2843 : vector<32x256xf32>
    %sub3A_2845 = arith.subf %min3A_2840, %max3A_2832 : vector<32x256xf32>
    %add3A_2846 = arith.constant 1.000000e+00 : f32
    %add3A_2847 = vector.broadcast %add3A_2846 : f32 to vector<32x256xf32>
    %add3A_2848 = arith.addf %sub3A_2845, %add3A_2847 : vector<32x256xf32>
    %max3A_2849 = arith.constant 0.000000e+00 : f32
    %max3A_2850 = vector.broadcast %max3A_2849 : f32 to vector<32x256xf32>
    %max3A_2851 = arith.maximumf %max3A_2850, %add3A_2848 : vector<32x256xf32>
    %sub3A_2852 = arith.subf %min3A_2844, %max3A_2836 : vector<32x256xf32>
    %add3A_2853 = arith.constant 1.000000e+00 : f32
    %add3A_2854 = vector.broadcast %add3A_2853 : f32 to vector<32x256xf32>
    %add3A_2855 = arith.addf %sub3A_2852, %add3A_2854 : vector<32x256xf32>
    %mul3A_2856 = arith.mulf %max3A_2851, %add3A_2855 : vector<32x256xf32>
    %slice3A_2857 = vector.extract_strided_slice %slice3A_2828 {offsets = [0, 4], sizes = [32, 1], strides = [1, 1]} : vector<32x8xf32> to vector<32x1xf32>
    %add3A_2858 = vector.broadcast %slice3A_2857 : vector<32x1xf32> to vector<32x256xf32>
    %add3A_2859 = vector.broadcast %slice3A_2827 : vector<1x256xf32> to vector<32x256xf32>
    %add3A_2860 = arith.addf %add3A_2858, %add3A_2859 : vector<32x256xf32>
    %sub3A_2861 = arith.subf %add3A_2860, %mul3A_2856 : vector<32x256xf32>
    %div3A_2862 = arith.divf %mul3A_2856, %sub3A_2861 : vector<32x256xf32>
    %gt3A_2863 = arith.constant 3.000000e-01 : f32
    %gt3A_2864 = vector.broadcast %gt3A_2863 : f32 to vector<32x256xf32>
    %gt3A_2865 = arith.cmpf ogt, %div3A_2862, %gt3A_2864 : vector<32x256xf32>
    %convert_element_type3A_2866 = arith.extui %gt3A_2865 : vector<32x256xi1> to vector<32x256xi32>
    %convert_element_type3A_2867 = arith.sitofp %convert_element_type3A_2866 : vector<32x256xi32> to vector<32x256xf32>
    %dot_general3A_2868 = arith.constant dense<0.000000e+00> : vector<2x256xf32>
    %dot_general3A_2869 = tpu.matmul %convert_element_type3A_31, %convert_element_type3A_2867, %dot_general3A_2868 {dimension_numbers = #tpu.dot_dimension_numbers<[1], [0], [0], [1], [0, 0, 1, 1], [], []>, transpose_lhs_hint = false} : vector<2x32xf32>, vector<32x256xf32>, vector<2x256xf32> -> vector<2x256xf32>
    %slice3A_2870 = vector.extract_strided_slice %dot_general3A_2869 {offsets = [0, 0], sizes = [1, 256], strides = [1, 1]} : vector<2x256xf32> to vector<1x256xf32>
    %convert_element_type3A_2871 = arith.fptosi %slice3A_2870 : vector<1x256xf32> to vector<1x256xi32>
    %slice3A_2872 = vector.extract_strided_slice %dot_general3A_2869 {offsets = [1, 0], sizes = [1, 256], strides = [1, 1]} : vector<2x256xf32> to vector<1x256xf32>
    %convert_element_type3A_2873 = arith.fptosi %slice3A_2872 : vector<1x256xf32> to vector<1x256xi32>
    %shift_left3A_2874 = arith.constant 16 : i32
    %shift_left3A_2875 = vector.broadcast %shift_left3A_2874 : i32 to vector<1x256xi32>
    %shift_left3A_2876 = arith.shli %convert_element_type3A_2873, %shift_left3A_2875 : vector<1x256xi32>
    %or3A_2877 = arith.ori %convert_element_type3A_2871, %shift_left3A_2876 : vector<1x256xi32>
    %swap3A_2878 = arith.constant 0 : index
    %swap3A_2879 = arith.constant 768 : index
    %swap3A_2880 = vector.load %arg3[%swap3A_2878, %swap3A_2879] : memref<32x1024xi32, #tpu.memory_space<vmem>>, vector<1x256xi32>
    tpu.vector_store %arg3[%swap3A_2878, %swap3A_2879], %or3A_2877 {strides = array<i32>} : memref<32x1024xi32, #tpu.memory_space<vmem>>, vector<1x256xi32>,
    %slice3A_2881 = vector.extract_strided_slice %transpose3A {offsets = [32, 0], sizes = [32, 8], strides = [1, 1]} : vector<1024x8xf32> to vector<32x8xf32>
    %slice3A_2882 = vector.extract_strided_slice %slice3A_2881 {offsets = [0, 0], sizes = [32, 1], strides = [1, 1]} : vector<32x8xf32> to vector<32x1xf32>
    %max3A_2883 = vector.broadcast %slice3A_2882 : vector<32x1xf32> to vector<32x256xf32>
    %max3A_2884 = vector.broadcast %slice3A_2823 : vector<1x256xf32> to vector<32x256xf32>
    %max3A_2885 = arith.maximumf %max3A_2883, %max3A_2884 : vector<32x256xf32>
    %slice3A_2886 = vector.extract_strided_slice %slice3A_2881 {offsets = [0, 1], sizes = [32, 1], strides = [1, 1]} : vector<32x8xf32> to vector<32x1xf32>
    %max3A_2887 = vector.broadcast %slice3A_2886 : vector<32x1xf32> to vector<32x256xf32>
    %max3A_2888 = vector.broadcast %slice3A_2824 : vector<1x256xf32> to vector<32x256xf32>
    %max3A_2889 = arith.maximumf %max3A_2887, %max3A_2888 : vector<32x256xf32>
    %slice3A_2890 = vector.extract_strided_slice %slice3A_2881 {offsets = [0, 2], sizes = [32, 1], strides = [1, 1]} : vector<32x8xf32> to vector<32x1xf32>
    %min3A_2891 = vector.broadcast %slice3A_2890 : vector<32x1xf32> to vector<32x256xf32>
    %min3A_2892 = vector.broadcast %slice3A_2825 : vector<1x256xf32> to vector<32x256xf32>
    %min3A_2893 = arith.minimumf %min3A_2891, %min3A_2892 : vector<32x256xf32>
    %slice3A_2894 = vector.extract_strided_slice %slice3A_2881 {offsets = [0, 3], sizes = [32, 1], strides = [1, 1]} : vector<32x8xf32> to vector<32x1xf32>
    %min3A_2895 = vector.broadcast %slice3A_2894 : vector<32x1xf32> to vector<32x256xf32>
    %min3A_2896 = vector.broadcast %slice3A_2826 : vector<1x256xf32> to vector<32x256xf32>
    %min3A_2897 = arith.minimumf %min3A_2895, %min3A_2896 : vector<32x256xf32>
    %sub3A_2898 = arith.subf %min3A_2893, %max3A_2885 : vector<32x256xf32>
    %add3A_2899 = arith.constant 1.000000e+00 : f32
    %add3A_2900 = vector.broadcast %add3A_2899 : f32 to vector<32x256xf32>
    %add3A_2901 = arith.addf %sub3A_2898, %add3A_2900 : vector<32x256xf32>
    %max3A_2902 = arith.constant 0.000000e+00 : f32
    %max3A_2903 = vector.broadcast %max3A_2902 : f32 to vector<32x256xf32>
    %max3A_2904 = arith.maximumf %max3A_2903, %add3A_2901 : vector<32x256xf32>
    %sub3A_2905 = arith.subf %min3A_2897, %max3A_2889 : vector<32x256xf32>
    %add3A_2906 = arith.constant 1.000000e+00 : f32
    %add3A_2907 = vector.broadcast %add3A_2906 : f32 to vector<32x256xf32>
    %add3A_2908 = arith.addf %sub3A_2905, %add3A_2907 : vector<32x256xf32>
    %mul3A_2909 = arith.mulf %max3A_2904, %add3A_2908 : vector<32x256xf32>
    %slice3A_2910 = vector.extract_strided_slice %slice3A_2881 {offsets = [0, 4], sizes = [32, 1], strides = [1, 1]} : vector<32x8xf32> to vector<32x1xf32>
    %add3A_2911 = vector.broadcast %slice3A_2910 : vector<32x1xf32> to vector<32x256xf32>
    %add3A_2912 = vector.broadcast %slice3A_2827 : vector<1x256xf32> to vector<32x256xf32>
    %add3A_2913 = arith.addf %add3A_2911, %add3A_2912 : vector<32x256xf32>
    %sub3A_2914 = arith.subf %add3A_2913, %mul3A_2909 : vector<32x256xf32>
    %div3A_2915 = arith.divf %mul3A_2909, %sub3A_2914 : vector<32x256xf32>
    %gt3A_2916 = arith.constant 3.000000e-01 : f32
    %gt3A_2917 = vector.broadcast %gt3A_2916 : f32 to vector<32x256xf32>
    %gt3A_2918 = arith.cmpf ogt, %div3A_2915, %gt3A_2917 : vector<32x256xf32>
    %convert_element_type3A_2919 = arith.extui %gt3A_2918 : vector<32x256xi1> to vector<32x256xi32>
    %convert_element_type3A_2920 = arith.sitofp %convert_element_type3A_2919 : vector<32x256xi32> to vector<32x256xf32>
    %dot_general3A_2921 = arith.constant dense<0.000000e+00> : vector<2x256xf32>
    %dot_general3A_2922 = tpu.matmul %convert_element_type3A_31, %convert_element_type3A_2920, %dot_general3A_2921 {dimension_numbers = #tpu.dot_dimension_numbers<[1], [0], [0], [1], [0, 0, 1, 1], [], []>, transpose_lhs_hint = false} : vector<2x32xf32>, vector<32x256xf32>, vector<2x256xf32> -> vector<2x256xf32>
    %slice3A_2923 = vector.extract_strided_slice %dot_general3A_2922 {offsets = [0, 0], sizes = [1, 256], strides = [1, 1]} : vector<2x256xf32> to vector<1x256xf32>
    %convert_element_type3A_2924 = arith.fptosi %slice3A_2923 : vector<1x256xf32> to vector<1x256xi32>
    %slice3A_2925 = vector.extract_strided_slice %dot_general3A_2922 {offsets = [1, 0], sizes = [1, 256], strides = [1, 1]} : vector<2x256xf32> to vector<1x256xf32>
    %convert_element_type3A_2926 = arith.fptosi %slice3A_2925 : vector<1x256xf32> to vector<1x256xi32>
    %shift_left3A_2927 = arith.constant 16 : i32
    %shift_left3A_2928 = vector.broadcast %shift_left3A_2927 : i32 to vector<1x256xi32>
    %shift_left3A_2929 = arith.shli %convert_element_type3A_2926, %shift_left3A_2928 : vector<1x256xi32>
    %or3A_2930 = arith.ori %convert_element_type3A_2924, %shift_left3A_2929 : vector<1x256xi32>
    %swap3A_2931 = arith.constant 1 : index
    %swap3A_2932 = arith.constant 768 : index
    %swap3A_2933 = vector.load %arg3[%swap3A_2931, %swap3A_2932] : memref<32x1024xi32, #tpu.memory_space<vmem>>, vector<1x256xi32>
    tpu.vector_store %arg3[%swap3A_2931, %swap3A_2932], %or3A_2930 {strides = array<i32>} : memref<32x1024xi32, #tpu.memory_space<vmem>>, vector<1x256xi32>,
    %slice3A_2934 = vector.extract_strided_slice %transpose3A {offsets = [64, 0], sizes = [32, 8], strides = [1, 1]} : vector<1024x8xf32> to vector<32x8xf32>
    %slice3A_2935 = vector.extract_strided_slice %slice3A_2934 {offsets = [0, 0], sizes = [32, 1], strides = [1, 1]} : vector<32x8xf32> to vector<32x1xf32>
    %max3A_2936 = vector.broadcast %slice3A_2935 : vector<32x1xf32> to vector<32x256xf32>
    %max3A_2937 = vector.broadcast %slice3A_2823 : vector<1x256xf32> to vector<32x256xf32>
    %max3A_2938 = arith.maximumf %max3A_2936, %max3A_2937 : vector<32x256xf32>
    %slice3A_2939 = vector.extract_strided_slice %slice3A_2934 {offsets = [0, 1], sizes = [32, 1], strides = [1, 1]} : vector<32x8xf32> to vector<32x1xf32>
    %max3A_2940 = vector.broadcast %slice3A_2939 : vector<32x1xf32> to vector<32x256xf32>
    %max3A_2941 = vector.broadcast %slice3A_2824 : vector<1x256xf32> to vector<32x256xf32>
    %max3A_2942 = arith.maximumf %max3A_2940, %max3A_2941 : vector<32x256xf32>
    %slice3A_2943 = vector.extract_strided_slice %slice3A_2934 {offsets = [0, 2], sizes = [32, 1], strides = [1, 1]} : vector<32x8xf32> to vector<32x1xf32>
    %min3A_2944 = vector.broadcast %slice3A_2943 : vector<32x1xf32> to vector<32x256xf32>
    %min3A_2945 = vector.broadcast %slice3A_2825 : vector<1x256xf32> to vector<32x256xf32>
    %min3A_2946 = arith.minimumf %min3A_2944, %min3A_2945 : vector<32x256xf32>
    %slice3A_2947 = vector.extract_strided_slice %slice3A_2934 {offsets = [0, 3], sizes = [32, 1], strides = [1, 1]} : vector<32x8xf32> to vector<32x1xf32>
    %min3A_2948 = vector.broadcast %slice3A_2947 : vector<32x1xf32> to vector<32x256xf32>
    %min3A_2949 = vector.broadcast %slice3A_2826 : vector<1x256xf32> to vector<32x256xf32>
    %min3A_2950 = arith.minimumf %min3A_2948, %min3A_2949 : vector<32x256xf32>
    %sub3A_2951 = arith.subf %min3A_2946, %max3A_2938 : vector<32x256xf32>
    %add3A_2952 = arith.constant 1.000000e+00 : f32
    %add3A_2953 = vector.broadcast %add3A_2952 : f32 to vector<32x256xf32>
    %add3A_2954 = arith.addf %sub3A_2951, %add3A_2953 : vector<32x256xf32>
    %max3A_2955 = arith.constant 0.000000e+00 : f32
    %max3A_2956 = vector.broadcast %max3A_2955 : f32 to vector<32x256xf32>
    %max3A_2957 = arith.maximumf %max3A_2956, %add3A_2954 : vector<32x256xf32>
    %sub3A_2958 = arith.subf %min3A_2950, %max3A_2942 : vector<32x256xf32>
    %add3A_2959 = arith.constant 1.000000e+00 : f32
    %add3A_2960 = vector.broadcast %add3A_2959 : f32 to vector<32x256xf32>
    %add3A_2961 = arith.addf %sub3A_2958, %add3A_2960 : vector<32x256xf32>
    %mul3A_2962 = arith.mulf %max3A_2957, %add3A_2961 : vector<32x256xf32>
    %slice3A_2963 = vector.extract_strided_slice %slice3A_2934 {offsets = [0, 4], sizes = [32, 1], strides = [1, 1]} : vector<32x8xf32> to vector<32x1xf32>
    %add3A_2964 = vector.broadcast %slice3A_2963 : vector<32x1xf32> to vector<32x256xf32>
    %add3A_2965 = vector.broadcast %slice3A_2827 : vector<1x256xf32> to vector<32x256xf32>
    %add3A_2966 = arith.addf %add3A_2964, %add3A_2965 : vector<32x256xf32>
    %sub3A_2967 = arith.subf %add3A_2966, %mul3A_2962 : vector<32x256xf32>
    %div3A_2968 = arith.divf %mul3A_2962, %sub3A_2967 : vector<32x256xf32>
    %gt3A_2969 = arith.constant 3.000000e-01 : f32
    %gt3A_2970 = vector.broadcast %gt3A_2969 : f32 to vector<32x256xf32>
    %gt3A_2971 = arith.cmpf ogt, %div3A_2968, %gt3A_2970 : vector<32x256xf32>
    %convert_element_type3A_2972 = arith.extui %gt3A_2971 : vector<32x256xi1> to vector<32x256xi32>
    %convert_element_type3A_2973 = arith.sitofp %convert_element_type3A_2972 : vector<32x256xi32> to vector<32x256xf32>
    %dot_general3A_2974 = arith.constant dense<0.000000e+00> : vector<2x256xf32>
    %dot_general3A_2975 = tpu.matmul %convert_element_type3A_31, %convert_element_type3A_2973, %dot_general3A_2974 {dimension_numbers = #tpu.dot_dimension_numbers<[1], [0], [0], [1], [0, 0, 1, 1], [], []>, transpose_lhs_hint = false} : vector<2x32xf32>, vector<32x256xf32>, vector<2x256xf32> -> vector<2x256xf32>
    %slice3A_2976 = vector.extract_strided_slice %dot_general3A_2975 {offsets = [0, 0], sizes = [1, 256], strides = [1, 1]} : vector<2x256xf32> to vector<1x256xf32>
    %convert_element_type3A_2977 = arith.fptosi %slice3A_2976 : vector<1x256xf32> to vector<1x256xi32>
    %slice3A_2978 = vector.extract_strided_slice %dot_general3A_2975 {offsets = [1, 0], sizes = [1, 256], strides = [1, 1]} : vector<2x256xf32> to vector<1x256xf32>
    %convert_element_type3A_2979 = arith.fptosi %slice3A_2978 : vector<1x256xf32> to vector<1x256xi32>
    %shift_left3A_2980 = arith.constant 16 : i32
    %shift_left3A_2981 = vector.broadcast %shift_left3A_2980 : i32 to vector<1x256xi32>
    %shift_left3A_2982 = arith.shli %convert_element_type3A_2979, %shift_left3A_2981 : vector<1x256xi32>
    %or3A_2983 = arith.ori %convert_element_type3A_2977, %shift_left3A_2982 : vector<1x256xi32>
    %swap3A_2984 = arith.constant 2 : index
    %swap3A_2985 = arith.constant 768 : index
    %swap3A_2986 = vector.load %arg3[%swap3A_2984, %swap3A_2985] : memref<32x1024xi32, #tpu.memory_space<vmem>>, vector<1x256xi32>
    tpu.vector_store %arg3[%swap3A_2984, %swap3A_2985], %or3A_2983 {strides = array<i32>} : memref<32x1024xi32, #tpu.memory_space<vmem>>, vector<1x256xi32>,
    %slice3A_2987 = vector.extract_strided_slice %transpose3A {offsets = [96, 0], sizes = [32, 8], strides = [1, 1]} : vector<1024x8xf32> to vector<32x8xf32>
    %slice3A_2988 = vector.extract_strided_slice %slice3A_2987 {offsets = [0, 0], sizes = [32, 1], strides = [1, 1]} : vector<32x8xf32> to vector<32x1xf32>
    %max3A_2989 = vector.broadcast %slice3A_2988 : vector<32x1xf32> to vector<32x256xf32>
    %max3A_2990 = vector.broadcast %slice3A_2823 : vector<1x256xf32> to vector<32x256xf32>
    %max3A_2991 = arith.maximumf %max3A_2989, %max3A_2990 : vector<32x256xf32>
    %slice3A_2992 = vector.extract_strided_slice %slice3A_2987 {offsets = [0, 1], sizes = [32, 1], strides = [1, 1]} : vector<32x8xf32> to vector<32x1xf32>
    %max3A_2993 = vector.broadcast %slice3A_2992 : vector<32x1xf32> to vector<32x256xf32>
    %max3A_2994 = vector.broadcast %slice3A_2824 : vector<1x256xf32> to vector<32x256xf32>
    %max3A_2995 = arith.maximumf %max3A_2993, %max3A_2994 : vector<32x256xf32>
    %slice3A_2996 = vector.extract_strided_slice %slice3A_2987 {offsets = [0, 2], sizes = [32, 1], strides = [1, 1]} : vector<32x8xf32> to vector<32x1xf32>
    %min3A_2997 = vector.broadcast %slice3A_2996 : vector<32x1xf32> to vector<32x256xf32>
    %min3A_2998 = vector.broadcast %slice3A_2825 : vector<1x256xf32> to vector<32x256xf32>
    %min3A_2999 = arith.minimumf %min3A_2997, %min3A_2998 : vector<32x256xf32>
    %slice3A_3000 = vector.extract_strided_slice %slice3A_2987 {offsets = [0, 3], sizes = [32, 1], strides = [1, 1]} : vector<32x8xf32> to vector<32x1xf32>
    %min3A_3001 = vector.broadcast %slice3A_3000 : vector<32x1xf32> to vector<32x256xf32>
    %min3A_3002 = vector.broadcast %slice3A_2826 : vector<1x256xf32> to vector<32x256xf32>
    %min3A_3003 = arith.minimumf %min3A_3001, %min3A_3002 : vector<32x256xf32>
    %sub3A_3004 = arith.subf %min3A_2999, %max3A_2991 : vector<32x256xf32>
    %add3A_3005 = arith.constant 1.000000e+00 : f32
    %add3A_3006 = vector.broadcast %add3A_3005 : f32 to vector<32x256xf32>
    %add3A_3007 = arith.addf %sub3A_3004, %add3A_3006 : vector<32x256xf32>
    %max3A_3008 = arith.constant 0.000000e+00 : f32
    %max3A_3009 = vector.broadcast %max3A_3008 : f32 to vector<32x256xf32>
    %max3A_3010 = arith.maximumf %max3A_3009, %add3A_3007 : vector<32x256xf32>
    %sub3A_3011 = arith.subf %min3A_3003, %max3A_2995 : vector<32x256xf32>
    %add3A_3012 = arith.constant 1.000000e+00 : f32
    %add3A_3013 = vector.broadcast %add3A_3012 : f32 to vector<32x256xf32>
    %add3A_3014 = arith.addf %sub3A_3011, %add3A_3013 : vector<32x256xf32>
    %mul3A_3015 = arith.mulf %max3A_3010, %add3A_3014 : vector<32x256xf32>
    %slice3A_3016 = vector.extract_strided_slice %slice3A_2987 {offsets = [0, 4], sizes = [32, 1], strides = [1, 1]} : vector<32x8xf32> to vector<32x1xf32>
    %add3A_3017 = vector.broadcast %slice3A_3016 : vector<32x1xf32> to vector<32x256xf32>
    %add3A_3018 = vector.broadcast %slice3A_2827 : vector<1x256xf32> to vector<32x256xf32>
    %add3A_3019 = arith.addf %add3A_3017, %add3A_3018 : vector<32x256xf32>
    %sub3A_3020 = arith.subf %add3A_3019, %mul3A_3015 : vector<32x256xf32>
    %div3A_3021 = arith.divf %mul3A_3015, %sub3A_3020 : vector<32x256xf32>
    %gt3A_3022 = arith.constant 3.000000e-01 : f32
    %gt3A_3023 = vector.broadcast %gt3A_3022 : f32 to vector<32x256xf32>
    %gt3A_3024 = arith.cmpf ogt, %div3A_3021, %gt3A_3023 : vector<32x256xf32>
    %convert_element_type3A_3025 = arith.extui %gt3A_3024 : vector<32x256xi1> to vector<32x256xi32>
    %convert_element_type3A_3026 = arith.sitofp %convert_element_type3A_3025 : vector<32x256xi32> to vector<32x256xf32>
    %dot_general3A_3027 = arith.constant dense<0.000000e+00> : vector<2x256xf32>
    %dot_general3A_3028 = tpu.matmul %convert_element_type3A_31, %convert_element_type3A_3026, %dot_general3A_3027 {dimension_numbers = #tpu.dot_dimension_numbers<[1], [0], [0], [1], [0, 0, 1, 1], [], []>, transpose_lhs_hint = false} : vector<2x32xf32>, vector<32x256xf32>, vector<2x256xf32> -> vector<2x256xf32>
    %slice3A_3029 = vector.extract_strided_slice %dot_general3A_3028 {offsets = [0, 0], sizes = [1, 256], strides = [1, 1]} : vector<2x256xf32> to vector<1x256xf32>
    %convert_element_type3A_3030 = arith.fptosi %slice3A_3029 : vector<1x256xf32> to vector<1x256xi32>
    %slice3A_3031 = vector.extract_strided_slice %dot_general3A_3028 {offsets = [1, 0], sizes = [1, 256], strides = [1, 1]} : vector<2x256xf32> to vector<1x256xf32>
    %convert_element_type3A_3032 = arith.fptosi %slice3A_3031 : vector<1x256xf32> to vector<1x256xi32>
    %shift_left3A_3033 = arith.constant 16 : i32
    %shift_left3A_3034 = vector.broadcast %shift_left3A_3033 : i32 to vector<1x256xi32>
    %shift_left3A_3035 = arith.shli %convert_element_type3A_3032, %shift_left3A_3034 : vector<1x256xi32>
    %or3A_3036 = arith.ori %convert_element_type3A_3030, %shift_left3A_3035 : vector<1x256xi32>
    %swap3A_3037 = arith.constant 3 : index
    %swap3A_3038 = arith.constant 768 : index
    %swap3A_3039 = vector.load %arg3[%swap3A_3037, %swap3A_3038] : memref<32x1024xi32, #tpu.memory_space<vmem>>, vector<1x256xi32>
    tpu.vector_store %arg3[%swap3A_3037, %swap3A_3038], %or3A_3036 {strides = array<i32>} : memref<32x1024xi32, #tpu.memory_space<vmem>>, vector<1x256xi32>,
    %slice3A_3040 = vector.extract_strided_slice %transpose3A {offsets = [128, 0], sizes = [32, 8], strides = [1, 1]} : vector<1024x8xf32> to vector<32x8xf32>
    %slice3A_3041 = vector.extract_strided_slice %slice3A_3040 {offsets = [0, 0], sizes = [32, 1], strides = [1, 1]} : vector<32x8xf32> to vector<32x1xf32>
    %max3A_3042 = vector.broadcast %slice3A_3041 : vector<32x1xf32> to vector<32x256xf32>
    %max3A_3043 = vector.broadcast %slice3A_2823 : vector<1x256xf32> to vector<32x256xf32>
    %max3A_3044 = arith.maximumf %max3A_3042, %max3A_3043 : vector<32x256xf32>
    %slice3A_3045 = vector.extract_strided_slice %slice3A_3040 {offsets = [0, 1], sizes = [32, 1], strides = [1, 1]} : vector<32x8xf32> to vector<32x1xf32>
    %max3A_3046 = vector.broadcast %slice3A_3045 : vector<32x1xf32> to vector<32x256xf32>
    %max3A_3047 = vector.broadcast %slice3A_2824 : vector<1x256xf32> to vector<32x256xf32>
    %max3A_3048 = arith.maximumf %max3A_3046, %max3A_3047 : vector<32x256xf32>
    %slice3A_3049 = vector.extract_strided_slice %slice3A_3040 {offsets = [0, 2], sizes = [32, 1], strides = [1, 1]} : vector<32x8xf32> to vector<32x1xf32>
    %min3A_3050 = vector.broadcast %slice3A_3049 : vector<32x1xf32> to vector<32x256xf32>
    %min3A_3051 = vector.broadcast %slice3A_2825 : vector<1x256xf32> to vector<32x256xf32>
    %min3A_3052 = arith.minimumf %min3A_3050, %min3A_3051 : vector<32x256xf32>
    %slice3A_3053 = vector.extract_strided_slice %slice3A_3040 {offsets = [0, 3], sizes = [32, 1], strides = [1, 1]} : vector<32x8xf32> to vector<32x1xf32>
    %min3A_3054 = vector.broadcast %slice3A_3053 : vector<32x1xf32> to vector<32x256xf32>
    %min3A_3055 = vector.broadcast %slice3A_2826 : vector<1x256xf32> to vector<32x256xf32>
    %min3A_3056 = arith.minimumf %min3A_3054, %min3A_3055 : vector<32x256xf32>
    %sub3A_3057 = arith.subf %min3A_3052, %max3A_3044 : vector<32x256xf32>
    %add3A_3058 = arith.constant 1.000000e+00 : f32
    %add3A_3059 = vector.broadcast %add3A_3058 : f32 to vector<32x256xf32>
    %add3A_3060 = arith.addf %sub3A_3057, %add3A_3059 : vector<32x256xf32>
    %max3A_3061 = arith.constant 0.000000e+00 : f32
    %max3A_3062 = vector.broadcast %max3A_3061 : f32 to vector<32x256xf32>
    %max3A_3063 = arith.maximumf %max3A_3062, %add3A_3060 : vector<32x256xf32>
    %sub3A_3064 = arith.subf %min3A_3056, %max3A_3048 : vector<32x256xf32>
    %add3A_3065 = arith.constant 1.000000e+00 : f32
    %add3A_3066 = vector.broadcast %add3A_3065 : f32 to vector<32x256xf32>
    %add3A_3067 = arith.addf %sub3A_3064, %add3A_3066 : vector<32x256xf32>
    %mul3A_3068 = arith.mulf %max3A_3063, %add3A_3067 : vector<32x256xf32>
    %slice3A_3069 = vector.extract_strided_slice %slice3A_3040 {offsets = [0, 4], sizes = [32, 1], strides = [1, 1]} : vector<32x8xf32> to vector<32x1xf32>
    %add3A_3070 = vector.broadcast %slice3A_3069 : vector<32x1xf32> to vector<32x256xf32>
    %add3A_3071 = vector.broadcast %slice3A_2827 : vector<1x256xf32> to vector<32x256xf32>
    %add3A_3072 = arith.addf %add3A_3070, %add3A_3071 : vector<32x256xf32>
    %sub3A_3073 = arith.subf %add3A_3072, %mul3A_3068 : vector<32x256xf32>
    %div3A_3074 = arith.divf %mul3A_3068, %sub3A_3073 : vector<32x256xf32>
    %gt3A_3075 = arith.constant 3.000000e-01 : f32
    %gt3A_3076 = vector.broadcast %gt3A_3075 : f32 to vector<32x256xf32>
    %gt3A_3077 = arith.cmpf ogt, %div3A_3074, %gt3A_3076 : vector<32x256xf32>
    %convert_element_type3A_3078 = arith.extui %gt3A_3077 : vector<32x256xi1> to vector<32x256xi32>
    %convert_element_type3A_3079 = arith.sitofp %convert_element_type3A_3078 : vector<32x256xi32> to vector<32x256xf32>
    %dot_general3A_3080 = arith.constant dense<0.000000e+00> : vector<2x256xf32>
    %dot_general3A_3081 = tpu.matmul %convert_element_type3A_31, %convert_element_type3A_3079, %dot_general3A_3080 {dimension_numbers = #tpu.dot_dimension_numbers<[1], [0], [0], [1], [0, 0, 1, 1], [], []>, transpose_lhs_hint = false} : vector<2x32xf32>, vector<32x256xf32>, vector<2x256xf32> -> vector<2x256xf32>
    %slice3A_3082 = vector.extract_strided_slice %dot_general3A_3081 {offsets = [0, 0], sizes = [1, 256], strides = [1, 1]} : vector<2x256xf32> to vector<1x256xf32>
    %convert_element_type3A_3083 = arith.fptosi %slice3A_3082 : vector<1x256xf32> to vector<1x256xi32>
    %slice3A_3084 = vector.extract_strided_slice %dot_general3A_3081 {offsets = [1, 0], sizes = [1, 256], strides = [1, 1]} : vector<2x256xf32> to vector<1x256xf32>
    %convert_element_type3A_3085 = arith.fptosi %slice3A_3084 : vector<1x256xf32> to vector<1x256xi32>
    %shift_left3A_3086 = arith.constant 16 : i32
    %shift_left3A_3087 = vector.broadcast %shift_left3A_3086 : i32 to vector<1x256xi32>
    %shift_left3A_3088 = arith.shli %convert_element_type3A_3085, %shift_left3A_3087 : vector<1x256xi32>
    %or3A_3089 = arith.ori %convert_element_type3A_3083, %shift_left3A_3088 : vector<1x256xi32>
    %swap3A_3090 = arith.constant 4 : index
    %swap3A_3091 = arith.constant 768 : index
    %swap3A_3092 = vector.load %arg3[%swap3A_3090, %swap3A_3091] : memref<32x1024xi32, #tpu.memory_space<vmem>>, vector<1x256xi32>
    tpu.vector_store %arg3[%swap3A_3090, %swap3A_3091], %or3A_3089 {strides = array<i32>} : memref<32x1024xi32, #tpu.memory_space<vmem>>, vector<1x256xi32>,
    %slice3A_3093 = vector.extract_strided_slice %transpose3A {offsets = [160, 0], sizes = [32, 8], strides = [1, 1]} : vector<1024x8xf32> to vector<32x8xf32>
    %slice3A_3094 = vector.extract_strided_slice %slice3A_3093 {offsets = [0, 0], sizes = [32, 1], strides = [1, 1]} : vector<32x8xf32> to vector<32x1xf32>
    %max3A_3095 = vector.broadcast %slice3A_3094 : vector<32x1xf32> to vector<32x256xf32>
    %max3A_3096 = vector.broadcast %slice3A_2823 : vector<1x256xf32> to vector<32x256xf32>
    %max3A_3097 = arith.maximumf %max3A_3095, %max3A_3096 : vector<32x256xf32>
    %slice3A_3098 = vector.extract_strided_slice %slice3A_3093 {offsets = [0, 1], sizes = [32, 1], strides = [1, 1]} : vector<32x8xf32> to vector<32x1xf32>
    %max3A_3099 = vector.broadcast %slice3A_3098 : vector<32x1xf32> to vector<32x256xf32>
    %max3A_3100 = vector.broadcast %slice3A_2824 : vector<1x256xf32> to vector<32x256xf32>
    %max3A_3101 = arith.maximumf %max3A_3099, %max3A_3100 : vector<32x256xf32>
    %slice3A_3102 = vector.extract_strided_slice %slice3A_3093 {offsets = [0, 2], sizes = [32, 1], strides = [1, 1]} : vector<32x8xf32> to vector<32x1xf32>
    %min3A_3103 = vector.broadcast %slice3A_3102 : vector<32x1xf32> to vector<32x256xf32>
    %min3A_3104 = vector.broadcast %slice3A_2825 : vector<1x256xf32> to vector<32x256xf32>
    %min3A_3105 = arith.minimumf %min3A_3103, %min3A_3104 : vector<32x256xf32>
    %slice3A_3106 = vector.extract_strided_slice %slice3A_3093 {offsets = [0, 3], sizes = [32, 1], strides = [1, 1]} : vector<32x8xf32> to vector<32x1xf32>
    %min3A_3107 = vector.broadcast %slice3A_3106 : vector<32x1xf32> to vector<32x256xf32>
    %min3A_3108 = vector.broadcast %slice3A_2826 : vector<1x256xf32> to vector<32x256xf32>
    %min3A_3109 = arith.minimumf %min3A_3107, %min3A_3108 : vector<32x256xf32>
    %sub3A_3110 = arith.subf %min3A_3105, %max3A_3097 : vector<32x256xf32>
    %add3A_3111 = arith.constant 1.000000e+00 : f32
    %add3A_3112 = vector.broadcast %add3A_3111 : f32 to vector<32x256xf32>
    %add3A_3113 = arith.addf %sub3A_3110, %add3A_3112 : vector<32x256xf32>
    %max3A_3114 = arith.constant 0.000000e+00 : f32
    %max3A_3115 = vector.broadcast %max3A_3114 : f32 to vector<32x256xf32>
    %max3A_3116 = arith.maximumf %max3A_3115, %add3A_3113 : vector<32x256xf32>
    %sub3A_3117 = arith.subf %min3A_3109, %max3A_3101 : vector<32x256xf32>
    %add3A_3118 = arith.constant 1.000000e+00 : f32
    %add3A_3119 = vector.broadcast %add3A_3118 : f32 to vector<32x256xf32>
    %add3A_3120 = arith.addf %sub3A_3117, %add3A_3119 : vector<32x256xf32>
    %mul3A_3121 = arith.mulf %max3A_3116, %add3A_3120 : vector<32x256xf32>
    %slice3A_3122 = vector.extract_strided_slice %slice3A_3093 {offsets = [0, 4], sizes = [32, 1], strides = [1, 1]} : vector<32x8xf32> to vector<32x1xf32>
    %add3A_3123 = vector.broadcast %slice3A_3122 : vector<32x1xf32> to vector<32x256xf32>
    %add3A_3124 = vector.broadcast %slice3A_2827 : vector<1x256xf32> to vector<32x256xf32>
    %add3A_3125 = arith.addf %add3A_3123, %add3A_3124 : vector<32x256xf32>
    %sub3A_3126 = arith.subf %add3A_3125, %mul3A_3121 : vector<32x256xf32>
    %div3A_3127 = arith.divf %mul3A_3121, %sub3A_3126 : vector<32x256xf32>
    %gt3A_3128 = arith.constant 3.000000e-01 : f32
    %gt3A_3129 = vector.broadcast %gt3A_3128 : f32 to vector<32x256xf32>
    %gt3A_3130 = arith.cmpf ogt, %div3A_3127, %gt3A_3129 : vector<32x256xf32>
    %convert_element_type3A_3131 = arith.extui %gt3A_3130 : vector<32x256xi1> to vector<32x256xi32>
    %convert_element_type3A_3132 = arith.sitofp %convert_element_type3A_3131 : vector<32x256xi32> to vector<32x256xf32>
    %dot_general3A_3133 = arith.constant dense<0.000000e+00> : vector<2x256xf32>
    %dot_general3A_3134 = tpu.matmul %convert_element_type3A_31, %convert_element_type3A_3132, %dot_general3A_3133 {dimension_numbers = #tpu.dot_dimension_numbers<[1], [0], [0], [1], [0, 0, 1, 1], [], []>, transpose_lhs_hint = false} : vector<2x32xf32>, vector<32x256xf32>, vector<2x256xf32> -> vector<2x256xf32>
    %slice3A_3135 = vector.extract_strided_slice %dot_general3A_3134 {offsets = [0, 0], sizes = [1, 256], strides = [1, 1]} : vector<2x256xf32> to vector<1x256xf32>
    %convert_element_type3A_3136 = arith.fptosi %slice3A_3135 : vector<1x256xf32> to vector<1x256xi32>
    %slice3A_3137 = vector.extract_strided_slice %dot_general3A_3134 {offsets = [1, 0], sizes = [1, 256], strides = [1, 1]} : vector<2x256xf32> to vector<1x256xf32>
    %convert_element_type3A_3138 = arith.fptosi %slice3A_3137 : vector<1x256xf32> to vector<1x256xi32>
    %shift_left3A_3139 = arith.constant 16 : i32
    %shift_left3A_3140 = vector.broadcast %shift_left3A_3139 : i32 to vector<1x256xi32>
    %shift_left3A_3141 = arith.shli %convert_element_type3A_3138, %shift_left3A_3140 : vector<1x256xi32>
    %or3A_3142 = arith.ori %convert_element_type3A_3136, %shift_left3A_3141 : vector<1x256xi32>
    %swap3A_3143 = arith.constant 5 : index
    %swap3A_3144 = arith.constant 768 : index
    %swap3A_3145 = vector.load %arg3[%swap3A_3143, %swap3A_3144] : memref<32x1024xi32, #tpu.memory_space<vmem>>, vector<1x256xi32>
    tpu.vector_store %arg3[%swap3A_3143, %swap3A_3144], %or3A_3142 {strides = array<i32>} : memref<32x1024xi32, #tpu.memory_space<vmem>>, vector<1x256xi32>,
    %slice3A_3146 = vector.extract_strided_slice %transpose3A {offsets = [192, 0], sizes = [32, 8], strides = [1, 1]} : vector<1024x8xf32> to vector<32x8xf32>
    %slice3A_3147 = vector.extract_strided_slice %slice3A_3146 {offsets = [0, 0], sizes = [32, 1], strides = [1, 1]} : vector<32x8xf32> to vector<32x1xf32>
    %max3A_3148 = vector.broadcast %slice3A_3147 : vector<32x1xf32> to vector<32x256xf32>
    %max3A_3149 = vector.broadcast %slice3A_2823 : vector<1x256xf32> to vector<32x256xf32>
    %max3A_3150 = arith.maximumf %max3A_3148, %max3A_3149 : vector<32x256xf32>
    %slice3A_3151 = vector.extract_strided_slice %slice3A_3146 {offsets = [0, 1], sizes = [32, 1], strides = [1, 1]} : vector<32x8xf32> to vector<32x1xf32>
    %max3A_3152 = vector.broadcast %slice3A_3151 : vector<32x1xf32> to vector<32x256xf32>
    %max3A_3153 = vector.broadcast %slice3A_2824 : vector<1x256xf32> to vector<32x256xf32>
    %max3A_3154 = arith.maximumf %max3A_3152, %max3A_3153 : vector<32x256xf32>
    %slice3A_3155 = vector.extract_strided_slice %slice3A_3146 {offsets = [0, 2], sizes = [32, 1], strides = [1, 1]} : vector<32x8xf32> to vector<32x1xf32>
    %min3A_3156 = vector.broadcast %slice3A_3155 : vector<32x1xf32> to vector<32x256xf32>
    %min3A_3157 = vector.broadcast %slice3A_2825 : vector<1x256xf32> to vector<32x256xf32>
    %min3A_3158 = arith.minimumf %min3A_3156, %min3A_3157 : vector<32x256xf32>
    %slice3A_3159 = vector.extract_strided_slice %slice3A_3146 {offsets = [0, 3], sizes = [32, 1], strides = [1, 1]} : vector<32x8xf32> to vector<32x1xf32>
    %min3A_3160 = vector.broadcast %slice3A_3159 : vector<32x1xf32> to vector<32x256xf32>
    %min3A_3161 = vector.broadcast %slice3A_2826 : vector<1x256xf32> to vector<32x256xf32>
    %min3A_3162 = arith.minimumf %min3A_3160, %min3A_3161 : vector<32x256xf32>
    %sub3A_3163 = arith.subf %min3A_3158, %max3A_3150 : vector<32x256xf32>
    %add3A_3164 = arith.constant 1.000000e+00 : f32
    %add3A_3165 = vector.broadcast %add3A_3164 : f32 to vector<32x256xf32>
    %add3A_3166 = arith.addf %sub3A_3163, %add3A_3165 : vector<32x256xf32>
    %max3A_3167 = arith.constant 0.000000e+00 : f32
    %max3A_3168 = vector.broadcast %max3A_3167 : f32 to vector<32x256xf32>
    %max3A_3169 = arith.maximumf %max3A_3168, %add3A_3166 : vector<32x256xf32>
    %sub3A_3170 = arith.subf %min3A_3162, %max3A_3154 : vector<32x256xf32>
    %add3A_3171 = arith.constant 1.000000e+00 : f32
    %add3A_3172 = vector.broadcast %add3A_3171 : f32 to vector<32x256xf32>
    %add3A_3173 = arith.addf %sub3A_3170, %add3A_3172 : vector<32x256xf32>
    %mul3A_3174 = arith.mulf %max3A_3169, %add3A_3173 : vector<32x256xf32>
    %slice3A_3175 = vector.extract_strided_slice %slice3A_3146 {offsets = [0, 4], sizes = [32, 1], strides = [1, 1]} : vector<32x8xf32> to vector<32x1xf32>
    %add3A_3176 = vector.broadcast %slice3A_3175 : vector<32x1xf32> to vector<32x256xf32>
    %add3A_3177 = vector.broadcast %slice3A_2827 : vector<1x256xf32> to vector<32x256xf32>
    %add3A_3178 = arith.addf %add3A_3176, %add3A_3177 : vector<32x256xf32>
    %sub3A_3179 = arith.subf %add3A_3178, %mul3A_3174 : vector<32x256xf32>
    %div3A_3180 = arith.divf %mul3A_3174, %sub3A_3179 : vector<32x256xf32>
    %gt3A_3181 = arith.constant 3.000000e-01 : f32
    %gt3A_3182 = vector.broadcast %gt3A_3181 : f32 to vector<32x256xf32>
    %gt3A_3183 = arith.cmpf ogt, %div3A_3180, %gt3A_3182 : vector<32x256xf32>
    %convert_element_type3A_3184 = arith.extui %gt3A_3183 : vector<32x256xi1> to vector<32x256xi32>
    %convert_element_type3A_3185 = arith.sitofp %convert_element_type3A_3184 : vector<32x256xi32> to vector<32x256xf32>
    %dot_general3A_3186 = arith.constant dense<0.000000e+00> : vector<2x256xf32>
    %dot_general3A_3187 = tpu.matmul %convert_element_type3A_31, %convert_element_type3A_3185, %dot_general3A_3186 {dimension_numbers = #tpu.dot_dimension_numbers<[1], [0], [0], [1], [0, 0, 1, 1], [], []>, transpose_lhs_hint = false} : vector<2x32xf32>, vector<32x256xf32>, vector<2x256xf32> -> vector<2x256xf32>
    %slice3A_3188 = vector.extract_strided_slice %dot_general3A_3187 {offsets = [0, 0], sizes = [1, 256], strides = [1, 1]} : vector<2x256xf32> to vector<1x256xf32>
    %convert_element_type3A_3189 = arith.fptosi %slice3A_3188 : vector<1x256xf32> to vector<1x256xi32>
    %slice3A_3190 = vector.extract_strided_slice %dot_general3A_3187 {offsets = [1, 0], sizes = [1, 256], strides = [1, 1]} : vector<2x256xf32> to vector<1x256xf32>
    %convert_element_type3A_3191 = arith.fptosi %slice3A_3190 : vector<1x256xf32> to vector<1x256xi32>
    %shift_left3A_3192 = arith.constant 16 : i32
    %shift_left3A_3193 = vector.broadcast %shift_left3A_3192 : i32 to vector<1x256xi32>
    %shift_left3A_3194 = arith.shli %convert_element_type3A_3191, %shift_left3A_3193 : vector<1x256xi32>
    %or3A_3195 = arith.ori %convert_element_type3A_3189, %shift_left3A_3194 : vector<1x256xi32>
    %swap3A_3196 = arith.constant 6 : index
    %swap3A_3197 = arith.constant 768 : index
    %swap3A_3198 = vector.load %arg3[%swap3A_3196, %swap3A_3197] : memref<32x1024xi32, #tpu.memory_space<vmem>>, vector<1x256xi32>
    tpu.vector_store %arg3[%swap3A_3196, %swap3A_3197], %or3A_3195 {strides = array<i32>} : memref<32x1024xi32, #tpu.memory_space<vmem>>, vector<1x256xi32>,
    %slice3A_3199 = vector.extract_strided_slice %transpose3A {offsets = [224, 0], sizes = [32, 8], strides = [1, 1]} : vector<1024x8xf32> to vector<32x8xf32>
    %slice3A_3200 = vector.extract_strided_slice %slice3A_3199 {offsets = [0, 0], sizes = [32, 1], strides = [1, 1]} : vector<32x8xf32> to vector<32x1xf32>
    %max3A_3201 = vector.broadcast %slice3A_3200 : vector<32x1xf32> to vector<32x256xf32>
    %max3A_3202 = vector.broadcast %slice3A_2823 : vector<1x256xf32> to vector<32x256xf32>
    %max3A_3203 = arith.maximumf %max3A_3201, %max3A_3202 : vector<32x256xf32>
    %slice3A_3204 = vector.extract_strided_slice %slice3A_3199 {offsets = [0, 1], sizes = [32, 1], strides = [1, 1]} : vector<32x8xf32> to vector<32x1xf32>
    %max3A_3205 = vector.broadcast %slice3A_3204 : vector<32x1xf32> to vector<32x256xf32>
    %max3A_3206 = vector.broadcast %slice3A_2824 : vector<1x256xf32> to vector<32x256xf32>
    %max3A_3207 = arith.maximumf %max3A_3205, %max3A_3206 : vector<32x256xf32>
    %slice3A_3208 = vector.extract_strided_slice %slice3A_3199 {offsets = [0, 2], sizes = [32, 1], strides = [1, 1]} : vector<32x8xf32> to vector<32x1xf32>
    %min3A_3209 = vector.broadcast %slice3A_3208 : vector<32x1xf32> to vector<32x256xf32>
    %min3A_3210 = vector.broadcast %slice3A_2825 : vector<1x256xf32> to vector<32x256xf32>
    %min3A_3211 = arith.minimumf %min3A_3209, %min3A_3210 : vector<32x256xf32>
    %slice3A_3212 = vector.extract_strided_slice %slice3A_3199 {offsets = [0, 3], sizes = [32, 1], strides = [1, 1]} : vector<32x8xf32> to vector<32x1xf32>
    %min3A_3213 = vector.broadcast %slice3A_3212 : vector<32x1xf32> to vector<32x256xf32>
    %min3A_3214 = vector.broadcast %slice3A_2826 : vector<1x256xf32> to vector<32x256xf32>
    %min3A_3215 = arith.minimumf %min3A_3213, %min3A_3214 : vector<32x256xf32>
    %sub3A_3216 = arith.subf %min3A_3211, %max3A_3203 : vector<32x256xf32>
    %add3A_3217 = arith.constant 1.000000e+00 : f32
    %add3A_3218 = vector.broadcast %add3A_3217 : f32 to vector<32x256xf32>
    %add3A_3219 = arith.addf %sub3A_3216, %add3A_3218 : vector<32x256xf32>
    %max3A_3220 = arith.constant 0.000000e+00 : f32
    %max3A_3221 = vector.broadcast %max3A_3220 : f32 to vector<32x256xf32>
    %max3A_3222 = arith.maximumf %max3A_3221, %add3A_3219 : vector<32x256xf32>
    %sub3A_3223 = arith.subf %min3A_3215, %max3A_3207 : vector<32x256xf32>
    %add3A_3224 = arith.constant 1.000000e+00 : f32
    %add3A_3225 = vector.broadcast %add3A_3224 : f32 to vector<32x256xf32>
    %add3A_3226 = arith.addf %sub3A_3223, %add3A_3225 : vector<32x256xf32>
    %mul3A_3227 = arith.mulf %max3A_3222, %add3A_3226 : vector<32x256xf32>
    %slice3A_3228 = vector.extract_strided_slice %slice3A_3199 {offsets = [0, 4], sizes = [32, 1], strides = [1, 1]} : vector<32x8xf32> to vector<32x1xf32>
    %add3A_3229 = vector.broadcast %slice3A_3228 : vector<32x1xf32> to vector<32x256xf32>
    %add3A_3230 = vector.broadcast %slice3A_2827 : vector<1x256xf32> to vector<32x256xf32>
    %add3A_3231 = arith.addf %add3A_3229, %add3A_3230 : vector<32x256xf32>
    %sub3A_3232 = arith.subf %add3A_3231, %mul3A_3227 : vector<32x256xf32>
    %div3A_3233 = arith.divf %mul3A_3227, %sub3A_3232 : vector<32x256xf32>
    %gt3A_3234 = arith.constant 3.000000e-01 : f32
    %gt3A_3235 = vector.broadcast %gt3A_3234 : f32 to vector<32x256xf32>
    %gt3A_3236 = arith.cmpf ogt, %div3A_3233, %gt3A_3235 : vector<32x256xf32>
    %convert_element_type3A_3237 = arith.extui %gt3A_3236 : vector<32x256xi1> to vector<32x256xi32>
    %convert_element_type3A_3238 = arith.sitofp %convert_element_type3A_3237 : vector<32x256xi32> to vector<32x256xf32>
    %dot_general3A_3239 = arith.constant dense<0.000000e+00> : vector<2x256xf32>
    %dot_general3A_3240 = tpu.matmul %convert_element_type3A_31, %convert_element_type3A_3238, %dot_general3A_3239 {dimension_numbers = #tpu.dot_dimension_numbers<[1], [0], [0], [1], [0, 0, 1, 1], [], []>, transpose_lhs_hint = false} : vector<2x32xf32>, vector<32x256xf32>, vector<2x256xf32> -> vector<2x256xf32>
    %slice3A_3241 = vector.extract_strided_slice %dot_general3A_3240 {offsets = [0, 0], sizes = [1, 256], strides = [1, 1]} : vector<2x256xf32> to vector<1x256xf32>
    %convert_element_type3A_3242 = arith.fptosi %slice3A_3241 : vector<1x256xf32> to vector<1x256xi32>
    %slice3A_3243 = vector.extract_strided_slice %dot_general3A_3240 {offsets = [1, 0], sizes = [1, 256], strides = [1, 1]} : vector<2x256xf32> to vector<1x256xf32>
    %convert_element_type3A_3244 = arith.fptosi %slice3A_3243 : vector<1x256xf32> to vector<1x256xi32>
    %shift_left3A_3245 = arith.constant 16 : i32
    %shift_left3A_3246 = vector.broadcast %shift_left3A_3245 : i32 to vector<1x256xi32>
    %shift_left3A_3247 = arith.shli %convert_element_type3A_3244, %shift_left3A_3246 : vector<1x256xi32>
    %or3A_3248 = arith.ori %convert_element_type3A_3242, %shift_left3A_3247 : vector<1x256xi32>
    %swap3A_3249 = arith.constant 7 : index
    %swap3A_3250 = arith.constant 768 : index
    %swap3A_3251 = vector.load %arg3[%swap3A_3249, %swap3A_3250] : memref<32x1024xi32, #tpu.memory_space<vmem>>, vector<1x256xi32>
    tpu.vector_store %arg3[%swap3A_3249, %swap3A_3250], %or3A_3248 {strides = array<i32>} : memref<32x1024xi32, #tpu.memory_space<vmem>>, vector<1x256xi32>,
    %slice3A_3252 = vector.extract_strided_slice %transpose3A {offsets = [256, 0], sizes = [32, 8], strides = [1, 1]} : vector<1024x8xf32> to vector<32x8xf32>
    %slice3A_3253 = vector.extract_strided_slice %slice3A_3252 {offsets = [0, 0], sizes = [32, 1], strides = [1, 1]} : vector<32x8xf32> to vector<32x1xf32>
    %max3A_3254 = vector.broadcast %slice3A_3253 : vector<32x1xf32> to vector<32x256xf32>
    %max3A_3255 = vector.broadcast %slice3A_2823 : vector<1x256xf32> to vector<32x256xf32>
    %max3A_3256 = arith.maximumf %max3A_3254, %max3A_3255 : vector<32x256xf32>
    %slice3A_3257 = vector.extract_strided_slice %slice3A_3252 {offsets = [0, 1], sizes = [32, 1], strides = [1, 1]} : vector<32x8xf32> to vector<32x1xf32>
    %max3A_3258 = vector.broadcast %slice3A_3257 : vector<32x1xf32> to vector<32x256xf32>
    %max3A_3259 = vector.broadcast %slice3A_2824 : vector<1x256xf32> to vector<32x256xf32>
    %max3A_3260 = arith.maximumf %max3A_3258, %max3A_3259 : vector<32x256xf32>
    %slice3A_3261 = vector.extract_strided_slice %slice3A_3252 {offsets = [0, 2], sizes = [32, 1], strides = [1, 1]} : vector<32x8xf32> to vector<32x1xf32>
    %min3A_3262 = vector.broadcast %slice3A_3261 : vector<32x1xf32> to vector<32x256xf32>
    %min3A_3263 = vector.broadcast %slice3A_2825 : vector<1x256xf32> to vector<32x256xf32>
    %min3A_3264 = arith.minimumf %min3A_3262, %min3A_3263 : vector<32x256xf32>
    %slice3A_3265 = vector.extract_strided_slice %slice3A_3252 {offsets = [0, 3], sizes = [32, 1], strides = [1, 1]} : vector<32x8xf32> to vector<32x1xf32>
    %min3A_3266 = vector.broadcast %slice3A_3265 : vector<32x1xf32> to vector<32x256xf32>
    %min3A_3267 = vector.broadcast %slice3A_2826 : vector<1x256xf32> to vector<32x256xf32>
    %min3A_3268 = arith.minimumf %min3A_3266, %min3A_3267 : vector<32x256xf32>
    %sub3A_3269 = arith.subf %min3A_3264, %max3A_3256 : vector<32x256xf32>
    %add3A_3270 = arith.constant 1.000000e+00 : f32
    %add3A_3271 = vector.broadcast %add3A_3270 : f32 to vector<32x256xf32>
    %add3A_3272 = arith.addf %sub3A_3269, %add3A_3271 : vector<32x256xf32>
    %max3A_3273 = arith.constant 0.000000e+00 : f32
    %max3A_3274 = vector.broadcast %max3A_3273 : f32 to vector<32x256xf32>
    %max3A_3275 = arith.maximumf %max3A_3274, %add3A_3272 : vector<32x256xf32>
    %sub3A_3276 = arith.subf %min3A_3268, %max3A_3260 : vector<32x256xf32>
    %add3A_3277 = arith.constant 1.000000e+00 : f32
    %add3A_3278 = vector.broadcast %add3A_3277 : f32 to vector<32x256xf32>
    %add3A_3279 = arith.addf %sub3A_3276, %add3A_3278 : vector<32x256xf32>
    %mul3A_3280 = arith.mulf %max3A_3275, %add3A_3279 : vector<32x256xf32>
    %slice3A_3281 = vector.extract_strided_slice %slice3A_3252 {offsets = [0, 4], sizes = [32, 1], strides = [1, 1]} : vector<32x8xf32> to vector<32x1xf32>
    %add3A_3282 = vector.broadcast %slice3A_3281 : vector<32x1xf32> to vector<32x256xf32>
    %add3A_3283 = vector.broadcast %slice3A_2827 : vector<1x256xf32> to vector<32x256xf32>
    %add3A_3284 = arith.addf %add3A_3282, %add3A_3283 : vector<32x256xf32>
    %sub3A_3285 = arith.subf %add3A_3284, %mul3A_3280 : vector<32x256xf32>
    %div3A_3286 = arith.divf %mul3A_3280, %sub3A_3285 : vector<32x256xf32>
    %gt3A_3287 = arith.constant 3.000000e-01 : f32
    %gt3A_3288 = vector.broadcast %gt3A_3287 : f32 to vector<32x256xf32>
    %gt3A_3289 = arith.cmpf ogt, %div3A_3286, %gt3A_3288 : vector<32x256xf32>
    %convert_element_type3A_3290 = arith.extui %gt3A_3289 : vector<32x256xi1> to vector<32x256xi32>
    %convert_element_type3A_3291 = arith.sitofp %convert_element_type3A_3290 : vector<32x256xi32> to vector<32x256xf32>
    %dot_general3A_3292 = arith.constant dense<0.000000e+00> : vector<2x256xf32>
    %dot_general3A_3293 = tpu.matmul %convert_element_type3A_31, %convert_element_type3A_3291, %dot_general3A_3292 {dimension_numbers = #tpu.dot_dimension_numbers<[1], [0], [0], [1], [0, 0, 1, 1], [], []>, transpose_lhs_hint = false} : vector<2x32xf32>, vector<32x256xf32>, vector<2x256xf32> -> vector<2x256xf32>
    %slice3A_3294 = vector.extract_strided_slice %dot_general3A_3293 {offsets = [0, 0], sizes = [1, 256], strides = [1, 1]} : vector<2x256xf32> to vector<1x256xf32>
    %convert_element_type3A_3295 = arith.fptosi %slice3A_3294 : vector<1x256xf32> to vector<1x256xi32>
    %slice3A_3296 = vector.extract_strided_slice %dot_general3A_3293 {offsets = [1, 0], sizes = [1, 256], strides = [1, 1]} : vector<2x256xf32> to vector<1x256xf32>
    %convert_element_type3A_3297 = arith.fptosi %slice3A_3296 : vector<1x256xf32> to vector<1x256xi32>
    %shift_left3A_3298 = arith.constant 16 : i32
    %shift_left3A_3299 = vector.broadcast %shift_left3A_3298 : i32 to vector<1x256xi32>
    %shift_left3A_3300 = arith.shli %convert_element_type3A_3297, %shift_left3A_3299 : vector<1x256xi32>
    %or3A_3301 = arith.ori %convert_element_type3A_3295, %shift_left3A_3300 : vector<1x256xi32>
    %swap3A_3302 = arith.constant 8 : index
    %swap3A_3303 = arith.constant 768 : index
    %swap3A_3304 = vector.load %arg3[%swap3A_3302, %swap3A_3303] : memref<32x1024xi32, #tpu.memory_space<vmem>>, vector<1x256xi32>
    tpu.vector_store %arg3[%swap3A_3302, %swap3A_3303], %or3A_3301 {strides = array<i32>} : memref<32x1024xi32, #tpu.memory_space<vmem>>, vector<1x256xi32>,
    %slice3A_3305 = vector.extract_strided_slice %transpose3A {offsets = [288, 0], sizes = [32, 8], strides = [1, 1]} : vector<1024x8xf32> to vector<32x8xf32>
    %slice3A_3306 = vector.extract_strided_slice %slice3A_3305 {offsets = [0, 0], sizes = [32, 1], strides = [1, 1]} : vector<32x8xf32> to vector<32x1xf32>
    %max3A_3307 = vector.broadcast %slice3A_3306 : vector<32x1xf32> to vector<32x256xf32>
    %max3A_3308 = vector.broadcast %slice3A_2823 : vector<1x256xf32> to vector<32x256xf32>
    %max3A_3309 = arith.maximumf %max3A_3307, %max3A_3308 : vector<32x256xf32>
    %slice3A_3310 = vector.extract_strided_slice %slice3A_3305 {offsets = [0, 1], sizes = [32, 1], strides = [1, 1]} : vector<32x8xf32> to vector<32x1xf32>
    %max3A_3311 = vector.broadcast %slice3A_3310 : vector<32x1xf32> to vector<32x256xf32>
    %max3A_3312 = vector.broadcast %slice3A_2824 : vector<1x256xf32> to vector<32x256xf32>
    %max3A_3313 = arith.maximumf %max3A_3311, %max3A_3312 : vector<32x256xf32>
    %slice3A_3314 = vector.extract_strided_slice %slice3A_3305 {offsets = [0, 2], sizes = [32, 1], strides = [1, 1]} : vector<32x8xf32> to vector<32x1xf32>
    %min3A_3315 = vector.broadcast %slice3A_3314 : vector<32x1xf32> to vector<32x256xf32>
    %min3A_3316 = vector.broadcast %slice3A_2825 : vector<1x256xf32> to vector<32x256xf32>
    %min3A_3317 = arith.minimumf %min3A_3315, %min3A_3316 : vector<32x256xf32>
    %slice3A_3318 = vector.extract_strided_slice %slice3A_3305 {offsets = [0, 3], sizes = [32, 1], strides = [1, 1]} : vector<32x8xf32> to vector<32x1xf32>
    %min3A_3319 = vector.broadcast %slice3A_3318 : vector<32x1xf32> to vector<32x256xf32>
    %min3A_3320 = vector.broadcast %slice3A_2826 : vector<1x256xf32> to vector<32x256xf32>
    %min3A_3321 = arith.minimumf %min3A_3319, %min3A_3320 : vector<32x256xf32>
    %sub3A_3322 = arith.subf %min3A_3317, %max3A_3309 : vector<32x256xf32>
    %add3A_3323 = arith.constant 1.000000e+00 : f32
    %add3A_3324 = vector.broadcast %add3A_3323 : f32 to vector<32x256xf32>
    %add3A_3325 = arith.addf %sub3A_3322, %add3A_3324 : vector<32x256xf32>
    %max3A_3326 = arith.constant 0.000000e+00 : f32
    %max3A_3327 = vector.broadcast %max3A_3326 : f32 to vector<32x256xf32>
    %max3A_3328 = arith.maximumf %max3A_3327, %add3A_3325 : vector<32x256xf32>
    %sub3A_3329 = arith.subf %min3A_3321, %max3A_3313 : vector<32x256xf32>
    %add3A_3330 = arith.constant 1.000000e+00 : f32
    %add3A_3331 = vector.broadcast %add3A_3330 : f32 to vector<32x256xf32>
    %add3A_3332 = arith.addf %sub3A_3329, %add3A_3331 : vector<32x256xf32>
    %mul3A_3333 = arith.mulf %max3A_3328, %add3A_3332 : vector<32x256xf32>
    %slice3A_3334 = vector.extract_strided_slice %slice3A_3305 {offsets = [0, 4], sizes = [32, 1], strides = [1, 1]} : vector<32x8xf32> to vector<32x1xf32>
    %add3A_3335 = vector.broadcast %slice3A_3334 : vector<32x1xf32> to vector<32x256xf32>
    %add3A_3336 = vector.broadcast %slice3A_2827 : vector<1x256xf32> to vector<32x256xf32>
    %add3A_3337 = arith.addf %add3A_3335, %add3A_3336 : vector<32x256xf32>
    %sub3A_3338 = arith.subf %add3A_3337, %mul3A_3333 : vector<32x256xf32>
    %div3A_3339 = arith.divf %mul3A_3333, %sub3A_3338 : vector<32x256xf32>
    %gt3A_3340 = arith.constant 3.000000e-01 : f32
    %gt3A_3341 = vector.broadcast %gt3A_3340 : f32 to vector<32x256xf32>
    %gt3A_3342 = arith.cmpf ogt, %div3A_3339, %gt3A_3341 : vector<32x256xf32>
    %convert_element_type3A_3343 = arith.extui %gt3A_3342 : vector<32x256xi1> to vector<32x256xi32>
    %convert_element_type3A_3344 = arith.sitofp %convert_element_type3A_3343 : vector<32x256xi32> to vector<32x256xf32>
    %dot_general3A_3345 = arith.constant dense<0.000000e+00> : vector<2x256xf32>
    %dot_general3A_3346 = tpu.matmul %convert_element_type3A_31, %convert_element_type3A_3344, %dot_general3A_3345 {dimension_numbers = #tpu.dot_dimension_numbers<[1], [0], [0], [1], [0, 0, 1, 1], [], []>, transpose_lhs_hint = false} : vector<2x32xf32>, vector<32x256xf32>, vector<2x256xf32> -> vector<2x256xf32>
    %slice3A_3347 = vector.extract_strided_slice %dot_general3A_3346 {offsets = [0, 0], sizes = [1, 256], strides = [1, 1]} : vector<2x256xf32> to vector<1x256xf32>
    %convert_element_type3A_3348 = arith.fptosi %slice3A_3347 : vector<1x256xf32> to vector<1x256xi32>
    %slice3A_3349 = vector.extract_strided_slice %dot_general3A_3346 {offsets = [1, 0], sizes = [1, 256], strides = [1, 1]} : vector<2x256xf32> to vector<1x256xf32>
    %convert_element_type3A_3350 = arith.fptosi %slice3A_3349 : vector<1x256xf32> to vector<1x256xi32>
    %shift_left3A_3351 = arith.constant 16 : i32
    %shift_left3A_3352 = vector.broadcast %shift_left3A_3351 : i32 to vector<1x256xi32>
    %shift_left3A_3353 = arith.shli %convert_element_type3A_3350, %shift_left3A_3352 : vector<1x256xi32>
    %or3A_3354 = arith.ori %convert_element_type3A_3348, %shift_left3A_3353 : vector<1x256xi32>
    %swap3A_3355 = arith.constant 9 : index
    %swap3A_3356 = arith.constant 768 : index
    %swap3A_3357 = vector.load %arg3[%swap3A_3355, %swap3A_3356] : memref<32x1024xi32, #tpu.memory_space<vmem>>, vector<1x256xi32>
    tpu.vector_store %arg3[%swap3A_3355, %swap3A_3356], %or3A_3354 {strides = array<i32>} : memref<32x1024xi32, #tpu.memory_space<vmem>>, vector<1x256xi32>,
    %slice3A_3358 = vector.extract_strided_slice %transpose3A {offsets = [320, 0], sizes = [32, 8], strides = [1, 1]} : vector<1024x8xf32> to vector<32x8xf32>
    %slice3A_3359 = vector.extract_strided_slice %slice3A_3358 {offsets = [0, 0], sizes = [32, 1], strides = [1, 1]} : vector<32x8xf32> to vector<32x1xf32>
    %max3A_3360 = vector.broadcast %slice3A_3359 : vector<32x1xf32> to vector<32x256xf32>
    %max3A_3361 = vector.broadcast %slice3A_2823 : vector<1x256xf32> to vector<32x256xf32>
    %max3A_3362 = arith.maximumf %max3A_3360, %max3A_3361 : vector<32x256xf32>
    %slice3A_3363 = vector.extract_strided_slice %slice3A_3358 {offsets = [0, 1], sizes = [32, 1], strides = [1, 1]} : vector<32x8xf32> to vector<32x1xf32>
    %max3A_3364 = vector.broadcast %slice3A_3363 : vector<32x1xf32> to vector<32x256xf32>
    %max3A_3365 = vector.broadcast %slice3A_2824 : vector<1x256xf32> to vector<32x256xf32>
    %max3A_3366 = arith.maximumf %max3A_3364, %max3A_3365 : vector<32x256xf32>
    %slice3A_3367 = vector.extract_strided_slice %slice3A_3358 {offsets = [0, 2], sizes = [32, 1], strides = [1, 1]} : vector<32x8xf32> to vector<32x1xf32>
    %min3A_3368 = vector.broadcast %slice3A_3367 : vector<32x1xf32> to vector<32x256xf32>
    %min3A_3369 = vector.broadcast %slice3A_2825 : vector<1x256xf32> to vector<32x256xf32>
    %min3A_3370 = arith.minimumf %min3A_3368, %min3A_3369 : vector<32x256xf32>
    %slice3A_3371 = vector.extract_strided_slice %slice3A_3358 {offsets = [0, 3], sizes = [32, 1], strides = [1, 1]} : vector<32x8xf32> to vector<32x1xf32>
    %min3A_3372 = vector.broadcast %slice3A_3371 : vector<32x1xf32> to vector<32x256xf32>
    %min3A_3373 = vector.broadcast %slice3A_2826 : vector<1x256xf32> to vector<32x256xf32>
    %min3A_3374 = arith.minimumf %min3A_3372, %min3A_3373 : vector<32x256xf32>
    %sub3A_3375 = arith.subf %min3A_3370, %max3A_3362 : vector<32x256xf32>
    %add3A_3376 = arith.constant 1.000000e+00 : f32
    %add3A_3377 = vector.broadcast %add3A_3376 : f32 to vector<32x256xf32>
    %add3A_3378 = arith.addf %sub3A_3375, %add3A_3377 : vector<32x256xf32>
    %max3A_3379 = arith.constant 0.000000e+00 : f32
    %max3A_3380 = vector.broadcast %max3A_3379 : f32 to vector<32x256xf32>
    %max3A_3381 = arith.maximumf %max3A_3380, %add3A_3378 : vector<32x256xf32>
    %sub3A_3382 = arith.subf %min3A_3374, %max3A_3366 : vector<32x256xf32>
    %add3A_3383 = arith.constant 1.000000e+00 : f32
    %add3A_3384 = vector.broadcast %add3A_3383 : f32 to vector<32x256xf32>
    %add3A_3385 = arith.addf %sub3A_3382, %add3A_3384 : vector<32x256xf32>
    %mul3A_3386 = arith.mulf %max3A_3381, %add3A_3385 : vector<32x256xf32>
    %slice3A_3387 = vector.extract_strided_slice %slice3A_3358 {offsets = [0, 4], sizes = [32, 1], strides = [1, 1]} : vector<32x8xf32> to vector<32x1xf32>
    %add3A_3388 = vector.broadcast %slice3A_3387 : vector<32x1xf32> to vector<32x256xf32>
    %add3A_3389 = vector.broadcast %slice3A_2827 : vector<1x256xf32> to vector<32x256xf32>
    %add3A_3390 = arith.addf %add3A_3388, %add3A_3389 : vector<32x256xf32>
    %sub3A_3391 = arith.subf %add3A_3390, %mul3A_3386 : vector<32x256xf32>
    %div3A_3392 = arith.divf %mul3A_3386, %sub3A_3391 : vector<32x256xf32>
    %gt3A_3393 = arith.constant 3.000000e-01 : f32
    %gt3A_3394 = vector.broadcast %gt3A_3393 : f32 to vector<32x256xf32>
    %gt3A_3395 = arith.cmpf ogt, %div3A_3392, %gt3A_3394 : vector<32x256xf32>
    %convert_element_type3A_3396 = arith.extui %gt3A_3395 : vector<32x256xi1> to vector<32x256xi32>
    %convert_element_type3A_3397 = arith.sitofp %convert_element_type3A_3396 : vector<32x256xi32> to vector<32x256xf32>
    %dot_general3A_3398 = arith.constant dense<0.000000e+00> : vector<2x256xf32>
    %dot_general3A_3399 = tpu.matmul %convert_element_type3A_31, %convert_element_type3A_3397, %dot_general3A_3398 {dimension_numbers = #tpu.dot_dimension_numbers<[1], [0], [0], [1], [0, 0, 1, 1], [], []>, transpose_lhs_hint = false} : vector<2x32xf32>, vector<32x256xf32>, vector<2x256xf32> -> vector<2x256xf32>
    %slice3A_3400 = vector.extract_strided_slice %dot_general3A_3399 {offsets = [0, 0], sizes = [1, 256], strides = [1, 1]} : vector<2x256xf32> to vector<1x256xf32>
    %convert_element_type3A_3401 = arith.fptosi %slice3A_3400 : vector<1x256xf32> to vector<1x256xi32>
    %slice3A_3402 = vector.extract_strided_slice %dot_general3A_3399 {offsets = [1, 0], sizes = [1, 256], strides = [1, 1]} : vector<2x256xf32> to vector<1x256xf32>
    %convert_element_type3A_3403 = arith.fptosi %slice3A_3402 : vector<1x256xf32> to vector<1x256xi32>
    %shift_left3A_3404 = arith.constant 16 : i32
    %shift_left3A_3405 = vector.broadcast %shift_left3A_3404 : i32 to vector<1x256xi32>
    %shift_left3A_3406 = arith.shli %convert_element_type3A_3403, %shift_left3A_3405 : vector<1x256xi32>
    %or3A_3407 = arith.ori %convert_element_type3A_3401, %shift_left3A_3406 : vector<1x256xi32>
    %swap3A_3408 = arith.constant 10 : index
    %swap3A_3409 = arith.constant 768 : index
    %swap3A_3410 = vector.load %arg3[%swap3A_3408, %swap3A_3409] : memref<32x1024xi32, #tpu.memory_space<vmem>>, vector<1x256xi32>
    tpu.vector_store %arg3[%swap3A_3408, %swap3A_3409], %or3A_3407 {strides = array<i32>} : memref<32x1024xi32, #tpu.memory_space<vmem>>, vector<1x256xi32>,
    %slice3A_3411 = vector.extract_strided_slice %transpose3A {offsets = [352, 0], sizes = [32, 8], strides = [1, 1]} : vector<1024x8xf32> to vector<32x8xf32>
    %slice3A_3412 = vector.extract_strided_slice %slice3A_3411 {offsets = [0, 0], sizes = [32, 1], strides = [1, 1]} : vector<32x8xf32> to vector<32x1xf32>
    %max3A_3413 = vector.broadcast %slice3A_3412 : vector<32x1xf32> to vector<32x256xf32>
    %max3A_3414 = vector.broadcast %slice3A_2823 : vector<1x256xf32> to vector<32x256xf32>
    %max3A_3415 = arith.maximumf %max3A_3413, %max3A_3414 : vector<32x256xf32>
    %slice3A_3416 = vector.extract_strided_slice %slice3A_3411 {offsets = [0, 1], sizes = [32, 1], strides = [1, 1]} : vector<32x8xf32> to vector<32x1xf32>
    %max3A_3417 = vector.broadcast %slice3A_3416 : vector<32x1xf32> to vector<32x256xf32>
    %max3A_3418 = vector.broadcast %slice3A_2824 : vector<1x256xf32> to vector<32x256xf32>
    %max3A_3419 = arith.maximumf %max3A_3417, %max3A_3418 : vector<32x256xf32>
    %slice3A_3420 = vector.extract_strided_slice %slice3A_3411 {offsets = [0, 2], sizes = [32, 1], strides = [1, 1]} : vector<32x8xf32> to vector<32x1xf32>
    %min3A_3421 = vector.broadcast %slice3A_3420 : vector<32x1xf32> to vector<32x256xf32>
    %min3A_3422 = vector.broadcast %slice3A_2825 : vector<1x256xf32> to vector<32x256xf32>
    %min3A_3423 = arith.minimumf %min3A_3421, %min3A_3422 : vector<32x256xf32>
    %slice3A_3424 = vector.extract_strided_slice %slice3A_3411 {offsets = [0, 3], sizes = [32, 1], strides = [1, 1]} : vector<32x8xf32> to vector<32x1xf32>
    %min3A_3425 = vector.broadcast %slice3A_3424 : vector<32x1xf32> to vector<32x256xf32>
    %min3A_3426 = vector.broadcast %slice3A_2826 : vector<1x256xf32> to vector<32x256xf32>
    %min3A_3427 = arith.minimumf %min3A_3425, %min3A_3426 : vector<32x256xf32>
    %sub3A_3428 = arith.subf %min3A_3423, %max3A_3415 : vector<32x256xf32>
    %add3A_3429 = arith.constant 1.000000e+00 : f32
    %add3A_3430 = vector.broadcast %add3A_3429 : f32 to vector<32x256xf32>
    %add3A_3431 = arith.addf %sub3A_3428, %add3A_3430 : vector<32x256xf32>
    %max3A_3432 = arith.constant 0.000000e+00 : f32
    %max3A_3433 = vector.broadcast %max3A_3432 : f32 to vector<32x256xf32>
    %max3A_3434 = arith.maximumf %max3A_3433, %add3A_3431 : vector<32x256xf32>
    %sub3A_3435 = arith.subf %min3A_3427, %max3A_3419 : vector<32x256xf32>
    %add3A_3436 = arith.constant 1.000000e+00 : f32
    %add3A_3437 = vector.broadcast %add3A_3436 : f32 to vector<32x256xf32>
    %add3A_3438 = arith.addf %sub3A_3435, %add3A_3437 : vector<32x256xf32>
    %mul3A_3439 = arith.mulf %max3A_3434, %add3A_3438 : vector<32x256xf32>
    %slice3A_3440 = vector.extract_strided_slice %slice3A_3411 {offsets = [0, 4], sizes = [32, 1], strides = [1, 1]} : vector<32x8xf32> to vector<32x1xf32>
    %add3A_3441 = vector.broadcast %slice3A_3440 : vector<32x1xf32> to vector<32x256xf32>
    %add3A_3442 = vector.broadcast %slice3A_2827 : vector<1x256xf32> to vector<32x256xf32>
    %add3A_3443 = arith.addf %add3A_3441, %add3A_3442 : vector<32x256xf32>
    %sub3A_3444 = arith.subf %add3A_3443, %mul3A_3439 : vector<32x256xf32>
    %div3A_3445 = arith.divf %mul3A_3439, %sub3A_3444 : vector<32x256xf32>
    %gt3A_3446 = arith.constant 3.000000e-01 : f32
    %gt3A_3447 = vector.broadcast %gt3A_3446 : f32 to vector<32x256xf32>
    %gt3A_3448 = arith.cmpf ogt, %div3A_3445, %gt3A_3447 : vector<32x256xf32>
    %convert_element_type3A_3449 = arith.extui %gt3A_3448 : vector<32x256xi1> to vector<32x256xi32>
    %convert_element_type3A_3450 = arith.sitofp %convert_element_type3A_3449 : vector<32x256xi32> to vector<32x256xf32>
    %dot_general3A_3451 = arith.constant dense<0.000000e+00> : vector<2x256xf32>
    %dot_general3A_3452 = tpu.matmul %convert_element_type3A_31, %convert_element_type3A_3450, %dot_general3A_3451 {dimension_numbers = #tpu.dot_dimension_numbers<[1], [0], [0], [1], [0, 0, 1, 1], [], []>, transpose_lhs_hint = false} : vector<2x32xf32>, vector<32x256xf32>, vector<2x256xf32> -> vector<2x256xf32>
    %slice3A_3453 = vector.extract_strided_slice %dot_general3A_3452 {offsets = [0, 0], sizes = [1, 256], strides = [1, 1]} : vector<2x256xf32> to vector<1x256xf32>
    %convert_element_type3A_3454 = arith.fptosi %slice3A_3453 : vector<1x256xf32> to vector<1x256xi32>
    %slice3A_3455 = vector.extract_strided_slice %dot_general3A_3452 {offsets = [1, 0], sizes = [1, 256], strides = [1, 1]} : vector<2x256xf32> to vector<1x256xf32>
    %convert_element_type3A_3456 = arith.fptosi %slice3A_3455 : vector<1x256xf32> to vector<1x256xi32>
    %shift_left3A_3457 = arith.constant 16 : i32
    %shift_left3A_3458 = vector.broadcast %shift_left3A_3457 : i32 to vector<1x256xi32>
    %shift_left3A_3459 = arith.shli %convert_element_type3A_3456, %shift_left3A_3458 : vector<1x256xi32>
    %or3A_3460 = arith.ori %convert_element_type3A_3454, %shift_left3A_3459 : vector<1x256xi32>
    %swap3A_3461 = arith.constant 11 : index
    %swap3A_3462 = arith.constant 768 : index
    %swap3A_3463 = vector.load %arg3[%swap3A_3461, %swap3A_3462] : memref<32x1024xi32, #tpu.memory_space<vmem>>, vector<1x256xi32>
    tpu.vector_store %arg3[%swap3A_3461, %swap3A_3462], %or3A_3460 {strides = array<i32>} : memref<32x1024xi32, #tpu.memory_space<vmem>>, vector<1x256xi32>,
    %slice3A_3464 = vector.extract_strided_slice %transpose3A {offsets = [384, 0], sizes = [32, 8], strides = [1, 1]} : vector<1024x8xf32> to vector<32x8xf32>
    %slice3A_3465 = vector.extract_strided_slice %slice3A_3464 {offsets = [0, 0], sizes = [32, 1], strides = [1, 1]} : vector<32x8xf32> to vector<32x1xf32>
    %max3A_3466 = vector.broadcast %slice3A_3465 : vector<32x1xf32> to vector<32x256xf32>
    %max3A_3467 = vector.broadcast %slice3A_2823 : vector<1x256xf32> to vector<32x256xf32>
    %max3A_3468 = arith.maximumf %max3A_3466, %max3A_3467 : vector<32x256xf32>
    %slice3A_3469 = vector.extract_strided_slice %slice3A_3464 {offsets = [0, 1], sizes = [32, 1], strides = [1, 1]} : vector<32x8xf32> to vector<32x1xf32>
    %max3A_3470 = vector.broadcast %slice3A_3469 : vector<32x1xf32> to vector<32x256xf32>
    %max3A_3471 = vector.broadcast %slice3A_2824 : vector<1x256xf32> to vector<32x256xf32>
    %max3A_3472 = arith.maximumf %max3A_3470, %max3A_3471 : vector<32x256xf32>
    %slice3A_3473 = vector.extract_strided_slice %slice3A_3464 {offsets = [0, 2], sizes = [32, 1], strides = [1, 1]} : vector<32x8xf32> to vector<32x1xf32>
    %min3A_3474 = vector.broadcast %slice3A_3473 : vector<32x1xf32> to vector<32x256xf32>
    %min3A_3475 = vector.broadcast %slice3A_2825 : vector<1x256xf32> to vector<32x256xf32>
    %min3A_3476 = arith.minimumf %min3A_3474, %min3A_3475 : vector<32x256xf32>
    %slice3A_3477 = vector.extract_strided_slice %slice3A_3464 {offsets = [0, 3], sizes = [32, 1], strides = [1, 1]} : vector<32x8xf32> to vector<32x1xf32>
    %min3A_3478 = vector.broadcast %slice3A_3477 : vector<32x1xf32> to vector<32x256xf32>
    %min3A_3479 = vector.broadcast %slice3A_2826 : vector<1x256xf32> to vector<32x256xf32>
    %min3A_3480 = arith.minimumf %min3A_3478, %min3A_3479 : vector<32x256xf32>
    %sub3A_3481 = arith.subf %min3A_3476, %max3A_3468 : vector<32x256xf32>
    %add3A_3482 = arith.constant 1.000000e+00 : f32
    %add3A_3483 = vector.broadcast %add3A_3482 : f32 to vector<32x256xf32>
    %add3A_3484 = arith.addf %sub3A_3481, %add3A_3483 : vector<32x256xf32>
    %max3A_3485 = arith.constant 0.000000e+00 : f32
    %max3A_3486 = vector.broadcast %max3A_3485 : f32 to vector<32x256xf32>
    %max3A_3487 = arith.maximumf %max3A_3486, %add3A_3484 : vector<32x256xf32>
    %sub3A_3488 = arith.subf %min3A_3480, %max3A_3472 : vector<32x256xf32>
    %add3A_3489 = arith.constant 1.000000e+00 : f32
    %add3A_3490 = vector.broadcast %add3A_3489 : f32 to vector<32x256xf32>
    %add3A_3491 = arith.addf %sub3A_3488, %add3A_3490 : vector<32x256xf32>
    %mul3A_3492 = arith.mulf %max3A_3487, %add3A_3491 : vector<32x256xf32>
    %slice3A_3493 = vector.extract_strided_slice %slice3A_3464 {offsets = [0, 4], sizes = [32, 1], strides = [1, 1]} : vector<32x8xf32> to vector<32x1xf32>
    %add3A_3494 = vector.broadcast %slice3A_3493 : vector<32x1xf32> to vector<32x256xf32>
    %add3A_3495 = vector.broadcast %slice3A_2827 : vector<1x256xf32> to vector<32x256xf32>
    %add3A_3496 = arith.addf %add3A_3494, %add3A_3495 : vector<32x256xf32>
    %sub3A_3497 = arith.subf %add3A_3496, %mul3A_3492 : vector<32x256xf32>
    %div3A_3498 = arith.divf %mul3A_3492, %sub3A_3497 : vector<32x256xf32>
    %gt3A_3499 = arith.constant 3.000000e-01 : f32
    %gt3A_3500 = vector.broadcast %gt3A_3499 : f32 to vector<32x256xf32>
    %gt3A_3501 = arith.cmpf ogt, %div3A_3498, %gt3A_3500 : vector<32x256xf32>
    %convert_element_type3A_3502 = arith.extui %gt3A_3501 : vector<32x256xi1> to vector<32x256xi32>
    %convert_element_type3A_3503 = arith.sitofp %convert_element_type3A_3502 : vector<32x256xi32> to vector<32x256xf32>
    %dot_general3A_3504 = arith.constant dense<0.000000e+00> : vector<2x256xf32>
    %dot_general3A_3505 = tpu.matmul %convert_element_type3A_31, %convert_element_type3A_3503, %dot_general3A_3504 {dimension_numbers = #tpu.dot_dimension_numbers<[1], [0], [0], [1], [0, 0, 1, 1], [], []>, transpose_lhs_hint = false} : vector<2x32xf32>, vector<32x256xf32>, vector<2x256xf32> -> vector<2x256xf32>
    %slice3A_3506 = vector.extract_strided_slice %dot_general3A_3505 {offsets = [0, 0], sizes = [1, 256], strides = [1, 1]} : vector<2x256xf32> to vector<1x256xf32>
    %convert_element_type3A_3507 = arith.fptosi %slice3A_3506 : vector<1x256xf32> to vector<1x256xi32>
    %slice3A_3508 = vector.extract_strided_slice %dot_general3A_3505 {offsets = [1, 0], sizes = [1, 256], strides = [1, 1]} : vector<2x256xf32> to vector<1x256xf32>
    %convert_element_type3A_3509 = arith.fptosi %slice3A_3508 : vector<1x256xf32> to vector<1x256xi32>
    %shift_left3A_3510 = arith.constant 16 : i32
    %shift_left3A_3511 = vector.broadcast %shift_left3A_3510 : i32 to vector<1x256xi32>
    %shift_left3A_3512 = arith.shli %convert_element_type3A_3509, %shift_left3A_3511 : vector<1x256xi32>
    %or3A_3513 = arith.ori %convert_element_type3A_3507, %shift_left3A_3512 : vector<1x256xi32>
    %swap3A_3514 = arith.constant 12 : index
    %swap3A_3515 = arith.constant 768 : index
    %swap3A_3516 = vector.load %arg3[%swap3A_3514, %swap3A_3515] : memref<32x1024xi32, #tpu.memory_space<vmem>>, vector<1x256xi32>
    tpu.vector_store %arg3[%swap3A_3514, %swap3A_3515], %or3A_3513 {strides = array<i32>} : memref<32x1024xi32, #tpu.memory_space<vmem>>, vector<1x256xi32>,
    %slice3A_3517 = vector.extract_strided_slice %transpose3A {offsets = [416, 0], sizes = [32, 8], strides = [1, 1]} : vector<1024x8xf32> to vector<32x8xf32>
    %slice3A_3518 = vector.extract_strided_slice %slice3A_3517 {offsets = [0, 0], sizes = [32, 1], strides = [1, 1]} : vector<32x8xf32> to vector<32x1xf32>
    %max3A_3519 = vector.broadcast %slice3A_3518 : vector<32x1xf32> to vector<32x256xf32>
    %max3A_3520 = vector.broadcast %slice3A_2823 : vector<1x256xf32> to vector<32x256xf32>
    %max3A_3521 = arith.maximumf %max3A_3519, %max3A_3520 : vector<32x256xf32>
    %slice3A_3522 = vector.extract_strided_slice %slice3A_3517 {offsets = [0, 1], sizes = [32, 1], strides = [1, 1]} : vector<32x8xf32> to vector<32x1xf32>
    %max3A_3523 = vector.broadcast %slice3A_3522 : vector<32x1xf32> to vector<32x256xf32>
    %max3A_3524 = vector.broadcast %slice3A_2824 : vector<1x256xf32> to vector<32x256xf32>
    %max3A_3525 = arith.maximumf %max3A_3523, %max3A_3524 : vector<32x256xf32>
    %slice3A_3526 = vector.extract_strided_slice %slice3A_3517 {offsets = [0, 2], sizes = [32, 1], strides = [1, 1]} : vector<32x8xf32> to vector<32x1xf32>
    %min3A_3527 = vector.broadcast %slice3A_3526 : vector<32x1xf32> to vector<32x256xf32>
    %min3A_3528 = vector.broadcast %slice3A_2825 : vector<1x256xf32> to vector<32x256xf32>
    %min3A_3529 = arith.minimumf %min3A_3527, %min3A_3528 : vector<32x256xf32>
    %slice3A_3530 = vector.extract_strided_slice %slice3A_3517 {offsets = [0, 3], sizes = [32, 1], strides = [1, 1]} : vector<32x8xf32> to vector<32x1xf32>
    %min3A_3531 = vector.broadcast %slice3A_3530 : vector<32x1xf32> to vector<32x256xf32>
    %min3A_3532 = vector.broadcast %slice3A_2826 : vector<1x256xf32> to vector<32x256xf32>
    %min3A_3533 = arith.minimumf %min3A_3531, %min3A_3532 : vector<32x256xf32>
    %sub3A_3534 = arith.subf %min3A_3529, %max3A_3521 : vector<32x256xf32>
    %add3A_3535 = arith.constant 1.000000e+00 : f32
    %add3A_3536 = vector.broadcast %add3A_3535 : f32 to vector<32x256xf32>
    %add3A_3537 = arith.addf %sub3A_3534, %add3A_3536 : vector<32x256xf32>
    %max3A_3538 = arith.constant 0.000000e+00 : f32
    %max3A_3539 = vector.broadcast %max3A_3538 : f32 to vector<32x256xf32>
    %max3A_3540 = arith.maximumf %max3A_3539, %add3A_3537 : vector<32x256xf32>
    %sub3A_3541 = arith.subf %min3A_3533, %max3A_3525 : vector<32x256xf32>
    %add3A_3542 = arith.constant 1.000000e+00 : f32
    %add3A_3543 = vector.broadcast %add3A_3542 : f32 to vector<32x256xf32>
    %add3A_3544 = arith.addf %sub3A_3541, %add3A_3543 : vector<32x256xf32>
    %mul3A_3545 = arith.mulf %max3A_3540, %add3A_3544 : vector<32x256xf32>
    %slice3A_3546 = vector.extract_strided_slice %slice3A_3517 {offsets = [0, 4], sizes = [32, 1], strides = [1, 1]} : vector<32x8xf32> to vector<32x1xf32>
    %add3A_3547 = vector.broadcast %slice3A_3546 : vector<32x1xf32> to vector<32x256xf32>
    %add3A_3548 = vector.broadcast %slice3A_2827 : vector<1x256xf32> to vector<32x256xf32>
    %add3A_3549 = arith.addf %add3A_3547, %add3A_3548 : vector<32x256xf32>
    %sub3A_3550 = arith.subf %add3A_3549, %mul3A_3545 : vector<32x256xf32>
    %div3A_3551 = arith.divf %mul3A_3545, %sub3A_3550 : vector<32x256xf32>
    %gt3A_3552 = arith.constant 3.000000e-01 : f32
    %gt3A_3553 = vector.broadcast %gt3A_3552 : f32 to vector<32x256xf32>
    %gt3A_3554 = arith.cmpf ogt, %div3A_3551, %gt3A_3553 : vector<32x256xf32>
    %convert_element_type3A_3555 = arith.extui %gt3A_3554 : vector<32x256xi1> to vector<32x256xi32>
    %convert_element_type3A_3556 = arith.sitofp %convert_element_type3A_3555 : vector<32x256xi32> to vector<32x256xf32>
    %dot_general3A_3557 = arith.constant dense<0.000000e+00> : vector<2x256xf32>
    %dot_general3A_3558 = tpu.matmul %convert_element_type3A_31, %convert_element_type3A_3556, %dot_general3A_3557 {dimension_numbers = #tpu.dot_dimension_numbers<[1], [0], [0], [1], [0, 0, 1, 1], [], []>, transpose_lhs_hint = false} : vector<2x32xf32>, vector<32x256xf32>, vector<2x256xf32> -> vector<2x256xf32>
    %slice3A_3559 = vector.extract_strided_slice %dot_general3A_3558 {offsets = [0, 0], sizes = [1, 256], strides = [1, 1]} : vector<2x256xf32> to vector<1x256xf32>
    %convert_element_type3A_3560 = arith.fptosi %slice3A_3559 : vector<1x256xf32> to vector<1x256xi32>
    %slice3A_3561 = vector.extract_strided_slice %dot_general3A_3558 {offsets = [1, 0], sizes = [1, 256], strides = [1, 1]} : vector<2x256xf32> to vector<1x256xf32>
    %convert_element_type3A_3562 = arith.fptosi %slice3A_3561 : vector<1x256xf32> to vector<1x256xi32>
    %shift_left3A_3563 = arith.constant 16 : i32
    %shift_left3A_3564 = vector.broadcast %shift_left3A_3563 : i32 to vector<1x256xi32>
    %shift_left3A_3565 = arith.shli %convert_element_type3A_3562, %shift_left3A_3564 : vector<1x256xi32>
    %or3A_3566 = arith.ori %convert_element_type3A_3560, %shift_left3A_3565 : vector<1x256xi32>
    %swap3A_3567 = arith.constant 13 : index
    %swap3A_3568 = arith.constant 768 : index
    %swap3A_3569 = vector.load %arg3[%swap3A_3567, %swap3A_3568] : memref<32x1024xi32, #tpu.memory_space<vmem>>, vector<1x256xi32>
    tpu.vector_store %arg3[%swap3A_3567, %swap3A_3568], %or3A_3566 {strides = array<i32>} : memref<32x1024xi32, #tpu.memory_space<vmem>>, vector<1x256xi32>,
    %slice3A_3570 = vector.extract_strided_slice %transpose3A {offsets = [448, 0], sizes = [32, 8], strides = [1, 1]} : vector<1024x8xf32> to vector<32x8xf32>
    %slice3A_3571 = vector.extract_strided_slice %slice3A_3570 {offsets = [0, 0], sizes = [32, 1], strides = [1, 1]} : vector<32x8xf32> to vector<32x1xf32>
    %max3A_3572 = vector.broadcast %slice3A_3571 : vector<32x1xf32> to vector<32x256xf32>
    %max3A_3573 = vector.broadcast %slice3A_2823 : vector<1x256xf32> to vector<32x256xf32>
    %max3A_3574 = arith.maximumf %max3A_3572, %max3A_3573 : vector<32x256xf32>
    %slice3A_3575 = vector.extract_strided_slice %slice3A_3570 {offsets = [0, 1], sizes = [32, 1], strides = [1, 1]} : vector<32x8xf32> to vector<32x1xf32>
    %max3A_3576 = vector.broadcast %slice3A_3575 : vector<32x1xf32> to vector<32x256xf32>
    %max3A_3577 = vector.broadcast %slice3A_2824 : vector<1x256xf32> to vector<32x256xf32>
    %max3A_3578 = arith.maximumf %max3A_3576, %max3A_3577 : vector<32x256xf32>
    %slice3A_3579 = vector.extract_strided_slice %slice3A_3570 {offsets = [0, 2], sizes = [32, 1], strides = [1, 1]} : vector<32x8xf32> to vector<32x1xf32>
    %min3A_3580 = vector.broadcast %slice3A_3579 : vector<32x1xf32> to vector<32x256xf32>
    %min3A_3581 = vector.broadcast %slice3A_2825 : vector<1x256xf32> to vector<32x256xf32>
    %min3A_3582 = arith.minimumf %min3A_3580, %min3A_3581 : vector<32x256xf32>
    %slice3A_3583 = vector.extract_strided_slice %slice3A_3570 {offsets = [0, 3], sizes = [32, 1], strides = [1, 1]} : vector<32x8xf32> to vector<32x1xf32>
    %min3A_3584 = vector.broadcast %slice3A_3583 : vector<32x1xf32> to vector<32x256xf32>
    %min3A_3585 = vector.broadcast %slice3A_2826 : vector<1x256xf32> to vector<32x256xf32>
    %min3A_3586 = arith.minimumf %min3A_3584, %min3A_3585 : vector<32x256xf32>
    %sub3A_3587 = arith.subf %min3A_3582, %max3A_3574 : vector<32x256xf32>
    %add3A_3588 = arith.constant 1.000000e+00 : f32
    %add3A_3589 = vector.broadcast %add3A_3588 : f32 to vector<32x256xf32>
    %add3A_3590 = arith.addf %sub3A_3587, %add3A_3589 : vector<32x256xf32>
    %max3A_3591 = arith.constant 0.000000e+00 : f32
    %max3A_3592 = vector.broadcast %max3A_3591 : f32 to vector<32x256xf32>
    %max3A_3593 = arith.maximumf %max3A_3592, %add3A_3590 : vector<32x256xf32>
    %sub3A_3594 = arith.subf %min3A_3586, %max3A_3578 : vector<32x256xf32>
    %add3A_3595 = arith.constant 1.000000e+00 : f32
    %add3A_3596 = vector.broadcast %add3A_3595 : f32 to vector<32x256xf32>
    %add3A_3597 = arith.addf %sub3A_3594, %add3A_3596 : vector<32x256xf32>
    %mul3A_3598 = arith.mulf %max3A_3593, %add3A_3597 : vector<32x256xf32>
    %slice3A_3599 = vector.extract_strided_slice %slice3A_3570 {offsets = [0, 4], sizes = [32, 1], strides = [1, 1]} : vector<32x8xf32> to vector<32x1xf32>
    %add3A_3600 = vector.broadcast %slice3A_3599 : vector<32x1xf32> to vector<32x256xf32>
    %add3A_3601 = vector.broadcast %slice3A_2827 : vector<1x256xf32> to vector<32x256xf32>
    %add3A_3602 = arith.addf %add3A_3600, %add3A_3601 : vector<32x256xf32>
    %sub3A_3603 = arith.subf %add3A_3602, %mul3A_3598 : vector<32x256xf32>
    %div3A_3604 = arith.divf %mul3A_3598, %sub3A_3603 : vector<32x256xf32>
    %gt3A_3605 = arith.constant 3.000000e-01 : f32
    %gt3A_3606 = vector.broadcast %gt3A_3605 : f32 to vector<32x256xf32>
    %gt3A_3607 = arith.cmpf ogt, %div3A_3604, %gt3A_3606 : vector<32x256xf32>
    %convert_element_type3A_3608 = arith.extui %gt3A_3607 : vector<32x256xi1> to vector<32x256xi32>
    %convert_element_type3A_3609 = arith.sitofp %convert_element_type3A_3608 : vector<32x256xi32> to vector<32x256xf32>
    %dot_general3A_3610 = arith.constant dense<0.000000e+00> : vector<2x256xf32>
    %dot_general3A_3611 = tpu.matmul %convert_element_type3A_31, %convert_element_type3A_3609, %dot_general3A_3610 {dimension_numbers = #tpu.dot_dimension_numbers<[1], [0], [0], [1], [0, 0, 1, 1], [], []>, transpose_lhs_hint = false} : vector<2x32xf32>, vector<32x256xf32>, vector<2x256xf32> -> vector<2x256xf32>
    %slice3A_3612 = vector.extract_strided_slice %dot_general3A_3611 {offsets = [0, 0], sizes = [1, 256], strides = [1, 1]} : vector<2x256xf32> to vector<1x256xf32>
    %convert_element_type3A_3613 = arith.fptosi %slice3A_3612 : vector<1x256xf32> to vector<1x256xi32>
    %slice3A_3614 = vector.extract_strided_slice %dot_general3A_3611 {offsets = [1, 0], sizes = [1, 256], strides = [1, 1]} : vector<2x256xf32> to vector<1x256xf32>
    %convert_element_type3A_3615 = arith.fptosi %slice3A_3614 : vector<1x256xf32> to vector<1x256xi32>
    %shift_left3A_3616 = arith.constant 16 : i32
    %shift_left3A_3617 = vector.broadcast %shift_left3A_3616 : i32 to vector<1x256xi32>
    %shift_left3A_3618 = arith.shli %convert_element_type3A_3615, %shift_left3A_3617 : vector<1x256xi32>
    %or3A_3619 = arith.ori %convert_element_type3A_3613, %shift_left3A_3618 : vector<1x256xi32>
    %swap3A_3620 = arith.constant 14 : index
    %swap3A_3621 = arith.constant 768 : index
    %swap3A_3622 = vector.load %arg3[%swap3A_3620, %swap3A_3621] : memref<32x1024xi32, #tpu.memory_space<vmem>>, vector<1x256xi32>
    tpu.vector_store %arg3[%swap3A_3620, %swap3A_3621], %or3A_3619 {strides = array<i32>} : memref<32x1024xi32, #tpu.memory_space<vmem>>, vector<1x256xi32>,
    %slice3A_3623 = vector.extract_strided_slice %transpose3A {offsets = [480, 0], sizes = [32, 8], strides = [1, 1]} : vector<1024x8xf32> to vector<32x8xf32>
    %slice3A_3624 = vector.extract_strided_slice %slice3A_3623 {offsets = [0, 0], sizes = [32, 1], strides = [1, 1]} : vector<32x8xf32> to vector<32x1xf32>
    %max3A_3625 = vector.broadcast %slice3A_3624 : vector<32x1xf32> to vector<32x256xf32>
    %max3A_3626 = vector.broadcast %slice3A_2823 : vector<1x256xf32> to vector<32x256xf32>
    %max3A_3627 = arith.maximumf %max3A_3625, %max3A_3626 : vector<32x256xf32>
    %slice3A_3628 = vector.extract_strided_slice %slice3A_3623 {offsets = [0, 1], sizes = [32, 1], strides = [1, 1]} : vector<32x8xf32> to vector<32x1xf32>
    %max3A_3629 = vector.broadcast %slice3A_3628 : vector<32x1xf32> to vector<32x256xf32>
    %max3A_3630 = vector.broadcast %slice3A_2824 : vector<1x256xf32> to vector<32x256xf32>
    %max3A_3631 = arith.maximumf %max3A_3629, %max3A_3630 : vector<32x256xf32>
    %slice3A_3632 = vector.extract_strided_slice %slice3A_3623 {offsets = [0, 2], sizes = [32, 1], strides = [1, 1]} : vector<32x8xf32> to vector<32x1xf32>
    %min3A_3633 = vector.broadcast %slice3A_3632 : vector<32x1xf32> to vector<32x256xf32>
    %min3A_3634 = vector.broadcast %slice3A_2825 : vector<1x256xf32> to vector<32x256xf32>
    %min3A_3635 = arith.minimumf %min3A_3633, %min3A_3634 : vector<32x256xf32>
    %slice3A_3636 = vector.extract_strided_slice %slice3A_3623 {offsets = [0, 3], sizes = [32, 1], strides = [1, 1]} : vector<32x8xf32> to vector<32x1xf32>
    %min3A_3637 = vector.broadcast %slice3A_3636 : vector<32x1xf32> to vector<32x256xf32>
    %min3A_3638 = vector.broadcast %slice3A_2826 : vector<1x256xf32> to vector<32x256xf32>
    %min3A_3639 = arith.minimumf %min3A_3637, %min3A_3638 : vector<32x256xf32>
    %sub3A_3640 = arith.subf %min3A_3635, %max3A_3627 : vector<32x256xf32>
    %add3A_3641 = arith.constant 1.000000e+00 : f32
    %add3A_3642 = vector.broadcast %add3A_3641 : f32 to vector<32x256xf32>
    %add3A_3643 = arith.addf %sub3A_3640, %add3A_3642 : vector<32x256xf32>
    %max3A_3644 = arith.constant 0.000000e+00 : f32
    %max3A_3645 = vector.broadcast %max3A_3644 : f32 to vector<32x256xf32>
    %max3A_3646 = arith.maximumf %max3A_3645, %add3A_3643 : vector<32x256xf32>
    %sub3A_3647 = arith.subf %min3A_3639, %max3A_3631 : vector<32x256xf32>
    %add3A_3648 = arith.constant 1.000000e+00 : f32
    %add3A_3649 = vector.broadcast %add3A_3648 : f32 to vector<32x256xf32>
    %add3A_3650 = arith.addf %sub3A_3647, %add3A_3649 : vector<32x256xf32>
    %mul3A_3651 = arith.mulf %max3A_3646, %add3A_3650 : vector<32x256xf32>
    %slice3A_3652 = vector.extract_strided_slice %slice3A_3623 {offsets = [0, 4], sizes = [32, 1], strides = [1, 1]} : vector<32x8xf32> to vector<32x1xf32>
    %add3A_3653 = vector.broadcast %slice3A_3652 : vector<32x1xf32> to vector<32x256xf32>
    %add3A_3654 = vector.broadcast %slice3A_2827 : vector<1x256xf32> to vector<32x256xf32>
    %add3A_3655 = arith.addf %add3A_3653, %add3A_3654 : vector<32x256xf32>
    %sub3A_3656 = arith.subf %add3A_3655, %mul3A_3651 : vector<32x256xf32>
    %div3A_3657 = arith.divf %mul3A_3651, %sub3A_3656 : vector<32x256xf32>
    %gt3A_3658 = arith.constant 3.000000e-01 : f32
    %gt3A_3659 = vector.broadcast %gt3A_3658 : f32 to vector<32x256xf32>
    %gt3A_3660 = arith.cmpf ogt, %div3A_3657, %gt3A_3659 : vector<32x256xf32>
    %convert_element_type3A_3661 = arith.extui %gt3A_3660 : vector<32x256xi1> to vector<32x256xi32>
    %convert_element_type3A_3662 = arith.sitofp %convert_element_type3A_3661 : vector<32x256xi32> to vector<32x256xf32>
    %dot_general3A_3663 = arith.constant dense<0.000000e+00> : vector<2x256xf32>
    %dot_general3A_3664 = tpu.matmul %convert_element_type3A_31, %convert_element_type3A_3662, %dot_general3A_3663 {dimension_numbers = #tpu.dot_dimension_numbers<[1], [0], [0], [1], [0, 0, 1, 1], [], []>, transpose_lhs_hint = false} : vector<2x32xf32>, vector<32x256xf32>, vector<2x256xf32> -> vector<2x256xf32>
    %slice3A_3665 = vector.extract_strided_slice %dot_general3A_3664 {offsets = [0, 0], sizes = [1, 256], strides = [1, 1]} : vector<2x256xf32> to vector<1x256xf32>
    %convert_element_type3A_3666 = arith.fptosi %slice3A_3665 : vector<1x256xf32> to vector<1x256xi32>
    %slice3A_3667 = vector.extract_strided_slice %dot_general3A_3664 {offsets = [1, 0], sizes = [1, 256], strides = [1, 1]} : vector<2x256xf32> to vector<1x256xf32>
    %convert_element_type3A_3668 = arith.fptosi %slice3A_3667 : vector<1x256xf32> to vector<1x256xi32>
    %shift_left3A_3669 = arith.constant 16 : i32
    %shift_left3A_3670 = vector.broadcast %shift_left3A_3669 : i32 to vector<1x256xi32>
    %shift_left3A_3671 = arith.shli %convert_element_type3A_3668, %shift_left3A_3670 : vector<1x256xi32>
    %or3A_3672 = arith.ori %convert_element_type3A_3666, %shift_left3A_3671 : vector<1x256xi32>
    %swap3A_3673 = arith.constant 15 : index
    %swap3A_3674 = arith.constant 768 : index
    %swap3A_3675 = vector.load %arg3[%swap3A_3673, %swap3A_3674] : memref<32x1024xi32, #tpu.memory_space<vmem>>, vector<1x256xi32>
    tpu.vector_store %arg3[%swap3A_3673, %swap3A_3674], %or3A_3672 {strides = array<i32>} : memref<32x1024xi32, #tpu.memory_space<vmem>>, vector<1x256xi32>,
    %slice3A_3676 = vector.extract_strided_slice %transpose3A {offsets = [512, 0], sizes = [32, 8], strides = [1, 1]} : vector<1024x8xf32> to vector<32x8xf32>
    %slice3A_3677 = vector.extract_strided_slice %slice3A_3676 {offsets = [0, 0], sizes = [32, 1], strides = [1, 1]} : vector<32x8xf32> to vector<32x1xf32>
    %max3A_3678 = vector.broadcast %slice3A_3677 : vector<32x1xf32> to vector<32x256xf32>
    %max3A_3679 = vector.broadcast %slice3A_2823 : vector<1x256xf32> to vector<32x256xf32>
    %max3A_3680 = arith.maximumf %max3A_3678, %max3A_3679 : vector<32x256xf32>
    %slice3A_3681 = vector.extract_strided_slice %slice3A_3676 {offsets = [0, 1], sizes = [32, 1], strides = [1, 1]} : vector<32x8xf32> to vector<32x1xf32>
    %max3A_3682 = vector.broadcast %slice3A_3681 : vector<32x1xf32> to vector<32x256xf32>
    %max3A_3683 = vector.broadcast %slice3A_2824 : vector<1x256xf32> to vector<32x256xf32>
    %max3A_3684 = arith.maximumf %max3A_3682, %max3A_3683 : vector<32x256xf32>
    %slice3A_3685 = vector.extract_strided_slice %slice3A_3676 {offsets = [0, 2], sizes = [32, 1], strides = [1, 1]} : vector<32x8xf32> to vector<32x1xf32>
    %min3A_3686 = vector.broadcast %slice3A_3685 : vector<32x1xf32> to vector<32x256xf32>
    %min3A_3687 = vector.broadcast %slice3A_2825 : vector<1x256xf32> to vector<32x256xf32>
    %min3A_3688 = arith.minimumf %min3A_3686, %min3A_3687 : vector<32x256xf32>
    %slice3A_3689 = vector.extract_strided_slice %slice3A_3676 {offsets = [0, 3], sizes = [32, 1], strides = [1, 1]} : vector<32x8xf32> to vector<32x1xf32>
    %min3A_3690 = vector.broadcast %slice3A_3689 : vector<32x1xf32> to vector<32x256xf32>
    %min3A_3691 = vector.broadcast %slice3A_2826 : vector<1x256xf32> to vector<32x256xf32>
    %min3A_3692 = arith.minimumf %min3A_3690, %min3A_3691 : vector<32x256xf32>
    %sub3A_3693 = arith.subf %min3A_3688, %max3A_3680 : vector<32x256xf32>
    %add3A_3694 = arith.constant 1.000000e+00 : f32
    %add3A_3695 = vector.broadcast %add3A_3694 : f32 to vector<32x256xf32>
    %add3A_3696 = arith.addf %sub3A_3693, %add3A_3695 : vector<32x256xf32>
    %max3A_3697 = arith.constant 0.000000e+00 : f32
    %max3A_3698 = vector.broadcast %max3A_3697 : f32 to vector<32x256xf32>
    %max3A_3699 = arith.maximumf %max3A_3698, %add3A_3696 : vector<32x256xf32>
    %sub3A_3700 = arith.subf %min3A_3692, %max3A_3684 : vector<32x256xf32>
    %add3A_3701 = arith.constant 1.000000e+00 : f32
    %add3A_3702 = vector.broadcast %add3A_3701 : f32 to vector<32x256xf32>
    %add3A_3703 = arith.addf %sub3A_3700, %add3A_3702 : vector<32x256xf32>
    %mul3A_3704 = arith.mulf %max3A_3699, %add3A_3703 : vector<32x256xf32>
    %slice3A_3705 = vector.extract_strided_slice %slice3A_3676 {offsets = [0, 4], sizes = [32, 1], strides = [1, 1]} : vector<32x8xf32> to vector<32x1xf32>
    %add3A_3706 = vector.broadcast %slice3A_3705 : vector<32x1xf32> to vector<32x256xf32>
    %add3A_3707 = vector.broadcast %slice3A_2827 : vector<1x256xf32> to vector<32x256xf32>
    %add3A_3708 = arith.addf %add3A_3706, %add3A_3707 : vector<32x256xf32>
    %sub3A_3709 = arith.subf %add3A_3708, %mul3A_3704 : vector<32x256xf32>
    %div3A_3710 = arith.divf %mul3A_3704, %sub3A_3709 : vector<32x256xf32>
    %gt3A_3711 = arith.constant 3.000000e-01 : f32
    %gt3A_3712 = vector.broadcast %gt3A_3711 : f32 to vector<32x256xf32>
    %gt3A_3713 = arith.cmpf ogt, %div3A_3710, %gt3A_3712 : vector<32x256xf32>
    %convert_element_type3A_3714 = arith.extui %gt3A_3713 : vector<32x256xi1> to vector<32x256xi32>
    %convert_element_type3A_3715 = arith.sitofp %convert_element_type3A_3714 : vector<32x256xi32> to vector<32x256xf32>
    %dot_general3A_3716 = arith.constant dense<0.000000e+00> : vector<2x256xf32>
    %dot_general3A_3717 = tpu.matmul %convert_element_type3A_31, %convert_element_type3A_3715, %dot_general3A_3716 {dimension_numbers = #tpu.dot_dimension_numbers<[1], [0], [0], [1], [0, 0, 1, 1], [], []>, transpose_lhs_hint = false} : vector<2x32xf32>, vector<32x256xf32>, vector<2x256xf32> -> vector<2x256xf32>
    %slice3A_3718 = vector.extract_strided_slice %dot_general3A_3717 {offsets = [0, 0], sizes = [1, 256], strides = [1, 1]} : vector<2x256xf32> to vector<1x256xf32>
    %convert_element_type3A_3719 = arith.fptosi %slice3A_3718 : vector<1x256xf32> to vector<1x256xi32>
    %slice3A_3720 = vector.extract_strided_slice %dot_general3A_3717 {offsets = [1, 0], sizes = [1, 256], strides = [1, 1]} : vector<2x256xf32> to vector<1x256xf32>
    %convert_element_type3A_3721 = arith.fptosi %slice3A_3720 : vector<1x256xf32> to vector<1x256xi32>
    %shift_left3A_3722 = arith.constant 16 : i32
    %shift_left3A_3723 = vector.broadcast %shift_left3A_3722 : i32 to vector<1x256xi32>
    %shift_left3A_3724 = arith.shli %convert_element_type3A_3721, %shift_left3A_3723 : vector<1x256xi32>
    %or3A_3725 = arith.ori %convert_element_type3A_3719, %shift_left3A_3724 : vector<1x256xi32>
    %swap3A_3726 = arith.constant 16 : index
    %swap3A_3727 = arith.constant 768 : index
    %swap3A_3728 = vector.load %arg3[%swap3A_3726, %swap3A_3727] : memref<32x1024xi32, #tpu.memory_space<vmem>>, vector<1x256xi32>
    tpu.vector_store %arg3[%swap3A_3726, %swap3A_3727], %or3A_3725 {strides = array<i32>} : memref<32x1024xi32, #tpu.memory_space<vmem>>, vector<1x256xi32>,
    %slice3A_3729 = vector.extract_strided_slice %transpose3A {offsets = [544, 0], sizes = [32, 8], strides = [1, 1]} : vector<1024x8xf32> to vector<32x8xf32>
    %slice3A_3730 = vector.extract_strided_slice %slice3A_3729 {offsets = [0, 0], sizes = [32, 1], strides = [1, 1]} : vector<32x8xf32> to vector<32x1xf32>
    %max3A_3731 = vector.broadcast %slice3A_3730 : vector<32x1xf32> to vector<32x256xf32>
    %max3A_3732 = vector.broadcast %slice3A_2823 : vector<1x256xf32> to vector<32x256xf32>
    %max3A_3733 = arith.maximumf %max3A_3731, %max3A_3732 : vector<32x256xf32>
    %slice3A_3734 = vector.extract_strided_slice %slice3A_3729 {offsets = [0, 1], sizes = [32, 1], strides = [1, 1]} : vector<32x8xf32> to vector<32x1xf32>
    %max3A_3735 = vector.broadcast %slice3A_3734 : vector<32x1xf32> to vector<32x256xf32>
    %max3A_3736 = vector.broadcast %slice3A_2824 : vector<1x256xf32> to vector<32x256xf32>
    %max3A_3737 = arith.maximumf %max3A_3735, %max3A_3736 : vector<32x256xf32>
    %slice3A_3738 = vector.extract_strided_slice %slice3A_3729 {offsets = [0, 2], sizes = [32, 1], strides = [1, 1]} : vector<32x8xf32> to vector<32x1xf32>
    %min3A_3739 = vector.broadcast %slice3A_3738 : vector<32x1xf32> to vector<32x256xf32>
    %min3A_3740 = vector.broadcast %slice3A_2825 : vector<1x256xf32> to vector<32x256xf32>
    %min3A_3741 = arith.minimumf %min3A_3739, %min3A_3740 : vector<32x256xf32>
    %slice3A_3742 = vector.extract_strided_slice %slice3A_3729 {offsets = [0, 3], sizes = [32, 1], strides = [1, 1]} : vector<32x8xf32> to vector<32x1xf32>
    %min3A_3743 = vector.broadcast %slice3A_3742 : vector<32x1xf32> to vector<32x256xf32>
    %min3A_3744 = vector.broadcast %slice3A_2826 : vector<1x256xf32> to vector<32x256xf32>
    %min3A_3745 = arith.minimumf %min3A_3743, %min3A_3744 : vector<32x256xf32>
    %sub3A_3746 = arith.subf %min3A_3741, %max3A_3733 : vector<32x256xf32>
    %add3A_3747 = arith.constant 1.000000e+00 : f32
    %add3A_3748 = vector.broadcast %add3A_3747 : f32 to vector<32x256xf32>
    %add3A_3749 = arith.addf %sub3A_3746, %add3A_3748 : vector<32x256xf32>
    %max3A_3750 = arith.constant 0.000000e+00 : f32
    %max3A_3751 = vector.broadcast %max3A_3750 : f32 to vector<32x256xf32>
    %max3A_3752 = arith.maximumf %max3A_3751, %add3A_3749 : vector<32x256xf32>
    %sub3A_3753 = arith.subf %min3A_3745, %max3A_3737 : vector<32x256xf32>
    %add3A_3754 = arith.constant 1.000000e+00 : f32
    %add3A_3755 = vector.broadcast %add3A_3754 : f32 to vector<32x256xf32>
    %add3A_3756 = arith.addf %sub3A_3753, %add3A_3755 : vector<32x256xf32>
    %mul3A_3757 = arith.mulf %max3A_3752, %add3A_3756 : vector<32x256xf32>
    %slice3A_3758 = vector.extract_strided_slice %slice3A_3729 {offsets = [0, 4], sizes = [32, 1], strides = [1, 1]} : vector<32x8xf32> to vector<32x1xf32>
    %add3A_3759 = vector.broadcast %slice3A_3758 : vector<32x1xf32> to vector<32x256xf32>
    %add3A_3760 = vector.broadcast %slice3A_2827 : vector<1x256xf32> to vector<32x256xf32>
    %add3A_3761 = arith.addf %add3A_3759, %add3A_3760 : vector<32x256xf32>
    %sub3A_3762 = arith.subf %add3A_3761, %mul3A_3757 : vector<32x256xf32>
    %div3A_3763 = arith.divf %mul3A_3757, %sub3A_3762 : vector<32x256xf32>
    %gt3A_3764 = arith.constant 3.000000e-01 : f32
    %gt3A_3765 = vector.broadcast %gt3A_3764 : f32 to vector<32x256xf32>
    %gt3A_3766 = arith.cmpf ogt, %div3A_3763, %gt3A_3765 : vector<32x256xf32>
    %convert_element_type3A_3767 = arith.extui %gt3A_3766 : vector<32x256xi1> to vector<32x256xi32>
    %convert_element_type3A_3768 = arith.sitofp %convert_element_type3A_3767 : vector<32x256xi32> to vector<32x256xf32>
    %dot_general3A_3769 = arith.constant dense<0.000000e+00> : vector<2x256xf32>
    %dot_general3A_3770 = tpu.matmul %convert_element_type3A_31, %convert_element_type3A_3768, %dot_general3A_3769 {dimension_numbers = #tpu.dot_dimension_numbers<[1], [0], [0], [1], [0, 0, 1, 1], [], []>, transpose_lhs_hint = false} : vector<2x32xf32>, vector<32x256xf32>, vector<2x256xf32> -> vector<2x256xf32>
    %slice3A_3771 = vector.extract_strided_slice %dot_general3A_3770 {offsets = [0, 0], sizes = [1, 256], strides = [1, 1]} : vector<2x256xf32> to vector<1x256xf32>
    %convert_element_type3A_3772 = arith.fptosi %slice3A_3771 : vector<1x256xf32> to vector<1x256xi32>
    %slice3A_3773 = vector.extract_strided_slice %dot_general3A_3770 {offsets = [1, 0], sizes = [1, 256], strides = [1, 1]} : vector<2x256xf32> to vector<1x256xf32>
    %convert_element_type3A_3774 = arith.fptosi %slice3A_3773 : vector<1x256xf32> to vector<1x256xi32>
    %shift_left3A_3775 = arith.constant 16 : i32
    %shift_left3A_3776 = vector.broadcast %shift_left3A_3775 : i32 to vector<1x256xi32>
    %shift_left3A_3777 = arith.shli %convert_element_type3A_3774, %shift_left3A_3776 : vector<1x256xi32>
    %or3A_3778 = arith.ori %convert_element_type3A_3772, %shift_left3A_3777 : vector<1x256xi32>
    %swap3A_3779 = arith.constant 17 : index
    %swap3A_3780 = arith.constant 768 : index
    %swap3A_3781 = vector.load %arg3[%swap3A_3779, %swap3A_3780] : memref<32x1024xi32, #tpu.memory_space<vmem>>, vector<1x256xi32>
    tpu.vector_store %arg3[%swap3A_3779, %swap3A_3780], %or3A_3778 {strides = array<i32>} : memref<32x1024xi32, #tpu.memory_space<vmem>>, vector<1x256xi32>,
    %slice3A_3782 = vector.extract_strided_slice %transpose3A {offsets = [576, 0], sizes = [32, 8], strides = [1, 1]} : vector<1024x8xf32> to vector<32x8xf32>
    %slice3A_3783 = vector.extract_strided_slice %slice3A_3782 {offsets = [0, 0], sizes = [32, 1], strides = [1, 1]} : vector<32x8xf32> to vector<32x1xf32>
    %max3A_3784 = vector.broadcast %slice3A_3783 : vector<32x1xf32> to vector<32x256xf32>
    %max3A_3785 = vector.broadcast %slice3A_2823 : vector<1x256xf32> to vector<32x256xf32>
    %max3A_3786 = arith.maximumf %max3A_3784, %max3A_3785 : vector<32x256xf32>
    %slice3A_3787 = vector.extract_strided_slice %slice3A_3782 {offsets = [0, 1], sizes = [32, 1], strides = [1, 1]} : vector<32x8xf32> to vector<32x1xf32>
    %max3A_3788 = vector.broadcast %slice3A_3787 : vector<32x1xf32> to vector<32x256xf32>
    %max3A_3789 = vector.broadcast %slice3A_2824 : vector<1x256xf32> to vector<32x256xf32>
    %max3A_3790 = arith.maximumf %max3A_3788, %max3A_3789 : vector<32x256xf32>
    %slice3A_3791 = vector.extract_strided_slice %slice3A_3782 {offsets = [0, 2], sizes = [32, 1], strides = [1, 1]} : vector<32x8xf32> to vector<32x1xf32>
    %min3A_3792 = vector.broadcast %slice3A_3791 : vector<32x1xf32> to vector<32x256xf32>
    %min3A_3793 = vector.broadcast %slice3A_2825 : vector<1x256xf32> to vector<32x256xf32>
    %min3A_3794 = arith.minimumf %min3A_3792, %min3A_3793 : vector<32x256xf32>
    %slice3A_3795 = vector.extract_strided_slice %slice3A_3782 {offsets = [0, 3], sizes = [32, 1], strides = [1, 1]} : vector<32x8xf32> to vector<32x1xf32>
    %min3A_3796 = vector.broadcast %slice3A_3795 : vector<32x1xf32> to vector<32x256xf32>
    %min3A_3797 = vector.broadcast %slice3A_2826 : vector<1x256xf32> to vector<32x256xf32>
    %min3A_3798 = arith.minimumf %min3A_3796, %min3A_3797 : vector<32x256xf32>
    %sub3A_3799 = arith.subf %min3A_3794, %max3A_3786 : vector<32x256xf32>
    %add3A_3800 = arith.constant 1.000000e+00 : f32
    %add3A_3801 = vector.broadcast %add3A_3800 : f32 to vector<32x256xf32>
    %add3A_3802 = arith.addf %sub3A_3799, %add3A_3801 : vector<32x256xf32>
    %max3A_3803 = arith.constant 0.000000e+00 : f32
    %max3A_3804 = vector.broadcast %max3A_3803 : f32 to vector<32x256xf32>
    %max3A_3805 = arith.maximumf %max3A_3804, %add3A_3802 : vector<32x256xf32>
    %sub3A_3806 = arith.subf %min3A_3798, %max3A_3790 : vector<32x256xf32>
    %add3A_3807 = arith.constant 1.000000e+00 : f32
    %add3A_3808 = vector.broadcast %add3A_3807 : f32 to vector<32x256xf32>
    %add3A_3809 = arith.addf %sub3A_3806, %add3A_3808 : vector<32x256xf32>
    %mul3A_3810 = arith.mulf %max3A_3805, %add3A_3809 : vector<32x256xf32>
    %slice3A_3811 = vector.extract_strided_slice %slice3A_3782 {offsets = [0, 4], sizes = [32, 1], strides = [1, 1]} : vector<32x8xf32> to vector<32x1xf32>
    %add3A_3812 = vector.broadcast %slice3A_3811 : vector<32x1xf32> to vector<32x256xf32>
    %add3A_3813 = vector.broadcast %slice3A_2827 : vector<1x256xf32> to vector<32x256xf32>
    %add3A_3814 = arith.addf %add3A_3812, %add3A_3813 : vector<32x256xf32>
    %sub3A_3815 = arith.subf %add3A_3814, %mul3A_3810 : vector<32x256xf32>
    %div3A_3816 = arith.divf %mul3A_3810, %sub3A_3815 : vector<32x256xf32>
    %gt3A_3817 = arith.constant 3.000000e-01 : f32
    %gt3A_3818 = vector.broadcast %gt3A_3817 : f32 to vector<32x256xf32>
    %gt3A_3819 = arith.cmpf ogt, %div3A_3816, %gt3A_3818 : vector<32x256xf32>
    %convert_element_type3A_3820 = arith.extui %gt3A_3819 : vector<32x256xi1> to vector<32x256xi32>
    %convert_element_type3A_3821 = arith.sitofp %convert_element_type3A_3820 : vector<32x256xi32> to vector<32x256xf32>
    %dot_general3A_3822 = arith.constant dense<0.000000e+00> : vector<2x256xf32>
    %dot_general3A_3823 = tpu.matmul %convert_element_type3A_31, %convert_element_type3A_3821, %dot_general3A_3822 {dimension_numbers = #tpu.dot_dimension_numbers<[1], [0], [0], [1], [0, 0, 1, 1], [], []>, transpose_lhs_hint = false} : vector<2x32xf32>, vector<32x256xf32>, vector<2x256xf32> -> vector<2x256xf32>
    %slice3A_3824 = vector.extract_strided_slice %dot_general3A_3823 {offsets = [0, 0], sizes = [1, 256], strides = [1, 1]} : vector<2x256xf32> to vector<1x256xf32>
    %convert_element_type3A_3825 = arith.fptosi %slice3A_3824 : vector<1x256xf32> to vector<1x256xi32>
    %slice3A_3826 = vector.extract_strided_slice %dot_general3A_3823 {offsets = [1, 0], sizes = [1, 256], strides = [1, 1]} : vector<2x256xf32> to vector<1x256xf32>
    %convert_element_type3A_3827 = arith.fptosi %slice3A_3826 : vector<1x256xf32> to vector<1x256xi32>
    %shift_left3A_3828 = arith.constant 16 : i32
    %shift_left3A_3829 = vector.broadcast %shift_left3A_3828 : i32 to vector<1x256xi32>
    %shift_left3A_3830 = arith.shli %convert_element_type3A_3827, %shift_left3A_3829 : vector<1x256xi32>
    %or3A_3831 = arith.ori %convert_element_type3A_3825, %shift_left3A_3830 : vector<1x256xi32>
    %swap3A_3832 = arith.constant 18 : index
    %swap3A_3833 = arith.constant 768 : index
    %swap3A_3834 = vector.load %arg3[%swap3A_3832, %swap3A_3833] : memref<32x1024xi32, #tpu.memory_space<vmem>>, vector<1x256xi32>
    tpu.vector_store %arg3[%swap3A_3832, %swap3A_3833], %or3A_3831 {strides = array<i32>} : memref<32x1024xi32, #tpu.memory_space<vmem>>, vector<1x256xi32>,
    %slice3A_3835 = vector.extract_strided_slice %transpose3A {offsets = [608, 0], sizes = [32, 8], strides = [1, 1]} : vector<1024x8xf32> to vector<32x8xf32>
    %slice3A_3836 = vector.extract_strided_slice %slice3A_3835 {offsets = [0, 0], sizes = [32, 1], strides = [1, 1]} : vector<32x8xf32> to vector<32x1xf32>
    %max3A_3837 = vector.broadcast %slice3A_3836 : vector<32x1xf32> to vector<32x256xf32>
    %max3A_3838 = vector.broadcast %slice3A_2823 : vector<1x256xf32> to vector<32x256xf32>
    %max3A_3839 = arith.maximumf %max3A_3837, %max3A_3838 : vector<32x256xf32>
    %slice3A_3840 = vector.extract_strided_slice %slice3A_3835 {offsets = [0, 1], sizes = [32, 1], strides = [1, 1]} : vector<32x8xf32> to vector<32x1xf32>
    %max3A_3841 = vector.broadcast %slice3A_3840 : vector<32x1xf32> to vector<32x256xf32>
    %max3A_3842 = vector.broadcast %slice3A_2824 : vector<1x256xf32> to vector<32x256xf32>
    %max3A_3843 = arith.maximumf %max3A_3841, %max3A_3842 : vector<32x256xf32>
    %slice3A_3844 = vector.extract_strided_slice %slice3A_3835 {offsets = [0, 2], sizes = [32, 1], strides = [1, 1]} : vector<32x8xf32> to vector<32x1xf32>
    %min3A_3845 = vector.broadcast %slice3A_3844 : vector<32x1xf32> to vector<32x256xf32>
    %min3A_3846 = vector.broadcast %slice3A_2825 : vector<1x256xf32> to vector<32x256xf32>
    %min3A_3847 = arith.minimumf %min3A_3845, %min3A_3846 : vector<32x256xf32>
    %slice3A_3848 = vector.extract_strided_slice %slice3A_3835 {offsets = [0, 3], sizes = [32, 1], strides = [1, 1]} : vector<32x8xf32> to vector<32x1xf32>
    %min3A_3849 = vector.broadcast %slice3A_3848 : vector<32x1xf32> to vector<32x256xf32>
    %min3A_3850 = vector.broadcast %slice3A_2826 : vector<1x256xf32> to vector<32x256xf32>
    %min3A_3851 = arith.minimumf %min3A_3849, %min3A_3850 : vector<32x256xf32>
    %sub3A_3852 = arith.subf %min3A_3847, %max3A_3839 : vector<32x256xf32>
    %add3A_3853 = arith.constant 1.000000e+00 : f32
    %add3A_3854 = vector.broadcast %add3A_3853 : f32 to vector<32x256xf32>
    %add3A_3855 = arith.addf %sub3A_3852, %add3A_3854 : vector<32x256xf32>
    %max3A_3856 = arith.constant 0.000000e+00 : f32
    %max3A_3857 = vector.broadcast %max3A_3856 : f32 to vector<32x256xf32>
    %max3A_3858 = arith.maximumf %max3A_3857, %add3A_3855 : vector<32x256xf32>
    %sub3A_3859 = arith.subf %min3A_3851, %max3A_3843 : vector<32x256xf32>
    %add3A_3860 = arith.constant 1.000000e+00 : f32
    %add3A_3861 = vector.broadcast %add3A_3860 : f32 to vector<32x256xf32>
    %add3A_3862 = arith.addf %sub3A_3859, %add3A_3861 : vector<32x256xf32>
    %mul3A_3863 = arith.mulf %max3A_3858, %add3A_3862 : vector<32x256xf32>
    %slice3A_3864 = vector.extract_strided_slice %slice3A_3835 {offsets = [0, 4], sizes = [32, 1], strides = [1, 1]} : vector<32x8xf32> to vector<32x1xf32>
    %add3A_3865 = vector.broadcast %slice3A_3864 : vector<32x1xf32> to vector<32x256xf32>
    %add3A_3866 = vector.broadcast %slice3A_2827 : vector<1x256xf32> to vector<32x256xf32>
    %add3A_3867 = arith.addf %add3A_3865, %add3A_3866 : vector<32x256xf32>
    %sub3A_3868 = arith.subf %add3A_3867, %mul3A_3863 : vector<32x256xf32>
    %div3A_3869 = arith.divf %mul3A_3863, %sub3A_3868 : vector<32x256xf32>
    %gt3A_3870 = arith.constant 3.000000e-01 : f32
    %gt3A_3871 = vector.broadcast %gt3A_3870 : f32 to vector<32x256xf32>
    %gt3A_3872 = arith.cmpf ogt, %div3A_3869, %gt3A_3871 : vector<32x256xf32>
    %convert_element_type3A_3873 = arith.extui %gt3A_3872 : vector<32x256xi1> to vector<32x256xi32>
    %convert_element_type3A_3874 = arith.sitofp %convert_element_type3A_3873 : vector<32x256xi32> to vector<32x256xf32>
    %dot_general3A_3875 = arith.constant dense<0.000000e+00> : vector<2x256xf32>
    %dot_general3A_3876 = tpu.matmul %convert_element_type3A_31, %convert_element_type3A_3874, %dot_general3A_3875 {dimension_numbers = #tpu.dot_dimension_numbers<[1], [0], [0], [1], [0, 0, 1, 1], [], []>, transpose_lhs_hint = false} : vector<2x32xf32>, vector<32x256xf32>, vector<2x256xf32> -> vector<2x256xf32>
    %slice3A_3877 = vector.extract_strided_slice %dot_general3A_3876 {offsets = [0, 0], sizes = [1, 256], strides = [1, 1]} : vector<2x256xf32> to vector<1x256xf32>
    %convert_element_type3A_3878 = arith.fptosi %slice3A_3877 : vector<1x256xf32> to vector<1x256xi32>
    %slice3A_3879 = vector.extract_strided_slice %dot_general3A_3876 {offsets = [1, 0], sizes = [1, 256], strides = [1, 1]} : vector<2x256xf32> to vector<1x256xf32>
    %convert_element_type3A_3880 = arith.fptosi %slice3A_3879 : vector<1x256xf32> to vector<1x256xi32>
    %shift_left3A_3881 = arith.constant 16 : i32
    %shift_left3A_3882 = vector.broadcast %shift_left3A_3881 : i32 to vector<1x256xi32>
    %shift_left3A_3883 = arith.shli %convert_element_type3A_3880, %shift_left3A_3882 : vector<1x256xi32>
    %or3A_3884 = arith.ori %convert_element_type3A_3878, %shift_left3A_3883 : vector<1x256xi32>
    %swap3A_3885 = arith.constant 19 : index
    %swap3A_3886 = arith.constant 768 : index
    %swap3A_3887 = vector.load %arg3[%swap3A_3885, %swap3A_3886] : memref<32x1024xi32, #tpu.memory_space<vmem>>, vector<1x256xi32>
    tpu.vector_store %arg3[%swap3A_3885, %swap3A_3886], %or3A_3884 {strides = array<i32>} : memref<32x1024xi32, #tpu.memory_space<vmem>>, vector<1x256xi32>,
    %slice3A_3888 = vector.extract_strided_slice %transpose3A {offsets = [640, 0], sizes = [32, 8], strides = [1, 1]} : vector<1024x8xf32> to vector<32x8xf32>
    %slice3A_3889 = vector.extract_strided_slice %slice3A_3888 {offsets = [0, 0], sizes = [32, 1], strides = [1, 1]} : vector<32x8xf32> to vector<32x1xf32>
    %max3A_3890 = vector.broadcast %slice3A_3889 : vector<32x1xf32> to vector<32x256xf32>
    %max3A_3891 = vector.broadcast %slice3A_2823 : vector<1x256xf32> to vector<32x256xf32>
    %max3A_3892 = arith.maximumf %max3A_3890, %max3A_3891 : vector<32x256xf32>
    %slice3A_3893 = vector.extract_strided_slice %slice3A_3888 {offsets = [0, 1], sizes = [32, 1], strides = [1, 1]} : vector<32x8xf32> to vector<32x1xf32>
    %max3A_3894 = vector.broadcast %slice3A_3893 : vector<32x1xf32> to vector<32x256xf32>
    %max3A_3895 = vector.broadcast %slice3A_2824 : vector<1x256xf32> to vector<32x256xf32>
    %max3A_3896 = arith.maximumf %max3A_3894, %max3A_3895 : vector<32x256xf32>
    %slice3A_3897 = vector.extract_strided_slice %slice3A_3888 {offsets = [0, 2], sizes = [32, 1], strides = [1, 1]} : vector<32x8xf32> to vector<32x1xf32>
    %min3A_3898 = vector.broadcast %slice3A_3897 : vector<32x1xf32> to vector<32x256xf32>
    %min3A_3899 = vector.broadcast %slice3A_2825 : vector<1x256xf32> to vector<32x256xf32>
    %min3A_3900 = arith.minimumf %min3A_3898, %min3A_3899 : vector<32x256xf32>
    %slice3A_3901 = vector.extract_strided_slice %slice3A_3888 {offsets = [0, 3], sizes = [32, 1], strides = [1, 1]} : vector<32x8xf32> to vector<32x1xf32>
    %min3A_3902 = vector.broadcast %slice3A_3901 : vector<32x1xf32> to vector<32x256xf32>
    %min3A_3903 = vector.broadcast %slice3A_2826 : vector<1x256xf32> to vector<32x256xf32>
    %min3A_3904 = arith.minimumf %min3A_3902, %min3A_3903 : vector<32x256xf32>
    %sub3A_3905 = arith.subf %min3A_3900, %max3A_3892 : vector<32x256xf32>
    %add3A_3906 = arith.constant 1.000000e+00 : f32
    %add3A_3907 = vector.broadcast %add3A_3906 : f32 to vector<32x256xf32>
    %add3A_3908 = arith.addf %sub3A_3905, %add3A_3907 : vector<32x256xf32>
    %max3A_3909 = arith.constant 0.000000e+00 : f32
    %max3A_3910 = vector.broadcast %max3A_3909 : f32 to vector<32x256xf32>
    %max3A_3911 = arith.maximumf %max3A_3910, %add3A_3908 : vector<32x256xf32>
    %sub3A_3912 = arith.subf %min3A_3904, %max3A_3896 : vector<32x256xf32>
    %add3A_3913 = arith.constant 1.000000e+00 : f32
    %add3A_3914 = vector.broadcast %add3A_3913 : f32 to vector<32x256xf32>
    %add3A_3915 = arith.addf %sub3A_3912, %add3A_3914 : vector<32x256xf32>
    %mul3A_3916 = arith.mulf %max3A_3911, %add3A_3915 : vector<32x256xf32>
    %slice3A_3917 = vector.extract_strided_slice %slice3A_3888 {offsets = [0, 4], sizes = [32, 1], strides = [1, 1]} : vector<32x8xf32> to vector<32x1xf32>
    %add3A_3918 = vector.broadcast %slice3A_3917 : vector<32x1xf32> to vector<32x256xf32>
    %add3A_3919 = vector.broadcast %slice3A_2827 : vector<1x256xf32> to vector<32x256xf32>
    %add3A_3920 = arith.addf %add3A_3918, %add3A_3919 : vector<32x256xf32>
    %sub3A_3921 = arith.subf %add3A_3920, %mul3A_3916 : vector<32x256xf32>
    %div3A_3922 = arith.divf %mul3A_3916, %sub3A_3921 : vector<32x256xf32>
    %gt3A_3923 = arith.constant 3.000000e-01 : f32
    %gt3A_3924 = vector.broadcast %gt3A_3923 : f32 to vector<32x256xf32>
    %gt3A_3925 = arith.cmpf ogt, %div3A_3922, %gt3A_3924 : vector<32x256xf32>
    %convert_element_type3A_3926 = arith.extui %gt3A_3925 : vector<32x256xi1> to vector<32x256xi32>
    %convert_element_type3A_3927 = arith.sitofp %convert_element_type3A_3926 : vector<32x256xi32> to vector<32x256xf32>
    %dot_general3A_3928 = arith.constant dense<0.000000e+00> : vector<2x256xf32>
    %dot_general3A_3929 = tpu.matmul %convert_element_type3A_31, %convert_element_type3A_3927, %dot_general3A_3928 {dimension_numbers = #tpu.dot_dimension_numbers<[1], [0], [0], [1], [0, 0, 1, 1], [], []>, transpose_lhs_hint = false} : vector<2x32xf32>, vector<32x256xf32>, vector<2x256xf32> -> vector<2x256xf32>
    %slice3A_3930 = vector.extract_strided_slice %dot_general3A_3929 {offsets = [0, 0], sizes = [1, 256], strides = [1, 1]} : vector<2x256xf32> to vector<1x256xf32>
    %convert_element_type3A_3931 = arith.fptosi %slice3A_3930 : vector<1x256xf32> to vector<1x256xi32>
    %slice3A_3932 = vector.extract_strided_slice %dot_general3A_3929 {offsets = [1, 0], sizes = [1, 256], strides = [1, 1]} : vector<2x256xf32> to vector<1x256xf32>
    %convert_element_type3A_3933 = arith.fptosi %slice3A_3932 : vector<1x256xf32> to vector<1x256xi32>
    %shift_left3A_3934 = arith.constant 16 : i32
    %shift_left3A_3935 = vector.broadcast %shift_left3A_3934 : i32 to vector<1x256xi32>
    %shift_left3A_3936 = arith.shli %convert_element_type3A_3933, %shift_left3A_3935 : vector<1x256xi32>
    %or3A_3937 = arith.ori %convert_element_type3A_3931, %shift_left3A_3936 : vector<1x256xi32>
    %swap3A_3938 = arith.constant 20 : index
    %swap3A_3939 = arith.constant 768 : index
    %swap3A_3940 = vector.load %arg3[%swap3A_3938, %swap3A_3939] : memref<32x1024xi32, #tpu.memory_space<vmem>>, vector<1x256xi32>
    tpu.vector_store %arg3[%swap3A_3938, %swap3A_3939], %or3A_3937 {strides = array<i32>} : memref<32x1024xi32, #tpu.memory_space<vmem>>, vector<1x256xi32>,
    %slice3A_3941 = vector.extract_strided_slice %transpose3A {offsets = [672, 0], sizes = [32, 8], strides = [1, 1]} : vector<1024x8xf32> to vector<32x8xf32>
    %slice3A_3942 = vector.extract_strided_slice %slice3A_3941 {offsets = [0, 0], sizes = [32, 1], strides = [1, 1]} : vector<32x8xf32> to vector<32x1xf32>
    %max3A_3943 = vector.broadcast %slice3A_3942 : vector<32x1xf32> to vector<32x256xf32>
    %max3A_3944 = vector.broadcast %slice3A_2823 : vector<1x256xf32> to vector<32x256xf32>
    %max3A_3945 = arith.maximumf %max3A_3943, %max3A_3944 : vector<32x256xf32>
    %slice3A_3946 = vector.extract_strided_slice %slice3A_3941 {offsets = [0, 1], sizes = [32, 1], strides = [1, 1]} : vector<32x8xf32> to vector<32x1xf32>
    %max3A_3947 = vector.broadcast %slice3A_3946 : vector<32x1xf32> to vector<32x256xf32>
    %max3A_3948 = vector.broadcast %slice3A_2824 : vector<1x256xf32> to vector<32x256xf32>
    %max3A_3949 = arith.maximumf %max3A_3947, %max3A_3948 : vector<32x256xf32>
    %slice3A_3950 = vector.extract_strided_slice %slice3A_3941 {offsets = [0, 2], sizes = [32, 1], strides = [1, 1]} : vector<32x8xf32> to vector<32x1xf32>
    %min3A_3951 = vector.broadcast %slice3A_3950 : vector<32x1xf32> to vector<32x256xf32>
    %min3A_3952 = vector.broadcast %slice3A_2825 : vector<1x256xf32> to vector<32x256xf32>
    %min3A_3953 = arith.minimumf %min3A_3951, %min3A_3952 : vector<32x256xf32>
    %slice3A_3954 = vector.extract_strided_slice %slice3A_3941 {offsets = [0, 3], sizes = [32, 1], strides = [1, 1]} : vector<32x8xf32> to vector<32x1xf32>
    %min3A_3955 = vector.broadcast %slice3A_3954 : vector<32x1xf32> to vector<32x256xf32>
    %min3A_3956 = vector.broadcast %slice3A_2826 : vector<1x256xf32> to vector<32x256xf32>
    %min3A_3957 = arith.minimumf %min3A_3955, %min3A_3956 : vector<32x256xf32>
    %sub3A_3958 = arith.subf %min3A_3953, %max3A_3945 : vector<32x256xf32>
    %add3A_3959 = arith.constant 1.000000e+00 : f32
    %add3A_3960 = vector.broadcast %add3A_3959 : f32 to vector<32x256xf32>
    %add3A_3961 = arith.addf %sub3A_3958, %add3A_3960 : vector<32x256xf32>
    %max3A_3962 = arith.constant 0.000000e+00 : f32
    %max3A_3963 = vector.broadcast %max3A_3962 : f32 to vector<32x256xf32>
    %max3A_3964 = arith.maximumf %max3A_3963, %add3A_3961 : vector<32x256xf32>
    %sub3A_3965 = arith.subf %min3A_3957, %max3A_3949 : vector<32x256xf32>
    %add3A_3966 = arith.constant 1.000000e+00 : f32
    %add3A_3967 = vector.broadcast %add3A_3966 : f32 to vector<32x256xf32>
    %add3A_3968 = arith.addf %sub3A_3965, %add3A_3967 : vector<32x256xf32>
    %mul3A_3969 = arith.mulf %max3A_3964, %add3A_3968 : vector<32x256xf32>
    %slice3A_3970 = vector.extract_strided_slice %slice3A_3941 {offsets = [0, 4], sizes = [32, 1], strides = [1, 1]} : vector<32x8xf32> to vector<32x1xf32>
    %add3A_3971 = vector.broadcast %slice3A_3970 : vector<32x1xf32> to vector<32x256xf32>
    %add3A_3972 = vector.broadcast %slice3A_2827 : vector<1x256xf32> to vector<32x256xf32>
    %add3A_3973 = arith.addf %add3A_3971, %add3A_3972 : vector<32x256xf32>
    %sub3A_3974 = arith.subf %add3A_3973, %mul3A_3969 : vector<32x256xf32>
    %div3A_3975 = arith.divf %mul3A_3969, %sub3A_3974 : vector<32x256xf32>
    %gt3A_3976 = arith.constant 3.000000e-01 : f32
    %gt3A_3977 = vector.broadcast %gt3A_3976 : f32 to vector<32x256xf32>
    %gt3A_3978 = arith.cmpf ogt, %div3A_3975, %gt3A_3977 : vector<32x256xf32>
    %convert_element_type3A_3979 = arith.extui %gt3A_3978 : vector<32x256xi1> to vector<32x256xi32>
    %convert_element_type3A_3980 = arith.sitofp %convert_element_type3A_3979 : vector<32x256xi32> to vector<32x256xf32>
    %dot_general3A_3981 = arith.constant dense<0.000000e+00> : vector<2x256xf32>
    %dot_general3A_3982 = tpu.matmul %convert_element_type3A_31, %convert_element_type3A_3980, %dot_general3A_3981 {dimension_numbers = #tpu.dot_dimension_numbers<[1], [0], [0], [1], [0, 0, 1, 1], [], []>, transpose_lhs_hint = false} : vector<2x32xf32>, vector<32x256xf32>, vector<2x256xf32> -> vector<2x256xf32>
    %slice3A_3983 = vector.extract_strided_slice %dot_general3A_3982 {offsets = [0, 0], sizes = [1, 256], strides = [1, 1]} : vector<2x256xf32> to vector<1x256xf32>
    %convert_element_type3A_3984 = arith.fptosi %slice3A_3983 : vector<1x256xf32> to vector<1x256xi32>
    %slice3A_3985 = vector.extract_strided_slice %dot_general3A_3982 {offsets = [1, 0], sizes = [1, 256], strides = [1, 1]} : vector<2x256xf32> to vector<1x256xf32>
    %convert_element_type3A_3986 = arith.fptosi %slice3A_3985 : vector<1x256xf32> to vector<1x256xi32>
    %shift_left3A_3987 = arith.constant 16 : i32
    %shift_left3A_3988 = vector.broadcast %shift_left3A_3987 : i32 to vector<1x256xi32>
    %shift_left3A_3989 = arith.shli %convert_element_type3A_3986, %shift_left3A_3988 : vector<1x256xi32>
    %or3A_3990 = arith.ori %convert_element_type3A_3984, %shift_left3A_3989 : vector<1x256xi32>
    %swap3A_3991 = arith.constant 21 : index
    %swap3A_3992 = arith.constant 768 : index
    %swap3A_3993 = vector.load %arg3[%swap3A_3991, %swap3A_3992] : memref<32x1024xi32, #tpu.memory_space<vmem>>, vector<1x256xi32>
    tpu.vector_store %arg3[%swap3A_3991, %swap3A_3992], %or3A_3990 {strides = array<i32>} : memref<32x1024xi32, #tpu.memory_space<vmem>>, vector<1x256xi32>,
    %slice3A_3994 = vector.extract_strided_slice %transpose3A {offsets = [704, 0], sizes = [32, 8], strides = [1, 1]} : vector<1024x8xf32> to vector<32x8xf32>
    %slice3A_3995 = vector.extract_strided_slice %slice3A_3994 {offsets = [0, 0], sizes = [32, 1], strides = [1, 1]} : vector<32x8xf32> to vector<32x1xf32>
    %max3A_3996 = vector.broadcast %slice3A_3995 : vector<32x1xf32> to vector<32x256xf32>
    %max3A_3997 = vector.broadcast %slice3A_2823 : vector<1x256xf32> to vector<32x256xf32>
    %max3A_3998 = arith.maximumf %max3A_3996, %max3A_3997 : vector<32x256xf32>
    %slice3A_3999 = vector.extract_strided_slice %slice3A_3994 {offsets = [0, 1], sizes = [32, 1], strides = [1, 1]} : vector<32x8xf32> to vector<32x1xf32>
    %max3A_4000 = vector.broadcast %slice3A_3999 : vector<32x1xf32> to vector<32x256xf32>
    %max3A_4001 = vector.broadcast %slice3A_2824 : vector<1x256xf32> to vector<32x256xf32>
    %max3A_4002 = arith.maximumf %max3A_4000, %max3A_4001 : vector<32x256xf32>
    %slice3A_4003 = vector.extract_strided_slice %slice3A_3994 {offsets = [0, 2], sizes = [32, 1], strides = [1, 1]} : vector<32x8xf32> to vector<32x1xf32>
    %min3A_4004 = vector.broadcast %slice3A_4003 : vector<32x1xf32> to vector<32x256xf32>
    %min3A_4005 = vector.broadcast %slice3A_2825 : vector<1x256xf32> to vector<32x256xf32>
    %min3A_4006 = arith.minimumf %min3A_4004, %min3A_4005 : vector<32x256xf32>
    %slice3A_4007 = vector.extract_strided_slice %slice3A_3994 {offsets = [0, 3], sizes = [32, 1], strides = [1, 1]} : vector<32x8xf32> to vector<32x1xf32>
    %min3A_4008 = vector.broadcast %slice3A_4007 : vector<32x1xf32> to vector<32x256xf32>
    %min3A_4009 = vector.broadcast %slice3A_2826 : vector<1x256xf32> to vector<32x256xf32>
    %min3A_4010 = arith.minimumf %min3A_4008, %min3A_4009 : vector<32x256xf32>
    %sub3A_4011 = arith.subf %min3A_4006, %max3A_3998 : vector<32x256xf32>
    %add3A_4012 = arith.constant 1.000000e+00 : f32
    %add3A_4013 = vector.broadcast %add3A_4012 : f32 to vector<32x256xf32>
    %add3A_4014 = arith.addf %sub3A_4011, %add3A_4013 : vector<32x256xf32>
    %max3A_4015 = arith.constant 0.000000e+00 : f32
    %max3A_4016 = vector.broadcast %max3A_4015 : f32 to vector<32x256xf32>
    %max3A_4017 = arith.maximumf %max3A_4016, %add3A_4014 : vector<32x256xf32>
    %sub3A_4018 = arith.subf %min3A_4010, %max3A_4002 : vector<32x256xf32>
    %add3A_4019 = arith.constant 1.000000e+00 : f32
    %add3A_4020 = vector.broadcast %add3A_4019 : f32 to vector<32x256xf32>
    %add3A_4021 = arith.addf %sub3A_4018, %add3A_4020 : vector<32x256xf32>
    %mul3A_4022 = arith.mulf %max3A_4017, %add3A_4021 : vector<32x256xf32>
    %slice3A_4023 = vector.extract_strided_slice %slice3A_3994 {offsets = [0, 4], sizes = [32, 1], strides = [1, 1]} : vector<32x8xf32> to vector<32x1xf32>
    %add3A_4024 = vector.broadcast %slice3A_4023 : vector<32x1xf32> to vector<32x256xf32>
    %add3A_4025 = vector.broadcast %slice3A_2827 : vector<1x256xf32> to vector<32x256xf32>
    %add3A_4026 = arith.addf %add3A_4024, %add3A_4025 : vector<32x256xf32>
    %sub3A_4027 = arith.subf %add3A_4026, %mul3A_4022 : vector<32x256xf32>
    %div3A_4028 = arith.divf %mul3A_4022, %sub3A_4027 : vector<32x256xf32>
    %gt3A_4029 = arith.constant 3.000000e-01 : f32
    %gt3A_4030 = vector.broadcast %gt3A_4029 : f32 to vector<32x256xf32>
    %gt3A_4031 = arith.cmpf ogt, %div3A_4028, %gt3A_4030 : vector<32x256xf32>
    %convert_element_type3A_4032 = arith.extui %gt3A_4031 : vector<32x256xi1> to vector<32x256xi32>
    %convert_element_type3A_4033 = arith.sitofp %convert_element_type3A_4032 : vector<32x256xi32> to vector<32x256xf32>
    %dot_general3A_4034 = arith.constant dense<0.000000e+00> : vector<2x256xf32>
    %dot_general3A_4035 = tpu.matmul %convert_element_type3A_31, %convert_element_type3A_4033, %dot_general3A_4034 {dimension_numbers = #tpu.dot_dimension_numbers<[1], [0], [0], [1], [0, 0, 1, 1], [], []>, transpose_lhs_hint = false} : vector<2x32xf32>, vector<32x256xf32>, vector<2x256xf32> -> vector<2x256xf32>
    %slice3A_4036 = vector.extract_strided_slice %dot_general3A_4035 {offsets = [0, 0], sizes = [1, 256], strides = [1, 1]} : vector<2x256xf32> to vector<1x256xf32>
    %convert_element_type3A_4037 = arith.fptosi %slice3A_4036 : vector<1x256xf32> to vector<1x256xi32>
    %slice3A_4038 = vector.extract_strided_slice %dot_general3A_4035 {offsets = [1, 0], sizes = [1, 256], strides = [1, 1]} : vector<2x256xf32> to vector<1x256xf32>
    %convert_element_type3A_4039 = arith.fptosi %slice3A_4038 : vector<1x256xf32> to vector<1x256xi32>
    %shift_left3A_4040 = arith.constant 16 : i32
    %shift_left3A_4041 = vector.broadcast %shift_left3A_4040 : i32 to vector<1x256xi32>
    %shift_left3A_4042 = arith.shli %convert_element_type3A_4039, %shift_left3A_4041 : vector<1x256xi32>
    %or3A_4043 = arith.ori %convert_element_type3A_4037, %shift_left3A_4042 : vector<1x256xi32>
    %swap3A_4044 = arith.constant 22 : index
    %swap3A_4045 = arith.constant 768 : index
    %swap3A_4046 = vector.load %arg3[%swap3A_4044, %swap3A_4045] : memref<32x1024xi32, #tpu.memory_space<vmem>>, vector<1x256xi32>
    tpu.vector_store %arg3[%swap3A_4044, %swap3A_4045], %or3A_4043 {strides = array<i32>} : memref<32x1024xi32, #tpu.memory_space<vmem>>, vector<1x256xi32>,
    %slice3A_4047 = vector.extract_strided_slice %transpose3A {offsets = [736, 0], sizes = [32, 8], strides = [1, 1]} : vector<1024x8xf32> to vector<32x8xf32>
    %slice3A_4048 = vector.extract_strided_slice %slice3A_4047 {offsets = [0, 0], sizes = [32, 1], strides = [1, 1]} : vector<32x8xf32> to vector<32x1xf32>
    %max3A_4049 = vector.broadcast %slice3A_4048 : vector<32x1xf32> to vector<32x256xf32>
    %max3A_4050 = vector.broadcast %slice3A_2823 : vector<1x256xf32> to vector<32x256xf32>
    %max3A_4051 = arith.maximumf %max3A_4049, %max3A_4050 : vector<32x256xf32>
    %slice3A_4052 = vector.extract_strided_slice %slice3A_4047 {offsets = [0, 1], sizes = [32, 1], strides = [1, 1]} : vector<32x8xf32> to vector<32x1xf32>
    %max3A_4053 = vector.broadcast %slice3A_4052 : vector<32x1xf32> to vector<32x256xf32>
    %max3A_4054 = vector.broadcast %slice3A_2824 : vector<1x256xf32> to vector<32x256xf32>
    %max3A_4055 = arith.maximumf %max3A_4053, %max3A_4054 : vector<32x256xf32>
    %slice3A_4056 = vector.extract_strided_slice %slice3A_4047 {offsets = [0, 2], sizes = [32, 1], strides = [1, 1]} : vector<32x8xf32> to vector<32x1xf32>
    %min3A_4057 = vector.broadcast %slice3A_4056 : vector<32x1xf32> to vector<32x256xf32>
    %min3A_4058 = vector.broadcast %slice3A_2825 : vector<1x256xf32> to vector<32x256xf32>
    %min3A_4059 = arith.minimumf %min3A_4057, %min3A_4058 : vector<32x256xf32>
    %slice3A_4060 = vector.extract_strided_slice %slice3A_4047 {offsets = [0, 3], sizes = [32, 1], strides = [1, 1]} : vector<32x8xf32> to vector<32x1xf32>
    %min3A_4061 = vector.broadcast %slice3A_4060 : vector<32x1xf32> to vector<32x256xf32>
    %min3A_4062 = vector.broadcast %slice3A_2826 : vector<1x256xf32> to vector<32x256xf32>
    %min3A_4063 = arith.minimumf %min3A_4061, %min3A_4062 : vector<32x256xf32>
    %sub3A_4064 = arith.subf %min3A_4059, %max3A_4051 : vector<32x256xf32>
    %add3A_4065 = arith.constant 1.000000e+00 : f32
    %add3A_4066 = vector.broadcast %add3A_4065 : f32 to vector<32x256xf32>
    %add3A_4067 = arith.addf %sub3A_4064, %add3A_4066 : vector<32x256xf32>
    %max3A_4068 = arith.constant 0.000000e+00 : f32
    %max3A_4069 = vector.broadcast %max3A_4068 : f32 to vector<32x256xf32>
    %max3A_4070 = arith.maximumf %max3A_4069, %add3A_4067 : vector<32x256xf32>
    %sub3A_4071 = arith.subf %min3A_4063, %max3A_4055 : vector<32x256xf32>
    %add3A_4072 = arith.constant 1.000000e+00 : f32
    %add3A_4073 = vector.broadcast %add3A_4072 : f32 to vector<32x256xf32>
    %add3A_4074 = arith.addf %sub3A_4071, %add3A_4073 : vector<32x256xf32>
    %mul3A_4075 = arith.mulf %max3A_4070, %add3A_4074 : vector<32x256xf32>
    %slice3A_4076 = vector.extract_strided_slice %slice3A_4047 {offsets = [0, 4], sizes = [32, 1], strides = [1, 1]} : vector<32x8xf32> to vector<32x1xf32>
    %add3A_4077 = vector.broadcast %slice3A_4076 : vector<32x1xf32> to vector<32x256xf32>
    %add3A_4078 = vector.broadcast %slice3A_2827 : vector<1x256xf32> to vector<32x256xf32>
    %add3A_4079 = arith.addf %add3A_4077, %add3A_4078 : vector<32x256xf32>
    %sub3A_4080 = arith.subf %add3A_4079, %mul3A_4075 : vector<32x256xf32>
    %div3A_4081 = arith.divf %mul3A_4075, %sub3A_4080 : vector<32x256xf32>
    %gt3A_4082 = arith.constant 3.000000e-01 : f32
    %gt3A_4083 = vector.broadcast %gt3A_4082 : f32 to vector<32x256xf32>
    %gt3A_4084 = arith.cmpf ogt, %div3A_4081, %gt3A_4083 : vector<32x256xf32>
    %convert_element_type3A_4085 = arith.extui %gt3A_4084 : vector<32x256xi1> to vector<32x256xi32>
    %convert_element_type3A_4086 = arith.sitofp %convert_element_type3A_4085 : vector<32x256xi32> to vector<32x256xf32>
    %dot_general3A_4087 = arith.constant dense<0.000000e+00> : vector<2x256xf32>
    %dot_general3A_4088 = tpu.matmul %convert_element_type3A_31, %convert_element_type3A_4086, %dot_general3A_4087 {dimension_numbers = #tpu.dot_dimension_numbers<[1], [0], [0], [1], [0, 0, 1, 1], [], []>, transpose_lhs_hint = false} : vector<2x32xf32>, vector<32x256xf32>, vector<2x256xf32> -> vector<2x256xf32>
    %slice3A_4089 = vector.extract_strided_slice %dot_general3A_4088 {offsets = [0, 0], sizes = [1, 256], strides = [1, 1]} : vector<2x256xf32> to vector<1x256xf32>
    %convert_element_type3A_4090 = arith.fptosi %slice3A_4089 : vector<1x256xf32> to vector<1x256xi32>
    %slice3A_4091 = vector.extract_strided_slice %dot_general3A_4088 {offsets = [1, 0], sizes = [1, 256], strides = [1, 1]} : vector<2x256xf32> to vector<1x256xf32>
    %convert_element_type3A_4092 = arith.fptosi %slice3A_4091 : vector<1x256xf32> to vector<1x256xi32>
    %shift_left3A_4093 = arith.constant 16 : i32
    %shift_left3A_4094 = vector.broadcast %shift_left3A_4093 : i32 to vector<1x256xi32>
    %shift_left3A_4095 = arith.shli %convert_element_type3A_4092, %shift_left3A_4094 : vector<1x256xi32>
    %or3A_4096 = arith.ori %convert_element_type3A_4090, %shift_left3A_4095 : vector<1x256xi32>
    %swap3A_4097 = arith.constant 23 : index
    %swap3A_4098 = arith.constant 768 : index
    %swap3A_4099 = vector.load %arg3[%swap3A_4097, %swap3A_4098] : memref<32x1024xi32, #tpu.memory_space<vmem>>, vector<1x256xi32>
    tpu.vector_store %arg3[%swap3A_4097, %swap3A_4098], %or3A_4096 {strides = array<i32>} : memref<32x1024xi32, #tpu.memory_space<vmem>>, vector<1x256xi32>,
    %slice3A_4100 = vector.extract_strided_slice %transpose3A {offsets = [768, 0], sizes = [32, 8], strides = [1, 1]} : vector<1024x8xf32> to vector<32x8xf32>
    %slice3A_4101 = vector.extract_strided_slice %slice3A_4100 {offsets = [0, 0], sizes = [32, 1], strides = [1, 1]} : vector<32x8xf32> to vector<32x1xf32>
    %max3A_4102 = vector.broadcast %slice3A_4101 : vector<32x1xf32> to vector<32x256xf32>
    %max3A_4103 = vector.broadcast %slice3A_2823 : vector<1x256xf32> to vector<32x256xf32>
    %max3A_4104 = arith.maximumf %max3A_4102, %max3A_4103 : vector<32x256xf32>
    %slice3A_4105 = vector.extract_strided_slice %slice3A_4100 {offsets = [0, 1], sizes = [32, 1], strides = [1, 1]} : vector<32x8xf32> to vector<32x1xf32>
    %max3A_4106 = vector.broadcast %slice3A_4105 : vector<32x1xf32> to vector<32x256xf32>
    %max3A_4107 = vector.broadcast %slice3A_2824 : vector<1x256xf32> to vector<32x256xf32>
    %max3A_4108 = arith.maximumf %max3A_4106, %max3A_4107 : vector<32x256xf32>
    %slice3A_4109 = vector.extract_strided_slice %slice3A_4100 {offsets = [0, 2], sizes = [32, 1], strides = [1, 1]} : vector<32x8xf32> to vector<32x1xf32>
    %min3A_4110 = vector.broadcast %slice3A_4109 : vector<32x1xf32> to vector<32x256xf32>
    %min3A_4111 = vector.broadcast %slice3A_2825 : vector<1x256xf32> to vector<32x256xf32>
    %min3A_4112 = arith.minimumf %min3A_4110, %min3A_4111 : vector<32x256xf32>
    %slice3A_4113 = vector.extract_strided_slice %slice3A_4100 {offsets = [0, 3], sizes = [32, 1], strides = [1, 1]} : vector<32x8xf32> to vector<32x1xf32>
    %min3A_4114 = vector.broadcast %slice3A_4113 : vector<32x1xf32> to vector<32x256xf32>
    %min3A_4115 = vector.broadcast %slice3A_2826 : vector<1x256xf32> to vector<32x256xf32>
    %min3A_4116 = arith.minimumf %min3A_4114, %min3A_4115 : vector<32x256xf32>
    %sub3A_4117 = arith.subf %min3A_4112, %max3A_4104 : vector<32x256xf32>
    %add3A_4118 = arith.constant 1.000000e+00 : f32
    %add3A_4119 = vector.broadcast %add3A_4118 : f32 to vector<32x256xf32>
    %add3A_4120 = arith.addf %sub3A_4117, %add3A_4119 : vector<32x256xf32>
    %max3A_4121 = arith.constant 0.000000e+00 : f32
    %max3A_4122 = vector.broadcast %max3A_4121 : f32 to vector<32x256xf32>
    %max3A_4123 = arith.maximumf %max3A_4122, %add3A_4120 : vector<32x256xf32>
    %sub3A_4124 = arith.subf %min3A_4116, %max3A_4108 : vector<32x256xf32>
    %add3A_4125 = arith.constant 1.000000e+00 : f32
    %add3A_4126 = vector.broadcast %add3A_4125 : f32 to vector<32x256xf32>
    %add3A_4127 = arith.addf %sub3A_4124, %add3A_4126 : vector<32x256xf32>
    %mul3A_4128 = arith.mulf %max3A_4123, %add3A_4127 : vector<32x256xf32>
    %slice3A_4129 = vector.extract_strided_slice %slice3A_4100 {offsets = [0, 4], sizes = [32, 1], strides = [1, 1]} : vector<32x8xf32> to vector<32x1xf32>
    %add3A_4130 = vector.broadcast %slice3A_4129 : vector<32x1xf32> to vector<32x256xf32>
    %add3A_4131 = vector.broadcast %slice3A_2827 : vector<1x256xf32> to vector<32x256xf32>
    %add3A_4132 = arith.addf %add3A_4130, %add3A_4131 : vector<32x256xf32>
    %sub3A_4133 = arith.subf %add3A_4132, %mul3A_4128 : vector<32x256xf32>
    %div3A_4134 = arith.divf %mul3A_4128, %sub3A_4133 : vector<32x256xf32>
    %gt3A_4135 = arith.constant 3.000000e-01 : f32
    %gt3A_4136 = vector.broadcast %gt3A_4135 : f32 to vector<32x256xf32>
    %gt3A_4137 = arith.cmpf ogt, %div3A_4134, %gt3A_4136 : vector<32x256xf32>
    %iota3A_4138 = tpu.iota {dimensions = array<i32: 0>} : vector<32x256xi32>
    %add3A_4139 = arith.constant 768 : i32
    %add3A_4140 = vector.broadcast %add3A_4139 : i32 to vector<32x256xi32>
    %add3A_4141 = arith.addi %iota3A_4138, %add3A_4140 : vector<32x256xi32>
    %iota3A_4142 = tpu.iota {dimensions = array<i32: 1>} : vector<32x256xi32>
    %add3A_4143 = arith.constant 768 : i32
    %add3A_4144 = vector.broadcast %add3A_4143 : i32 to vector<32x256xi32>
    %add3A_4145 = arith.addi %iota3A_4142, %add3A_4144 : vector<32x256xi32>
    %lt3A_4146 = arith.cmpi slt, %add3A_4141, %add3A_4145 : vector<32x256xi32>
    %and3A_4147 = arith.andi %gt3A_4137, %lt3A_4146 : vector<32x256xi1>
    %convert_element_type3A_4148 = arith.extui %and3A_4147 : vector<32x256xi1> to vector<32x256xi32>
    %convert_element_type3A_4149 = arith.sitofp %convert_element_type3A_4148 : vector<32x256xi32> to vector<32x256xf32>
    %dot_general3A_4150 = arith.constant dense<0.000000e+00> : vector<2x256xf32>
    %dot_general3A_4151 = tpu.matmul %convert_element_type3A_31, %convert_element_type3A_4149, %dot_general3A_4150 {dimension_numbers = #tpu.dot_dimension_numbers<[1], [0], [0], [1], [0, 0, 1, 1], [], []>, transpose_lhs_hint = false} : vector<2x32xf32>, vector<32x256xf32>, vector<2x256xf32> -> vector<2x256xf32>
    %slice3A_4152 = vector.extract_strided_slice %dot_general3A_4151 {offsets = [0, 0], sizes = [1, 256], strides = [1, 1]} : vector<2x256xf32> to vector<1x256xf32>
    %convert_element_type3A_4153 = arith.fptosi %slice3A_4152 : vector<1x256xf32> to vector<1x256xi32>
    %slice3A_4154 = vector.extract_strided_slice %dot_general3A_4151 {offsets = [1, 0], sizes = [1, 256], strides = [1, 1]} : vector<2x256xf32> to vector<1x256xf32>
    %convert_element_type3A_4155 = arith.fptosi %slice3A_4154 : vector<1x256xf32> to vector<1x256xi32>
    %shift_left3A_4156 = arith.constant 16 : i32
    %shift_left3A_4157 = vector.broadcast %shift_left3A_4156 : i32 to vector<1x256xi32>
    %shift_left3A_4158 = arith.shli %convert_element_type3A_4155, %shift_left3A_4157 : vector<1x256xi32>
    %or3A_4159 = arith.ori %convert_element_type3A_4153, %shift_left3A_4158 : vector<1x256xi32>
    %swap3A_4160 = arith.constant 24 : index
    %swap3A_4161 = arith.constant 768 : index
    %swap3A_4162 = vector.load %arg3[%swap3A_4160, %swap3A_4161] : memref<32x1024xi32, #tpu.memory_space<vmem>>, vector<1x256xi32>
    tpu.vector_store %arg3[%swap3A_4160, %swap3A_4161], %or3A_4159 {strides = array<i32>} : memref<32x1024xi32, #tpu.memory_space<vmem>>, vector<1x256xi32>,
    %slice3A_4163 = vector.extract_strided_slice %transpose3A {offsets = [800, 0], sizes = [32, 8], strides = [1, 1]} : vector<1024x8xf32> to vector<32x8xf32>
    %slice3A_4164 = vector.extract_strided_slice %slice3A_4163 {offsets = [0, 0], sizes = [32, 1], strides = [1, 1]} : vector<32x8xf32> to vector<32x1xf32>
    %max3A_4165 = vector.broadcast %slice3A_4164 : vector<32x1xf32> to vector<32x256xf32>
    %max3A_4166 = vector.broadcast %slice3A_2823 : vector<1x256xf32> to vector<32x256xf32>
    %max3A_4167 = arith.maximumf %max3A_4165, %max3A_4166 : vector<32x256xf32>
    %slice3A_4168 = vector.extract_strided_slice %slice3A_4163 {offsets = [0, 1], sizes = [32, 1], strides = [1, 1]} : vector<32x8xf32> to vector<32x1xf32>
    %max3A_4169 = vector.broadcast %slice3A_4168 : vector<32x1xf32> to vector<32x256xf32>
    %max3A_4170 = vector.broadcast %slice3A_2824 : vector<1x256xf32> to vector<32x256xf32>
    %max3A_4171 = arith.maximumf %max3A_4169, %max3A_4170 : vector<32x256xf32>
    %slice3A_4172 = vector.extract_strided_slice %slice3A_4163 {offsets = [0, 2], sizes = [32, 1], strides = [1, 1]} : vector<32x8xf32> to vector<32x1xf32>
    %min3A_4173 = vector.broadcast %slice3A_4172 : vector<32x1xf32> to vector<32x256xf32>
    %min3A_4174 = vector.broadcast %slice3A_2825 : vector<1x256xf32> to vector<32x256xf32>
    %min3A_4175 = arith.minimumf %min3A_4173, %min3A_4174 : vector<32x256xf32>
    %slice3A_4176 = vector.extract_strided_slice %slice3A_4163 {offsets = [0, 3], sizes = [32, 1], strides = [1, 1]} : vector<32x8xf32> to vector<32x1xf32>
    %min3A_4177 = vector.broadcast %slice3A_4176 : vector<32x1xf32> to vector<32x256xf32>
    %min3A_4178 = vector.broadcast %slice3A_2826 : vector<1x256xf32> to vector<32x256xf32>
    %min3A_4179 = arith.minimumf %min3A_4177, %min3A_4178 : vector<32x256xf32>
    %sub3A_4180 = arith.subf %min3A_4175, %max3A_4167 : vector<32x256xf32>
    %add3A_4181 = arith.constant 1.000000e+00 : f32
    %add3A_4182 = vector.broadcast %add3A_4181 : f32 to vector<32x256xf32>
    %add3A_4183 = arith.addf %sub3A_4180, %add3A_4182 : vector<32x256xf32>
    %max3A_4184 = arith.constant 0.000000e+00 : f32
    %max3A_4185 = vector.broadcast %max3A_4184 : f32 to vector<32x256xf32>
    %max3A_4186 = arith.maximumf %max3A_4185, %add3A_4183 : vector<32x256xf32>
    %sub3A_4187 = arith.subf %min3A_4179, %max3A_4171 : vector<32x256xf32>
    %add3A_4188 = arith.constant 1.000000e+00 : f32
    %add3A_4189 = vector.broadcast %add3A_4188 : f32 to vector<32x256xf32>
    %add3A_4190 = arith.addf %sub3A_4187, %add3A_4189 : vector<32x256xf32>
    %mul3A_4191 = arith.mulf %max3A_4186, %add3A_4190 : vector<32x256xf32>
    %slice3A_4192 = vector.extract_strided_slice %slice3A_4163 {offsets = [0, 4], sizes = [32, 1], strides = [1, 1]} : vector<32x8xf32> to vector<32x1xf32>
    %add3A_4193 = vector.broadcast %slice3A_4192 : vector<32x1xf32> to vector<32x256xf32>
    %add3A_4194 = vector.broadcast %slice3A_2827 : vector<1x256xf32> to vector<32x256xf32>
    %add3A_4195 = arith.addf %add3A_4193, %add3A_4194 : vector<32x256xf32>
    %sub3A_4196 = arith.subf %add3A_4195, %mul3A_4191 : vector<32x256xf32>
    %div3A_4197 = arith.divf %mul3A_4191, %sub3A_4196 : vector<32x256xf32>
    %gt3A_4198 = arith.constant 3.000000e-01 : f32
    %gt3A_4199 = vector.broadcast %gt3A_4198 : f32 to vector<32x256xf32>
    %gt3A_4200 = arith.cmpf ogt, %div3A_4197, %gt3A_4199 : vector<32x256xf32>
    %iota3A_4201 = tpu.iota {dimensions = array<i32: 0>} : vector<32x256xi32>
    %add3A_4202 = arith.constant 800 : i32
    %add3A_4203 = vector.broadcast %add3A_4202 : i32 to vector<32x256xi32>
    %add3A_4204 = arith.addi %iota3A_4201, %add3A_4203 : vector<32x256xi32>
    %iota3A_4205 = tpu.iota {dimensions = array<i32: 1>} : vector<32x256xi32>
    %add3A_4206 = arith.constant 768 : i32
    %add3A_4207 = vector.broadcast %add3A_4206 : i32 to vector<32x256xi32>
    %add3A_4208 = arith.addi %iota3A_4205, %add3A_4207 : vector<32x256xi32>
    %lt3A_4209 = arith.cmpi slt, %add3A_4204, %add3A_4208 : vector<32x256xi32>
    %and3A_4210 = arith.andi %gt3A_4200, %lt3A_4209 : vector<32x256xi1>
    %convert_element_type3A_4211 = arith.extui %and3A_4210 : vector<32x256xi1> to vector<32x256xi32>
    %convert_element_type3A_4212 = arith.sitofp %convert_element_type3A_4211 : vector<32x256xi32> to vector<32x256xf32>
    %dot_general3A_4213 = arith.constant dense<0.000000e+00> : vector<2x256xf32>
    %dot_general3A_4214 = tpu.matmul %convert_element_type3A_31, %convert_element_type3A_4212, %dot_general3A_4213 {dimension_numbers = #tpu.dot_dimension_numbers<[1], [0], [0], [1], [0, 0, 1, 1], [], []>, transpose_lhs_hint = false} : vector<2x32xf32>, vector<32x256xf32>, vector<2x256xf32> -> vector<2x256xf32>
    %slice3A_4215 = vector.extract_strided_slice %dot_general3A_4214 {offsets = [0, 0], sizes = [1, 256], strides = [1, 1]} : vector<2x256xf32> to vector<1x256xf32>
    %convert_element_type3A_4216 = arith.fptosi %slice3A_4215 : vector<1x256xf32> to vector<1x256xi32>
    %slice3A_4217 = vector.extract_strided_slice %dot_general3A_4214 {offsets = [1, 0], sizes = [1, 256], strides = [1, 1]} : vector<2x256xf32> to vector<1x256xf32>
    %convert_element_type3A_4218 = arith.fptosi %slice3A_4217 : vector<1x256xf32> to vector<1x256xi32>
    %shift_left3A_4219 = arith.constant 16 : i32
    %shift_left3A_4220 = vector.broadcast %shift_left3A_4219 : i32 to vector<1x256xi32>
    %shift_left3A_4221 = arith.shli %convert_element_type3A_4218, %shift_left3A_4220 : vector<1x256xi32>
    %or3A_4222 = arith.ori %convert_element_type3A_4216, %shift_left3A_4221 : vector<1x256xi32>
    %swap3A_4223 = arith.constant 25 : index
    %swap3A_4224 = arith.constant 768 : index
    %swap3A_4225 = vector.load %arg3[%swap3A_4223, %swap3A_4224] : memref<32x1024xi32, #tpu.memory_space<vmem>>, vector<1x256xi32>
    tpu.vector_store %arg3[%swap3A_4223, %swap3A_4224], %or3A_4222 {strides = array<i32>} : memref<32x1024xi32, #tpu.memory_space<vmem>>, vector<1x256xi32>,
    %slice3A_4226 = vector.extract_strided_slice %transpose3A {offsets = [832, 0], sizes = [32, 8], strides = [1, 1]} : vector<1024x8xf32> to vector<32x8xf32>
    %slice3A_4227 = vector.extract_strided_slice %slice3A_4226 {offsets = [0, 0], sizes = [32, 1], strides = [1, 1]} : vector<32x8xf32> to vector<32x1xf32>
    %max3A_4228 = vector.broadcast %slice3A_4227 : vector<32x1xf32> to vector<32x256xf32>
    %max3A_4229 = vector.broadcast %slice3A_2823 : vector<1x256xf32> to vector<32x256xf32>
    %max3A_4230 = arith.maximumf %max3A_4228, %max3A_4229 : vector<32x256xf32>
    %slice3A_4231 = vector.extract_strided_slice %slice3A_4226 {offsets = [0, 1], sizes = [32, 1], strides = [1, 1]} : vector<32x8xf32> to vector<32x1xf32>
    %max3A_4232 = vector.broadcast %slice3A_4231 : vector<32x1xf32> to vector<32x256xf32>
    %max3A_4233 = vector.broadcast %slice3A_2824 : vector<1x256xf32> to vector<32x256xf32>
    %max3A_4234 = arith.maximumf %max3A_4232, %max3A_4233 : vector<32x256xf32>
    %slice3A_4235 = vector.extract_strided_slice %slice3A_4226 {offsets = [0, 2], sizes = [32, 1], strides = [1, 1]} : vector<32x8xf32> to vector<32x1xf32>
    %min3A_4236 = vector.broadcast %slice3A_4235 : vector<32x1xf32> to vector<32x256xf32>
    %min3A_4237 = vector.broadcast %slice3A_2825 : vector<1x256xf32> to vector<32x256xf32>
    %min3A_4238 = arith.minimumf %min3A_4236, %min3A_4237 : vector<32x256xf32>
    %slice3A_4239 = vector.extract_strided_slice %slice3A_4226 {offsets = [0, 3], sizes = [32, 1], strides = [1, 1]} : vector<32x8xf32> to vector<32x1xf32>
    %min3A_4240 = vector.broadcast %slice3A_4239 : vector<32x1xf32> to vector<32x256xf32>
    %min3A_4241 = vector.broadcast %slice3A_2826 : vector<1x256xf32> to vector<32x256xf32>
    %min3A_4242 = arith.minimumf %min3A_4240, %min3A_4241 : vector<32x256xf32>
    %sub3A_4243 = arith.subf %min3A_4238, %max3A_4230 : vector<32x256xf32>
    %add3A_4244 = arith.constant 1.000000e+00 : f32
    %add3A_4245 = vector.broadcast %add3A_4244 : f32 to vector<32x256xf32>
    %add3A_4246 = arith.addf %sub3A_4243, %add3A_4245 : vector<32x256xf32>
    %max3A_4247 = arith.constant 0.000000e+00 : f32
    %max3A_4248 = vector.broadcast %max3A_4247 : f32 to vector<32x256xf32>
    %max3A_4249 = arith.maximumf %max3A_4248, %add3A_4246 : vector<32x256xf32>
    %sub3A_4250 = arith.subf %min3A_4242, %max3A_4234 : vector<32x256xf32>
    %add3A_4251 = arith.constant 1.000000e+00 : f32
    %add3A_4252 = vector.broadcast %add3A_4251 : f32 to vector<32x256xf32>
    %add3A_4253 = arith.addf %sub3A_4250, %add3A_4252 : vector<32x256xf32>
    %mul3A_4254 = arith.mulf %max3A_4249, %add3A_4253 : vector<32x256xf32>
    %slice3A_4255 = vector.extract_strided_slice %slice3A_4226 {offsets = [0, 4], sizes = [32, 1], strides = [1, 1]} : vector<32x8xf32> to vector<32x1xf32>
    %add3A_4256 = vector.broadcast %slice3A_4255 : vector<32x1xf32> to vector<32x256xf32>
    %add3A_4257 = vector.broadcast %slice3A_2827 : vector<1x256xf32> to vector<32x256xf32>
    %add3A_4258 = arith.addf %add3A_4256, %add3A_4257 : vector<32x256xf32>
    %sub3A_4259 = arith.subf %add3A_4258, %mul3A_4254 : vector<32x256xf32>
    %div3A_4260 = arith.divf %mul3A_4254, %sub3A_4259 : vector<32x256xf32>
    %gt3A_4261 = arith.constant 3.000000e-01 : f32
    %gt3A_4262 = vector.broadcast %gt3A_4261 : f32 to vector<32x256xf32>
    %gt3A_4263 = arith.cmpf ogt, %div3A_4260, %gt3A_4262 : vector<32x256xf32>
    %iota3A_4264 = tpu.iota {dimensions = array<i32: 0>} : vector<32x256xi32>
    %add3A_4265 = arith.constant 832 : i32
    %add3A_4266 = vector.broadcast %add3A_4265 : i32 to vector<32x256xi32>
    %add3A_4267 = arith.addi %iota3A_4264, %add3A_4266 : vector<32x256xi32>
    %iota3A_4268 = tpu.iota {dimensions = array<i32: 1>} : vector<32x256xi32>
    %add3A_4269 = arith.constant 768 : i32
    %add3A_4270 = vector.broadcast %add3A_4269 : i32 to vector<32x256xi32>
    %add3A_4271 = arith.addi %iota3A_4268, %add3A_4270 : vector<32x256xi32>
    %lt3A_4272 = arith.cmpi slt, %add3A_4267, %add3A_4271 : vector<32x256xi32>
    %and3A_4273 = arith.andi %gt3A_4263, %lt3A_4272 : vector<32x256xi1>
    %convert_element_type3A_4274 = arith.extui %and3A_4273 : vector<32x256xi1> to vector<32x256xi32>
    %convert_element_type3A_4275 = arith.sitofp %convert_element_type3A_4274 : vector<32x256xi32> to vector<32x256xf32>
    %dot_general3A_4276 = arith.constant dense<0.000000e+00> : vector<2x256xf32>
    %dot_general3A_4277 = tpu.matmul %convert_element_type3A_31, %convert_element_type3A_4275, %dot_general3A_4276 {dimension_numbers = #tpu.dot_dimension_numbers<[1], [0], [0], [1], [0, 0, 1, 1], [], []>, transpose_lhs_hint = false} : vector<2x32xf32>, vector<32x256xf32>, vector<2x256xf32> -> vector<2x256xf32>
    %slice3A_4278 = vector.extract_strided_slice %dot_general3A_4277 {offsets = [0, 0], sizes = [1, 256], strides = [1, 1]} : vector<2x256xf32> to vector<1x256xf32>
    %convert_element_type3A_4279 = arith.fptosi %slice3A_4278 : vector<1x256xf32> to vector<1x256xi32>
    %slice3A_4280 = vector.extract_strided_slice %dot_general3A_4277 {offsets = [1, 0], sizes = [1, 256], strides = [1, 1]} : vector<2x256xf32> to vector<1x256xf32>
    %convert_element_type3A_4281 = arith.fptosi %slice3A_4280 : vector<1x256xf32> to vector<1x256xi32>
    %shift_left3A_4282 = arith.constant 16 : i32
    %shift_left3A_4283 = vector.broadcast %shift_left3A_4282 : i32 to vector<1x256xi32>
    %shift_left3A_4284 = arith.shli %convert_element_type3A_4281, %shift_left3A_4283 : vector<1x256xi32>
    %or3A_4285 = arith.ori %convert_element_type3A_4279, %shift_left3A_4284 : vector<1x256xi32>
    %swap3A_4286 = arith.constant 26 : index
    %swap3A_4287 = arith.constant 768 : index
    %swap3A_4288 = vector.load %arg3[%swap3A_4286, %swap3A_4287] : memref<32x1024xi32, #tpu.memory_space<vmem>>, vector<1x256xi32>
    tpu.vector_store %arg3[%swap3A_4286, %swap3A_4287], %or3A_4285 {strides = array<i32>} : memref<32x1024xi32, #tpu.memory_space<vmem>>, vector<1x256xi32>,
    %slice3A_4289 = vector.extract_strided_slice %transpose3A {offsets = [864, 0], sizes = [32, 8], strides = [1, 1]} : vector<1024x8xf32> to vector<32x8xf32>
    %slice3A_4290 = vector.extract_strided_slice %slice3A_4289 {offsets = [0, 0], sizes = [32, 1], strides = [1, 1]} : vector<32x8xf32> to vector<32x1xf32>
    %max3A_4291 = vector.broadcast %slice3A_4290 : vector<32x1xf32> to vector<32x256xf32>
    %max3A_4292 = vector.broadcast %slice3A_2823 : vector<1x256xf32> to vector<32x256xf32>
    %max3A_4293 = arith.maximumf %max3A_4291, %max3A_4292 : vector<32x256xf32>
    %slice3A_4294 = vector.extract_strided_slice %slice3A_4289 {offsets = [0, 1], sizes = [32, 1], strides = [1, 1]} : vector<32x8xf32> to vector<32x1xf32>
    %max3A_4295 = vector.broadcast %slice3A_4294 : vector<32x1xf32> to vector<32x256xf32>
    %max3A_4296 = vector.broadcast %slice3A_2824 : vector<1x256xf32> to vector<32x256xf32>
    %max3A_4297 = arith.maximumf %max3A_4295, %max3A_4296 : vector<32x256xf32>
    %slice3A_4298 = vector.extract_strided_slice %slice3A_4289 {offsets = [0, 2], sizes = [32, 1], strides = [1, 1]} : vector<32x8xf32> to vector<32x1xf32>
    %min3A_4299 = vector.broadcast %slice3A_4298 : vector<32x1xf32> to vector<32x256xf32>
    %min3A_4300 = vector.broadcast %slice3A_2825 : vector<1x256xf32> to vector<32x256xf32>
    %min3A_4301 = arith.minimumf %min3A_4299, %min3A_4300 : vector<32x256xf32>
    %slice3A_4302 = vector.extract_strided_slice %slice3A_4289 {offsets = [0, 3], sizes = [32, 1], strides = [1, 1]} : vector<32x8xf32> to vector<32x1xf32>
    %min3A_4303 = vector.broadcast %slice3A_4302 : vector<32x1xf32> to vector<32x256xf32>
    %min3A_4304 = vector.broadcast %slice3A_2826 : vector<1x256xf32> to vector<32x256xf32>
    %min3A_4305 = arith.minimumf %min3A_4303, %min3A_4304 : vector<32x256xf32>
    %sub3A_4306 = arith.subf %min3A_4301, %max3A_4293 : vector<32x256xf32>
    %add3A_4307 = arith.constant 1.000000e+00 : f32
    %add3A_4308 = vector.broadcast %add3A_4307 : f32 to vector<32x256xf32>
    %add3A_4309 = arith.addf %sub3A_4306, %add3A_4308 : vector<32x256xf32>
    %max3A_4310 = arith.constant 0.000000e+00 : f32
    %max3A_4311 = vector.broadcast %max3A_4310 : f32 to vector<32x256xf32>
    %max3A_4312 = arith.maximumf %max3A_4311, %add3A_4309 : vector<32x256xf32>
    %sub3A_4313 = arith.subf %min3A_4305, %max3A_4297 : vector<32x256xf32>
    %add3A_4314 = arith.constant 1.000000e+00 : f32
    %add3A_4315 = vector.broadcast %add3A_4314 : f32 to vector<32x256xf32>
    %add3A_4316 = arith.addf %sub3A_4313, %add3A_4315 : vector<32x256xf32>
    %mul3A_4317 = arith.mulf %max3A_4312, %add3A_4316 : vector<32x256xf32>
    %slice3A_4318 = vector.extract_strided_slice %slice3A_4289 {offsets = [0, 4], sizes = [32, 1], strides = [1, 1]} : vector<32x8xf32> to vector<32x1xf32>
    %add3A_4319 = vector.broadcast %slice3A_4318 : vector<32x1xf32> to vector<32x256xf32>
    %add3A_4320 = vector.broadcast %slice3A_2827 : vector<1x256xf32> to vector<32x256xf32>
    %add3A_4321 = arith.addf %add3A_4319, %add3A_4320 : vector<32x256xf32>
    %sub3A_4322 = arith.subf %add3A_4321, %mul3A_4317 : vector<32x256xf32>
    %div3A_4323 = arith.divf %mul3A_4317, %sub3A_4322 : vector<32x256xf32>
    %gt3A_4324 = arith.constant 3.000000e-01 : f32
    %gt3A_4325 = vector.broadcast %gt3A_4324 : f32 to vector<32x256xf32>
    %gt3A_4326 = arith.cmpf ogt, %div3A_4323, %gt3A_4325 : vector<32x256xf32>
    %iota3A_4327 = tpu.iota {dimensions = array<i32: 0>} : vector<32x256xi32>
    %add3A_4328 = arith.constant 864 : i32
    %add3A_4329 = vector.broadcast %add3A_4328 : i32 to vector<32x256xi32>
    %add3A_4330 = arith.addi %iota3A_4327, %add3A_4329 : vector<32x256xi32>
    %iota3A_4331 = tpu.iota {dimensions = array<i32: 1>} : vector<32x256xi32>
    %add3A_4332 = arith.constant 768 : i32
    %add3A_4333 = vector.broadcast %add3A_4332 : i32 to vector<32x256xi32>
    %add3A_4334 = arith.addi %iota3A_4331, %add3A_4333 : vector<32x256xi32>
    %lt3A_4335 = arith.cmpi slt, %add3A_4330, %add3A_4334 : vector<32x256xi32>
    %and3A_4336 = arith.andi %gt3A_4326, %lt3A_4335 : vector<32x256xi1>
    %convert_element_type3A_4337 = arith.extui %and3A_4336 : vector<32x256xi1> to vector<32x256xi32>
    %convert_element_type3A_4338 = arith.sitofp %convert_element_type3A_4337 : vector<32x256xi32> to vector<32x256xf32>
    %dot_general3A_4339 = arith.constant dense<0.000000e+00> : vector<2x256xf32>
    %dot_general3A_4340 = tpu.matmul %convert_element_type3A_31, %convert_element_type3A_4338, %dot_general3A_4339 {dimension_numbers = #tpu.dot_dimension_numbers<[1], [0], [0], [1], [0, 0, 1, 1], [], []>, transpose_lhs_hint = false} : vector<2x32xf32>, vector<32x256xf32>, vector<2x256xf32> -> vector<2x256xf32>
    %slice3A_4341 = vector.extract_strided_slice %dot_general3A_4340 {offsets = [0, 0], sizes = [1, 256], strides = [1, 1]} : vector<2x256xf32> to vector<1x256xf32>
    %convert_element_type3A_4342 = arith.fptosi %slice3A_4341 : vector<1x256xf32> to vector<1x256xi32>
    %slice3A_4343 = vector.extract_strided_slice %dot_general3A_4340 {offsets = [1, 0], sizes = [1, 256], strides = [1, 1]} : vector<2x256xf32> to vector<1x256xf32>
    %convert_element_type3A_4344 = arith.fptosi %slice3A_4343 : vector<1x256xf32> to vector<1x256xi32>
    %shift_left3A_4345 = arith.constant 16 : i32
    %shift_left3A_4346 = vector.broadcast %shift_left3A_4345 : i32 to vector<1x256xi32>
    %shift_left3A_4347 = arith.shli %convert_element_type3A_4344, %shift_left3A_4346 : vector<1x256xi32>
    %or3A_4348 = arith.ori %convert_element_type3A_4342, %shift_left3A_4347 : vector<1x256xi32>
    %swap3A_4349 = arith.constant 27 : index
    %swap3A_4350 = arith.constant 768 : index
    %swap3A_4351 = vector.load %arg3[%swap3A_4349, %swap3A_4350] : memref<32x1024xi32, #tpu.memory_space<vmem>>, vector<1x256xi32>
    tpu.vector_store %arg3[%swap3A_4349, %swap3A_4350], %or3A_4348 {strides = array<i32>} : memref<32x1024xi32, #tpu.memory_space<vmem>>, vector<1x256xi32>,
    %slice3A_4352 = vector.extract_strided_slice %transpose3A {offsets = [896, 0], sizes = [32, 8], strides = [1, 1]} : vector<1024x8xf32> to vector<32x8xf32>
    %slice3A_4353 = vector.extract_strided_slice %slice3A_4352 {offsets = [0, 0], sizes = [32, 1], strides = [1, 1]} : vector<32x8xf32> to vector<32x1xf32>
    %max3A_4354 = vector.broadcast %slice3A_4353 : vector<32x1xf32> to vector<32x256xf32>
    %max3A_4355 = vector.broadcast %slice3A_2823 : vector<1x256xf32> to vector<32x256xf32>
    %max3A_4356 = arith.maximumf %max3A_4354, %max3A_4355 : vector<32x256xf32>
    %slice3A_4357 = vector.extract_strided_slice %slice3A_4352 {offsets = [0, 1], sizes = [32, 1], strides = [1, 1]} : vector<32x8xf32> to vector<32x1xf32>
    %max3A_4358 = vector.broadcast %slice3A_4357 : vector<32x1xf32> to vector<32x256xf32>
    %max3A_4359 = vector.broadcast %slice3A_2824 : vector<1x256xf32> to vector<32x256xf32>
    %max3A_4360 = arith.maximumf %max3A_4358, %max3A_4359 : vector<32x256xf32>
    %slice3A_4361 = vector.extract_strided_slice %slice3A_4352 {offsets = [0, 2], sizes = [32, 1], strides = [1, 1]} : vector<32x8xf32> to vector<32x1xf32>
    %min3A_4362 = vector.broadcast %slice3A_4361 : vector<32x1xf32> to vector<32x256xf32>
    %min3A_4363 = vector.broadcast %slice3A_2825 : vector<1x256xf32> to vector<32x256xf32>
    %min3A_4364 = arith.minimumf %min3A_4362, %min3A_4363 : vector<32x256xf32>
    %slice3A_4365 = vector.extract_strided_slice %slice3A_4352 {offsets = [0, 3], sizes = [32, 1], strides = [1, 1]} : vector<32x8xf32> to vector<32x1xf32>
    %min3A_4366 = vector.broadcast %slice3A_4365 : vector<32x1xf32> to vector<32x256xf32>
    %min3A_4367 = vector.broadcast %slice3A_2826 : vector<1x256xf32> to vector<32x256xf32>
    %min3A_4368 = arith.minimumf %min3A_4366, %min3A_4367 : vector<32x256xf32>
    %sub3A_4369 = arith.subf %min3A_4364, %max3A_4356 : vector<32x256xf32>
    %add3A_4370 = arith.constant 1.000000e+00 : f32
    %add3A_4371 = vector.broadcast %add3A_4370 : f32 to vector<32x256xf32>
    %add3A_4372 = arith.addf %sub3A_4369, %add3A_4371 : vector<32x256xf32>
    %max3A_4373 = arith.constant 0.000000e+00 : f32
    %max3A_4374 = vector.broadcast %max3A_4373 : f32 to vector<32x256xf32>
    %max3A_4375 = arith.maximumf %max3A_4374, %add3A_4372 : vector<32x256xf32>
    %sub3A_4376 = arith.subf %min3A_4368, %max3A_4360 : vector<32x256xf32>
    %add3A_4377 = arith.constant 1.000000e+00 : f32
    %add3A_4378 = vector.broadcast %add3A_4377 : f32 to vector<32x256xf32>
    %add3A_4379 = arith.addf %sub3A_4376, %add3A_4378 : vector<32x256xf32>
    %mul3A_4380 = arith.mulf %max3A_4375, %add3A_4379 : vector<32x256xf32>
    %slice3A_4381 = vector.extract_strided_slice %slice3A_4352 {offsets = [0, 4], sizes = [32, 1], strides = [1, 1]} : vector<32x8xf32> to vector<32x1xf32>
    %add3A_4382 = vector.broadcast %slice3A_4381 : vector<32x1xf32> to vector<32x256xf32>
    %add3A_4383 = vector.broadcast %slice3A_2827 : vector<1x256xf32> to vector<32x256xf32>
    %add3A_4384 = arith.addf %add3A_4382, %add3A_4383 : vector<32x256xf32>
    %sub3A_4385 = arith.subf %add3A_4384, %mul3A_4380 : vector<32x256xf32>
    %div3A_4386 = arith.divf %mul3A_4380, %sub3A_4385 : vector<32x256xf32>
    %gt3A_4387 = arith.constant 3.000000e-01 : f32
    %gt3A_4388 = vector.broadcast %gt3A_4387 : f32 to vector<32x256xf32>
    %gt3A_4389 = arith.cmpf ogt, %div3A_4386, %gt3A_4388 : vector<32x256xf32>
    %iota3A_4390 = tpu.iota {dimensions = array<i32: 0>} : vector<32x256xi32>
    %add3A_4391 = arith.constant 896 : i32
    %add3A_4392 = vector.broadcast %add3A_4391 : i32 to vector<32x256xi32>
    %add3A_4393 = arith.addi %iota3A_4390, %add3A_4392 : vector<32x256xi32>
    %iota3A_4394 = tpu.iota {dimensions = array<i32: 1>} : vector<32x256xi32>
    %add3A_4395 = arith.constant 768 : i32
    %add3A_4396 = vector.broadcast %add3A_4395 : i32 to vector<32x256xi32>
    %add3A_4397 = arith.addi %iota3A_4394, %add3A_4396 : vector<32x256xi32>
    %lt3A_4398 = arith.cmpi slt, %add3A_4393, %add3A_4397 : vector<32x256xi32>
    %and3A_4399 = arith.andi %gt3A_4389, %lt3A_4398 : vector<32x256xi1>
    %convert_element_type3A_4400 = arith.extui %and3A_4399 : vector<32x256xi1> to vector<32x256xi32>
    %convert_element_type3A_4401 = arith.sitofp %convert_element_type3A_4400 : vector<32x256xi32> to vector<32x256xf32>
    %dot_general3A_4402 = arith.constant dense<0.000000e+00> : vector<2x256xf32>
    %dot_general3A_4403 = tpu.matmul %convert_element_type3A_31, %convert_element_type3A_4401, %dot_general3A_4402 {dimension_numbers = #tpu.dot_dimension_numbers<[1], [0], [0], [1], [0, 0, 1, 1], [], []>, transpose_lhs_hint = false} : vector<2x32xf32>, vector<32x256xf32>, vector<2x256xf32> -> vector<2x256xf32>
    %slice3A_4404 = vector.extract_strided_slice %dot_general3A_4403 {offsets = [0, 0], sizes = [1, 256], strides = [1, 1]} : vector<2x256xf32> to vector<1x256xf32>
    %convert_element_type3A_4405 = arith.fptosi %slice3A_4404 : vector<1x256xf32> to vector<1x256xi32>
    %slice3A_4406 = vector.extract_strided_slice %dot_general3A_4403 {offsets = [1, 0], sizes = [1, 256], strides = [1, 1]} : vector<2x256xf32> to vector<1x256xf32>
    %convert_element_type3A_4407 = arith.fptosi %slice3A_4406 : vector<1x256xf32> to vector<1x256xi32>
    %shift_left3A_4408 = arith.constant 16 : i32
    %shift_left3A_4409 = vector.broadcast %shift_left3A_4408 : i32 to vector<1x256xi32>
    %shift_left3A_4410 = arith.shli %convert_element_type3A_4407, %shift_left3A_4409 : vector<1x256xi32>
    %or3A_4411 = arith.ori %convert_element_type3A_4405, %shift_left3A_4410 : vector<1x256xi32>
    %swap3A_4412 = arith.constant 28 : index
    %swap3A_4413 = arith.constant 768 : index
    %swap3A_4414 = vector.load %arg3[%swap3A_4412, %swap3A_4413] : memref<32x1024xi32, #tpu.memory_space<vmem>>, vector<1x256xi32>
    tpu.vector_store %arg3[%swap3A_4412, %swap3A_4413], %or3A_4411 {strides = array<i32>} : memref<32x1024xi32, #tpu.memory_space<vmem>>, vector<1x256xi32>,
    %slice3A_4415 = vector.extract_strided_slice %transpose3A {offsets = [928, 0], sizes = [32, 8], strides = [1, 1]} : vector<1024x8xf32> to vector<32x8xf32>
    %slice3A_4416 = vector.extract_strided_slice %slice3A_4415 {offsets = [0, 0], sizes = [32, 1], strides = [1, 1]} : vector<32x8xf32> to vector<32x1xf32>
    %max3A_4417 = vector.broadcast %slice3A_4416 : vector<32x1xf32> to vector<32x256xf32>
    %max3A_4418 = vector.broadcast %slice3A_2823 : vector<1x256xf32> to vector<32x256xf32>
    %max3A_4419 = arith.maximumf %max3A_4417, %max3A_4418 : vector<32x256xf32>
    %slice3A_4420 = vector.extract_strided_slice %slice3A_4415 {offsets = [0, 1], sizes = [32, 1], strides = [1, 1]} : vector<32x8xf32> to vector<32x1xf32>
    %max3A_4421 = vector.broadcast %slice3A_4420 : vector<32x1xf32> to vector<32x256xf32>
    %max3A_4422 = vector.broadcast %slice3A_2824 : vector<1x256xf32> to vector<32x256xf32>
    %max3A_4423 = arith.maximumf %max3A_4421, %max3A_4422 : vector<32x256xf32>
    %slice3A_4424 = vector.extract_strided_slice %slice3A_4415 {offsets = [0, 2], sizes = [32, 1], strides = [1, 1]} : vector<32x8xf32> to vector<32x1xf32>
    %min3A_4425 = vector.broadcast %slice3A_4424 : vector<32x1xf32> to vector<32x256xf32>
    %min3A_4426 = vector.broadcast %slice3A_2825 : vector<1x256xf32> to vector<32x256xf32>
    %min3A_4427 = arith.minimumf %min3A_4425, %min3A_4426 : vector<32x256xf32>
    %slice3A_4428 = vector.extract_strided_slice %slice3A_4415 {offsets = [0, 3], sizes = [32, 1], strides = [1, 1]} : vector<32x8xf32> to vector<32x1xf32>
    %min3A_4429 = vector.broadcast %slice3A_4428 : vector<32x1xf32> to vector<32x256xf32>
    %min3A_4430 = vector.broadcast %slice3A_2826 : vector<1x256xf32> to vector<32x256xf32>
    %min3A_4431 = arith.minimumf %min3A_4429, %min3A_4430 : vector<32x256xf32>
    %sub3A_4432 = arith.subf %min3A_4427, %max3A_4419 : vector<32x256xf32>
    %add3A_4433 = arith.constant 1.000000e+00 : f32
    %add3A_4434 = vector.broadcast %add3A_4433 : f32 to vector<32x256xf32>
    %add3A_4435 = arith.addf %sub3A_4432, %add3A_4434 : vector<32x256xf32>
    %max3A_4436 = arith.constant 0.000000e+00 : f32
    %max3A_4437 = vector.broadcast %max3A_4436 : f32 to vector<32x256xf32>
    %max3A_4438 = arith.maximumf %max3A_4437, %add3A_4435 : vector<32x256xf32>
    %sub3A_4439 = arith.subf %min3A_4431, %max3A_4423 : vector<32x256xf32>
    %add3A_4440 = arith.constant 1.000000e+00 : f32
    %add3A_4441 = vector.broadcast %add3A_4440 : f32 to vector<32x256xf32>
    %add3A_4442 = arith.addf %sub3A_4439, %add3A_4441 : vector<32x256xf32>
    %mul3A_4443 = arith.mulf %max3A_4438, %add3A_4442 : vector<32x256xf32>
    %slice3A_4444 = vector.extract_strided_slice %slice3A_4415 {offsets = [0, 4], sizes = [32, 1], strides = [1, 1]} : vector<32x8xf32> to vector<32x1xf32>
    %add3A_4445 = vector.broadcast %slice3A_4444 : vector<32x1xf32> to vector<32x256xf32>
    %add3A_4446 = vector.broadcast %slice3A_2827 : vector<1x256xf32> to vector<32x256xf32>
    %add3A_4447 = arith.addf %add3A_4445, %add3A_4446 : vector<32x256xf32>
    %sub3A_4448 = arith.subf %add3A_4447, %mul3A_4443 : vector<32x256xf32>
    %div3A_4449 = arith.divf %mul3A_4443, %sub3A_4448 : vector<32x256xf32>
    %gt3A_4450 = arith.constant 3.000000e-01 : f32
    %gt3A_4451 = vector.broadcast %gt3A_4450 : f32 to vector<32x256xf32>
    %gt3A_4452 = arith.cmpf ogt, %div3A_4449, %gt3A_4451 : vector<32x256xf32>
    %iota3A_4453 = tpu.iota {dimensions = array<i32: 0>} : vector<32x256xi32>
    %add3A_4454 = arith.constant 928 : i32
    %add3A_4455 = vector.broadcast %add3A_4454 : i32 to vector<32x256xi32>
    %add3A_4456 = arith.addi %iota3A_4453, %add3A_4455 : vector<32x256xi32>
    %iota3A_4457 = tpu.iota {dimensions = array<i32: 1>} : vector<32x256xi32>
    %add3A_4458 = arith.constant 768 : i32
    %add3A_4459 = vector.broadcast %add3A_4458 : i32 to vector<32x256xi32>
    %add3A_4460 = arith.addi %iota3A_4457, %add3A_4459 : vector<32x256xi32>
    %lt3A_4461 = arith.cmpi slt, %add3A_4456, %add3A_4460 : vector<32x256xi32>
    %and3A_4462 = arith.andi %gt3A_4452, %lt3A_4461 : vector<32x256xi1>
    %convert_element_type3A_4463 = arith.extui %and3A_4462 : vector<32x256xi1> to vector<32x256xi32>
    %convert_element_type3A_4464 = arith.sitofp %convert_element_type3A_4463 : vector<32x256xi32> to vector<32x256xf32>
    %dot_general3A_4465 = arith.constant dense<0.000000e+00> : vector<2x256xf32>
    %dot_general3A_4466 = tpu.matmul %convert_element_type3A_31, %convert_element_type3A_4464, %dot_general3A_4465 {dimension_numbers = #tpu.dot_dimension_numbers<[1], [0], [0], [1], [0, 0, 1, 1], [], []>, transpose_lhs_hint = false} : vector<2x32xf32>, vector<32x256xf32>, vector<2x256xf32> -> vector<2x256xf32>
    %slice3A_4467 = vector.extract_strided_slice %dot_general3A_4466 {offsets = [0, 0], sizes = [1, 256], strides = [1, 1]} : vector<2x256xf32> to vector<1x256xf32>
    %convert_element_type3A_4468 = arith.fptosi %slice3A_4467 : vector<1x256xf32> to vector<1x256xi32>
    %slice3A_4469 = vector.extract_strided_slice %dot_general3A_4466 {offsets = [1, 0], sizes = [1, 256], strides = [1, 1]} : vector<2x256xf32> to vector<1x256xf32>
    %convert_element_type3A_4470 = arith.fptosi %slice3A_4469 : vector<1x256xf32> to vector<1x256xi32>
    %shift_left3A_4471 = arith.constant 16 : i32
    %shift_left3A_4472 = vector.broadcast %shift_left3A_4471 : i32 to vector<1x256xi32>
    %shift_left3A_4473 = arith.shli %convert_element_type3A_4470, %shift_left3A_4472 : vector<1x256xi32>
    %or3A_4474 = arith.ori %convert_element_type3A_4468, %shift_left3A_4473 : vector<1x256xi32>
    %swap3A_4475 = arith.constant 29 : index
    %swap3A_4476 = arith.constant 768 : index
    %swap3A_4477 = vector.load %arg3[%swap3A_4475, %swap3A_4476] : memref<32x1024xi32, #tpu.memory_space<vmem>>, vector<1x256xi32>
    tpu.vector_store %arg3[%swap3A_4475, %swap3A_4476], %or3A_4474 {strides = array<i32>} : memref<32x1024xi32, #tpu.memory_space<vmem>>, vector<1x256xi32>,
    %slice3A_4478 = vector.extract_strided_slice %transpose3A {offsets = [960, 0], sizes = [32, 8], strides = [1, 1]} : vector<1024x8xf32> to vector<32x8xf32>
    %slice3A_4479 = vector.extract_strided_slice %slice3A_4478 {offsets = [0, 0], sizes = [32, 1], strides = [1, 1]} : vector<32x8xf32> to vector<32x1xf32>
    %max3A_4480 = vector.broadcast %slice3A_4479 : vector<32x1xf32> to vector<32x256xf32>
    %max3A_4481 = vector.broadcast %slice3A_2823 : vector<1x256xf32> to vector<32x256xf32>
    %max3A_4482 = arith.maximumf %max3A_4480, %max3A_4481 : vector<32x256xf32>
    %slice3A_4483 = vector.extract_strided_slice %slice3A_4478 {offsets = [0, 1], sizes = [32, 1], strides = [1, 1]} : vector<32x8xf32> to vector<32x1xf32>
    %max3A_4484 = vector.broadcast %slice3A_4483 : vector<32x1xf32> to vector<32x256xf32>
    %max3A_4485 = vector.broadcast %slice3A_2824 : vector<1x256xf32> to vector<32x256xf32>
    %max3A_4486 = arith.maximumf %max3A_4484, %max3A_4485 : vector<32x256xf32>
    %slice3A_4487 = vector.extract_strided_slice %slice3A_4478 {offsets = [0, 2], sizes = [32, 1], strides = [1, 1]} : vector<32x8xf32> to vector<32x1xf32>
    %min3A_4488 = vector.broadcast %slice3A_4487 : vector<32x1xf32> to vector<32x256xf32>
    %min3A_4489 = vector.broadcast %slice3A_2825 : vector<1x256xf32> to vector<32x256xf32>
    %min3A_4490 = arith.minimumf %min3A_4488, %min3A_4489 : vector<32x256xf32>
    %slice3A_4491 = vector.extract_strided_slice %slice3A_4478 {offsets = [0, 3], sizes = [32, 1], strides = [1, 1]} : vector<32x8xf32> to vector<32x1xf32>
    %min3A_4492 = vector.broadcast %slice3A_4491 : vector<32x1xf32> to vector<32x256xf32>
    %min3A_4493 = vector.broadcast %slice3A_2826 : vector<1x256xf32> to vector<32x256xf32>
    %min3A_4494 = arith.minimumf %min3A_4492, %min3A_4493 : vector<32x256xf32>
    %sub3A_4495 = arith.subf %min3A_4490, %max3A_4482 : vector<32x256xf32>
    %add3A_4496 = arith.constant 1.000000e+00 : f32
    %add3A_4497 = vector.broadcast %add3A_4496 : f32 to vector<32x256xf32>
    %add3A_4498 = arith.addf %sub3A_4495, %add3A_4497 : vector<32x256xf32>
    %max3A_4499 = arith.constant 0.000000e+00 : f32
    %max3A_4500 = vector.broadcast %max3A_4499 : f32 to vector<32x256xf32>
    %max3A_4501 = arith.maximumf %max3A_4500, %add3A_4498 : vector<32x256xf32>
    %sub3A_4502 = arith.subf %min3A_4494, %max3A_4486 : vector<32x256xf32>
    %add3A_4503 = arith.constant 1.000000e+00 : f32
    %add3A_4504 = vector.broadcast %add3A_4503 : f32 to vector<32x256xf32>
    %add3A_4505 = arith.addf %sub3A_4502, %add3A_4504 : vector<32x256xf32>
    %mul3A_4506 = arith.mulf %max3A_4501, %add3A_4505 : vector<32x256xf32>
    %slice3A_4507 = vector.extract_strided_slice %slice3A_4478 {offsets = [0, 4], sizes = [32, 1], strides = [1, 1]} : vector<32x8xf32> to vector<32x1xf32>
    %add3A_4508 = vector.broadcast %slice3A_4507 : vector<32x1xf32> to vector<32x256xf32>
    %add3A_4509 = vector.broadcast %slice3A_2827 : vector<1x256xf32> to vector<32x256xf32>
    %add3A_4510 = arith.addf %add3A_4508, %add3A_4509 : vector<32x256xf32>
    %sub3A_4511 = arith.subf %add3A_4510, %mul3A_4506 : vector<32x256xf32>
    %div3A_4512 = arith.divf %mul3A_4506, %sub3A_4511 : vector<32x256xf32>
    %gt3A_4513 = arith.constant 3.000000e-01 : f32
    %gt3A_4514 = vector.broadcast %gt3A_4513 : f32 to vector<32x256xf32>
    %gt3A_4515 = arith.cmpf ogt, %div3A_4512, %gt3A_4514 : vector<32x256xf32>
    %iota3A_4516 = tpu.iota {dimensions = array<i32: 0>} : vector<32x256xi32>
    %add3A_4517 = arith.constant 960 : i32
    %add3A_4518 = vector.broadcast %add3A_4517 : i32 to vector<32x256xi32>
    %add3A_4519 = arith.addi %iota3A_4516, %add3A_4518 : vector<32x256xi32>
    %iota3A_4520 = tpu.iota {dimensions = array<i32: 1>} : vector<32x256xi32>
    %add3A_4521 = arith.constant 768 : i32
    %add3A_4522 = vector.broadcast %add3A_4521 : i32 to vector<32x256xi32>
    %add3A_4523 = arith.addi %iota3A_4520, %add3A_4522 : vector<32x256xi32>
    %lt3A_4524 = arith.cmpi slt, %add3A_4519, %add3A_4523 : vector<32x256xi32>
    %and3A_4525 = arith.andi %gt3A_4515, %lt3A_4524 : vector<32x256xi1>
    %convert_element_type3A_4526 = arith.extui %and3A_4525 : vector<32x256xi1> to vector<32x256xi32>
    %convert_element_type3A_4527 = arith.sitofp %convert_element_type3A_4526 : vector<32x256xi32> to vector<32x256xf32>
    %dot_general3A_4528 = arith.constant dense<0.000000e+00> : vector<2x256xf32>
    %dot_general3A_4529 = tpu.matmul %convert_element_type3A_31, %convert_element_type3A_4527, %dot_general3A_4528 {dimension_numbers = #tpu.dot_dimension_numbers<[1], [0], [0], [1], [0, 0, 1, 1], [], []>, transpose_lhs_hint = false} : vector<2x32xf32>, vector<32x256xf32>, vector<2x256xf32> -> vector<2x256xf32>
    %slice3A_4530 = vector.extract_strided_slice %dot_general3A_4529 {offsets = [0, 0], sizes = [1, 256], strides = [1, 1]} : vector<2x256xf32> to vector<1x256xf32>
    %convert_element_type3A_4531 = arith.fptosi %slice3A_4530 : vector<1x256xf32> to vector<1x256xi32>
    %slice3A_4532 = vector.extract_strided_slice %dot_general3A_4529 {offsets = [1, 0], sizes = [1, 256], strides = [1, 1]} : vector<2x256xf32> to vector<1x256xf32>
    %convert_element_type3A_4533 = arith.fptosi %slice3A_4532 : vector<1x256xf32> to vector<1x256xi32>
    %shift_left3A_4534 = arith.constant 16 : i32
    %shift_left3A_4535 = vector.broadcast %shift_left3A_4534 : i32 to vector<1x256xi32>
    %shift_left3A_4536 = arith.shli %convert_element_type3A_4533, %shift_left3A_4535 : vector<1x256xi32>
    %or3A_4537 = arith.ori %convert_element_type3A_4531, %shift_left3A_4536 : vector<1x256xi32>
    %swap3A_4538 = arith.constant 30 : index
    %swap3A_4539 = arith.constant 768 : index
    %swap3A_4540 = vector.load %arg3[%swap3A_4538, %swap3A_4539] : memref<32x1024xi32, #tpu.memory_space<vmem>>, vector<1x256xi32>
    tpu.vector_store %arg3[%swap3A_4538, %swap3A_4539], %or3A_4537 {strides = array<i32>} : memref<32x1024xi32, #tpu.memory_space<vmem>>, vector<1x256xi32>,
    %slice3A_4541 = vector.extract_strided_slice %transpose3A {offsets = [992, 0], sizes = [32, 8], strides = [1, 1]} : vector<1024x8xf32> to vector<32x8xf32>
    %slice3A_4542 = vector.extract_strided_slice %slice3A_4541 {offsets = [0, 0], sizes = [32, 1], strides = [1, 1]} : vector<32x8xf32> to vector<32x1xf32>
    %max3A_4543 = vector.broadcast %slice3A_4542 : vector<32x1xf32> to vector<32x256xf32>
    %max3A_4544 = vector.broadcast %slice3A_2823 : vector<1x256xf32> to vector<32x256xf32>
    %max3A_4545 = arith.maximumf %max3A_4543, %max3A_4544 : vector<32x256xf32>
    %slice3A_4546 = vector.extract_strided_slice %slice3A_4541 {offsets = [0, 1], sizes = [32, 1], strides = [1, 1]} : vector<32x8xf32> to vector<32x1xf32>
    %max3A_4547 = vector.broadcast %slice3A_4546 : vector<32x1xf32> to vector<32x256xf32>
    %max3A_4548 = vector.broadcast %slice3A_2824 : vector<1x256xf32> to vector<32x256xf32>
    %max3A_4549 = arith.maximumf %max3A_4547, %max3A_4548 : vector<32x256xf32>
    %slice3A_4550 = vector.extract_strided_slice %slice3A_4541 {offsets = [0, 2], sizes = [32, 1], strides = [1, 1]} : vector<32x8xf32> to vector<32x1xf32>
    %min3A_4551 = vector.broadcast %slice3A_4550 : vector<32x1xf32> to vector<32x256xf32>
    %min3A_4552 = vector.broadcast %slice3A_2825 : vector<1x256xf32> to vector<32x256xf32>
    %min3A_4553 = arith.minimumf %min3A_4551, %min3A_4552 : vector<32x256xf32>
    %slice3A_4554 = vector.extract_strided_slice %slice3A_4541 {offsets = [0, 3], sizes = [32, 1], strides = [1, 1]} : vector<32x8xf32> to vector<32x1xf32>
    %min3A_4555 = vector.broadcast %slice3A_4554 : vector<32x1xf32> to vector<32x256xf32>
    %min3A_4556 = vector.broadcast %slice3A_2826 : vector<1x256xf32> to vector<32x256xf32>
    %min3A_4557 = arith.minimumf %min3A_4555, %min3A_4556 : vector<32x256xf32>
    %sub3A_4558 = arith.subf %min3A_4553, %max3A_4545 : vector<32x256xf32>
    %add3A_4559 = arith.constant 1.000000e+00 : f32
    %add3A_4560 = vector.broadcast %add3A_4559 : f32 to vector<32x256xf32>
    %add3A_4561 = arith.addf %sub3A_4558, %add3A_4560 : vector<32x256xf32>
    %max3A_4562 = arith.constant 0.000000e+00 : f32
    %max3A_4563 = vector.broadcast %max3A_4562 : f32 to vector<32x256xf32>
    %max3A_4564 = arith.maximumf %max3A_4563, %add3A_4561 : vector<32x256xf32>
    %sub3A_4565 = arith.subf %min3A_4557, %max3A_4549 : vector<32x256xf32>
    %add3A_4566 = arith.constant 1.000000e+00 : f32
    %add3A_4567 = vector.broadcast %add3A_4566 : f32 to vector<32x256xf32>
    %add3A_4568 = arith.addf %sub3A_4565, %add3A_4567 : vector<32x256xf32>
    %mul3A_4569 = arith.mulf %max3A_4564, %add3A_4568 : vector<32x256xf32>
    %slice3A_4570 = vector.extract_strided_slice %slice3A_4541 {offsets = [0, 4], sizes = [32, 1], strides = [1, 1]} : vector<32x8xf32> to vector<32x1xf32>
    %add3A_4571 = vector.broadcast %slice3A_4570 : vector<32x1xf32> to vector<32x256xf32>
    %add3A_4572 = vector.broadcast %slice3A_2827 : vector<1x256xf32> to vector<32x256xf32>
    %add3A_4573 = arith.addf %add3A_4571, %add3A_4572 : vector<32x256xf32>
    %sub3A_4574 = arith.subf %add3A_4573, %mul3A_4569 : vector<32x256xf32>
    %div3A_4575 = arith.divf %mul3A_4569, %sub3A_4574 : vector<32x256xf32>
    %gt3A_4576 = arith.constant 3.000000e-01 : f32
    %gt3A_4577 = vector.broadcast %gt3A_4576 : f32 to vector<32x256xf32>
    %gt3A_4578 = arith.cmpf ogt, %div3A_4575, %gt3A_4577 : vector<32x256xf32>
    %iota3A_4579 = tpu.iota {dimensions = array<i32: 0>} : vector<32x256xi32>
    %add3A_4580 = arith.constant 992 : i32
    %add3A_4581 = vector.broadcast %add3A_4580 : i32 to vector<32x256xi32>
    %add3A_4582 = arith.addi %iota3A_4579, %add3A_4581 : vector<32x256xi32>
    %iota3A_4583 = tpu.iota {dimensions = array<i32: 1>} : vector<32x256xi32>
    %add3A_4584 = arith.constant 768 : i32
    %add3A_4585 = vector.broadcast %add3A_4584 : i32 to vector<32x256xi32>
    %add3A_4586 = arith.addi %iota3A_4583, %add3A_4585 : vector<32x256xi32>
    %lt3A_4587 = arith.cmpi slt, %add3A_4582, %add3A_4586 : vector<32x256xi32>
    %and3A_4588 = arith.andi %gt3A_4578, %lt3A_4587 : vector<32x256xi1>
    %convert_element_type3A_4589 = arith.extui %and3A_4588 : vector<32x256xi1> to vector<32x256xi32>
    %convert_element_type3A_4590 = arith.sitofp %convert_element_type3A_4589 : vector<32x256xi32> to vector<32x256xf32>
    %dot_general3A_4591 = arith.constant dense<0.000000e+00> : vector<2x256xf32>
    %dot_general3A_4592 = tpu.matmul %convert_element_type3A_31, %convert_element_type3A_4590, %dot_general3A_4591 {dimension_numbers = #tpu.dot_dimension_numbers<[1], [0], [0], [1], [0, 0, 1, 1], [], []>, transpose_lhs_hint = false} : vector<2x32xf32>, vector<32x256xf32>, vector<2x256xf32> -> vector<2x256xf32>
    %slice3A_4593 = vector.extract_strided_slice %dot_general3A_4592 {offsets = [0, 0], sizes = [1, 256], strides = [1, 1]} : vector<2x256xf32> to vector<1x256xf32>
    %convert_element_type3A_4594 = arith.fptosi %slice3A_4593 : vector<1x256xf32> to vector<1x256xi32>
    %slice3A_4595 = vector.extract_strided_slice %dot_general3A_4592 {offsets = [1, 0], sizes = [1, 256], strides = [1, 1]} : vector<2x256xf32> to vector<1x256xf32>
    %convert_element_type3A_4596 = arith.fptosi %slice3A_4595 : vector<1x256xf32> to vector<1x256xi32>
    %shift_left3A_4597 = arith.constant 16 : i32
    %shift_left3A_4598 = vector.broadcast %shift_left3A_4597 : i32 to vector<1x256xi32>
    %shift_left3A_4599 = arith.shli %convert_element_type3A_4596, %shift_left3A_4598 : vector<1x256xi32>
    %or3A_4600 = arith.ori %convert_element_type3A_4594, %shift_left3A_4599 : vector<1x256xi32>
    %swap3A_4601 = arith.constant 31 : index
    %swap3A_4602 = arith.constant 768 : index
    %swap3A_4603 = vector.load %arg3[%swap3A_4601, %swap3A_4602] : memref<32x1024xi32, #tpu.memory_space<vmem>>, vector<1x256xi32>
    tpu.vector_store %arg3[%swap3A_4601, %swap3A_4602], %or3A_4600 {strides = array<i32>} : memref<32x1024xi32, #tpu.memory_space<vmem>>, vector<1x256xi32>,
    %broadcast_in_dim3A_4604 = arith.constant -1 : i32
    %broadcast_in_dim3A_4605 = vector.broadcast %broadcast_in_dim3A_4604 : i32 to vector<32x1xi32>
    %get3A_4606 = arith.constant 0 : index
    %get3A_4607 = arith.constant 0 : index
    %get3A_4608 = vector.load %arg3[%get3A_4606, %get3A_4607] : memref<32x1024xi32, #tpu.memory_space<vmem>>, vector<32x1024xi32>
    %and3A_4609 = vector.broadcast %broadcast_in_dim3A_4605 : vector<32x1xi32> to vector<32x1024xi32>
    %and3A_4610 = arith.andi %get3A_4608, %and3A_4609 : vector<32x1024xi32>
    %slice3A_4611 = vector.extract_strided_slice %and3A_4610 {offsets = [0, 0], sizes = [16, 1024], strides = [1, 1]} : vector<32x1024xi32> to vector<16x1024xi32>
    %slice3A_4612 = vector.extract_strided_slice %and3A_4610 {offsets = [16, 0], sizes = [16, 1024], strides = [1, 1]} : vector<32x1024xi32> to vector<16x1024xi32>
    %or3A_4613 = arith.ori %slice3A_4611, %slice3A_4612 : vector<16x1024xi32>
    %slice3A_4614 = vector.extract_strided_slice %or3A_4613 {offsets = [0, 0], sizes = [8, 1024], strides = [1, 1]} : vector<16x1024xi32> to vector<8x1024xi32>
    %slice3A_4615 = vector.extract_strided_slice %or3A_4613 {offsets = [8, 0], sizes = [8, 1024], strides = [1, 1]} : vector<16x1024xi32> to vector<8x1024xi32>
    %or3A_4616 = arith.ori %slice3A_4614, %slice3A_4615 : vector<8x1024xi32>
    %slice3A_4617 = vector.extract_strided_slice %or3A_4616 {offsets = [0, 0], sizes = [4, 1024], strides = [1, 1]} : vector<8x1024xi32> to vector<4x1024xi32>
    %slice3A_4618 = vector.extract_strided_slice %or3A_4616 {offsets = [4, 0], sizes = [4, 1024], strides = [1, 1]} : vector<8x1024xi32> to vector<4x1024xi32>
    %or3A_4619 = arith.ori %slice3A_4617, %slice3A_4618 : vector<4x1024xi32>
    %slice3A_4620 = vector.extract_strided_slice %or3A_4619 {offsets = [0, 0], sizes = [2, 1024], strides = [1, 1]} : vector<4x1024xi32> to vector<2x1024xi32>
    %slice3A_4621 = vector.extract_strided_slice %or3A_4619 {offsets = [2, 0], sizes = [2, 1024], strides = [1, 1]} : vector<4x1024xi32> to vector<2x1024xi32>
    %or3A_4622 = arith.ori %slice3A_4620, %slice3A_4621 : vector<2x1024xi32>
    %slice3A_4623 = vector.extract_strided_slice %or3A_4622 {offsets = [0, 0], sizes = [1, 1024], strides = [1, 1]} : vector<2x1024xi32> to vector<1x1024xi32>
    %slice3A_4624 = vector.extract_strided_slice %or3A_4622 {offsets = [1, 0], sizes = [1, 1024], strides = [1, 1]} : vector<2x1024xi32> to vector<1x1024xi32>
    %or3A_4625 = arith.ori %slice3A_4623, %slice3A_4624 : vector<1x1024xi32>
    %eq3A_4626 = arith.constant 0 : i32
    %eq3A_4627 = vector.broadcast %eq3A_4626 : i32 to vector<1x1024xi32>
    %eq3A_4628 = arith.cmpi eq, %or3A_4625, %eq3A_4627 : vector<1x1024xi32>
    %convert_element_type3A_4629 = arith.extui %eq3A_4628 : vector<1x1024xi1> to vector<1x1024xi32>
    %convert_element_type3A_4630 = arith.sitofp %convert_element_type3A_4629 : vector<1x1024xi32> to vector<1x1024xf32>
    %get3A_4631 = arith.constant 0 : index
    %get3A_4632 = arith.constant 0 : index
    %get3A_4633 = vector.load %arg4[%get3A_4631, %get3A_4632] : memref<1024x64xf32, #tpu.memory_space<vmem>>, vector<1024x64xf32>
    %dot_general3A_4634 = arith.constant dense<0.000000e+00> : vector<1x64xf32>
    %dot_general3A_4635 = tpu.matmul %convert_element_type3A_4630, %get3A_4633, %dot_general3A_4634 {dimension_numbers = #tpu.dot_dimension_numbers<[1], [0], [0], [1], [0, 0, 1, 1], [], []>, transpose_lhs_hint = false} : vector<1x1024xf32>, vector<1024x64xf32>, vector<1x64xf32> -> vector<1x64xf32>
    %slice3A_4636 = vector.extract_strided_slice %dot_general3A_4635 {offsets = [0, 0], sizes = [1, 32], strides = [1, 1]} : vector<1x64xf32> to vector<1x32xf32>
    %convert_element_type3A_4637 = arith.fptosi %slice3A_4636 : vector<1x32xf32> to vector<1x32xi32>
    %slice3A_4638 = vector.extract_strided_slice %dot_general3A_4635 {offsets = [0, 32], sizes = [1, 32], strides = [1, 1]} : vector<1x64xf32> to vector<1x32xf32>
    %convert_element_type3A_4639 = arith.fptosi %slice3A_4638 : vector<1x32xf32> to vector<1x32xi32>
    %shift_left3A_4640 = arith.constant 16 : i32
    %shift_left3A_4641 = vector.broadcast %shift_left3A_4640 : i32 to vector<1x32xi32>
    %shift_left3A_4642 = arith.shli %convert_element_type3A_4639, %shift_left3A_4641 : vector<1x32xi32>
    %or3A_4643 = arith.ori %convert_element_type3A_4637, %shift_left3A_4642 : vector<1x32xi32>
    %transpose3A_4644 = tpu.transpose %or3A_4643, [1, 0] : vector<1x32xi32> -> vector<32x1xi32>
    %get3A_4645 = arith.constant 0 : index
    %get3A_4646 = arith.constant 0 : index
    %get3A_4647 = vector.load %arg3[%get3A_4645, %get3A_4646] : memref<32x1024xi32, #tpu.memory_space<vmem>>, vector<32x1024xi32>
    %and3A_4648 = vector.broadcast %transpose3A_4644 : vector<32x1xi32> to vector<32x1024xi32>
    %and3A_4649 = arith.andi %get3A_4647, %and3A_4648 : vector<32x1024xi32>
    %slice3A_4650 = vector.extract_strided_slice %and3A_4649 {offsets = [0, 0], sizes = [16, 1024], strides = [1, 1]} : vector<32x1024xi32> to vector<16x1024xi32>
    %slice3A_4651 = vector.extract_strided_slice %and3A_4649 {offsets = [16, 0], sizes = [16, 1024], strides = [1, 1]} : vector<32x1024xi32> to vector<16x1024xi32>
    %or3A_4652 = arith.ori %slice3A_4650, %slice3A_4651 : vector<16x1024xi32>
    %slice3A_4653 = vector.extract_strided_slice %or3A_4652 {offsets = [0, 0], sizes = [8, 1024], strides = [1, 1]} : vector<16x1024xi32> to vector<8x1024xi32>
    %slice3A_4654 = vector.extract_strided_slice %or3A_4652 {offsets = [8, 0], sizes = [8, 1024], strides = [1, 1]} : vector<16x1024xi32> to vector<8x1024xi32>
    %or3A_4655 = arith.ori %slice3A_4653, %slice3A_4654 : vector<8x1024xi32>
    %slice3A_4656 = vector.extract_strided_slice %or3A_4655 {offsets = [0, 0], sizes = [4, 1024], strides = [1, 1]} : vector<8x1024xi32> to vector<4x1024xi32>
    %slice3A_4657 = vector.extract_strided_slice %or3A_4655 {offsets = [4, 0], sizes = [4, 1024], strides = [1, 1]} : vector<8x1024xi32> to vector<4x1024xi32>
    %or3A_4658 = arith.ori %slice3A_4656, %slice3A_4657 : vector<4x1024xi32>
    %slice3A_4659 = vector.extract_strided_slice %or3A_4658 {offsets = [0, 0], sizes = [2, 1024], strides = [1, 1]} : vector<4x1024xi32> to vector<2x1024xi32>
    %slice3A_4660 = vector.extract_strided_slice %or3A_4658 {offsets = [2, 0], sizes = [2, 1024], strides = [1, 1]} : vector<4x1024xi32> to vector<2x1024xi32>
    %or3A_4661 = arith.ori %slice3A_4659, %slice3A_4660 : vector<2x1024xi32>
    %slice3A_4662 = vector.extract_strided_slice %or3A_4661 {offsets = [0, 0], sizes = [1, 1024], strides = [1, 1]} : vector<2x1024xi32> to vector<1x1024xi32>
    %slice3A_4663 = vector.extract_strided_slice %or3A_4661 {offsets = [1, 0], sizes = [1, 1024], strides = [1, 1]} : vector<2x1024xi32> to vector<1x1024xi32>
    %or3A_4664 = arith.ori %slice3A_4662, %slice3A_4663 : vector<1x1024xi32>
    %eq3A_4665 = arith.constant 0 : i32
    %eq3A_4666 = vector.broadcast %eq3A_4665 : i32 to vector<1x1024xi32>
    %eq3A_4667 = arith.cmpi eq, %or3A_4664, %eq3A_4666 : vector<1x1024xi32>
    %convert_element_type3A_4668 = arith.extui %eq3A_4667 : vector<1x1024xi1> to vector<1x1024xi32>
    %convert_element_type3A_4669 = arith.sitofp %convert_element_type3A_4668 : vector<1x1024xi32> to vector<1x1024xf32>
    %get3A_4670 = arith.constant 0 : index
    %get3A_4671 = arith.constant 0 : index
    %get3A_4672 = vector.load %arg4[%get3A_4670, %get3A_4671] : memref<1024x64xf32, #tpu.memory_space<vmem>>, vector<1024x64xf32>
    %dot_general3A_4673 = arith.constant dense<0.000000e+00> : vector<1x64xf32>
    %dot_general3A_4674 = tpu.matmul %convert_element_type3A_4669, %get3A_4672, %dot_general3A_4673 {dimension_numbers = #tpu.dot_dimension_numbers<[1], [0], [0], [1], [0, 0, 1, 1], [], []>, transpose_lhs_hint = false} : vector<1x1024xf32>, vector<1024x64xf32>, vector<1x64xf32> -> vector<1x64xf32>
    %slice3A_4675 = vector.extract_strided_slice %dot_general3A_4674 {offsets = [0, 0], sizes = [1, 32], strides = [1, 1]} : vector<1x64xf32> to vector<1x32xf32>
    %convert_element_type3A_4676 = arith.fptosi %slice3A_4675 : vector<1x32xf32> to vector<1x32xi32>
    %slice3A_4677 = vector.extract_strided_slice %dot_general3A_4674 {offsets = [0, 32], sizes = [1, 32], strides = [1, 1]} : vector<1x64xf32> to vector<1x32xf32>
    %convert_element_type3A_4678 = arith.fptosi %slice3A_4677 : vector<1x32xf32> to vector<1x32xi32>
    %shift_left3A_4679 = arith.constant 16 : i32
    %shift_left3A_4680 = vector.broadcast %shift_left3A_4679 : i32 to vector<1x32xi32>
    %shift_left3A_4681 = arith.shli %convert_element_type3A_4678, %shift_left3A_4680 : vector<1x32xi32>
    %or3A_4682 = arith.ori %convert_element_type3A_4676, %shift_left3A_4681 : vector<1x32xi32>
    %transpose3A_4683 = tpu.transpose %or3A_4682, [1, 0] : vector<1x32xi32> -> vector<32x1xi32>
    %get3A_4684 = arith.constant 0 : index
    %get3A_4685 = arith.constant 0 : index
    %get3A_4686 = vector.load %arg3[%get3A_4684, %get3A_4685] : memref<32x1024xi32, #tpu.memory_space<vmem>>, vector<32x1024xi32>
    %and3A_4687 = vector.broadcast %transpose3A_4683 : vector<32x1xi32> to vector<32x1024xi32>
    %and3A_4688 = arith.andi %get3A_4686, %and3A_4687 : vector<32x1024xi32>
    %slice3A_4689 = vector.extract_strided_slice %and3A_4688 {offsets = [0, 0], sizes = [16, 1024], strides = [1, 1]} : vector<32x1024xi32> to vector<16x1024xi32>
    %slice3A_4690 = vector.extract_strided_slice %and3A_4688 {offsets = [16, 0], sizes = [16, 1024], strides = [1, 1]} : vector<32x1024xi32> to vector<16x1024xi32>
    %or3A_4691 = arith.ori %slice3A_4689, %slice3A_4690 : vector<16x1024xi32>
    %slice3A_4692 = vector.extract_strided_slice %or3A_4691 {offsets = [0, 0], sizes = [8, 1024], strides = [1, 1]} : vector<16x1024xi32> to vector<8x1024xi32>
    %slice3A_4693 = vector.extract_strided_slice %or3A_4691 {offsets = [8, 0], sizes = [8, 1024], strides = [1, 1]} : vector<16x1024xi32> to vector<8x1024xi32>
    %or3A_4694 = arith.ori %slice3A_4692, %slice3A_4693 : vector<8x1024xi32>
    %slice3A_4695 = vector.extract_strided_slice %or3A_4694 {offsets = [0, 0], sizes = [4, 1024], strides = [1, 1]} : vector<8x1024xi32> to vector<4x1024xi32>
    %slice3A_4696 = vector.extract_strided_slice %or3A_4694 {offsets = [4, 0], sizes = [4, 1024], strides = [1, 1]} : vector<8x1024xi32> to vector<4x1024xi32>
    %or3A_4697 = arith.ori %slice3A_4695, %slice3A_4696 : vector<4x1024xi32>
    %slice3A_4698 = vector.extract_strided_slice %or3A_4697 {offsets = [0, 0], sizes = [2, 1024], strides = [1, 1]} : vector<4x1024xi32> to vector<2x1024xi32>
    %slice3A_4699 = vector.extract_strided_slice %or3A_4697 {offsets = [2, 0], sizes = [2, 1024], strides = [1, 1]} : vector<4x1024xi32> to vector<2x1024xi32>
    %or3A_4700 = arith.ori %slice3A_4698, %slice3A_4699 : vector<2x1024xi32>
    %slice3A_4701 = vector.extract_strided_slice %or3A_4700 {offsets = [0, 0], sizes = [1, 1024], strides = [1, 1]} : vector<2x1024xi32> to vector<1x1024xi32>
    %slice3A_4702 = vector.extract_strided_slice %or3A_4700 {offsets = [1, 0], sizes = [1, 1024], strides = [1, 1]} : vector<2x1024xi32> to vector<1x1024xi32>
    %or3A_4703 = arith.ori %slice3A_4701, %slice3A_4702 : vector<1x1024xi32>
    %eq3A_4704 = arith.constant 0 : i32
    %eq3A_4705 = vector.broadcast %eq3A_4704 : i32 to vector<1x1024xi32>
    %eq3A_4706 = arith.cmpi eq, %or3A_4703, %eq3A_4705 : vector<1x1024xi32>
    %convert_element_type3A_4707 = arith.extui %eq3A_4706 : vector<1x1024xi1> to vector<1x1024xi32>
    %convert_element_type3A_4708 = arith.sitofp %convert_element_type3A_4707 : vector<1x1024xi32> to vector<1x1024xf32>
    %get3A_4709 = arith.constant 0 : index
    %get3A_4710 = arith.constant 0 : index
    %get3A_4711 = vector.load %arg4[%get3A_4709, %get3A_4710] : memref<1024x64xf32, #tpu.memory_space<vmem>>, vector<1024x64xf32>
    %dot_general3A_4712 = arith.constant dense<0.000000e+00> : vector<1x64xf32>
    %dot_general3A_4713 = tpu.matmul %convert_element_type3A_4708, %get3A_4711, %dot_general3A_4712 {dimension_numbers = #tpu.dot_dimension_numbers<[1], [0], [0], [1], [0, 0, 1, 1], [], []>, transpose_lhs_hint = false} : vector<1x1024xf32>, vector<1024x64xf32>, vector<1x64xf32> -> vector<1x64xf32>
    %slice3A_4714 = vector.extract_strided_slice %dot_general3A_4713 {offsets = [0, 0], sizes = [1, 32], strides = [1, 1]} : vector<1x64xf32> to vector<1x32xf32>
    %convert_element_type3A_4715 = arith.fptosi %slice3A_4714 : vector<1x32xf32> to vector<1x32xi32>
    %slice3A_4716 = vector.extract_strided_slice %dot_general3A_4713 {offsets = [0, 32], sizes = [1, 32], strides = [1, 1]} : vector<1x64xf32> to vector<1x32xf32>
    %convert_element_type3A_4717 = arith.fptosi %slice3A_4716 : vector<1x32xf32> to vector<1x32xi32>
    %shift_left3A_4718 = arith.constant 16 : i32
    %shift_left3A_4719 = vector.broadcast %shift_left3A_4718 : i32 to vector<1x32xi32>
    %shift_left3A_4720 = arith.shli %convert_element_type3A_4717, %shift_left3A_4719 : vector<1x32xi32>
    %or3A_4721 = arith.ori %convert_element_type3A_4715, %shift_left3A_4720 : vector<1x32xi32>
    %transpose3A_4722 = tpu.transpose %or3A_4721, [1, 0] : vector<1x32xi32> -> vector<32x1xi32>
    %get3A_4723 = arith.constant 0 : index
    %get3A_4724 = arith.constant 0 : index
    %get3A_4725 = vector.load %arg3[%get3A_4723, %get3A_4724] : memref<32x1024xi32, #tpu.memory_space<vmem>>, vector<32x1024xi32>
    %and3A_4726 = vector.broadcast %transpose3A_4722 : vector<32x1xi32> to vector<32x1024xi32>
    %and3A_4727 = arith.andi %get3A_4725, %and3A_4726 : vector<32x1024xi32>
    %slice3A_4728 = vector.extract_strided_slice %and3A_4727 {offsets = [0, 0], sizes = [16, 1024], strides = [1, 1]} : vector<32x1024xi32> to vector<16x1024xi32>
    %slice3A_4729 = vector.extract_strided_slice %and3A_4727 {offsets = [16, 0], sizes = [16, 1024], strides = [1, 1]} : vector<32x1024xi32> to vector<16x1024xi32>
    %or3A_4730 = arith.ori %slice3A_4728, %slice3A_4729 : vector<16x1024xi32>
    %slice3A_4731 = vector.extract_strided_slice %or3A_4730 {offsets = [0, 0], sizes = [8, 1024], strides = [1, 1]} : vector<16x1024xi32> to vector<8x1024xi32>
    %slice3A_4732 = vector.extract_strided_slice %or3A_4730 {offsets = [8, 0], sizes = [8, 1024], strides = [1, 1]} : vector<16x1024xi32> to vector<8x1024xi32>
    %or3A_4733 = arith.ori %slice3A_4731, %slice3A_4732 : vector<8x1024xi32>
    %slice3A_4734 = vector.extract_strided_slice %or3A_4733 {offsets = [0, 0], sizes = [4, 1024], strides = [1, 1]} : vector<8x1024xi32> to vector<4x1024xi32>
    %slice3A_4735 = vector.extract_strided_slice %or3A_4733 {offsets = [4, 0], sizes = [4, 1024], strides = [1, 1]} : vector<8x1024xi32> to vector<4x1024xi32>
    %or3A_4736 = arith.ori %slice3A_4734, %slice3A_4735 : vector<4x1024xi32>
    %slice3A_4737 = vector.extract_strided_slice %or3A_4736 {offsets = [0, 0], sizes = [2, 1024], strides = [1, 1]} : vector<4x1024xi32> to vector<2x1024xi32>
    %slice3A_4738 = vector.extract_strided_slice %or3A_4736 {offsets = [2, 0], sizes = [2, 1024], strides = [1, 1]} : vector<4x1024xi32> to vector<2x1024xi32>
    %or3A_4739 = arith.ori %slice3A_4737, %slice3A_4738 : vector<2x1024xi32>
    %slice3A_4740 = vector.extract_strided_slice %or3A_4739 {offsets = [0, 0], sizes = [1, 1024], strides = [1, 1]} : vector<2x1024xi32> to vector<1x1024xi32>
    %slice3A_4741 = vector.extract_strided_slice %or3A_4739 {offsets = [1, 0], sizes = [1, 1024], strides = [1, 1]} : vector<2x1024xi32> to vector<1x1024xi32>
    %or3A_4742 = arith.ori %slice3A_4740, %slice3A_4741 : vector<1x1024xi32>
    %eq3A_4743 = arith.constant 0 : i32
    %eq3A_4744 = vector.broadcast %eq3A_4743 : i32 to vector<1x1024xi32>
    %eq3A_4745 = arith.cmpi eq, %or3A_4742, %eq3A_4744 : vector<1x1024xi32>
    %convert_element_type3A_4746 = arith.extui %eq3A_4745 : vector<1x1024xi1> to vector<1x1024xi32>
    %convert_element_type3A_4747 = arith.sitofp %convert_element_type3A_4746 : vector<1x1024xi32> to vector<1x1024xf32>
    %get3A_4748 = arith.constant 0 : index
    %get3A_4749 = arith.constant 0 : index
    %get3A_4750 = vector.load %arg4[%get3A_4748, %get3A_4749] : memref<1024x64xf32, #tpu.memory_space<vmem>>, vector<1024x64xf32>
    %dot_general3A_4751 = arith.constant dense<0.000000e+00> : vector<1x64xf32>
    %dot_general3A_4752 = tpu.matmul %convert_element_type3A_4747, %get3A_4750, %dot_general3A_4751 {dimension_numbers = #tpu.dot_dimension_numbers<[1], [0], [0], [1], [0, 0, 1, 1], [], []>, transpose_lhs_hint = false} : vector<1x1024xf32>, vector<1024x64xf32>, vector<1x64xf32> -> vector<1x64xf32>
    %slice3A_4753 = vector.extract_strided_slice %dot_general3A_4752 {offsets = [0, 0], sizes = [1, 32], strides = [1, 1]} : vector<1x64xf32> to vector<1x32xf32>
    %convert_element_type3A_4754 = arith.fptosi %slice3A_4753 : vector<1x32xf32> to vector<1x32xi32>
    %slice3A_4755 = vector.extract_strided_slice %dot_general3A_4752 {offsets = [0, 32], sizes = [1, 32], strides = [1, 1]} : vector<1x64xf32> to vector<1x32xf32>
    %convert_element_type3A_4756 = arith.fptosi %slice3A_4755 : vector<1x32xf32> to vector<1x32xi32>
    %shift_left3A_4757 = arith.constant 16 : i32
    %shift_left3A_4758 = vector.broadcast %shift_left3A_4757 : i32 to vector<1x32xi32>
    %shift_left3A_4759 = arith.shli %convert_element_type3A_4756, %shift_left3A_4758 : vector<1x32xi32>
    %or3A_4760 = arith.ori %convert_element_type3A_4754, %shift_left3A_4759 : vector<1x32xi32>
    %transpose3A_4761 = tpu.transpose %or3A_4760, [1, 0] : vector<1x32xi32> -> vector<32x1xi32>
    %get3A_4762 = arith.constant 0 : index
    %get3A_4763 = arith.constant 0 : index
    %get3A_4764 = vector.load %arg3[%get3A_4762, %get3A_4763] : memref<32x1024xi32, #tpu.memory_space<vmem>>, vector<32x1024xi32>
    %and3A_4765 = vector.broadcast %transpose3A_4761 : vector<32x1xi32> to vector<32x1024xi32>
    %and3A_4766 = arith.andi %get3A_4764, %and3A_4765 : vector<32x1024xi32>
    %slice3A_4767 = vector.extract_strided_slice %and3A_4766 {offsets = [0, 0], sizes = [16, 1024], strides = [1, 1]} : vector<32x1024xi32> to vector<16x1024xi32>
    %slice3A_4768 = vector.extract_strided_slice %and3A_4766 {offsets = [16, 0], sizes = [16, 1024], strides = [1, 1]} : vector<32x1024xi32> to vector<16x1024xi32>
    %or3A_4769 = arith.ori %slice3A_4767, %slice3A_4768 : vector<16x1024xi32>
    %slice3A_4770 = vector.extract_strided_slice %or3A_4769 {offsets = [0, 0], sizes = [8, 1024], strides = [1, 1]} : vector<16x1024xi32> to vector<8x1024xi32>
    %slice3A_4771 = vector.extract_strided_slice %or3A_4769 {offsets = [8, 0], sizes = [8, 1024], strides = [1, 1]} : vector<16x1024xi32> to vector<8x1024xi32>
    %or3A_4772 = arith.ori %slice3A_4770, %slice3A_4771 : vector<8x1024xi32>
    %slice3A_4773 = vector.extract_strided_slice %or3A_4772 {offsets = [0, 0], sizes = [4, 1024], strides = [1, 1]} : vector<8x1024xi32> to vector<4x1024xi32>
    %slice3A_4774 = vector.extract_strided_slice %or3A_4772 {offsets = [4, 0], sizes = [4, 1024], strides = [1, 1]} : vector<8x1024xi32> to vector<4x1024xi32>
    %or3A_4775 = arith.ori %slice3A_4773, %slice3A_4774 : vector<4x1024xi32>
    %slice3A_4776 = vector.extract_strided_slice %or3A_4775 {offsets = [0, 0], sizes = [2, 1024], strides = [1, 1]} : vector<4x1024xi32> to vector<2x1024xi32>
    %slice3A_4777 = vector.extract_strided_slice %or3A_4775 {offsets = [2, 0], sizes = [2, 1024], strides = [1, 1]} : vector<4x1024xi32> to vector<2x1024xi32>
    %or3A_4778 = arith.ori %slice3A_4776, %slice3A_4777 : vector<2x1024xi32>
    %slice3A_4779 = vector.extract_strided_slice %or3A_4778 {offsets = [0, 0], sizes = [1, 1024], strides = [1, 1]} : vector<2x1024xi32> to vector<1x1024xi32>
    %slice3A_4780 = vector.extract_strided_slice %or3A_4778 {offsets = [1, 0], sizes = [1, 1024], strides = [1, 1]} : vector<2x1024xi32> to vector<1x1024xi32>
    %or3A_4781 = arith.ori %slice3A_4779, %slice3A_4780 : vector<1x1024xi32>
    %eq3A_4782 = arith.constant 0 : i32
    %eq3A_4783 = vector.broadcast %eq3A_4782 : i32 to vector<1x1024xi32>
    %eq3A_4784 = arith.cmpi eq, %or3A_4781, %eq3A_4783 : vector<1x1024xi32>
    %convert_element_type3A_4785 = arith.extui %eq3A_4784 : vector<1x1024xi1> to vector<1x1024xi32>
    %convert_element_type3A_4786 = arith.sitofp %convert_element_type3A_4785 : vector<1x1024xi32> to vector<1x1024xf32>
    %get3A_4787 = arith.constant 0 : index
    %get3A_4788 = arith.constant 0 : index
    %get3A_4789 = vector.load %arg4[%get3A_4787, %get3A_4788] : memref<1024x64xf32, #tpu.memory_space<vmem>>, vector<1024x64xf32>
    %dot_general3A_4790 = arith.constant dense<0.000000e+00> : vector<1x64xf32>
    %dot_general3A_4791 = tpu.matmul %convert_element_type3A_4786, %get3A_4789, %dot_general3A_4790 {dimension_numbers = #tpu.dot_dimension_numbers<[1], [0], [0], [1], [0, 0, 1, 1], [], []>, transpose_lhs_hint = false} : vector<1x1024xf32>, vector<1024x64xf32>, vector<1x64xf32> -> vector<1x64xf32>
    %slice3A_4792 = vector.extract_strided_slice %dot_general3A_4791 {offsets = [0, 0], sizes = [1, 32], strides = [1, 1]} : vector<1x64xf32> to vector<1x32xf32>
    %convert_element_type3A_4793 = arith.fptosi %slice3A_4792 : vector<1x32xf32> to vector<1x32xi32>
    %slice3A_4794 = vector.extract_strided_slice %dot_general3A_4791 {offsets = [0, 32], sizes = [1, 32], strides = [1, 1]} : vector<1x64xf32> to vector<1x32xf32>
    %convert_element_type3A_4795 = arith.fptosi %slice3A_4794 : vector<1x32xf32> to vector<1x32xi32>
    %shift_left3A_4796 = arith.constant 16 : i32
    %shift_left3A_4797 = vector.broadcast %shift_left3A_4796 : i32 to vector<1x32xi32>
    %shift_left3A_4798 = arith.shli %convert_element_type3A_4795, %shift_left3A_4797 : vector<1x32xi32>
    %or3A_4799 = arith.ori %convert_element_type3A_4793, %shift_left3A_4798 : vector<1x32xi32>
    %transpose3A_4800 = tpu.transpose %or3A_4799, [1, 0] : vector<1x32xi32> -> vector<32x1xi32>
    %while3A = arith.constant true
    %while3A_4801:3 = scf.while (%while3A_4808 = %transpose3A_4800, %while3A_4809 = %convert_element_type3A_4786, %while3A_4810 = %while3A) : (vector<32x1xi32>, vector<1x1024xf32>, i1) -> (vector<32x1xi32>, vector<1x1024xf32>, i1) {
      scf.condition(%while3A_4810) %while3A_4808, %while3A_4809, %while3A_4810 : vector<32x1xi32>, vector<1x1024xf32>, i1
    } do {
    ^bb0(%while3A_4808: vector<32x1xi32>, %while3A_4809: vector<1x1024xf32>, %while3A_4810: i1):
      %get3A_4811 = arith.constant 0 : index
      %get3A_4812 = arith.constant 0 : index
      %get3A_4813 = vector.load %arg3[%get3A_4811, %get3A_4812] : memref<32x1024xi32, #tpu.memory_space<vmem>>, vector<32x1024xi32>
      %and3A_4814 = vector.broadcast %while3A_4808 : vector<32x1xi32> to vector<32x1024xi32>
      %and3A_4815 = arith.andi %get3A_4813, %and3A_4814 : vector<32x1024xi32>
      %slice3A_4816 = vector.extract_strided_slice %and3A_4815 {offsets = [0, 0], sizes = [16, 1024], strides = [1, 1]} : vector<32x1024xi32> to vector<16x1024xi32>
      %slice3A_4817 = vector.extract_strided_slice %and3A_4815 {offsets = [16, 0], sizes = [16, 1024], strides = [1, 1]} : vector<32x1024xi32> to vector<16x1024xi32>
      %or3A_4818 = arith.ori %slice3A_4816, %slice3A_4817 : vector<16x1024xi32>
      %slice3A_4819 = vector.extract_strided_slice %or3A_4818 {offsets = [0, 0], sizes = [8, 1024], strides = [1, 1]} : vector<16x1024xi32> to vector<8x1024xi32>
      %slice3A_4820 = vector.extract_strided_slice %or3A_4818 {offsets = [8, 0], sizes = [8, 1024], strides = [1, 1]} : vector<16x1024xi32> to vector<8x1024xi32>
      %or3A_4821 = arith.ori %slice3A_4819, %slice3A_4820 : vector<8x1024xi32>
      %slice3A_4822 = vector.extract_strided_slice %or3A_4821 {offsets = [0, 0], sizes = [4, 1024], strides = [1, 1]} : vector<8x1024xi32> to vector<4x1024xi32>
      %slice3A_4823 = vector.extract_strided_slice %or3A_4821 {offsets = [4, 0], sizes = [4, 1024], strides = [1, 1]} : vector<8x1024xi32> to vector<4x1024xi32>
      %or3A_4824 = arith.ori %slice3A_4822, %slice3A_4823 : vector<4x1024xi32>
      %slice3A_4825 = vector.extract_strided_slice %or3A_4824 {offsets = [0, 0], sizes = [2, 1024], strides = [1, 1]} : vector<4x1024xi32> to vector<2x1024xi32>
      %slice3A_4826 = vector.extract_strided_slice %or3A_4824 {offsets = [2, 0], sizes = [2, 1024], strides = [1, 1]} : vector<4x1024xi32> to vector<2x1024xi32>
      %or3A_4827 = arith.ori %slice3A_4825, %slice3A_4826 : vector<2x1024xi32>
      %slice3A_4828 = vector.extract_strided_slice %or3A_4827 {offsets = [0, 0], sizes = [1, 1024], strides = [1, 1]} : vector<2x1024xi32> to vector<1x1024xi32>
      %slice3A_4829 = vector.extract_strided_slice %or3A_4827 {offsets = [1, 0], sizes = [1, 1024], strides = [1, 1]} : vector<2x1024xi32> to vector<1x1024xi32>
      %or3A_4830 = arith.ori %slice3A_4828, %slice3A_4829 : vector<1x1024xi32>
      %eq3A_4831 = arith.constant 0 : i32
      %eq3A_4832 = vector.broadcast %eq3A_4831 : i32 to vector<1x1024xi32>
      %eq3A_4833 = arith.cmpi eq, %or3A_4830, %eq3A_4832 : vector<1x1024xi32>
      %convert_element_type3A_4834 = arith.extui %eq3A_4833 : vector<1x1024xi1> to vector<1x1024xi32>
      %convert_element_type3A_4835 = arith.sitofp %convert_element_type3A_4834 : vector<1x1024xi32> to vector<1x1024xf32>
      %get3A_4836 = arith.constant 0 : index
      %get3A_4837 = arith.constant 0 : index
      %get3A_4838 = vector.load %arg4[%get3A_4836, %get3A_4837] : memref<1024x64xf32, #tpu.memory_space<vmem>>, vector<1024x64xf32>
      %dot_general3A_4839 = arith.constant dense<0.000000e+00> : vector<1x64xf32>
      %dot_general3A_4840 = tpu.matmul %convert_element_type3A_4835, %get3A_4838, %dot_general3A_4839 {dimension_numbers = #tpu.dot_dimension_numbers<[1], [0], [0], [1], [0, 0, 1, 1], [], []>, transpose_lhs_hint = false} : vector<1x1024xf32>, vector<1024x64xf32>, vector<1x64xf32> -> vector<1x64xf32>
      %slice3A_4841 = vector.extract_strided_slice %dot_general3A_4840 {offsets = [0, 0], sizes = [1, 32], strides = [1, 1]} : vector<1x64xf32> to vector<1x32xf32>
      %convert_element_type3A_4842 = arith.fptosi %slice3A_4841 : vector<1x32xf32> to vector<1x32xi32>
      %slice3A_4843 = vector.extract_strided_slice %dot_general3A_4840 {offsets = [0, 32], sizes = [1, 32], strides = [1, 1]} : vector<1x64xf32> to vector<1x32xf32>
      %convert_element_type3A_4844 = arith.fptosi %slice3A_4843 : vector<1x32xf32> to vector<1x32xi32>
      %shift_left3A_4845 = arith.constant 16 : i32
      %shift_left3A_4846 = vector.broadcast %shift_left3A_4845 : i32 to vector<1x32xi32>
      %shift_left3A_4847 = arith.shli %convert_element_type3A_4844, %shift_left3A_4846 : vector<1x32xi32>
      %or3A_4848 = arith.ori %convert_element_type3A_4842, %shift_left3A_4847 : vector<1x32xi32>
      %transpose3A_4849 = tpu.transpose %or3A_4848, [1, 0] : vector<1x32xi32> -> vector<32x1xi32>
      %get3A_4850 = arith.constant 0 : index
      %get3A_4851 = arith.constant 0 : index
      %get3A_4852 = vector.load %arg3[%get3A_4850, %get3A_4851] : memref<32x1024xi32, #tpu.memory_space<vmem>>, vector<32x1024xi32>
      %and3A_4853 = vector.broadcast %transpose3A_4849 : vector<32x1xi32> to vector<32x1024xi32>
      %and3A_4854 = arith.andi %get3A_4852, %and3A_4853 : vector<32x1024xi32>
      %slice3A_4855 = vector.extract_strided_slice %and3A_4854 {offsets = [0, 0], sizes = [16, 1024], strides = [1, 1]} : vector<32x1024xi32> to vector<16x1024xi32>
      %slice3A_4856 = vector.extract_strided_slice %and3A_4854 {offsets = [16, 0], sizes = [16, 1024], strides = [1, 1]} : vector<32x1024xi32> to vector<16x1024xi32>
      %or3A_4857 = arith.ori %slice3A_4855, %slice3A_4856 : vector<16x1024xi32>
      %slice3A_4858 = vector.extract_strided_slice %or3A_4857 {offsets = [0, 0], sizes = [8, 1024], strides = [1, 1]} : vector<16x1024xi32> to vector<8x1024xi32>
      %slice3A_4859 = vector.extract_strided_slice %or3A_4857 {offsets = [8, 0], sizes = [8, 1024], strides = [1, 1]} : vector<16x1024xi32> to vector<8x1024xi32>
      %or3A_4860 = arith.ori %slice3A_4858, %slice3A_4859 : vector<8x1024xi32>
      %slice3A_4861 = vector.extract_strided_slice %or3A_4860 {offsets = [0, 0], sizes = [4, 1024], strides = [1, 1]} : vector<8x1024xi32> to vector<4x1024xi32>
      %slice3A_4862 = vector.extract_strided_slice %or3A_4860 {offsets = [4, 0], sizes = [4, 1024], strides = [1, 1]} : vector<8x1024xi32> to vector<4x1024xi32>
      %or3A_4863 = arith.ori %slice3A_4861, %slice3A_4862 : vector<4x1024xi32>
      %slice3A_4864 = vector.extract_strided_slice %or3A_4863 {offsets = [0, 0], sizes = [2, 1024], strides = [1, 1]} : vector<4x1024xi32> to vector<2x1024xi32>
      %slice3A_4865 = vector.extract_strided_slice %or3A_4863 {offsets = [2, 0], sizes = [2, 1024], strides = [1, 1]} : vector<4x1024xi32> to vector<2x1024xi32>
      %or3A_4866 = arith.ori %slice3A_4864, %slice3A_4865 : vector<2x1024xi32>
      %slice3A_4867 = vector.extract_strided_slice %or3A_4866 {offsets = [0, 0], sizes = [1, 1024], strides = [1, 1]} : vector<2x1024xi32> to vector<1x1024xi32>
      %slice3A_4868 = vector.extract_strided_slice %or3A_4866 {offsets = [1, 0], sizes = [1, 1024], strides = [1, 1]} : vector<2x1024xi32> to vector<1x1024xi32>
      %or3A_4869 = arith.ori %slice3A_4867, %slice3A_4868 : vector<1x1024xi32>
      %eq3A_4870 = arith.constant 0 : i32
      %eq3A_4871 = vector.broadcast %eq3A_4870 : i32 to vector<1x1024xi32>
      %eq3A_4872 = arith.cmpi eq, %or3A_4869, %eq3A_4871 : vector<1x1024xi32>
      %convert_element_type3A_4873 = arith.extui %eq3A_4872 : vector<1x1024xi1> to vector<1x1024xi32>
      %convert_element_type3A_4874 = arith.sitofp %convert_element_type3A_4873 : vector<1x1024xi32> to vector<1x1024xf32>
      %get3A_4875 = arith.constant 0 : index
      %get3A_4876 = arith.constant 0 : index
      %get3A_4877 = vector.load %arg4[%get3A_4875, %get3A_4876] : memref<1024x64xf32, #tpu.memory_space<vmem>>, vector<1024x64xf32>
      %dot_general3A_4878 = arith.constant dense<0.000000e+00> : vector<1x64xf32>
      %dot_general3A_4879 = tpu.matmul %convert_element_type3A_4874, %get3A_4877, %dot_general3A_4878 {dimension_numbers = #tpu.dot_dimension_numbers<[1], [0], [0], [1], [0, 0, 1, 1], [], []>, transpose_lhs_hint = false} : vector<1x1024xf32>, vector<1024x64xf32>, vector<1x64xf32> -> vector<1x64xf32>
      %slice3A_4880 = vector.extract_strided_slice %dot_general3A_4879 {offsets = [0, 0], sizes = [1, 32], strides = [1, 1]} : vector<1x64xf32> to vector<1x32xf32>
      %convert_element_type3A_4881 = arith.fptosi %slice3A_4880 : vector<1x32xf32> to vector<1x32xi32>
      %slice3A_4882 = vector.extract_strided_slice %dot_general3A_4879 {offsets = [0, 32], sizes = [1, 32], strides = [1, 1]} : vector<1x64xf32> to vector<1x32xf32>
      %convert_element_type3A_4883 = arith.fptosi %slice3A_4882 : vector<1x32xf32> to vector<1x32xi32>
      %shift_left3A_4884 = arith.constant 16 : i32
      %shift_left3A_4885 = vector.broadcast %shift_left3A_4884 : i32 to vector<1x32xi32>
      %shift_left3A_4886 = arith.shli %convert_element_type3A_4883, %shift_left3A_4885 : vector<1x32xi32>
      %or3A_4887 = arith.ori %convert_element_type3A_4881, %shift_left3A_4886 : vector<1x32xi32>
      %transpose3A_4888 = tpu.transpose %or3A_4887, [1, 0] : vector<1x32xi32> -> vector<32x1xi32>
      %ne3A = arith.cmpi ne, %transpose3A_4888, %while3A_4808 : vector<32x1xi32>
      %reduce_or3A = arith.constant 1.000000e+00 : f32
      %reduce_or3A_4889 = arith.constant 0.000000e+00 : f32
      %reduce_or3A_4890 = vector.broadcast %reduce_or3A : f32 to vector<32x1xf32>
      %reduce_or3A_4891 = vector.broadcast %reduce_or3A_4889 : f32 to vector<32x1xf32>
      %reduce_or3A_4892 = arith.select %ne3A, %reduce_or3A_4890, %reduce_or3A_4891 : vector<32x1xi1>, vector<32x1xf32>
      %reduce_or3A_4893 = vector.shape_cast %reduce_or3A_4892 : vector<32x1xf32> to vector<1x32x1xf32>
      %reduce_or3A_4894 = arith.constant dense<0xFF800000> : vector<1xf32>
      %reduce_or3A_4895 = vector.multi_reduction <maximumf>, %reduce_or3A_4893, %reduce_or3A_4894 [1, 2] : vector<1x32x1xf32> to vector<1xf32>
      %reduce_or3A_4896 = vector.shape_cast %reduce_or3A_4895 : vector<1xf32> to vector<1x1x1xf32>
      %reduce_or3A_4897 = vector.extract %reduce_or3A_4896[0, 0, 0] : f32 from vector<1x1x1xf32>
      %reduce_or3A_4898 = arith.constant 0.000000e+00 : f32
      %reduce_or3A_4899 = arith.cmpf ogt, %reduce_or3A_4897, %reduce_or3A_4898 : f32
      scf.yield %transpose3A_4888, %convert_element_type3A_4874, %reduce_or3A_4899 : vector<32x1xi32>, vector<1x1024xf32>, i1
    }
    %swap3A_4802 = arith.constant 0 : index
    %swap3A_4803 = arith.constant 0 : index
    %swap3A_4804 = arith.constant 0 : index
    %swap3A_4805 = vector.load %arg2[%swap3A_4802, %swap3A_4803, %swap3A_4804] : memref<1x1x1024xf32, #tpu.memory_space<vmem>>, vector<1x1x1024xf32>
    %swap3A_4806 = vector.shape_cast %swap3A_4805 : vector<1x1x1024xf32> to vector<1x1024xf32>
    %swap3A_4807 = vector.shape_cast %while3A_4801#1 : vector<1x1024xf32> to vector<1x1x1024xf32>
    tpu.vector_store %arg2[%swap3A_4802, %swap3A_4803, %swap3A_4804], %swap3A_4807 {strides = array<i32>} : memref<1x1x1024xf32, #tpu.memory_space<vmem>>, vector<1x1x1024xf32>,
    return
  }
  func.func @transform_0(%arg0: i32) -> (i32, i32, i32) {
    %c0_i32 = arith.constant 0 : i32
    %c0_i32_0 = arith.constant 0 : i32
    %c0_i32_1 = arith.constant 0 : i32
    return %arg0, %c0_i32, %c0_i32_0 : i32, i32, i32
  }
  func.func @transform_1(%arg0: i32) -> (i32, i32, i32) {
    %c0_i32 = arith.constant 0 : i32
    %c0_i32_0 = arith.constant 0 : i32
    %c0_i32_1 = arith.constant 0 : i32
    return %arg0, %c0_i32, %c0_i32_0 : i32, i32, i32
  }
}

</mosaic_0001>

<sc_bundles>
// kernel: gather_offload_async_start
scs
__scs_entry_jumppad:
0x0: {  	(pc) =	sbr.rel $0x88, $3  }
0x1: {  	(tag) =	ssettag $0x0;
	lr =	simm.s32 $0x1  }
0x2: {  	[smem:$0x3F9C] =	sst lr;
	_ =	strace $0xD0000000  }
0x3: {  	_ = 	snop  }
0x4: {  	_ = 	snop  }
0x5: {  	_ = 	snop  }
0x6: {  	_ = 	snop  }
0x7: {  	_ = 	snop  }
__scs_overlays_trampoline_lowered:
0x8: {  	[smem:$0x3FAB] =	sst s0  }
0x9: {  	[smem:$0x3FAC] =	sst s1  }
0xa: {  	[smem:$0x3FAD] =	sst s2  }
0xb: {  	[smem:$0x3FAE] =	sst s3  }
0xc: {  	[smem:$0x3FAF] =	sst s4  }
0xd: {  	[smem:$0x3FB0] =	sst s5  }
0xe: {  	[smem:$0x3FB1] =	sst s6  }
0xf: {  	[smem:$0x3FB2] =	sst s7  }
0x10: {  	[smem:$0x3FB3] =	sst s8  }
0x11: {  	[smem:$0x3FB4] =	sst s9;
	s0 =	simm.s32 @!p0 $0x0  }
0x12: {  	s1 =	sld [smem:$0x3F9A];
	s0 =	simm.s32 @p0 $0x1  }
0x13: {  	[smem:$0x3FB5] =	sst s0;
	s0 =	simm.s32 @!p1 $0x0  }
0x14: {  	s2 =	sld [smem:$0x3F99];
	s0 =	simm.s32 @p1 $0x1  }
0x15: {  	[smem:$0x3FB6] =	sst s0;
	s0 =	simm.s32 @!p2 $0x0  }
0x16: {  	s3 =	sld [smem:$0x3FDB];
	s0 =	simm.s32 @p2 $0x1  }
0x17: {  	s4 =	simm.s32 $0x1BF5;
	[smem:$0x3FB8] =	sst s0  }
0x18: {  	s0 =	sld [smem:$0x3F9B];
	_ =	swait.ge [sflag:s4], $0x0  }
0x19: {  	s7 =	sld [smem:$0x3F9C]  }
0x1a: {  	s8 =	sadd.s32 $0xFFFFE003, lr  }
0x1b: {  	s9 =	sadd.s32 $0xFFFFFEF7, lr;
	s5 =	simm.s32 $0xFFFFFFFF;
	p2 =	slt.u32 s8, $0xFFFFF086  }
0x1c: {  	p1 =	slt.u32 s9, $0xF7A;
	s5 =	simm.s32 @!p2 $0x0  }
0x1d: {  	s5 =	simm.s32 @p1 $0x1;
	p0 =	seq.s32 s7, s2  }
0x1e: {  	s7 =	smul.u32 @!p0 $0xF7A, s2;
	p2 =	seq.s32 @!p0 s5, $0x0  }
0x1f: {  	s9 =	smul.u32 $0xF7A, s1;
	s8 =	simm.s32 @!p0 $0x1BF5;
	p2 =	por !p2, p0  }
0x20: {  	[sflag:s8] =	ssyncset.s32 @!p0 $0xFFFFF086;
	s6 =	sadd.s32 @!p0 s3, s7;
	s7 =	simm.s32 @!p0 $0x108  }
0x21: {  	s3 =	sadd.s32 s3, s9;
	s6 =	sadd.s32 @!p0 $0x88, s6;
	s7 =	simm.s32 @p2 $0x1082  }
0x22: {  	[simem:s7], [sflag:s8] =	dma.local @!p0 [hbm:s6], $0xF7A  }
0x23: {  	s9 =	sor.u32 $0xD0000000, s2;
	s6 =	simm.s32 $0x108;
	_ =	swait.ge @!p0 [sflag:s8], $0x0  }
0x24: {  	s3 =	sadd.s32 $0x88, s3;
	s6 =	simm.s32 @!p1 $0x1082;
	[sflag:s4] =	ssyncset.s32 $0xFFFFF086  }
0x25: {  	[simem:s6], [sflag:s4] =	dma.local [hbm:s3], $0xF7A  }
0x26: {  	[smem:$0x3F9C] =	sst s1;
	(tag) =	ssettag s2;
	_ =	strace s9  }
0x27: {  	s1 =	sld [smem:$0x3FAC]  }
0x28: {  	s2 =	sld [smem:$0x3FAD]  }
0x29: {  	s4 =	sld [smem:$0x3FAF]  }
0x2a: {  	p0 =	seq.s32 s5, $0x0;
	s5 =	sld [smem:$0x3FB0]  }
0x2b: {  	s6 =	sld [smem:$0x3FB1]  }
0x2c: {  	s7 =	sld [smem:$0x3FB2]  }
0x2d: {  	s3 =	simm.s32 $0x108;
	s8 =	sld [smem:$0x3FB3]  }
0x2e: {  	s3 =	simm.s32 @!p0 $0x1082;
	s9 =	sld [smem:$0x3FB4]  }
0x2f: {  	lr =	sadd.s32 s0, s3;
	s0 =	sld [smem:$0x3FAB]  }
0x30: {  	s3 =	sld [smem:$0x3FAE]  }
0x31: {  	[smem:$0x3FB7] =	sst s10  }
0x32: {  	s10 =	sld [smem:$0x3FB5];
	_ =	sdelay $0x3  }
0x33: {  	p0 =	seq.s32 s10, $0x1;
	s10 =	sld [smem:$0x3FB7];
	_ =	sdelay $0x3  }
0x34: {  	[smem:$0x3FB7] =	sst s10  }
0x35: {  	s10 =	sld [smem:$0x3FB6];
	_ =	sdelay $0x3  }
0x36: {  	p1 =	seq.s32 s10, $0x1;
	s10 =	sld [smem:$0x3FB7];
	_ =	sdelay $0x3  }
0x37: {  	[smem:$0x3FB7] =	sst s10  }
0x38: {  	s10 =	sld [smem:$0x3FB8]  }
0x39: {  	_ = 	snop;
	(pc) =	sbr.ind lr, $3  }
0x3a: {  	_ = 	snop  }
0x3b: {  	_ = 	snop  }
0x3c: {  	p2 =	seq.s32 s10, $0x1;
	s10 =	sld [smem:$0x3FB7]  }
0x3d: {  	_ =	shalt  }
0x3e: {  	_ =	shalt  }
0x3f: {  	_ =	shalt  }
0x40: {  	_ =	shalt  }
0x41: {  	_ =	shalt  }
0x42: {  	_ =	shalt  }
0x43: {  	_ =	shalt  }
0x44: {  	_ =	shalt  }
0x45: {  	_ =	shalt  }
0x46: {  	_ =	shalt  }
0x47: {  	_ =	shalt  }
0x48: {  	_ =	shalt  }
0x49: {  	_ =	shalt  }
0x4a: {  	_ =	shalt  }
0x4b: {  	_ =	shalt  }
0x4c: {  	_ =	shalt  }
0x4d: {  	_ =	shalt  }
0x4e: {  	_ =	shalt  }
0x4f: {  	_ =	shalt  }
0x50: {  	_ =	shalt  }
0x51: {  	_ =	shalt  }
0x52: {  	_ =	shalt  }
0x53: {  	_ =	shalt  }
0x54: {  	_ =	shalt  }
0x55: {  	_ =	shalt  }
0x56: {  	_ =	shalt  }
0x57: {  	_ =	shalt  }
0x58: {  	_ =	shalt  }
0x59: {  	_ =	shalt  }
0x5a: {  	_ =	shalt  }
0x5b: {  	_ =	shalt  }
0x5c: {  	_ =	shalt  }
0x5d: {  	_ =	shalt  }
0x5e: {  	_ =	shalt  }
0x5f: {  	_ =	shalt  }
0x60: {  	_ =	shalt  }
0x61: {  	_ =	shalt  }
0x62: {  	_ =	shalt  }
0x63: {  	_ =	shalt  }
0x64: {  	_ =	shalt  }
0x65: {  	_ =	shalt  }
0x66: {  	_ =	shalt  }
0x67: {  	_ =	shalt  }
0x68: {  	_ =	shalt  }
0x69: {  	_ =	shalt  }
0x6a: {  	_ =	shalt  }
0x6b: {  	_ =	shalt  }
0x6c: {  	_ =	shalt  }
0x6d: {  	_ =	shalt  }
0x6e: {  	_ =	shalt  }
0x6f: {  	_ =	shalt  }
0x70: {  	_ =	shalt  }
0x71: {  	_ =	shalt  }
0x72: {  	_ =	shalt  }
0x73: {  	_ =	shalt  }
0x74: {  	_ =	shalt  }
0x75: {  	_ =	shalt  }
0x76: {  	_ =	shalt  }
0x77: {  	_ =	shalt  }
0x78: {  	_ =	shalt  }
0x79: {  	_ =	shalt  }
0x7a: {  	_ =	shalt  }
0x7b: {  	_ =	shalt  }
0x7c: {  	_ =	shalt  }
0x7d: {  	_ =	shalt  }
0x7e: {  	_ =	shalt  }
0x7f: {  	_ =	shalt  }
0x80: {  	_ =	shalt  }
0x81: {  	_ =	shalt  }
0x82: {  	_ =	shalt  }
0x83: {  	_ =	shalt  }
0x84: {  	_ =	shalt  }
0x85: {  	_ =	shalt  }
0x86: {  	_ =	shalt  }
0x87: {  	_ =	shalt  }
.Lfunc_end0:
.L_simem_size_0:
called_computation_lowered:
.L_overlay_start_0:
0x88: {  	s0 =	sld [smem:$0x3FD9]  }
0x89: {  	s1 =	sld [smem:$0x3FFE];
	_ =	sdelay $0x3  }
0x8a: {  	s0 =	sadd.s32 s1, s0  }
0x8b: {  	[smem:$0x3FC3] =	sst s0  }
0x8c: {  	_ = 	snop  }
0x8d: {  	(tm) =	ssettm $0x1  }
0x8e: {  	s15 =	sld [smem:$0x3FFB];
	_ =	sdelay $0x3  }
0x8f: {  	_ =	strace s15  }
0x90: {  	s0 =	sld [smem:$0x3FFC];
	_ =	sdelay $0x3  }
0x91: {  	_ =	strace s0  }
0x92: {  	s0 =	sld [smem:$0x3FFD];
	_ =	sdelay $0x3  }
0x93: {  	_ =	strace s0  }
0x94: {  	_ =	strace $0x8FFFFFFF  }
0x95: {  	s16 =	sld [smem:$0x3FDB];
	_ =	sdelay $0x1  }
0x96: {  	s17 =	simm.s32 $_scs_section_size  }
0x97: {  	s2 =	simm.s32 $_size__tile_overlayer_lowered;
	s3 =	simm.s32 $_tile_overlayer_lowered  }
0x98: {  	s20 =	simm.s32 $0x1BFF;
	s19 =	sshll.u32 s3, $0x1;
	s0 =	sadd.s32 s17, s16  }
0x99: {  	s4 =	simm.s32 $0x0;
	s18 =	sshll.u32 s2, $0x1;
	s2 =	sadd.s32 s19, s0  }
0x9a: {  	[timem:s4], [sflag:s20] =	dma.local [hbm:s2], s18  }
0x9b: {  	_ =	swait.ge [sflag:s20], s18  }
0x9c: {  	s1 =	ssub.s32 $0x0, s18;
	[sflag:s20] =	ssyncset.done $0x0  }
0x9d: {  	[sflag:s20] =	ssyncadd.s32 s1;
	_ =	sdelay $0x1  }
0x9e: {  	s21 =	simm.s32 $0x1B8B  }
0x9f: {  	_ =	swait.ge [sflag:s21], $0x1  }
0xa0: {  	[sflag:s21] =	ssyncset.done $0x0  }
0xa1: {  	s23 =	simm.s32 $0x1B8E;
	s22 =	sld [smem:$0x3FFE];
	[sflag:s21] =	ssyncadd.s32 $0xFFFFFFFF  }
0xa2: {  	s24 =	simm.s32 $execute0_lowered;
	[smem:$0x3FD2] =	sst s23  }
0xa3: {  	s2 =	sshll.u32 s24, $0x1;
	_ =	strace $0x80000046;
	[dreg:$0x1] =	wrdreg $0xFFFFFFFF  }
0xa4: {  	s25 =	simm.s32 $_size_execute0_lowered;
	s0 =	sadd.s32 s0, s2;
	[dreg:$0x0] =	wrdreg $0x0  }
0xa5: {  	s2 =	sshll.u32 s25, $0x1;
	[dreg:$0x2] =	wrdreg s0  }
0xa6: {  	[dreg:$0x3] =	wrdreg s2  }
0xa7: {  	[dreg:$0x4] =	wrdreg $0xC0  }
0xa8: {  	_ =	task [dreg:s4], $0x5FFFF  }
0xa9: {  	[dreg:$0x1] =	wrdreg $0xFFFFFFFF  }
0xaa: {  	[dreg:$0x0] =	wrdreg $0x60  }
0xab: {  	[dreg:$0x2] =	wrdreg s22  }
0xac: {  	[dreg:$0x3] =	wrdreg $0x9  }
0xad: {  	_ =	task.clear_ibuf [dreg:s4], $0x4FFFF;
	_ =	strace $0x90000046  }
0xae: {  	s26 =	simm.s32 $0x9;
	_ =	strace $0x80000048  }
0xaf: {  	_ =	swait.ge [sflag:s26], $0x1  }
0xb0: {  	[sflag:s26] =	ssyncadd.s32 $0xFFFFFFFF  }
0xb1: {  	_ =	strace $0x90000048  }
0xb2: {  	_ =	sfence  }
0xb3: {  	s28 =	sld [smem:$0x0];
	_ =	sdelay $0x1  }
0xb4: {  	s29 =	srdreg.scid  }
0xb5: {  	s30 =	sshll.u32 s29, $0xD;
	s31 =	sshrl.u32 s29, $0x2  }
0xb6: {  	s1 =	sand.u32 $0x1, s29;
	s2 =	sand.u32 $0x4000, s30;
	s0 =	sadd.s32 s31, s28  }
0xb7: {  	s1 =	sor.u32 s2, s1;
	s0 =	sshll.u32 s0, $0x11  }
0xb8: {  	s0 =	sor.u32 s0, s1  }
0xb9: {  	s0 =	sadd.s32 $0x8F2B, s0  }
0xba: {  	[sflag:s0] =	ssyncadd.remote.s32 $0x1  }
0xbb: {  	_ =	sfence.sel $0xFFFF  }
0xbc: {  	[dreg:$0x0] =	wrdreg $0xFFFFFFFF;
	(pc) =	sbr.abs _section_cstart, $3  }
0xbd: {  	[dreg:$0x1] =	wrdreg $0xFFFFFFFF  }
0xbe: {  	_ =	task.clear_ibuf [dreg:s4], $0x2FFFF;
	_ =	strace $0x9FFFFFFF  }
0xbf: {  	(tm) =	ssettm $0x7FFFFFFF  }
tec
execute0_lowered:
.L_overlay_start_1:
0x0: {  	(tag) =	ssettag $0x1  }
0x1: {  	s0 =	stileid.u32  }
0x2: {  	s1 =	smul.u32 $0x17, s0  }
0x3: {  	s2 =	smin.u32 s0, $0x7  }
0x4: {  	s1 =	sadd.s32 s2, s1  }
0x5: {  	p0 =	slt.u32 s0, $0x7;
	s2 =	smul.u32 $0x190, s1;
	s1 =	simm.s32 $0x2580  }
0x6: {  	s1 =	simm.s32 @!p0 $0x23F0  }
0x7: {  	s1 =	sadd.s32 s1, s2  }
0x8: {  	s3 =	smin.u32 s1, $0x249F0  }
0x9: {  	s7 =	ssub.s32 s3, s2  }
0xa: {  	p0 =	sgt.s32 s7, $0x0  }
0xb: {  	s7 =	simm.s32 @!p0 $0x0  }
0xc: {  	s31 =	smulhi.u32 $0x51EB851F, s7  }
0xd: {  	s9 =	rddreg [dreg:$0x0];
	s6 =	simm.s32 $0x1;
	s11 =	simm.s32 $0x3  }
0xe: {  	s13 =	simm.s32 $0x0;
	s12 =	simm.s32 $0x0;
	s8 =	sshrl.u32 s31, $0x7  }
0xf: {  	s4 =	sadd.s32 $0x9600, s9;
	s5 =	sadd.s32 $0x4C00, s9;
	s10 =	smul.u32 $0x190, s8  }
.Ltmp0:
0x10: {  	s9 =	sadd.s32 $0x253600, s9;
	s1 =	rddreg [dreg:$0x1];
	(pc) =	sbr.rel .LBB2_1-.Ltmp0, $4  }
0x11: {  	_ =	strace $0x80000047;
	p0 =	sne.s32 s7, s10;
	s10 =	simm.s32 $0x1  }
0x12: {  	[sflag:s6] =	ssyncpa.u1 $0x0;
	s7 =	simm.s32 $0x2;
	s10 =	simm.s32 @!p0 $0x0  }
0x13: {  	[sflag:s7] =	ssyncpa.u1 $0x0;
	p0 =	por $0x0, $0x0;
	s8 =	sadd.s32 s10, s8  }
0x14: {  	vm0 =	vmmov $0xff;
	vm1 =	vcmask $0x3F20;
	[sflag:s11] =	ssyncpa.u1 $0x0;
	s11 =	smov.u32 s2;
	s10 =	sadd.s32 $0x1, s8  }
.LBB2_6:
0x15: {  	[hbm:s17] =	stream.linear.scatter [tilespmem:s14], [sflag:$0x3], $0x400, $0x38;
	[tilespmem:$0x19320] =	vst v63  }
.LBB2_7:
0x16: {  	s13 =	sadd.s32 $0x190, s11  }
0x17: {  	s15 =	smov.u32 s2;
	p2 =	slt.s32 s13, s3  }
0x18: {  	s15 =	smov.u32 @p2 s13;
	p2 =	sne.s32 s12, s10  }
.Ltmp1:
0x19: {  	p1 =	slt.u32 s12, $0x2;
	(pc) =	sbr.rel @!p2 .LBB2_8-.Ltmp1, $4  }
0x1a: {  	s14 =	simm.s32 @!p1 $0x3  }
0x1b: {  	s16 =	sadd.s32 $0x1, s12;
	_ =	swait.ge @!p1 [sflag:s14], $0xC800  }
0x1c: {  	p0 =	por !p0, !p0;
	s13 =	smov.u32 s11;
	[sflag:s14] =	ssyncset.done @!p1 $0x0  }
0x1d: {  	s12 =	smov.u32 s16;
	s11 =	smov.u32 s15;
	[sflag:s14] =	ssyncadd.s32 @!p1 $0xFFFF3800  }
.LBB2_1:
0x1e: {  	p1 =	sge.u32 s12, s8  }
0x1f: {  	s14 =	sxor.u32 @!p1 $0xFFFFFFFF, s12  }
0x20: {  	s14 =	sand.u32 @!p1 $0x1, s14  }
0x21: {  	s14 =	smul.u32 @!p1 $0x640, s14  }
0x22: {  	s31 =	sadd.s32 $0xFFFFFFFF, s12;
	s15 =	sshrl.u32 @!p1 s11, $0x3  }
0x23: {  	s16 =	sand.u32 @!p1 $0x7, s11;
	s15 =	sadd.s32 @!p1 s5, s15;
	s14 =	sshrl.u32 @!p1 s14, $0x2  }
0x24: {  	[tilespmem:s14], [sflag:$0x2] =	stream.linear.gather @!p1 [hbm4b:s15+s16], $0x190, $0x38;
	[tilespmem:$0x19320] =	vst v63  }
0x25: {  	p1 =	sge.u32 s31, s8  }
.Ltmp2:
0x26: {  	_ = 	snop;
	(pc) =	sbr.rel @p1 .LBB2_7-.Ltmp2, $1  }
0x27: {  	_ =	sdelay $0x3  }
0x28: {  	s14 =	simm.s32 $0x1  }
0x29: {  	s14 =	simm.s32 @!p0 $0x0  }
0x2a: {  	s15 =	smul.u32 $0x640, s14  }
0x2b: {  	_ =	swait.ge [sflag:s7], $0x190  }
0x2c: {  	[sflag:s7] =	ssyncset.done $0x0;
	s16 =	sshrl.u32 s15, $0x2  }
0x2d: {  	[sflag:s7] =	ssyncadd.s32 $0xFFFFFE70;
	s15 =	sadd.s32 $0x0, s16  }
0x2e: {  	v0 =	vld.msk [tilespmem:s15+$0x0 ss:$0x1], $0xffff;
	_ =	sdelay $0x4  }
0x2f: {  	v1 =	vand.u32 $0xFF, v0;
	v2 =	vshrl.u32 v0, $0x1  }
0x30: {  	vm2 =	veq.s32 v0, $0x80000000;
	v0 =	vmul.u32 $0x1F400, v1;
	v1 =	vand.u32 $0x1FF80, v2  }
0x31: {  	v1 =	vsel vm2, $0xFFFFFF80, v1  }
0x32: {  	v0 =	vsel vm2, $0xFFFE0C00, v0;
	v2 =	vand.u32 $0xFFFFFC00, v1  }
0x33: {  	v1 =	vand.u32 $0x380, v1;
	v0 =	vadd.s32 v0, v2  }
0x34: {  	v0 =	vor.u32 v1, v0  }
0x35: {  	v0 =	vshrl.u32 v0, $0x3  }
0x36: {  	s14 =	smul.u32 $0x32000, s14;
	_ =	sdelay $0x1  }
0x37: {  	s14 =	sshrl.u32 s14, $0x2  }
0x38: {  	s14 =	sor.u32 $0x320, s14  }
0x39: {  	[tilespmem:s14], [sflag:$0x1] =	stream.indirect_vreg.gather [hbm:s4], $0x80, v0, vm0, $0x38;
	[tilespmem:$0x19320] =	vst v63  }
0x3a: {  	s17 =	sadd.s32 $0x10, s16;
	s15 =	sadd.s32 $0x400, s14  }
0x3b: {  	[tilespmem:s15], [sflag:$0x1] =	stream.indirect_vreg.gather [hbm:s4], $0x80, v0, vm1, $0x38;
	[tilespmem:$0x19320] =	vst v63  }
0x3c: {  	s18 =	simm.s32 $0x80;
	v0 =	vld.msk [tilespmem:s17+$0x0 ss:$0x1], $0xffff;
	s17 =	smov.u32 s14  }
.LBB2_3:
0x3d: {  	p1 =	sne.s32 s18, $0x600;
	_ =	sdelay $0x4  }
0x3e: {  	v1 =	vand.u32 $0xFF, v0;
	v2 =	vshrl.u32 v0, $0x1  }
0x3f: {  	vm2 =	veq.s32 v0, $0x80000000;
	v0 =	vmul.u32 $0x1F400, v1;
	v1 =	vand.u32 $0x1FF80, v2  }
0x40: {  	v1 =	vsel vm2, $0xFFFFFF80, v1  }
0x41: {  	v0 =	vsel vm2, $0xFFFE0C00, v0;
	v2 =	vand.u32 $0xFFFFFC00, v1  }
0x42: {  	v1 =	vand.u32 $0x380, v1;
	v0 =	vadd.s32 v0, v2  }
0x43: {  	v0 =	vor.u32 v1, v0  }
0x44: {  	v0 =	vshrl.u32 v0, $0x3;
	_ =	sdelay $0x3  }
.Ltmp3:
0x45: {  	s19 =	sshra.s32 s18, $0x2;
	s17 =	sadd.s32 $0x800, s17;
	(pc) =	sbr.rel @p1 .LBB2_3-.Ltmp3, $4  }
0x46: {  	[tilespmem:s17], [sflag:$0x1] =	stream.indirect_vreg.gather [hbm:s4], $0x80, v0, vm0, $0x38;
	[tilespmem:$0x19320] =	vst v63  }
0x47: {  	s19 =	sadd.s32 s19, s16;
	s20 =	sadd.s32 $0x400, s17  }
0x48: {  	[tilespmem:s20], [sflag:$0x1] =	stream.indirect_vreg.gather [hbm:s4], $0x80, v0, vm1, $0x38;
	[tilespmem:$0x19320] =	vst v63  }
0x49: {  	s18 =	sadd.s32 $0x40, s18;
	v0 =	vld.msk [tilespmem:s19+$0x0 ss:$0x1], $0xffff  }
0x4a: {  	_ =	sdelay $0x3  }
0x4b: {  	v1 =	vand.u32 $0xFF, v0;
	v2 =	vshrl.u32 v0, $0x1  }
0x4c: {  	vm2 =	veq.s32 v0, $0x80000000;
	v61 =	vmul.u32 $0x1F400, v1;
	v62 =	vand.u32 $0x1FF80, v2  }
0x4d: {  	v1 =	vsel vm2, $0xFFFFFF80, v62  }
0x4e: {  	v0 =	vsel vm2, $0xFFFE0C00, v61;
	v63 =	vand.u32 $0xFFFFFC00, v1  }
0x4f: {  	v1 =	vand.u32 $0x380, v1;
	v0 =	vadd.s32 v0, v63  }
0x50: {  	v0 =	vor.u32 v1, v0  }
0x51: {  	v0 =	vshrl.u32 v0, $0x3;
	_ =	sdelay $0x3  }
0x52: {  	s16 =	sadd.s32 $0x800, s17  }
0x53: {  	[tilespmem:s16], [sflag:$0x1] =	stream.indirect_vreg.gather [hbm:s4], $0x80, v0, vm0, $0x38;
	[tilespmem:$0x19320] =	vst v63  }
0x54: {  	s16 =	sadd.s32 $0x400, s16  }
0x55: {  	[tilespmem:s16], [sflag:$0x1] =	stream.indirect_vreg.gather [hbm:s4], $0x80, v0, vm1, $0x38;
	[tilespmem:$0x19320] =	vst v63  }
0x56: {  	s13 =	sshll.u32 s13, $0x4;
	_ =	swait.ge [sflag:s6], $0xC800  }
0x57: {  	s13 =	sadd.s32 s13, s9;
	[sflag:s6] =	ssyncset.done $0x0  }
0x58: {  	s17 =	sadd.s32 $0x0, s13;
	s16 =	simm.s32 $0x80;
	[sflag:s6] =	ssyncadd.s32 $0xFFFF3800  }
.LBB2_5:
0x59: {  	[hbm:s17] =	stream.linear.scatter [tilespmem:s14], [sflag:$0x3], $0x400, $0x38;
	[tilespmem:$0x19320] =	vst v63  }
0x5a: {  	s17 =	smov.u32 s16;
	s14 =	smov.u32 s15;
	p1 =	sne.s32 s16, $0x1880  }
.Ltmp4:
0x5b: {  	s16 =	sadd.s32 $0x80, s16;
	(pc) =	sbr.rel @p1 .LBB2_5-.Ltmp4, $2  }
0x5c: {  	_ =	sdelay $0x2  }
0x5d: {  	s15 =	sadd.s32 $0x400, s15;
	s17 =	sadd.s32 s17, s13  }
.Ltmp5:
0x5e: {  	_ = 	snop;
	(pc) =	sbr.rel .LBB2_6-.Ltmp5, $1  }
0x5f: {  	_ =	sdelay $0x3  }
.LBB2_8:
0x60: {  	_ =	sfence.sel $0x180000  }
0x61: {  	s2 =	simm.s32 $0x2;
	[bflag:$0x0] =	sbarrier.arrive $0xFFFF  }
0x62: {  	s30 =	simm.s32 $0x3;
	[sflag:s2] =	ssyncpa.u1 $0x1  }
0x63: {  	s31 =	simm.s32 $0x1;
	[sflag:s30] =	ssyncpa.u1 $0x1  }
0x64: {  	[sflag:s31] =	ssyncpa.u1 $0x1  }
0x65: {  	p0 =	sne.s32 s0, $0x0;
	_ =	strace $0x90000047  }
0x66: {  	s0 =	sadd.s32 @!p0 $0x100000, s1;
	[bflag:$0x2] =	sbarrier.arrive $0xFFFF  }
0x67: {  	[sflag:s0] =	ssyncadd.tile.s32 @!p0 $0x1;
	_ =	shalt  }
.Lfunc_end2:
_tile_overlayer_lowered:
.L_overlay_start_2:
0x68: {  	(tag) =	ssettag $0x2  }
0x69: {  	s0 =	rddreg [dreg:$0x0];
	s2 =	stileid.u32  }
0x6a: {  	s1 =	rddreg [dreg:$0x1];
	p0 =	sne.s32 s2, $0x0  }
0x6b: {  	s3 =	rddreg [dreg:$0x2];
	[bflag:$0x3] =	sbarrier.arrive $0xFFFF;
	s2 =	simm.s32 @!p0 $0x1C01  }
0x6c: {  	[timem:s3], [sflag:s2] =	dma.local @!p0 [hbm:s0], s1  }
0x6d: {  	s0 =	simm.s32 @!p0 $0x1  }
0x6e: {  	_ =	swait.ge @!p0 [sflag:s0], s1  }
0x6f: {  	s1 =	ssub.s32 @!p0 $0x0, s1;
	[sflag:s0] =	ssyncset.done @!p0 $0x0  }
0x70: {  	[sflag:s0] =	ssyncadd.s32 @!p0 s1  }
0x71: {  	[bflag:$0x3] =	sbarrier.arrive $0xFFFF  }
0x72: {  	_ =	shalt  }

</sc_bundles>
